<compile_context>
chip_gen: v7x
topology: tpu7x:2x2x1
jax: 0.10.2.dev20260603
libtpu: 0.0.44.dev20260713+nightly
codegen_flags: <defaults>
</compile_context>

<pallas_src>
import functools

import jax
import jax.numpy as jnp
from jax import lax
from jax.experimental import pallas as pl
from jax.experimental.pallas import tpu as pltpu
from jax.experimental.pallas import tpu_sc as plsc

N = 10000
D = 128
E = 320000
K = 5
ALPHA = 0.1
GAMMA = 0.5

NT = 16
NP = 10240
STRIPE = NP // NT
CH = 64
EPT = 20480
NCH = EPT // CH
EP = NT * EPT
G = 32
NGRP = NCH // G
NBUF = 4

BLK = 1024
NBLK = NP // BLK

_mesh = lambda: plsc.VectorSubcoreMesh(
    core_axis_name="c", subcore_axis_name="s", num_cores=2, num_subcores=NT)


def _zero_stripe(zmat, acc, r0):
  pltpu.sync_copy(zmat.at[pl.ds(r0, STRIPE)], acc.at[pl.ds(r0, STRIPE)])


def _segsum_pipeline(htab, src_hbm, dst_hbm, g, s, src_v, dst_v, acc,
                     rows, sems, extra=None):
  nbuf = len(rows)

  def scatter(buf, j):
    pltpu.sync_copy(rows[buf], acc.at[dst_v.at[j]], add=True)
    if extra is not None:
      extra(j)

  @pl.loop(0, NGRP)
  def _grp(gi):
    pltpu.sync_copy(src_hbm.at[g, s, pl.ds(gi * G, G)], src_v)
    pltpu.sync_copy(dst_hbm.at[g, s, pl.ds(gi * G, G)], dst_v)
    for b in range(nbuf):
      pltpu.async_copy(htab.at[src_v.at[b]], rows[b], sems[b])

    @pl.loop(0, G - nbuf, step=nbuf)
    def _body(j):
      for b in range(nbuf):
        pltpu.make_async_copy(htab.at[src_v.at[j + b]], rows[b], sems[b]).wait()
        scatter(b, j + b)
        pltpu.async_copy(htab.at[src_v.at[j + b + nbuf]], rows[b], sems[b])

    for b in range(nbuf):
      j = G - nbuf + b
      pltpu.make_async_copy(htab.at[src_v.at[j]], rows[b], sems[b]).wait()
      scatter(b, j)


def _gcdeg_body(htab, srcA, dstA, zmat, zvec, agg_out, degs_out,
                acc, dacc_in, dacc_out, src_v, dst_v,
                rows0, rows1, rows2, rows3, ones_v,
                sem0, sem1, sem2, sem3):
  g = lax.axis_index("c")
  s = lax.axis_index("s")
  r0 = s * STRIPE
  _zero_stripe(zmat, acc, r0)
  pltpu.sync_copy(zvec.at[pl.ds(r0, STRIPE)], dacc_in.at[pl.ds(r0, STRIPE)])
  pltpu.sync_copy(zvec.at[pl.ds(r0, STRIPE)], dacc_out.at[pl.ds(r0, STRIPE)])
  for i in range(CH // 16):
    ones_v[pl.ds(i * 16, 16)] = jnp.full((16,), 1.0, jnp.float32)
  plsc.subcore_barrier()

  def extra(j):
    pltpu.sync_copy(ones_v, dacc_in.at[dst_v.at[j]], add=True)
    pltpu.sync_copy(ones_v, dacc_out.at[src_v.at[j]], add=True)

  _segsum_pipeline(htab, srcA, dstA, g, s, src_v, dst_v, acc,
                   [rows0, rows1, rows2, rows3], [sem0, sem1, sem2, sem3],
                   extra)
  plsc.subcore_barrier()
  pltpu.sync_copy(acc.at[pl.ds(r0, STRIPE)], agg_out.at[g, pl.ds(r0, STRIPE)])
  pltpu.sync_copy(dacc_in.at[pl.ds(r0, STRIPE)],
                  degs_out.at[g, 0, pl.ds(r0, STRIPE)])
  pltpu.sync_copy(dacc_out.at[pl.ds(r0, STRIPE)],
                  degs_out.at[g, 1, pl.ds(r0, STRIPE)])


def _appnp_body(hstab, srcB, dstA, zmat, agg_out,
                acc, src_v, dst_v, rows0, rows1, rows2, rows3,
                sem0, sem1, sem2, sem3):
  g = lax.axis_index("c")
  s = lax.axis_index("s")
  r0 = s * STRIPE
  _zero_stripe(zmat, acc, r0)
  plsc.subcore_barrier()
  _segsum_pipeline(hstab, srcB, dstA, g, s, src_v, dst_v, acc,
                   [rows0, rows1, rows2, rows3], [sem0, sem1, sem2, sem3])
  plsc.subcore_barrier()
  pltpu.sync_copy(acc.at[pl.ds(r0, STRIPE)], agg_out.at[g, pl.ds(r0, STRIPE)])


def _sc_gcdeg(htab, srcA, dstA, zmat, zvec):
  return pl.kernel(
      _gcdeg_body,
      out_type=(jax.ShapeDtypeStruct((2, NP, D), jnp.float32),
                jax.ShapeDtypeStruct((2, 2, NP), jnp.float32)),
      mesh=_mesh(),
      scratch_types=[
          pltpu.VMEM_SHARED((NP, D), jnp.float32),
          pltpu.VMEM_SHARED((NP,), jnp.float32),
          pltpu.VMEM_SHARED((NP,), jnp.float32),
          pltpu.VMEM((G, CH), jnp.int32),
          pltpu.VMEM((G, CH), jnp.int32),
          pltpu.VMEM((CH, D), jnp.float32),
          pltpu.VMEM((CH, D), jnp.float32),
          pltpu.VMEM((CH, D), jnp.float32),
          pltpu.VMEM((CH, D), jnp.float32),
          pltpu.VMEM((CH,), jnp.float32),
          pltpu.SemaphoreType.DMA,
          pltpu.SemaphoreType.DMA,
          pltpu.SemaphoreType.DMA,
          pltpu.SemaphoreType.DMA,
      ],
      name="sc_gcdeg",
  )(htab, srcA, dstA, zmat, zvec)


def _sc_appnp(hstab, srcB, dstA, zmat):
  return pl.kernel(
      _appnp_body,
      out_type=jax.ShapeDtypeStruct((2, NP, D), jnp.float32),
      mesh=_mesh(),
      scratch_types=[
          pltpu.VMEM_SHARED((NP, D), jnp.float32),
          pltpu.VMEM((G, CH), jnp.int32),
          pltpu.VMEM((G, CH), jnp.int32),
          pltpu.VMEM((CH, D), jnp.float32),
          pltpu.VMEM((CH, D), jnp.float32),
          pltpu.VMEM((CH, D), jnp.float32),
          pltpu.VMEM((CH, D), jnp.float32),
          pltpu.SemaphoreType.DMA,
          pltpu.SemaphoreType.DMA,
          pltpu.SemaphoreType.DMA,
          pltpu.SemaphoreType.DMA,
      ],
      name="sc_appnp",
  )(hstab, srcB, dstA, zmat)



def _row_mask(i, blk):
  rows = i * blk + lax.broadcasted_iota(jnp.int32, (blk, 1), 0)
  return rows < N


def _prep_body(x_ref, w_ref, b_ref, o_ref):
  i = pl.program_id(0)
  r = lax.dot_general(x_ref[...], w_ref[...], (((1,), (1,)), ((), ())),
                      preferred_element_type=jnp.float32) + b_ref[...]
  r = jnp.where(r > 0, r, jnp.exp(jnp.minimum(r, 0.0)) - 1.0)
  o_ref[...] = jnp.where(_row_mask(i, BLK), r, 0.0)


def _tc_prep(feats_pad, w_fc, b_fc):
  return pl.pallas_call(
      _prep_body,
      grid=(NBLK,),
      in_specs=[
          pl.BlockSpec((BLK, D), lambda i: (i, 0)),
          pl.BlockSpec((D, D), lambda i: (0, 0)),
          pl.BlockSpec((1, D), lambda i: (0, 0)),
      ],
      out_specs=pl.BlockSpec((BLK, D), lambda i: (i, 0)),
      out_shape=jax.ShapeDtypeStruct((NP, D), jnp.float32),
  )(feats_pad, w_fc, b_fc.reshape(1, D))


def _scale0_body(h_ref, degs_ref, o_ref):
  cs = lax.rsqrt(jnp.maximum(degs_ref[0, 1, :], 1.0))
  o_ref[0] = h_ref[...] * cs[:, None]


def _tc_scale0(h0, degs):
  return pl.pallas_call(
      _scale0_body,
      grid=(2, NBLK),
      in_specs=[
          pl.BlockSpec((BLK, D), lambda g, i: (i, 0)),
          pl.BlockSpec((1, 2, BLK), lambda g, i: (g, 0, i)),
      ],
      out_specs=pl.BlockSpec((1, BLK, D), lambda g, i: (g, i, 0)),
      out_shape=jax.ShapeDtypeStruct((2, NP, D), jnp.float32),
  )(h0, degs)


def _blend_body(scale_out, agg_ref, degs_ref, h0_ref, o_ref):
  cd = lax.rsqrt(jnp.maximum(degs_ref[0, 0, :], 1.0))
  hnew = (1.0 - ALPHA) * (agg_ref[0] * cd[:, None]) + ALPHA * h0_ref[...]
  if scale_out:
    cs = lax.rsqrt(jnp.maximum(degs_ref[0, 1, :], 1.0))
    hnew = hnew * cs[:, None]
  o_ref[0] = hnew


def _tc_blend(agg, degs, h0, scale_out):
  return pl.pallas_call(
      functools.partial(_blend_body, scale_out),
      grid=(2, NBLK),
      in_specs=[
          pl.BlockSpec((1, BLK, D), lambda g, i: (g, i, 0)),
          pl.BlockSpec((1, 2, BLK), lambda g, i: (g, 0, i)),
          pl.BlockSpec((BLK, D), lambda g, i: (i, 0)),
      ],
      out_specs=pl.BlockSpec((1, BLK, D), lambda g, i: (g, i, 0)),
      out_shape=jax.ShapeDtypeStruct((2, NP, D), jnp.float32),
  )(agg, degs, h0)


def _gcpost_body(agg_ref, degs_ref, w_ref, b_ref, pr_ref, o_ref):
  g = pl.program_id(0)
  i = pl.program_id(1)
  dinv = 1.0 / jnp.maximum(degs_ref[0, 0, :], 1.0)
  a = agg_ref[0] * dinv[:, None]
  r = jnp.dot(a, w_ref[0], preferred_element_type=jnp.float32) + b_ref[0]
  p = pr_ref[g]
  r = jnp.where(r >= 0, r, p * r)
  o_ref[0] = jnp.where(_row_mask(i, BLK), r, 0.0)


def _tc_gcpost(agg_gc, degs, wg, bg, prg):
  return pl.pallas_call(
      _gcpost_body,
      grid=(2, NBLK),
      in_specs=[
          pl.BlockSpec((1, BLK, D), lambda g, i: (g, i, 0)),
          pl.BlockSpec((1, 2, BLK), lambda g, i: (g, 0, i)),
          pl.BlockSpec((1, D, D), lambda g, i: (g, 0, 0)),
          pl.BlockSpec((1, 1, D), lambda g, i: (g, 0, 0)),
          pl.BlockSpec(memory_space=pltpu.SMEM),
      ],
      out_specs=pl.BlockSpec((1, BLK, D), lambda g, i: (g, i, 0)),
      out_shape=jax.ShapeDtypeStruct((2, NP, D), jnp.float32),
  )(agg_gc, degs, wg, bg.reshape(2, 1, D), prg)


def _attn_sum_body(h1_ref, h2_ref, aw_ref, ab_ref, aq_ref, o_ref, acc_ref):
  i = pl.program_id(0)

  @pl.when(i == 0)
  def _():
    for t in range(4):
      acc_ref[t] = 0.0

  mask = _row_mask(i, BLK)
  aq = aq_ref[...]
  for m, href in ((0, h1_ref), (1, h2_ref)):
    for p in range(2):
      t = jnp.tanh(jnp.dot(href[p], aw_ref[...],
                           preferred_element_type=jnp.float32) + ab_ref[...])
      acc_ref[m * 2 + p] += jnp.sum(jnp.where(mask, t * aq, 0.0))

  @pl.when(i == NBLK - 1)
  def _():
    row = lax.broadcasted_iota(jnp.int32, (8, D), 0)
    o = jnp.where(row == 0, acc_ref[0],
                  jnp.where(row == 1, acc_ref[1],
                            jnp.where(row == 2, acc_ref[2], acc_ref[3])))
    o_ref[...] = o


def _tc_attn_sum(h1, h2, aw, ab, aq):
  return pl.pallas_call(
      _attn_sum_body,
      grid=(NBLK,),
      in_specs=[
          pl.BlockSpec((2, BLK, D), lambda i: (0, i, 0)),
          pl.BlockSpec((2, BLK, D), lambda i: (0, i, 0)),
          pl.BlockSpec((D, D), lambda i: (0, 0)),
          pl.BlockSpec((1, D), lambda i: (0, 0)),
          pl.BlockSpec((1, D), lambda i: (0, 0)),
      ],
      out_specs=pl.BlockSpec((8, D), lambda i: (0, 0)),
      out_shape=jax.ShapeDtypeStruct((8, D), jnp.float32),
      scratch_shapes=[pltpu.SMEM((4,), jnp.float32)],
  )(h1, h2, aw, ab.reshape(1, D), aq.reshape(1, D))


def _combine_body(h1_ref, h2_ref, ws_ref, o_ref):
  a = ws_ref[...] * (1.0 / N)

  def betas(r0, r1):
    a0, a1 = a[r0:r0 + 1, :], a[r1:r1 + 1, :]
    mx = jnp.maximum(a0, a1)
    e0, e1 = jnp.exp(a0 - mx), jnp.exp(a1 - mx)
    s = e0 + e1
    return e0 / s, e1 / s

  b10, b11 = betas(0, 1)
  b20, b21 = betas(2, 3)
  z1 = b10[:, 0:1] * h1_ref[0] + b11[:, 0:1] * h1_ref[1]
  z2 = b20[:, 0:1] * h2_ref[0] + b21[:, 0:1] * h2_ref[1]
  o_ref[...] = GAMMA * z1 + (1.0 - GAMMA) * z2


def _tc_combine(h1, h2, ws):
  return pl.pallas_call(
      _combine_body,
      grid=(NBLK,),
      in_specs=[
          pl.BlockSpec((2, BLK, D), lambda i: (0, i, 0)),
          pl.BlockSpec((2, BLK, D), lambda i: (0, i, 0)),
          pl.BlockSpec((8, D), lambda i: (0, 0)),
      ],
      out_specs=pl.BlockSpec((BLK, D), lambda i: (i, 0)),
      out_shape=jax.ShapeDtypeStruct((NP, D), jnp.float32),
  )(h1, h2, ws)



def _pad_idx(x, fill):
  x = x.astype(jnp.int32)
  return jnp.concatenate(
      [x, jnp.full((EP - E,), fill, jnp.int32)]).reshape(NT, NCH, CH)


def kernel(feats, mg0_edge_index, mg1_edge_index, pos, W_fc, b_fc,
           gc_W0, gc_b0, prelu0, gc_W1, gc_b1, prelu1, att_W, att_b, att_q):
  s0, d0 = mg0_edge_index[0], mg0_edge_index[1]
  s1, d1 = mg1_edge_index[0], mg1_edge_index[1]
  srcA = jnp.stack([_pad_idx(s0, N), _pad_idx(s1, N)])
  dstA = jnp.stack([_pad_idx(d0, NP - 1), _pad_idx(d1, NP - 1)])
  srcB = jnp.stack([_pad_idx(s0, N), _pad_idx(s1, N) + NP])
  zmat = jnp.zeros((NP, D), jnp.float32)
  zvec = jnp.zeros((NP,), jnp.float32)

  feats_pad = jnp.pad(feats, ((0, NP - N), (0, 0)))
  h0 = _tc_prep(feats_pad, W_fc, b_fc)

  agg_gc, degs = _sc_gcdeg(h0, srcA, dstA, zmat, zvec)

  hs = _tc_scale0(h0, degs).reshape(2 * NP, D)
  for it in range(K):
    agg = _sc_appnp(hs, srcB, dstA, zmat)
    if it < K - 1:
      hs = _tc_blend(agg, degs, h0, True).reshape(2 * NP, D)
    else:
      h2 = _tc_blend(agg, degs, h0, False)

  wg = jnp.stack([gc_W0, gc_W1])
  bg = jnp.stack([gc_b0, gc_b1])
  prg = jnp.stack([prelu0, prelu1])
  h1 = _tc_gcpost(agg_gc, degs, wg, bg, prg)

  ws = _tc_attn_sum(h1, h2, att_W, att_b, att_q)
  out = _tc_combine(h1, h2, ws)
  return out[:N]

# --- scband reference (transcript-rebuilt; emitter-appended) ---
"""Pipeline reference for scband-hgnn-db-45749991637711 (READ-ONLY COPY).

The authoritative reference and input builder live on the scoring server;
editing this copy changes nothing except your own understanding.
"""

import jax, jax.numpy as jnp
import numpy as np

N = 10000
E = 320000
D_IN = 128
D_HID = 128
K = 5
ALPHA = 0.1
GAMMA = 0.5


def setup_inputs(seed: int = 0) -> dict:
    key = jax.random.key(seed)
    ks = jax.random.split(key, 16)
    scale = 1.0 / np.sqrt(D_HID)
    inp = {}
    inp['feats'] = jax.random.normal(ks[0], (N, D_IN), dtype=jnp.float32)
    inp['mg0_edge_index'] = jax.random.randint(ks[1], (2, E), 0, N)
    inp['mg1_edge_index'] = jax.random.randint(ks[2], (2, E), 0, N)
    inp['pos'] = jnp.zeros((N, N), dtype=bool)
    inp['W_fc'] = jax.random.normal(ks[3], (D_HID, D_IN), dtype=jnp.float32) * scale
    inp['b_fc'] = jnp.zeros((D_HID,), dtype=jnp.float32)
    inp['gc_W0'] = jax.random.normal(ks[4], (D_HID, D_HID), dtype=jnp.float32) * scale
    inp['gc_b0'] = jnp.zeros((D_HID,), dtype=jnp.float32)
    inp['prelu0'] = jnp.asarray(0.25, dtype=jnp.float32)
    inp['gc_W1'] = jax.random.normal(ks[5], (D_HID, D_HID), dtype=jnp.float32) * scale
    inp['gc_b1'] = jnp.zeros((D_HID,), dtype=jnp.float32)
    inp['prelu1'] = jnp.asarray(0.25, dtype=jnp.float32)
    inp['att_W'] = jax.random.normal(ks[6], (D_HID, D_HID), dtype=jnp.float32) * scale
    inp['att_b'] = jnp.zeros((D_HID,), dtype=jnp.float32)
    inp['att_q'] = jax.random.normal(ks[7], (D_HID,), dtype=jnp.float32) * scale
    return inp


def _graph_conv(h, src, dst, W, b, pr, n):
    # DGL GraphConv, norm='right' (in_feats == out_feats -> aggregate first, then weight)
    agg = jax.ops.segment_sum(h[src], dst, num_segments=n)
    deg = jax.ops.segment_sum(jnp.ones((src.shape[0],), h.dtype), dst, num_segments=n)
    agg = agg / jnp.clip(deg, 1.0)[:, None]
    rst = agg @ W + b
    return jnp.where(rst >= 0, rst, pr * rst)  # PReLU activation


def _appnp(h, src, dst, n):
    # APPNP propagation with symmetric normalization, K steps, teleport ALPHA
    ones = jnp.ones((src.shape[0],), h.dtype)
    deg_out = jax.ops.segment_sum(ones, src, num_segments=n)
    deg_in = jax.ops.segment_sum(ones, dst, num_segments=n)
    cs = jax.lax.rsqrt(jnp.clip(deg_out, 1.0))
    cd = jax.lax.rsqrt(jnp.clip(deg_in, 1.0))
    h0 = h
    for _ in range(K):
        msg = (h * cs[:, None])[src]
        agg = jax.ops.segment_sum(msg, dst, num_segments=n) * cd[:, None]
        h = (1.0 - ALPHA) * agg + ALPHA * h0
    return h


def _sem_attn(z, aW, ab, aq):
    # HAN-style semantic attention over metapath axis: z [N, p, d]
    w = jnp.tanh(z @ aW + ab) @ aq  # [N, p]
    beta = jax.nn.softmax(w.mean(axis=0))  # [p]
    return (z * beta[None, :, None]).sum(axis=1)


def reference(feats, mg0_edge_index, mg1_edge_index, pos, W_fc, b_fc, gc_W0, gc_b0, prelu0, gc_W1, gc_b1, prelu1, att_W, att_b, att_q):
    n = feats.shape[0]
    h = jax.nn.elu(feats @ W_fc.T + b_fc)  # feat_drop is identity at eval
    s0, d0 = mg0_edge_index[0], mg0_edge_index[1]
    s1, d1 = mg1_edge_index[0], mg1_edge_index[1]
    h1 = jnp.stack([
        _graph_conv(h, s0, d0, gc_W0, gc_b0, prelu0, n),
        _graph_conv(h, s1, d1, gc_W1, gc_b1, prelu1, n),
    ], axis=1)  # [N, p, d]
    h2 = jnp.stack([
        _appnp(h, s0, d0, n),
        _appnp(h, s1, d1, n),
    ], axis=1)  # [N, p, d] (squeeze(dim=2) in torch is a no-op since d != 1)
    z_mp1 = _sem_attn(h1, att_W, att_b, att_q)
    z_mp2 = _sem_attn(h2, att_W, att_b, att_q)
    return GAMMA * z_mp1 + (1.0 - GAMMA) * z_mp2

if __name__ == "__main__":
    import jax
    _d = setup_inputs()
    print(jax.jit(kernel)(*tuple(_d.values())))

</pallas_src>

<mosaic_0001>
#map = affine_map<(d0, d1) -> (0, 0)>
#map1 = affine_map<(d0, d1) -> (0, 0, 0, 0)>
#map2 = affine_map<(d0, d1) -> (0)>
#map3 = affine_map<(d0, d1) -> (0, 0, 0)>
module attributes {stable_mosaic.version = 14 : i64} {
  func.func @sc_gcdeg(%arg0: i32, %arg1: i32, %arg2: memref<10240x128xf32, #tpu.memory_space<hbm>>, %arg3: memref<2x16x320x64xi32, #tpu.memory_space<hbm>>, %arg4: memref<2x16x320x64xi32, #tpu.memory_space<hbm>>, %arg5: memref<10240x128xf32, #tpu.memory_space<hbm>>, %arg6: memref<10240xf32, #tpu.memory_space<hbm>>, %arg7: memref<2x10240x128xf32, #tpu.memory_space<hbm>>, %arg8: memref<2x2x10240xf32, #tpu.memory_space<hbm>>, %arg9: memref<10240x128xf32, #tpu.memory_space<vmem_shared>>, %arg10: memref<10240xf32, #tpu.memory_space<vmem_shared>>, %arg11: memref<10240xf32, #tpu.memory_space<vmem_shared>>, %arg12: memref<32x64xi32, #tpu.memory_space<vmem>>, %arg13: memref<32x64xi32, #tpu.memory_space<vmem>>, %arg14: memref<64x128xf32, #tpu.memory_space<vmem>>, %arg15: memref<64x128xf32, #tpu.memory_space<vmem>>, %arg16: memref<64x128xf32, #tpu.memory_space<vmem>>, %arg17: memref<64x128xf32, #tpu.memory_space<vmem>>, %arg18: memref<64xf32, #tpu.memory_space<vmem>>, %arg19: memref<!tpu.dma_semaphore, #tpu.memory_space<semaphore_mem>>, %arg20: memref<!tpu.dma_semaphore, #tpu.memory_space<semaphore_mem>>, %arg21: memref<!tpu.dma_semaphore, #tpu.memory_space<semaphore_mem>>, %arg22: memref<!tpu.dma_semaphore, #tpu.memory_space<semaphore_mem>>) attributes {dimension_semantics = [#tpu.dimension_semantics<core_parallel>, #tpu.dimension_semantics<subcore_parallel>], iteration_bounds = array<i64: 2, 16>, scalar_prefetch = 0 : i64, scratch_operands = 14 : i64, tpu.core_type = #tpu.core_type<sc_vector_subcore>, window_params = [{transform_indices = #map}, {transform_indices = #map1}, {transform_indices = #map1}, {transform_indices = #map}, {transform_indices = #map2}, {transform_indices = #map3}, {transform_indices = #map3}]} {
    %mul3A = arith.constant 640 : i32
    %mul3A_0 = arith.muli %arg1, %mul3A : i32
    "tpu.region"() ({
      %run_scoped3A_29 = tpu.sem_alloc : memref<!tpu.dma_semaphore, #tpu.memory_space<semaphore_mem>>
      %dma_start3A = arith.constant 0 : i32
      %dma_start3A_30 = tpu.memref_slice %arg9[%mul3A_0, %dma_start3A] : memref<10240x128xf32, #tpu.memory_space<vmem_shared>> -> memref<640x128xf32, #tpu.memory_space<vmem_shared>>
      %dma_start3A_31 = arith.constant 0 : i32
      %dma_start3A_32 = tpu.memref_slice %arg5[%mul3A_0, %dma_start3A_31] : memref<10240x128xf32, #tpu.memory_space<hbm>> -> memref<640x128xf32, #tpu.memory_space<hbm>>
      tpu.enqueue_dma source(%dma_start3A_32 : memref<640x128xf32, #tpu.memory_space<hbm>>) target(%dma_start3A_30 : memref<640x128xf32, #tpu.memory_space<vmem_shared>>) target_semaphore(%run_scoped3A_29 : memref<!tpu.dma_semaphore, #tpu.memory_space<semaphore_mem>>)
      %dma_wait3A = arith.constant 0 : i32
      %dma_wait3A_33 = tpu.memref_slice %arg9[%mul3A_0, %dma_wait3A] : memref<10240x128xf32, #tpu.memory_space<vmem_shared>> -> memref<640x128xf32, #tpu.memory_space<vmem_shared>>
      %dma_wait3A_34 = arith.constant 0 : i32
      %dma_wait3A_35 = tpu.memref_slice %arg5[%mul3A_0, %dma_wait3A_34] : memref<10240x128xf32, #tpu.memory_space<hbm>> -> memref<640x128xf32, #tpu.memory_space<hbm>>
      tpu.wait_dma2 semaphore(%run_scoped3A_29 : memref<!tpu.dma_semaphore, #tpu.memory_space<semaphore_mem>>) src(%dma_wait3A_35 : memref<640x128xf32, #tpu.memory_space<hbm>>) dst(%dma_wait3A_33 : memref<640x128xf32, #tpu.memory_space<vmem_shared>>)
      tpu.yield
    }) : () -> ()
    "tpu.region"() ({
      %run_scoped3A_29 = tpu.sem_alloc : memref<!tpu.dma_semaphore, #tpu.memory_space<semaphore_mem>>
      %dma_start3A = tpu.memref_slice %arg10[%mul3A_0] : memref<10240xf32, #tpu.memory_space<vmem_shared>> -> memref<640xf32, #tpu.memory_space<vmem_shared>>
      %dma_start3A_30 = tpu.memref_slice %arg6[%mul3A_0] : memref<10240xf32, #tpu.memory_space<hbm>> -> memref<640xf32, #tpu.memory_space<hbm>>
      tpu.enqueue_dma source(%dma_start3A_30 : memref<640xf32, #tpu.memory_space<hbm>>) target(%dma_start3A : memref<640xf32, #tpu.memory_space<vmem_shared>>) target_semaphore(%run_scoped3A_29 : memref<!tpu.dma_semaphore, #tpu.memory_space<semaphore_mem>>)
      %dma_wait3A = tpu.memref_slice %arg10[%mul3A_0] : memref<10240xf32, #tpu.memory_space<vmem_shared>> -> memref<640xf32, #tpu.memory_space<vmem_shared>>
      %dma_wait3A_31 = tpu.memref_slice %arg6[%mul3A_0] : memref<10240xf32, #tpu.memory_space<hbm>> -> memref<640xf32, #tpu.memory_space<hbm>>
      tpu.wait_dma2 semaphore(%run_scoped3A_29 : memref<!tpu.dma_semaphore, #tpu.memory_space<semaphore_mem>>) src(%dma_wait3A_31 : memref<640xf32, #tpu.memory_space<hbm>>) dst(%dma_wait3A : memref<640xf32, #tpu.memory_space<vmem_shared>>)
      tpu.yield
    }) : () -> ()
    "tpu.region"() ({
      %run_scoped3A_29 = tpu.sem_alloc : memref<!tpu.dma_semaphore, #tpu.memory_space<semaphore_mem>>
      %dma_start3A = tpu.memref_slice %arg11[%mul3A_0] : memref<10240xf32, #tpu.memory_space<vmem_shared>> -> memref<640xf32, #tpu.memory_space<vmem_shared>>
      %dma_start3A_30 = tpu.memref_slice %arg6[%mul3A_0] : memref<10240xf32, #tpu.memory_space<hbm>> -> memref<640xf32, #tpu.memory_space<hbm>>
      tpu.enqueue_dma source(%dma_start3A_30 : memref<640xf32, #tpu.memory_space<hbm>>) target(%dma_start3A : memref<640xf32, #tpu.memory_space<vmem_shared>>) target_semaphore(%run_scoped3A_29 : memref<!tpu.dma_semaphore, #tpu.memory_space<semaphore_mem>>)
      %dma_wait3A = tpu.memref_slice %arg11[%mul3A_0] : memref<10240xf32, #tpu.memory_space<vmem_shared>> -> memref<640xf32, #tpu.memory_space<vmem_shared>>
      %dma_wait3A_31 = tpu.memref_slice %arg6[%mul3A_0] : memref<10240xf32, #tpu.memory_space<hbm>> -> memref<640xf32, #tpu.memory_space<hbm>>
      tpu.wait_dma2 semaphore(%run_scoped3A_29 : memref<!tpu.dma_semaphore, #tpu.memory_space<semaphore_mem>>) src(%dma_wait3A_31 : memref<640xf32, #tpu.memory_space<hbm>>) dst(%dma_wait3A : memref<640xf32, #tpu.memory_space<vmem_shared>>)
      tpu.yield
    }) : () -> ()
    %broadcast_in_dim3A = arith.constant 1.000000e+00 : f32
    %broadcast_in_dim3A_1 = vector.broadcast %broadcast_in_dim3A : f32 to vector<16xf32>
    %swap3A = arith.constant 0 : index
    %swap3A_2 = tpu.vector_load %arg18[%swap3A] {strides = array<i32>} : memref<64xf32, #tpu.memory_space<vmem>>, vector<16xf32>,
    %swap3A_3 = vector.shape_cast %swap3A_2 : vector<16xf32> to vector<16xf32>
    %swap3A_4 = vector.shape_cast %broadcast_in_dim3A_1 : vector<16xf32> to vector<16xf32>
    tpu.vector_store %arg18[%swap3A], %swap3A_4 {strides = array<i32>} : memref<64xf32, #tpu.memory_space<vmem>>, vector<16xf32>,
    %broadcast_in_dim3A_5 = arith.constant 1.000000e+00 : f32
    %broadcast_in_dim3A_6 = vector.broadcast %broadcast_in_dim3A_5 : f32 to vector<16xf32>
    %swap3A_7 = arith.constant 16 : index
    %swap3A_8 = tpu.vector_load %arg18[%swap3A_7] {strides = array<i32>} : memref<64xf32, #tpu.memory_space<vmem>>, vector<16xf32>,
    %swap3A_9 = vector.shape_cast %swap3A_8 : vector<16xf32> to vector<16xf32>
    %swap3A_10 = vector.shape_cast %broadcast_in_dim3A_6 : vector<16xf32> to vector<16xf32>
    tpu.vector_store %arg18[%swap3A_7], %swap3A_10 {strides = array<i32>} : memref<64xf32, #tpu.memory_space<vmem>>, vector<16xf32>,
    %broadcast_in_dim3A_11 = arith.constant 1.000000e+00 : f32
    %broadcast_in_dim3A_12 = vector.broadcast %broadcast_in_dim3A_11 : f32 to vector<16xf32>
    %swap3A_13 = arith.constant 32 : index
    %swap3A_14 = tpu.vector_load %arg18[%swap3A_13] {strides = array<i32>} : memref<64xf32, #tpu.memory_space<vmem>>, vector<16xf32>,
    %swap3A_15 = vector.shape_cast %swap3A_14 : vector<16xf32> to vector<16xf32>
    %swap3A_16 = vector.shape_cast %broadcast_in_dim3A_12 : vector<16xf32> to vector<16xf32>
    tpu.vector_store %arg18[%swap3A_13], %swap3A_16 {strides = array<i32>} : memref<64xf32, #tpu.memory_space<vmem>>, vector<16xf32>,
    %broadcast_in_dim3A_17 = arith.constant 1.000000e+00 : f32
    %broadcast_in_dim3A_18 = vector.broadcast %broadcast_in_dim3A_17 : f32 to vector<16xf32>
    %swap3A_19 = arith.constant 48 : index
    %swap3A_20 = tpu.vector_load %arg18[%swap3A_19] {strides = array<i32>} : memref<64xf32, #tpu.memory_space<vmem>>, vector<16xf32>,
    %swap3A_21 = vector.shape_cast %swap3A_20 : vector<16xf32> to vector<16xf32>
    %swap3A_22 = vector.shape_cast %broadcast_in_dim3A_18 : vector<16xf32> to vector<16xf32>
    tpu.vector_store %arg18[%swap3A_19], %swap3A_22 {strides = array<i32>} : memref<64xf32, #tpu.memory_space<vmem>>, vector<16xf32>,
    %barrier3A = arith.constant 0 : index
    tpu.barrier barrier_id(%barrier3A)
    %scan3A = arith.constant 0 : i32
    %scan3A_23 = arith.constant 10 : i32
    %scan3A_24 = arith.addi %scan3A, %scan3A_23 : i32
    %scan3A_25 = arith.constant 1 : i32
    scf.for %scan3A_29 = %scan3A to %scan3A_24 step %scan3A_25  : i32 {
      %mul3A_30 = arith.constant 1 : i32
      %mul3A_31 = arith.muli %scan3A_29, %mul3A_30 : i32
      %add3A = arith.constant 0 : i32
      %add3A_32 = arith.addi %add3A, %mul3A_31 : i32
      %mul3A_33 = arith.constant 32 : i32
      %mul3A_34 = arith.muli %add3A_32, %mul3A_33 : i32
      "tpu.region"() ({
        %run_scoped3A_108 = tpu.sem_alloc : memref<!tpu.dma_semaphore, #tpu.memory_space<semaphore_mem>>
        %dma_start3A_109 = arith.constant 0 : i32
        %dma_start3A_110 = tpu.memref_slice %arg3[%arg0, %arg1, %mul3A_34, %dma_start3A_109] : memref<2x16x320x64xi32, #tpu.memory_space<hbm>> -> memref<1x1x32x64xi32, #tpu.memory_space<hbm>>
        %dma_start3A_111 = tpu.memref_squeeze %dma_start3A_110 : memref<1x1x32x64xi32, #tpu.memory_space<hbm>> -> memref<32x64xi32, #tpu.memory_space<hbm>>
        %dma_start3A_112 = arith.constant 0 : i32
        %dma_start3A_113 = tpu.memref_slice %arg3[%arg0, %arg1, %mul3A_34, %dma_start3A_112] : memref<2x16x320x64xi32, #tpu.memory_space<hbm>> -> memref<1x1x32x64xi32, #tpu.memory_space<hbm>>
        %dma_start3A_114 = tpu.memref_squeeze %dma_start3A_113 : memref<1x1x32x64xi32, #tpu.memory_space<hbm>> -> memref<32x64xi32, #tpu.memory_space<hbm>>
        tpu.enqueue_dma source(%dma_start3A_114 : memref<32x64xi32, #tpu.memory_space<hbm>>) target(%arg12 : memref<32x64xi32, #tpu.memory_space<vmem>>) target_semaphore(%run_scoped3A_108 : memref<!tpu.dma_semaphore, #tpu.memory_space<semaphore_mem>>)
        %dma_wait3A_115 = arith.constant 0 : i32
        %dma_wait3A_116 = tpu.memref_slice %arg3[%arg0, %arg1, %mul3A_34, %dma_wait3A_115] : memref<2x16x320x64xi32, #tpu.memory_space<hbm>> -> memref<1x1x32x64xi32, #tpu.memory_space<hbm>>
        %dma_wait3A_117 = tpu.memref_squeeze %dma_wait3A_116 : memref<1x1x32x64xi32, #tpu.memory_space<hbm>> -> memref<32x64xi32, #tpu.memory_space<hbm>>
        %dma_wait3A_118 = arith.constant 0 : i32
        %dma_wait3A_119 = tpu.memref_slice %arg3[%arg0, %arg1, %mul3A_34, %dma_wait3A_118] : memref<2x16x320x64xi32, #tpu.memory_space<hbm>> -> memref<1x1x32x64xi32, #tpu.memory_space<hbm>>
        %dma_wait3A_120 = tpu.memref_squeeze %dma_wait3A_119 : memref<1x1x32x64xi32, #tpu.memory_space<hbm>> -> memref<32x64xi32, #tpu.memory_space<hbm>>
        tpu.wait_dma2 semaphore(%run_scoped3A_108 : memref<!tpu.dma_semaphore, #tpu.memory_space<semaphore_mem>>) src(%dma_wait3A_120 : memref<32x64xi32, #tpu.memory_space<hbm>>) dst(%arg12 : memref<32x64xi32, #tpu.memory_space<vmem>>)
        tpu.yield
      }) : () -> ()
      %mul3A_35 = arith.constant 32 : i32
      %mul3A_36 = arith.muli %add3A_32, %mul3A_35 : i32
      "tpu.region"() ({
        %run_scoped3A_108 = tpu.sem_alloc : memref<!tpu.dma_semaphore, #tpu.memory_space<semaphore_mem>>
        %dma_start3A_109 = arith.constant 0 : i32
        %dma_start3A_110 = tpu.memref_slice %arg4[%arg0, %arg1, %mul3A_36, %dma_start3A_109] : memref<2x16x320x64xi32, #tpu.memory_space<hbm>> -> memref<1x1x32x64xi32, #tpu.memory_space<hbm>>
        %dma_start3A_111 = tpu.memref_squeeze %dma_start3A_110 : memref<1x1x32x64xi32, #tpu.memory_space<hbm>> -> memref<32x64xi32, #tpu.memory_space<hbm>>
        %dma_start3A_112 = arith.constant 0 : i32
        %dma_start3A_113 = tpu.memref_slice %arg4[%arg0, %arg1, %mul3A_36, %dma_start3A_112] : memref<2x16x320x64xi32, #tpu.memory_space<hbm>> -> memref<1x1x32x64xi32, #tpu.memory_space<hbm>>
        %dma_start3A_114 = tpu.memref_squeeze %dma_start3A_113 : memref<1x1x32x64xi32, #tpu.memory_space<hbm>> -> memref<32x64xi32, #tpu.memory_space<hbm>>
        tpu.enqueue_dma source(%dma_start3A_114 : memref<32x64xi32, #tpu.memory_space<hbm>>) target(%arg13 : memref<32x64xi32, #tpu.memory_space<vmem>>) target_semaphore(%run_scoped3A_108 : memref<!tpu.dma_semaphore, #tpu.memory_space<semaphore_mem>>)
        %dma_wait3A_115 = arith.constant 0 : i32
        %dma_wait3A_116 = tpu.memref_slice %arg4[%arg0, %arg1, %mul3A_36, %dma_wait3A_115] : memref<2x16x320x64xi32, #tpu.memory_space<hbm>> -> memref<1x1x32x64xi32, #tpu.memory_space<hbm>>
        %dma_wait3A_117 = tpu.memref_squeeze %dma_wait3A_116 : memref<1x1x32x64xi32, #tpu.memory_space<hbm>> -> memref<32x64xi32, #tpu.memory_space<hbm>>
        %dma_wait3A_118 = arith.constant 0 : i32
        %dma_wait3A_119 = tpu.memref_slice %arg4[%arg0, %arg1, %mul3A_36, %dma_wait3A_118] : memref<2x16x320x64xi32, #tpu.memory_space<hbm>> -> memref<1x1x32x64xi32, #tpu.memory_space<hbm>>
        %dma_wait3A_120 = tpu.memref_squeeze %dma_wait3A_119 : memref<1x1x32x64xi32, #tpu.memory_space<hbm>> -> memref<32x64xi32, #tpu.memory_space<hbm>>
        tpu.wait_dma2 semaphore(%run_scoped3A_108 : memref<!tpu.dma_semaphore, #tpu.memory_space<semaphore_mem>>) src(%dma_wait3A_120 : memref<32x64xi32, #tpu.memory_space<hbm>>) dst(%arg13 : memref<32x64xi32, #tpu.memory_space<vmem>>)
        tpu.yield
      }) : () -> ()
      %dma_start3A = arith.constant 0 : i32
      %dma_start3A_37 = arith.constant 0 : i32
      %dma_start3A_38 = tpu.memref_slice %arg12[%dma_start3A, %dma_start3A_37] : memref<32x64xi32, #tpu.memory_space<vmem>> -> memref<1x64xi32, #tpu.memory_space<vmem>>
      %dma_start3A_39 = tpu.memref_squeeze %dma_start3A_38 : memref<1x64xi32, #tpu.memory_space<vmem>> -> memref<64xi32, #tpu.memory_space<vmem>>
      %dma_start3A_40 = arith.constant 0 : i32
      %dma_start3A_41 = arith.constant 0 : i32
      %dma_start3A_42 = tpu.memref_slice %arg2[%dma_start3A_40, %dma_start3A_41] : memref<10240x128xf32, #tpu.memory_space<hbm>> -> memref<10240x128xf32, #tpu.memory_space<hbm>>
      tpu.enqueue_indirect_dma source(%dma_start3A_42 : memref<10240x128xf32, #tpu.memory_space<hbm>>) target(%arg14 : memref<64x128xf32, #tpu.memory_space<vmem>>) offsets(%dma_start3A_39 : memref<64xi32, #tpu.memory_space<vmem>>) semaphore(%arg19 : memref<!tpu.dma_semaphore, #tpu.memory_space<semaphore_mem>>)
      %dma_start3A_43 = arith.constant 1 : i32
      %dma_start3A_44 = arith.constant 0 : i32
      %dma_start3A_45 = tpu.memref_slice %arg12[%dma_start3A_43, %dma_start3A_44] : memref<32x64xi32, #tpu.memory_space<vmem>> -> memref<1x64xi32, #tpu.memory_space<vmem>>
      %dma_start3A_46 = tpu.memref_squeeze %dma_start3A_45 : memref<1x64xi32, #tpu.memory_space<vmem>> -> memref<64xi32, #tpu.memory_space<vmem>>
      %dma_start3A_47 = arith.constant 0 : i32
      %dma_start3A_48 = arith.constant 0 : i32
      %dma_start3A_49 = tpu.memref_slice %arg2[%dma_start3A_47, %dma_start3A_48] : memref<10240x128xf32, #tpu.memory_space<hbm>> -> memref<10240x128xf32, #tpu.memory_space<hbm>>
      tpu.enqueue_indirect_dma source(%dma_start3A_49 : memref<10240x128xf32, #tpu.memory_space<hbm>>) target(%arg15 : memref<64x128xf32, #tpu.memory_space<vmem>>) offsets(%dma_start3A_46 : memref<64xi32, #tpu.memory_space<vmem>>) semaphore(%arg20 : memref<!tpu.dma_semaphore, #tpu.memory_space<semaphore_mem>>)
      %dma_start3A_50 = arith.constant 2 : i32
      %dma_start3A_51 = arith.constant 0 : i32
      %dma_start3A_52 = tpu.memref_slice %arg12[%dma_start3A_50, %dma_start3A_51] : memref<32x64xi32, #tpu.memory_space<vmem>> -> memref<1x64xi32, #tpu.memory_space<vmem>>
      %dma_start3A_53 = tpu.memref_squeeze %dma_start3A_52 : memref<1x64xi32, #tpu.memory_space<vmem>> -> memref<64xi32, #tpu.memory_space<vmem>>
      %dma_start3A_54 = arith.constant 0 : i32
      %dma_start3A_55 = arith.constant 0 : i32
      %dma_start3A_56 = tpu.memref_slice %arg2[%dma_start3A_54, %dma_start3A_55] : memref<10240x128xf32, #tpu.memory_space<hbm>> -> memref<10240x128xf32, #tpu.memory_space<hbm>>
      tpu.enqueue_indirect_dma source(%dma_start3A_56 : memref<10240x128xf32, #tpu.memory_space<hbm>>) target(%arg16 : memref<64x128xf32, #tpu.memory_space<vmem>>) offsets(%dma_start3A_53 : memref<64xi32, #tpu.memory_space<vmem>>) semaphore(%arg21 : memref<!tpu.dma_semaphore, #tpu.memory_space<semaphore_mem>>)
      %dma_start3A_57 = arith.constant 3 : i32
      %dma_start3A_58 = arith.constant 0 : i32
      %dma_start3A_59 = tpu.memref_slice %arg12[%dma_start3A_57, %dma_start3A_58] : memref<32x64xi32, #tpu.memory_space<vmem>> -> memref<1x64xi32, #tpu.memory_space<vmem>>
      %dma_start3A_60 = tpu.memref_squeeze %dma_start3A_59 : memref<1x64xi32, #tpu.memory_space<vmem>> -> memref<64xi32, #tpu.memory_space<vmem>>
      %dma_start3A_61 = arith.constant 0 : i32
      %dma_start3A_62 = arith.constant 0 : i32
      %dma_start3A_63 = tpu.memref_slice %arg2[%dma_start3A_61, %dma_start3A_62] : memref<10240x128xf32, #tpu.memory_space<hbm>> -> memref<10240x128xf32, #tpu.memory_space<hbm>>
      tpu.enqueue_indirect_dma source(%dma_start3A_63 : memref<10240x128xf32, #tpu.memory_space<hbm>>) target(%arg17 : memref<64x128xf32, #tpu.memory_space<vmem>>) offsets(%dma_start3A_60 : memref<64xi32, #tpu.memory_space<vmem>>) semaphore(%arg22 : memref<!tpu.dma_semaphore, #tpu.memory_space<semaphore_mem>>)
      %scan3A_64 = arith.constant 0 : i32
      %scan3A_65 = arith.constant 7 : i32
      %scan3A_66 = arith.addi %scan3A_64, %scan3A_65 : i32
      %scan3A_67 = arith.constant 1 : i32
      scf.for %scan3A_108 = %scan3A_64 to %scan3A_66 step %scan3A_67  : i32 {
        %mul3A_109 = arith.constant 4 : i32
        %mul3A_110 = arith.muli %scan3A_108, %mul3A_109 : i32
        %add3A_111 = arith.constant 0 : i32
        %add3A_112 = arith.addi %add3A_111, %mul3A_110 : i32
        %add3A_113 = arith.constant 0 : i32
        %add3A_114 = arith.addi %add3A_112, %add3A_113 : i32
        %dma_wait3A_115 = arith.constant 0 : i32
        %dma_wait3A_116 = tpu.memref_slice %arg12[%add3A_114, %dma_wait3A_115] : memref<32x64xi32, #tpu.memory_space<vmem>> -> memref<1x64xi32, #tpu.memory_space<vmem>>
        %dma_wait3A_117 = tpu.memref_squeeze %dma_wait3A_116 : memref<1x64xi32, #tpu.memory_space<vmem>> -> memref<64xi32, #tpu.memory_space<vmem>>
        %dma_wait3A_118 = arith.constant 0 : i32
        %dma_wait3A_119 = arith.constant 0 : i32
        %dma_wait3A_120 = tpu.memref_slice %arg2[%dma_wait3A_118, %dma_wait3A_119] : memref<10240x128xf32, #tpu.memory_space<hbm>> -> memref<10240x128xf32, #tpu.memory_space<hbm>>
        tpu.wait_indirect_dma semaphore(%arg19 : memref<!tpu.dma_semaphore, #tpu.memory_space<semaphore_mem>>) src(%dma_wait3A_120 : memref<10240x128xf32, #tpu.memory_space<hbm>>) dst(%arg14 : memref<64x128xf32, #tpu.memory_space<vmem>>)
        %add3A_121 = arith.constant 0 : i32
        %add3A_122 = arith.addi %add3A_112, %add3A_121 : i32
        "tpu.region"() ({
          %run_scoped3A_193 = tpu.sem_alloc : memref<!tpu.dma_semaphore, #tpu.memory_space<semaphore_mem>>
          %dma_start3A_194 = arith.constant 0 : i32
          %dma_start3A_195 = tpu.memref_slice %arg13[%add3A_122, %dma_start3A_194] : memref<32x64xi32, #tpu.memory_space<vmem>> -> memref<1x64xi32, #tpu.memory_space<vmem>>
          %dma_start3A_196 = tpu.memref_squeeze %dma_start3A_195 : memref<1x64xi32, #tpu.memory_space<vmem>> -> memref<64xi32, #tpu.memory_space<vmem>>
          %dma_start3A_197 = arith.constant 0 : i32
          %dma_start3A_198 = arith.constant 0 : i32
          %dma_start3A_199 = tpu.memref_slice %arg9[%dma_start3A_197, %dma_start3A_198] : memref<10240x128xf32, #tpu.memory_space<vmem_shared>> -> memref<10240x128xf32, #tpu.memory_space<vmem_shared>>
          tpu.enqueue_indirect_dma source(%arg14 : memref<64x128xf32, #tpu.memory_space<vmem>>) target(%dma_start3A_199 : memref<10240x128xf32, #tpu.memory_space<vmem_shared>>) offsets(%dma_start3A_196 : memref<64xi32, #tpu.memory_space<vmem>>) semaphore(%run_scoped3A_193 : memref<!tpu.dma_semaphore, #tpu.memory_space<semaphore_mem>>) {add = true}
          %dma_wait3A_200 = arith.constant 0 : i32
          %dma_wait3A_201 = tpu.memref_slice %arg13[%add3A_122, %dma_wait3A_200] : memref<32x64xi32, #tpu.memory_space<vmem>> -> memref<1x64xi32, #tpu.memory_space<vmem>>
          %dma_wait3A_202 = tpu.memref_squeeze %dma_wait3A_201 : memref<1x64xi32, #tpu.memory_space<vmem>> -> memref<64xi32, #tpu.memory_space<vmem>>
          %dma_wait3A_203 = arith.constant 0 : i32
          %dma_wait3A_204 = arith.constant 0 : i32
          %dma_wait3A_205 = tpu.memref_slice %arg9[%dma_wait3A_203, %dma_wait3A_204] : memref<10240x128xf32, #tpu.memory_space<vmem_shared>> -> memref<10240x128xf32, #tpu.memory_space<vmem_shared>>
          tpu.wait_indirect_dma semaphore(%run_scoped3A_193 : memref<!tpu.dma_semaphore, #tpu.memory_space<semaphore_mem>>) src(%arg14 : memref<64x128xf32, #tpu.memory_space<vmem>>) dst(%dma_wait3A_205 : memref<10240x128xf32, #tpu.memory_space<vmem_shared>>)
          tpu.yield
        }) : () -> ()
        "tpu.region"() ({
          %run_scoped3A_193 = tpu.sem_alloc : memref<!tpu.dma_semaphore, #tpu.memory_space<semaphore_mem>>
          %dma_start3A_194 = arith.constant 0 : i32
          %dma_start3A_195 = tpu.memref_slice %arg13[%add3A_122, %dma_start3A_194] : memref<32x64xi32, #tpu.memory_space<vmem>> -> memref<1x64xi32, #tpu.memory_space<vmem>>
          %dma_start3A_196 = tpu.memref_squeeze %dma_start3A_195 : memref<1x64xi32, #tpu.memory_space<vmem>> -> memref<64xi32, #tpu.memory_space<vmem>>
          %dma_start3A_197 = arith.constant 0 : i32
          %dma_start3A_198 = tpu.memref_slice %arg10[%dma_start3A_197] : memref<10240xf32, #tpu.memory_space<vmem_shared>> -> memref<10240xf32, #tpu.memory_space<vmem_shared>>
          tpu.enqueue_indirect_dma source(%arg18 : memref<64xf32, #tpu.memory_space<vmem>>) target(%dma_start3A_198 : memref<10240xf32, #tpu.memory_space<vmem_shared>>) offsets(%dma_start3A_196 : memref<64xi32, #tpu.memory_space<vmem>>) semaphore(%run_scoped3A_193 : memref<!tpu.dma_semaphore, #tpu.memory_space<semaphore_mem>>) {add = true}
          %dma_wait3A_199 = arith.constant 0 : i32
          %dma_wait3A_200 = tpu.memref_slice %arg13[%add3A_122, %dma_wait3A_199] : memref<32x64xi32, #tpu.memory_space<vmem>> -> memref<1x64xi32, #tpu.memory_space<vmem>>
          %dma_wait3A_201 = tpu.memref_squeeze %dma_wait3A_200 : memref<1x64xi32, #tpu.memory_space<vmem>> -> memref<64xi32, #tpu.memory_space<vmem>>
          %dma_wait3A_202 = arith.constant 0 : i32
          %dma_wait3A_203 = tpu.memref_slice %arg10[%dma_wait3A_202] : memref<10240xf32, #tpu.memory_space<vmem_shared>> -> memref<10240xf32, #tpu.memory_space<vmem_shared>>
          tpu.wait_indirect_dma semaphore(%run_scoped3A_193 : memref<!tpu.dma_semaphore, #tpu.memory_space<semaphore_mem>>) src(%arg18 : memref<64xf32, #tpu.memory_space<vmem>>) dst(%dma_wait3A_203 : memref<10240xf32, #tpu.memory_space<vmem_shared>>)
          tpu.yield
        }) : () -> ()
        "tpu.region"() ({
          %run_scoped3A_193 = tpu.sem_alloc : memref<!tpu.dma_semaphore, #tpu.memory_space<semaphore_mem>>
          %dma_start3A_194 = arith.constant 0 : i32
          %dma_start3A_195 = tpu.memref_slice %arg12[%add3A_122, %dma_start3A_194] : memref<32x64xi32, #tpu.memory_space<vmem>> -> memref<1x64xi32, #tpu.memory_space<vmem>>
          %dma_start3A_196 = tpu.memref_squeeze %dma_start3A_195 : memref<1x64xi32, #tpu.memory_space<vmem>> -> memref<64xi32, #tpu.memory_space<vmem>>
          %dma_start3A_197 = arith.constant 0 : i32
          %dma_start3A_198 = tpu.memref_slice %arg11[%dma_start3A_197] : memref<10240xf32, #tpu.memory_space<vmem_shared>> -> memref<10240xf32, #tpu.memory_space<vmem_shared>>
          tpu.enqueue_indirect_dma source(%arg18 : memref<64xf32, #tpu.memory_space<vmem>>) target(%dma_start3A_198 : memref<10240xf32, #tpu.memory_space<vmem_shared>>) offsets(%dma_start3A_196 : memref<64xi32, #tpu.memory_space<vmem>>) semaphore(%run_scoped3A_193 : memref<!tpu.dma_semaphore, #tpu.memory_space<semaphore_mem>>) {add = true}
          %dma_wait3A_199 = arith.constant 0 : i32
          %dma_wait3A_200 = tpu.memref_slice %arg12[%add3A_122, %dma_wait3A_199] : memref<32x64xi32, #tpu.memory_space<vmem>> -> memref<1x64xi32, #tpu.memory_space<vmem>>
          %dma_wait3A_201 = tpu.memref_squeeze %dma_wait3A_200 : memref<1x64xi32, #tpu.memory_space<vmem>> -> memref<64xi32, #tpu.memory_space<vmem>>
          %dma_wait3A_202 = arith.constant 0 : i32
          %dma_wait3A_203 = tpu.memref_slice %arg11[%dma_wait3A_202] : memref<10240xf32, #tpu.memory_space<vmem_shared>> -> memref<10240xf32, #tpu.memory_space<vmem_shared>>
          tpu.wait_indirect_dma semaphore(%run_scoped3A_193 : memref<!tpu.dma_semaphore, #tpu.memory_space<semaphore_mem>>) src(%arg18 : memref<64xf32, #tpu.memory_space<vmem>>) dst(%dma_wait3A_203 : memref<10240xf32, #tpu.memory_space<vmem_shared>>)
          tpu.yield
        }) : () -> ()
        %add3A_123 = arith.constant 0 : i32
        %add3A_124 = arith.addi %add3A_112, %add3A_123 : i32
        %add3A_125 = arith.constant 4 : i32
        %add3A_126 = arith.addi %add3A_124, %add3A_125 : i32
        %dma_start3A_127 = arith.constant 0 : i32
        %dma_start3A_128 = tpu.memref_slice %arg12[%add3A_126, %dma_start3A_127] : memref<32x64xi32, #tpu.memory_space<vmem>> -> memref<1x64xi32, #tpu.memory_space<vmem>>
        %dma_start3A_129 = tpu.memref_squeeze %dma_start3A_128 : memref<1x64xi32, #tpu.memory_space<vmem>> -> memref<64xi32, #tpu.memory_space<vmem>>
        %dma_start3A_130 = arith.constant 0 : i32
        %dma_start3A_131 = arith.constant 0 : i32
        %dma_start3A_132 = tpu.memref_slice %arg2[%dma_start3A_130, %dma_start3A_131] : memref<10240x128xf32, #tpu.memory_space<hbm>> -> memref<10240x128xf32, #tpu.memory_space<hbm>>
        tpu.enqueue_indirect_dma source(%dma_start3A_132 : memref<10240x128xf32, #tpu.memory_space<hbm>>) target(%arg14 : memref<64x128xf32, #tpu.memory_space<vmem>>) offsets(%dma_start3A_129 : memref<64xi32, #tpu.memory_space<vmem>>) semaphore(%arg19 : memref<!tpu.dma_semaphore, #tpu.memory_space<semaphore_mem>>)
        %add3A_133 = arith.constant 1 : i32
        %add3A_134 = arith.addi %add3A_112, %add3A_133 : i32
        %dma_wait3A_135 = arith.constant 0 : i32
        %dma_wait3A_136 = tpu.memref_slice %arg12[%add3A_134, %dma_wait3A_135] : memref<32x64xi32, #tpu.memory_space<vmem>> -> memref<1x64xi32, #tpu.memory_space<vmem>>
        %dma_wait3A_137 = tpu.memref_squeeze %dma_wait3A_136 : memref<1x64xi32, #tpu.memory_space<vmem>> -> memref<64xi32, #tpu.memory_space<vmem>>
        %dma_wait3A_138 = arith.constant 0 : i32
        %dma_wait3A_139 = arith.constant 0 : i32
        %dma_wait3A_140 = tpu.memref_slice %arg2[%dma_wait3A_138, %dma_wait3A_139] : memref<10240x128xf32, #tpu.memory_space<hbm>> -> memref<10240x128xf32, #tpu.memory_space<hbm>>
        tpu.wait_indirect_dma semaphore(%arg20 : memref<!tpu.dma_semaphore, #tpu.memory_space<semaphore_mem>>) src(%dma_wait3A_140 : memref<10240x128xf32, #tpu.memory_space<hbm>>) dst(%arg15 : memref<64x128xf32, #tpu.memory_space<vmem>>)
        %add3A_141 = arith.constant 1 : i32
        %add3A_142 = arith.addi %add3A_112, %add3A_141 : i32
        "tpu.region"() ({
          %run_scoped3A_193 = tpu.sem_alloc : memref<!tpu.dma_semaphore, #tpu.memory_space<semaphore_mem>>
          %dma_start3A_194 = arith.constant 0 : i32
          %dma_start3A_195 = tpu.memref_slice %arg13[%add3A_142, %dma_start3A_194] : memref<32x64xi32, #tpu.memory_space<vmem>> -> memref<1x64xi32, #tpu.memory_space<vmem>>
          %dma_start3A_196 = tpu.memref_squeeze %dma_start3A_195 : memref<1x64xi32, #tpu.memory_space<vmem>> -> memref<64xi32, #tpu.memory_space<vmem>>
          %dma_start3A_197 = arith.constant 0 : i32
          %dma_start3A_198 = arith.constant 0 : i32
          %dma_start3A_199 = tpu.memref_slice %arg9[%dma_start3A_197, %dma_start3A_198] : memref<10240x128xf32, #tpu.memory_space<vmem_shared>> -> memref<10240x128xf32, #tpu.memory_space<vmem_shared>>
          tpu.enqueue_indirect_dma source(%arg15 : memref<64x128xf32, #tpu.memory_space<vmem>>) target(%dma_start3A_199 : memref<10240x128xf32, #tpu.memory_space<vmem_shared>>) offsets(%dma_start3A_196 : memref<64xi32, #tpu.memory_space<vmem>>) semaphore(%run_scoped3A_193 : memref<!tpu.dma_semaphore, #tpu.memory_space<semaphore_mem>>) {add = true}
          %dma_wait3A_200 = arith.constant 0 : i32
          %dma_wait3A_201 = tpu.memref_slice %arg13[%add3A_142, %dma_wait3A_200] : memref<32x64xi32, #tpu.memory_space<vmem>> -> memref<1x64xi32, #tpu.memory_space<vmem>>
          %dma_wait3A_202 = tpu.memref_squeeze %dma_wait3A_201 : memref<1x64xi32, #tpu.memory_space<vmem>> -> memref<64xi32, #tpu.memory_space<vmem>>
          %dma_wait3A_203 = arith.constant 0 : i32
          %dma_wait3A_204 = arith.constant 0 : i32
          %dma_wait3A_205 = tpu.memref_slice %arg9[%dma_wait3A_203, %dma_wait3A_204] : memref<10240x128xf32, #tpu.memory_space<vmem_shared>> -> memref<10240x128xf32, #tpu.memory_space<vmem_shared>>
          tpu.wait_indirect_dma semaphore(%run_scoped3A_193 : memref<!tpu.dma_semaphore, #tpu.memory_space<semaphore_mem>>) src(%arg15 : memref<64x128xf32, #tpu.memory_space<vmem>>) dst(%dma_wait3A_205 : memref<10240x128xf32, #tpu.memory_space<vmem_shared>>)
          tpu.yield
        }) : () -> ()
        "tpu.region"() ({
          %run_scoped3A_193 = tpu.sem_alloc : memref<!tpu.dma_semaphore, #tpu.memory_space<semaphore_mem>>
          %dma_start3A_194 = arith.constant 0 : i32
          %dma_start3A_195 = tpu.memref_slice %arg13[%add3A_142, %dma_start3A_194] : memref<32x64xi32, #tpu.memory_space<vmem>> -> memref<1x64xi32, #tpu.memory_space<vmem>>
          %dma_start3A_196 = tpu.memref_squeeze %dma_start3A_195 : memref<1x64xi32, #tpu.memory_space<vmem>> -> memref<64xi32, #tpu.memory_space<vmem>>
          %dma_start3A_197 = arith.constant 0 : i32
          %dma_start3A_198 = tpu.memref_slice %arg10[%dma_start3A_197] : memref<10240xf32, #tpu.memory_space<vmem_shared>> -> memref<10240xf32, #tpu.memory_space<vmem_shared>>
          tpu.enqueue_indirect_dma source(%arg18 : memref<64xf32, #tpu.memory_space<vmem>>) target(%dma_start3A_198 : memref<10240xf32, #tpu.memory_space<vmem_shared>>) offsets(%dma_start3A_196 : memref<64xi32, #tpu.memory_space<vmem>>) semaphore(%run_scoped3A_193 : memref<!tpu.dma_semaphore, #tpu.memory_space<semaphore_mem>>) {add = true}
          %dma_wait3A_199 = arith.constant 0 : i32
          %dma_wait3A_200 = tpu.memref_slice %arg13[%add3A_142, %dma_wait3A_199] : memref<32x64xi32, #tpu.memory_space<vmem>> -> memref<1x64xi32, #tpu.memory_space<vmem>>
          %dma_wait3A_201 = tpu.memref_squeeze %dma_wait3A_200 : memref<1x64xi32, #tpu.memory_space<vmem>> -> memref<64xi32, #tpu.memory_space<vmem>>
          %dma_wait3A_202 = arith.constant 0 : i32
          %dma_wait3A_203 = tpu.memref_slice %arg10[%dma_wait3A_202] : memref<10240xf32, #tpu.memory_space<vmem_shared>> -> memref<10240xf32, #tpu.memory_space<vmem_shared>>
          tpu.wait_indirect_dma semaphore(%run_scoped3A_193 : memref<!tpu.dma_semaphore, #tpu.memory_space<semaphore_mem>>) src(%arg18 : memref<64xf32, #tpu.memory_space<vmem>>) dst(%dma_wait3A_203 : memref<10240xf32, #tpu.memory_space<vmem_shared>>)
          tpu.yield
        }) : () -> ()
        "tpu.region"() ({
          %run_scoped3A_193 = tpu.sem_alloc : memref<!tpu.dma_semaphore, #tpu.memory_space<semaphore_mem>>
          %dma_start3A_194 = arith.constant 0 : i32
          %dma_start3A_195 = tpu.memref_slice %arg12[%add3A_142, %dma_start3A_194] : memref<32x64xi32, #tpu.memory_space<vmem>> -> memref<1x64xi32, #tpu.memory_space<vmem>>
          %dma_start3A_196 = tpu.memref_squeeze %dma_start3A_195 : memref<1x64xi32, #tpu.memory_space<vmem>> -> memref<64xi32, #tpu.memory_space<vmem>>
          %dma_start3A_197 = arith.constant 0 : i32
          %dma_start3A_198 = tpu.memref_slice %arg11[%dma_start3A_197] : memref<10240xf32, #tpu.memory_space<vmem_shared>> -> memref<10240xf32, #tpu.memory_space<vmem_shared>>
          tpu.enqueue_indirect_dma source(%arg18 : memref<64xf32, #tpu.memory_space<vmem>>) target(%dma_start3A_198 : memref<10240xf32, #tpu.memory_space<vmem_shared>>) offsets(%dma_start3A_196 : memref<64xi32, #tpu.memory_space<vmem>>) semaphore(%run_scoped3A_193 : memref<!tpu.dma_semaphore, #tpu.memory_space<semaphore_mem>>) {add = true}
          %dma_wait3A_199 = arith.constant 0 : i32
          %dma_wait3A_200 = tpu.memref_slice %arg12[%add3A_142, %dma_wait3A_199] : memref<32x64xi32, #tpu.memory_space<vmem>> -> memref<1x64xi32, #tpu.memory_space<vmem>>
          %dma_wait3A_201 = tpu.memref_squeeze %dma_wait3A_200 : memref<1x64xi32, #tpu.memory_space<vmem>> -> memref<64xi32, #tpu.memory_space<vmem>>
          %dma_wait3A_202 = arith.constant 0 : i32
          %dma_wait3A_203 = tpu.memref_slice %arg11[%dma_wait3A_202] : memref<10240xf32, #tpu.memory_space<vmem_shared>> -> memref<10240xf32, #tpu.memory_space<vmem_shared>>
          tpu.wait_indirect_dma semaphore(%run_scoped3A_193 : memref<!tpu.dma_semaphore, #tpu.memory_space<semaphore_mem>>) src(%arg18 : memref<64xf32, #tpu.memory_space<vmem>>) dst(%dma_wait3A_203 : memref<10240xf32, #tpu.memory_space<vmem_shared>>)
          tpu.yield
        }) : () -> ()
        %add3A_143 = arith.constant 1 : i32
        %add3A_144 = arith.addi %add3A_112, %add3A_143 : i32
        %add3A_145 = arith.constant 4 : i32
        %add3A_146 = arith.addi %add3A_144, %add3A_145 : i32
        %dma_start3A_147 = arith.constant 0 : i32
        %dma_start3A_148 = tpu.memref_slice %arg12[%add3A_146, %dma_start3A_147] : memref<32x64xi32, #tpu.memory_space<vmem>> -> memref<1x64xi32, #tpu.memory_space<vmem>>
        %dma_start3A_149 = tpu.memref_squeeze %dma_start3A_148 : memref<1x64xi32, #tpu.memory_space<vmem>> -> memref<64xi32, #tpu.memory_space<vmem>>
        %dma_start3A_150 = arith.constant 0 : i32
        %dma_start3A_151 = arith.constant 0 : i32
        %dma_start3A_152 = tpu.memref_slice %arg2[%dma_start3A_150, %dma_start3A_151] : memref<10240x128xf32, #tpu.memory_space<hbm>> -> memref<10240x128xf32, #tpu.memory_space<hbm>>
        tpu.enqueue_indirect_dma source(%dma_start3A_152 : memref<10240x128xf32, #tpu.memory_space<hbm>>) target(%arg15 : memref<64x128xf32, #tpu.memory_space<vmem>>) offsets(%dma_start3A_149 : memref<64xi32, #tpu.memory_space<vmem>>) semaphore(%arg20 : memref<!tpu.dma_semaphore, #tpu.memory_space<semaphore_mem>>)
        %add3A_153 = arith.constant 2 : i32
        %add3A_154 = arith.addi %add3A_112, %add3A_153 : i32
        %dma_wait3A_155 = arith.constant 0 : i32
        %dma_wait3A_156 = tpu.memref_slice %arg12[%add3A_154, %dma_wait3A_155] : memref<32x64xi32, #tpu.memory_space<vmem>> -> memref<1x64xi32, #tpu.memory_space<vmem>>
        %dma_wait3A_157 = tpu.memref_squeeze %dma_wait3A_156 : memref<1x64xi32, #tpu.memory_space<vmem>> -> memref<64xi32, #tpu.memory_space<vmem>>
        %dma_wait3A_158 = arith.constant 0 : i32
        %dma_wait3A_159 = arith.constant 0 : i32
        %dma_wait3A_160 = tpu.memref_slice %arg2[%dma_wait3A_158, %dma_wait3A_159] : memref<10240x128xf32, #tpu.memory_space<hbm>> -> memref<10240x128xf32, #tpu.memory_space<hbm>>
        tpu.wait_indirect_dma semaphore(%arg21 : memref<!tpu.dma_semaphore, #tpu.memory_space<semaphore_mem>>) src(%dma_wait3A_160 : memref<10240x128xf32, #tpu.memory_space<hbm>>) dst(%arg16 : memref<64x128xf32, #tpu.memory_space<vmem>>)
        %add3A_161 = arith.constant 2 : i32
        %add3A_162 = arith.addi %add3A_112, %add3A_161 : i32
        "tpu.region"() ({
          %run_scoped3A_193 = tpu.sem_alloc : memref<!tpu.dma_semaphore, #tpu.memory_space<semaphore_mem>>
          %dma_start3A_194 = arith.constant 0 : i32
          %dma_start3A_195 = tpu.memref_slice %arg13[%add3A_162, %dma_start3A_194] : memref<32x64xi32, #tpu.memory_space<vmem>> -> memref<1x64xi32, #tpu.memory_space<vmem>>
          %dma_start3A_196 = tpu.memref_squeeze %dma_start3A_195 : memref<1x64xi32, #tpu.memory_space<vmem>> -> memref<64xi32, #tpu.memory_space<vmem>>
          %dma_start3A_197 = arith.constant 0 : i32
          %dma_start3A_198 = arith.constant 0 : i32
          %dma_start3A_199 = tpu.memref_slice %arg9[%dma_start3A_197, %dma_start3A_198] : memref<10240x128xf32, #tpu.memory_space<vmem_shared>> -> memref<10240x128xf32, #tpu.memory_space<vmem_shared>>
          tpu.enqueue_indirect_dma source(%arg16 : memref<64x128xf32, #tpu.memory_space<vmem>>) target(%dma_start3A_199 : memref<10240x128xf32, #tpu.memory_space<vmem_shared>>) offsets(%dma_start3A_196 : memref<64xi32, #tpu.memory_space<vmem>>) semaphore(%run_scoped3A_193 : memref<!tpu.dma_semaphore, #tpu.memory_space<semaphore_mem>>) {add = true}
          %dma_wait3A_200 = arith.constant 0 : i32
          %dma_wait3A_201 = tpu.memref_slice %arg13[%add3A_162, %dma_wait3A_200] : memref<32x64xi32, #tpu.memory_space<vmem>> -> memref<1x64xi32, #tpu.memory_space<vmem>>
          %dma_wait3A_202 = tpu.memref_squeeze %dma_wait3A_201 : memref<1x64xi32, #tpu.memory_space<vmem>> -> memref<64xi32, #tpu.memory_space<vmem>>
          %dma_wait3A_203 = arith.constant 0 : i32
          %dma_wait3A_204 = arith.constant 0 : i32
          %dma_wait3A_205 = tpu.memref_slice %arg9[%dma_wait3A_203, %dma_wait3A_204] : memref<10240x128xf32, #tpu.memory_space<vmem_shared>> -> memref<10240x128xf32, #tpu.memory_space<vmem_shared>>
          tpu.wait_indirect_dma semaphore(%run_scoped3A_193 : memref<!tpu.dma_semaphore, #tpu.memory_space<semaphore_mem>>) src(%arg16 : memref<64x128xf32, #tpu.memory_space<vmem>>) dst(%dma_wait3A_205 : memref<10240x128xf32, #tpu.memory_space<vmem_shared>>)
          tpu.yield
        }) : () -> ()
        "tpu.region"() ({
          %run_scoped3A_193 = tpu.sem_alloc : memref<!tpu.dma_semaphore, #tpu.memory_space<semaphore_mem>>
          %dma_start3A_194 = arith.constant 0 : i32
          %dma_start3A_195 = tpu.memref_slice %arg13[%add3A_162, %dma_start3A_194] : memref<32x64xi32, #tpu.memory_space<vmem>> -> memref<1x64xi32, #tpu.memory_space<vmem>>
          %dma_start3A_196 = tpu.memref_squeeze %dma_start3A_195 : memref<1x64xi32, #tpu.memory_space<vmem>> -> memref<64xi32, #tpu.memory_space<vmem>>
          %dma_start3A_197 = arith.constant 0 : i32
          %dma_start3A_198 = tpu.memref_slice %arg10[%dma_start3A_197] : memref<10240xf32, #tpu.memory_space<vmem_shared>> -> memref<10240xf32, #tpu.memory_space<vmem_shared>>
          tpu.enqueue_indirect_dma source(%arg18 : memref<64xf32, #tpu.memory_space<vmem>>) target(%dma_start3A_198 : memref<10240xf32, #tpu.memory_space<vmem_shared>>) offsets(%dma_start3A_196 : memref<64xi32, #tpu.memory_space<vmem>>) semaphore(%run_scoped3A_193 : memref<!tpu.dma_semaphore, #tpu.memory_space<semaphore_mem>>) {add = true}
          %dma_wait3A_199 = arith.constant 0 : i32
          %dma_wait3A_200 = tpu.memref_slice %arg13[%add3A_162, %dma_wait3A_199] : memref<32x64xi32, #tpu.memory_space<vmem>> -> memref<1x64xi32, #tpu.memory_space<vmem>>
          %dma_wait3A_201 = tpu.memref_squeeze %dma_wait3A_200 : memref<1x64xi32, #tpu.memory_space<vmem>> -> memref<64xi32, #tpu.memory_space<vmem>>
          %dma_wait3A_202 = arith.constant 0 : i32
          %dma_wait3A_203 = tpu.memref_slice %arg10[%dma_wait3A_202] : memref<10240xf32, #tpu.memory_space<vmem_shared>> -> memref<10240xf32, #tpu.memory_space<vmem_shared>>
          tpu.wait_indirect_dma semaphore(%run_scoped3A_193 : memref<!tpu.dma_semaphore, #tpu.memory_space<semaphore_mem>>) src(%arg18 : memref<64xf32, #tpu.memory_space<vmem>>) dst(%dma_wait3A_203 : memref<10240xf32, #tpu.memory_space<vmem_shared>>)
          tpu.yield
        }) : () -> ()
        "tpu.region"() ({
          %run_scoped3A_193 = tpu.sem_alloc : memref<!tpu.dma_semaphore, #tpu.memory_space<semaphore_mem>>
          %dma_start3A_194 = arith.constant 0 : i32
          %dma_start3A_195 = tpu.memref_slice %arg12[%add3A_162, %dma_start3A_194] : memref<32x64xi32, #tpu.memory_space<vmem>> -> memref<1x64xi32, #tpu.memory_space<vmem>>
          %dma_start3A_196 = tpu.memref_squeeze %dma_start3A_195 : memref<1x64xi32, #tpu.memory_space<vmem>> -> memref<64xi32, #tpu.memory_space<vmem>>
          %dma_start3A_197 = arith.constant 0 : i32
          %dma_start3A_198 = tpu.memref_slice %arg11[%dma_start3A_197] : memref<10240xf32, #tpu.memory_space<vmem_shared>> -> memref<10240xf32, #tpu.memory_space<vmem_shared>>
          tpu.enqueue_indirect_dma source(%arg18 : memref<64xf32, #tpu.memory_space<vmem>>) target(%dma_start3A_198 : memref<10240xf32, #tpu.memory_space<vmem_shared>>) offsets(%dma_start3A_196 : memref<64xi32, #tpu.memory_space<vmem>>) semaphore(%run_scoped3A_193 : memref<!tpu.dma_semaphore, #tpu.memory_space<semaphore_mem>>) {add = true}
          %dma_wait3A_199 = arith.constant 0 : i32
          %dma_wait3A_200 = tpu.memref_slice %arg12[%add3A_162, %dma_wait3A_199] : memref<32x64xi32, #tpu.memory_space<vmem>> -> memref<1x64xi32, #tpu.memory_space<vmem>>
          %dma_wait3A_201 = tpu.memref_squeeze %dma_wait3A_200 : memref<1x64xi32, #tpu.memory_space<vmem>> -> memref<64xi32, #tpu.memory_space<vmem>>
          %dma_wait3A_202 = arith.constant 0 : i32
          %dma_wait3A_203 = tpu.memref_slice %arg11[%dma_wait3A_202] : memref<10240xf32, #tpu.memory_space<vmem_shared>> -> memref<10240xf32, #tpu.memory_space<vmem_shared>>
          tpu.wait_indirect_dma semaphore(%run_scoped3A_193 : memref<!tpu.dma_semaphore, #tpu.memory_space<semaphore_mem>>) src(%arg18 : memref<64xf32, #tpu.memory_space<vmem>>) dst(%dma_wait3A_203 : memref<10240xf32, #tpu.memory_space<vmem_shared>>)
          tpu.yield
        }) : () -> ()
        %add3A_163 = arith.constant 2 : i32
        %add3A_164 = arith.addi %add3A_112, %add3A_163 : i32
        %add3A_165 = arith.constant 4 : i32
        %add3A_166 = arith.addi %add3A_164, %add3A_165 : i32
        %dma_start3A_167 = arith.constant 0 : i32
        %dma_start3A_168 = tpu.memref_slice %arg12[%add3A_166, %dma_start3A_167] : memref<32x64xi32, #tpu.memory_space<vmem>> -> memref<1x64xi32, #tpu.memory_space<vmem>>
        %dma_start3A_169 = tpu.memref_squeeze %dma_start3A_168 : memref<1x64xi32, #tpu.memory_space<vmem>> -> memref<64xi32, #tpu.memory_space<vmem>>
        %dma_start3A_170 = arith.constant 0 : i32
        %dma_start3A_171 = arith.constant 0 : i32
        %dma_start3A_172 = tpu.memref_slice %arg2[%dma_start3A_170, %dma_start3A_171] : memref<10240x128xf32, #tpu.memory_space<hbm>> -> memref<10240x128xf32, #tpu.memory_space<hbm>>
        tpu.enqueue_indirect_dma source(%dma_start3A_172 : memref<10240x128xf32, #tpu.memory_space<hbm>>) target(%arg16 : memref<64x128xf32, #tpu.memory_space<vmem>>) offsets(%dma_start3A_169 : memref<64xi32, #tpu.memory_space<vmem>>) semaphore(%arg21 : memref<!tpu.dma_semaphore, #tpu.memory_space<semaphore_mem>>)
        %add3A_173 = arith.constant 3 : i32
        %add3A_174 = arith.addi %add3A_112, %add3A_173 : i32
        %dma_wait3A_175 = arith.constant 0 : i32
        %dma_wait3A_176 = tpu.memref_slice %arg12[%add3A_174, %dma_wait3A_175] : memref<32x64xi32, #tpu.memory_space<vmem>> -> memref<1x64xi32, #tpu.memory_space<vmem>>
        %dma_wait3A_177 = tpu.memref_squeeze %dma_wait3A_176 : memref<1x64xi32, #tpu.memory_space<vmem>> -> memref<64xi32, #tpu.memory_space<vmem>>
        %dma_wait3A_178 = arith.constant 0 : i32
        %dma_wait3A_179 = arith.constant 0 : i32
        %dma_wait3A_180 = tpu.memref_slice %arg2[%dma_wait3A_178, %dma_wait3A_179] : memref<10240x128xf32, #tpu.memory_space<hbm>> -> memref<10240x128xf32, #tpu.memory_space<hbm>>
        tpu.wait_indirect_dma semaphore(%arg22 : memref<!tpu.dma_semaphore, #tpu.memory_space<semaphore_mem>>) src(%dma_wait3A_180 : memref<10240x128xf32, #tpu.memory_space<hbm>>) dst(%arg17 : memref<64x128xf32, #tpu.memory_space<vmem>>)
        %add3A_181 = arith.constant 3 : i32
        %add3A_182 = arith.addi %add3A_112, %add3A_181 : i32
        "tpu.region"() ({
          %run_scoped3A_193 = tpu.sem_alloc : memref<!tpu.dma_semaphore, #tpu.memory_space<semaphore_mem>>
          %dma_start3A_194 = arith.constant 0 : i32
          %dma_start3A_195 = tpu.memref_slice %arg13[%add3A_182, %dma_start3A_194] : memref<32x64xi32, #tpu.memory_space<vmem>> -> memref<1x64xi32, #tpu.memory_space<vmem>>
          %dma_start3A_196 = tpu.memref_squeeze %dma_start3A_195 : memref<1x64xi32, #tpu.memory_space<vmem>> -> memref<64xi32, #tpu.memory_space<vmem>>
          %dma_start3A_197 = arith.constant 0 : i32
          %dma_start3A_198 = arith.constant 0 : i32
          %dma_start3A_199 = tpu.memref_slice %arg9[%dma_start3A_197, %dma_start3A_198] : memref<10240x128xf32, #tpu.memory_space<vmem_shared>> -> memref<10240x128xf32, #tpu.memory_space<vmem_shared>>
          tpu.enqueue_indirect_dma source(%arg17 : memref<64x128xf32, #tpu.memory_space<vmem>>) target(%dma_start3A_199 : memref<10240x128xf32, #tpu.memory_space<vmem_shared>>) offsets(%dma_start3A_196 : memref<64xi32, #tpu.memory_space<vmem>>) semaphore(%run_scoped3A_193 : memref<!tpu.dma_semaphore, #tpu.memory_space<semaphore_mem>>) {add = true}
          %dma_wait3A_200 = arith.constant 0 : i32
          %dma_wait3A_201 = tpu.memref_slice %arg13[%add3A_182, %dma_wait3A_200] : memref<32x64xi32, #tpu.memory_space<vmem>> -> memref<1x64xi32, #tpu.memory_space<vmem>>
          %dma_wait3A_202 = tpu.memref_squeeze %dma_wait3A_201 : memref<1x64xi32, #tpu.memory_space<vmem>> -> memref<64xi32, #tpu.memory_space<vmem>>
          %dma_wait3A_203 = arith.constant 0 : i32
          %dma_wait3A_204 = arith.constant 0 : i32
          %dma_wait3A_205 = tpu.memref_slice %arg9[%dma_wait3A_203, %dma_wait3A_204] : memref<10240x128xf32, #tpu.memory_space<vmem_shared>> -> memref<10240x128xf32, #tpu.memory_space<vmem_shared>>
          tpu.wait_indirect_dma semaphore(%run_scoped3A_193 : memref<!tpu.dma_semaphore, #tpu.memory_space<semaphore_mem>>) src(%arg17 : memref<64x128xf32, #tpu.memory_space<vmem>>) dst(%dma_wait3A_205 : memref<10240x128xf32, #tpu.memory_space<vmem_shared>>)
          tpu.yield
        }) : () -> ()
        "tpu.region"() ({
          %run_scoped3A_193 = tpu.sem_alloc : memref<!tpu.dma_semaphore, #tpu.memory_space<semaphore_mem>>
          %dma_start3A_194 = arith.constant 0 : i32
          %dma_start3A_195 = tpu.memref_slice %arg13[%add3A_182, %dma_start3A_194] : memref<32x64xi32, #tpu.memory_space<vmem>> -> memref<1x64xi32, #tpu.memory_space<vmem>>
          %dma_start3A_196 = tpu.memref_squeeze %dma_start3A_195 : memref<1x64xi32, #tpu.memory_space<vmem>> -> memref<64xi32, #tpu.memory_space<vmem>>
          %dma_start3A_197 = arith.constant 0 : i32
          %dma_start3A_198 = tpu.memref_slice %arg10[%dma_start3A_197] : memref<10240xf32, #tpu.memory_space<vmem_shared>> -> memref<10240xf32, #tpu.memory_space<vmem_shared>>
          tpu.enqueue_indirect_dma source(%arg18 : memref<64xf32, #tpu.memory_space<vmem>>) target(%dma_start3A_198 : memref<10240xf32, #tpu.memory_space<vmem_shared>>) offsets(%dma_start3A_196 : memref<64xi32, #tpu.memory_space<vmem>>) semaphore(%run_scoped3A_193 : memref<!tpu.dma_semaphore, #tpu.memory_space<semaphore_mem>>) {add = true}
          %dma_wait3A_199 = arith.constant 0 : i32
          %dma_wait3A_200 = tpu.memref_slice %arg13[%add3A_182, %dma_wait3A_199] : memref<32x64xi32, #tpu.memory_space<vmem>> -> memref<1x64xi32, #tpu.memory_space<vmem>>
          %dma_wait3A_201 = tpu.memref_squeeze %dma_wait3A_200 : memref<1x64xi32, #tpu.memory_space<vmem>> -> memref<64xi32, #tpu.memory_space<vmem>>
          %dma_wait3A_202 = arith.constant 0 : i32
          %dma_wait3A_203 = tpu.memref_slice %arg10[%dma_wait3A_202] : memref<10240xf32, #tpu.memory_space<vmem_shared>> -> memref<10240xf32, #tpu.memory_space<vmem_shared>>
          tpu.wait_indirect_dma semaphore(%run_scoped3A_193 : memref<!tpu.dma_semaphore, #tpu.memory_space<semaphore_mem>>) src(%arg18 : memref<64xf32, #tpu.memory_space<vmem>>) dst(%dma_wait3A_203 : memref<10240xf32, #tpu.memory_space<vmem_shared>>)
          tpu.yield
        }) : () -> ()
        "tpu.region"() ({
          %run_scoped3A_193 = tpu.sem_alloc : memref<!tpu.dma_semaphore, #tpu.memory_space<semaphore_mem>>
          %dma_start3A_194 = arith.constant 0 : i32
          %dma_start3A_195 = tpu.memref_slice %arg12[%add3A_182, %dma_start3A_194] : memref<32x64xi32, #tpu.memory_space<vmem>> -> memref<1x64xi32, #tpu.memory_space<vmem>>
          %dma_start3A_196 = tpu.memref_squeeze %dma_start3A_195 : memref<1x64xi32, #tpu.memory_space<vmem>> -> memref<64xi32, #tpu.memory_space<vmem>>
          %dma_start3A_197 = arith.constant 0 : i32
          %dma_start3A_198 = tpu.memref_slice %arg11[%dma_start3A_197] : memref<10240xf32, #tpu.memory_space<vmem_shared>> -> memref<10240xf32, #tpu.memory_space<vmem_shared>>
          tpu.enqueue_indirect_dma source(%arg18 : memref<64xf32, #tpu.memory_space<vmem>>) target(%dma_start3A_198 : memref<10240xf32, #tpu.memory_space<vmem_shared>>) offsets(%dma_start3A_196 : memref<64xi32, #tpu.memory_space<vmem>>) semaphore(%run_scoped3A_193 : memref<!tpu.dma_semaphore, #tpu.memory_space<semaphore_mem>>) {add = true}
          %dma_wait3A_199 = arith.constant 0 : i32
          %dma_wait3A_200 = tpu.memref_slice %arg12[%add3A_182, %dma_wait3A_199] : memref<32x64xi32, #tpu.memory_space<vmem>> -> memref<1x64xi32, #tpu.memory_space<vmem>>
          %dma_wait3A_201 = tpu.memref_squeeze %dma_wait3A_200 : memref<1x64xi32, #tpu.memory_space<vmem>> -> memref<64xi32, #tpu.memory_space<vmem>>
          %dma_wait3A_202 = arith.constant 0 : i32
          %dma_wait3A_203 = tpu.memref_slice %arg11[%dma_wait3A_202] : memref<10240xf32, #tpu.memory_space<vmem_shared>> -> memref<10240xf32, #tpu.memory_space<vmem_shared>>
          tpu.wait_indirect_dma semaphore(%run_scoped3A_193 : memref<!tpu.dma_semaphore, #tpu.memory_space<semaphore_mem>>) src(%arg18 : memref<64xf32, #tpu.memory_space<vmem>>) dst(%dma_wait3A_203 : memref<10240xf32, #tpu.memory_space<vmem_shared>>)
          tpu.yield
        }) : () -> ()
        %add3A_183 = arith.constant 3 : i32
        %add3A_184 = arith.addi %add3A_112, %add3A_183 : i32
        %add3A_185 = arith.constant 4 : i32
        %add3A_186 = arith.addi %add3A_184, %add3A_185 : i32
        %dma_start3A_187 = arith.constant 0 : i32
        %dma_start3A_188 = tpu.memref_slice %arg12[%add3A_186, %dma_start3A_187] : memref<32x64xi32, #tpu.memory_space<vmem>> -> memref<1x64xi32, #tpu.memory_space<vmem>>
        %dma_start3A_189 = tpu.memref_squeeze %dma_start3A_188 : memref<1x64xi32, #tpu.memory_space<vmem>> -> memref<64xi32, #tpu.memory_space<vmem>>
        %dma_start3A_190 = arith.constant 0 : i32
        %dma_start3A_191 = arith.constant 0 : i32
        %dma_start3A_192 = tpu.memref_slice %arg2[%dma_start3A_190, %dma_start3A_191] : memref<10240x128xf32, #tpu.memory_space<hbm>> -> memref<10240x128xf32, #tpu.memory_space<hbm>>
        tpu.enqueue_indirect_dma source(%dma_start3A_192 : memref<10240x128xf32, #tpu.memory_space<hbm>>) target(%arg17 : memref<64x128xf32, #tpu.memory_space<vmem>>) offsets(%dma_start3A_189 : memref<64xi32, #tpu.memory_space<vmem>>) semaphore(%arg22 : memref<!tpu.dma_semaphore, #tpu.memory_space<semaphore_mem>>)
      }
      %scan3A_68 = arith.constant 7 : i32
      %dma_wait3A = arith.constant 28 : i32
      %dma_wait3A_69 = arith.constant 0 : i32
      %dma_wait3A_70 = tpu.memref_slice %arg12[%dma_wait3A, %dma_wait3A_69] : memref<32x64xi32, #tpu.memory_space<vmem>> -> memref<1x64xi32, #tpu.memory_space<vmem>>
      %dma_wait3A_71 = tpu.memref_squeeze %dma_wait3A_70 : memref<1x64xi32, #tpu.memory_space<vmem>> -> memref<64xi32, #tpu.memory_space<vmem>>
      %dma_wait3A_72 = arith.constant 0 : i32
      %dma_wait3A_73 = arith.constant 0 : i32
      %dma_wait3A_74 = tpu.memref_slice %arg2[%dma_wait3A_72, %dma_wait3A_73] : memref<10240x128xf32, #tpu.memory_space<hbm>> -> memref<10240x128xf32, #tpu.memory_space<hbm>>
      tpu.wait_indirect_dma semaphore(%arg19 : memref<!tpu.dma_semaphore, #tpu.memory_space<semaphore_mem>>) src(%dma_wait3A_74 : memref<10240x128xf32, #tpu.memory_space<hbm>>) dst(%arg14 : memref<64x128xf32, #tpu.memory_space<vmem>>)
      %run_scoped3A_75 = arith.constant 28 : i32
      "tpu.region"() ({
        %run_scoped3A_108 = tpu.sem_alloc : memref<!tpu.dma_semaphore, #tpu.memory_space<semaphore_mem>>
        %dma_start3A_109 = arith.constant 0 : i32
        %dma_start3A_110 = tpu.memref_slice %arg13[%run_scoped3A_75, %dma_start3A_109] : memref<32x64xi32, #tpu.memory_space<vmem>> -> memref<1x64xi32, #tpu.memory_space<vmem>>
        %dma_start3A_111 = tpu.memref_squeeze %dma_start3A_110 : memref<1x64xi32, #tpu.memory_space<vmem>> -> memref<64xi32, #tpu.memory_space<vmem>>
        %dma_start3A_112 = arith.constant 0 : i32
        %dma_start3A_113 = arith.constant 0 : i32
        %dma_start3A_114 = tpu.memref_slice %arg9[%dma_start3A_112, %dma_start3A_113] : memref<10240x128xf32, #tpu.memory_space<vmem_shared>> -> memref<10240x128xf32, #tpu.memory_space<vmem_shared>>
        tpu.enqueue_indirect_dma source(%arg14 : memref<64x128xf32, #tpu.memory_space<vmem>>) target(%dma_start3A_114 : memref<10240x128xf32, #tpu.memory_space<vmem_shared>>) offsets(%dma_start3A_111 : memref<64xi32, #tpu.memory_space<vmem>>) semaphore(%run_scoped3A_108 : memref<!tpu.dma_semaphore, #tpu.memory_space<semaphore_mem>>) {add = true}
        %dma_wait3A_115 = arith.constant 0 : i32
        %dma_wait3A_116 = tpu.memref_slice %arg13[%run_scoped3A_75, %dma_wait3A_115] : memref<32x64xi32, #tpu.memory_space<vmem>> -> memref<1x64xi32, #tpu.memory_space<vmem>>
        %dma_wait3A_117 = tpu.memref_squeeze %dma_wait3A_116 : memref<1x64xi32, #tpu.memory_space<vmem>> -> memref<64xi32, #tpu.memory_space<vmem>>
        %dma_wait3A_118 = arith.constant 0 : i32
        %dma_wait3A_119 = arith.constant 0 : i32
        %dma_wait3A_120 = tpu.memref_slice %arg9[%dma_wait3A_118, %dma_wait3A_119] : memref<10240x128xf32, #tpu.memory_space<vmem_shared>> -> memref<10240x128xf32, #tpu.memory_space<vmem_shared>>
        tpu.wait_indirect_dma semaphore(%run_scoped3A_108 : memref<!tpu.dma_semaphore, #tpu.memory_space<semaphore_mem>>) src(%arg14 : memref<64x128xf32, #tpu.memory_space<vmem>>) dst(%dma_wait3A_120 : memref<10240x128xf32, #tpu.memory_space<vmem_shared>>)
        tpu.yield
      }) : () -> ()
      %run_scoped3A_76 = arith.constant 28 : i32
      "tpu.region"() ({
        %run_scoped3A_108 = tpu.sem_alloc : memref<!tpu.dma_semaphore, #tpu.memory_space<semaphore_mem>>
        %dma_start3A_109 = arith.constant 0 : i32
        %dma_start3A_110 = tpu.memref_slice %arg13[%run_scoped3A_76, %dma_start3A_109] : memref<32x64xi32, #tpu.memory_space<vmem>> -> memref<1x64xi32, #tpu.memory_space<vmem>>
        %dma_start3A_111 = tpu.memref_squeeze %dma_start3A_110 : memref<1x64xi32, #tpu.memory_space<vmem>> -> memref<64xi32, #tpu.memory_space<vmem>>
        %dma_start3A_112 = arith.constant 0 : i32
        %dma_start3A_113 = tpu.memref_slice %arg10[%dma_start3A_112] : memref<10240xf32, #tpu.memory_space<vmem_shared>> -> memref<10240xf32, #tpu.memory_space<vmem_shared>>
        tpu.enqueue_indirect_dma source(%arg18 : memref<64xf32, #tpu.memory_space<vmem>>) target(%dma_start3A_113 : memref<10240xf32, #tpu.memory_space<vmem_shared>>) offsets(%dma_start3A_111 : memref<64xi32, #tpu.memory_space<vmem>>) semaphore(%run_scoped3A_108 : memref<!tpu.dma_semaphore, #tpu.memory_space<semaphore_mem>>) {add = true}
        %dma_wait3A_114 = arith.constant 0 : i32
        %dma_wait3A_115 = tpu.memref_slice %arg13[%run_scoped3A_76, %dma_wait3A_114] : memref<32x64xi32, #tpu.memory_space<vmem>> -> memref<1x64xi32, #tpu.memory_space<vmem>>
        %dma_wait3A_116 = tpu.memref_squeeze %dma_wait3A_115 : memref<1x64xi32, #tpu.memory_space<vmem>> -> memref<64xi32, #tpu.memory_space<vmem>>
        %dma_wait3A_117 = arith.constant 0 : i32
        %dma_wait3A_118 = tpu.memref_slice %arg10[%dma_wait3A_117] : memref<10240xf32, #tpu.memory_space<vmem_shared>> -> memref<10240xf32, #tpu.memory_space<vmem_shared>>
        tpu.wait_indirect_dma semaphore(%run_scoped3A_108 : memref<!tpu.dma_semaphore, #tpu.memory_space<semaphore_mem>>) src(%arg18 : memref<64xf32, #tpu.memory_space<vmem>>) dst(%dma_wait3A_118 : memref<10240xf32, #tpu.memory_space<vmem_shared>>)
        tpu.yield
      }) : () -> ()
      %run_scoped3A_77 = arith.constant 28 : i32
      "tpu.region"() ({
        %run_scoped3A_108 = tpu.sem_alloc : memref<!tpu.dma_semaphore, #tpu.memory_space<semaphore_mem>>
        %dma_start3A_109 = arith.constant 0 : i32
        %dma_start3A_110 = tpu.memref_slice %arg12[%run_scoped3A_77, %dma_start3A_109] : memref<32x64xi32, #tpu.memory_space<vmem>> -> memref<1x64xi32, #tpu.memory_space<vmem>>
        %dma_start3A_111 = tpu.memref_squeeze %dma_start3A_110 : memref<1x64xi32, #tpu.memory_space<vmem>> -> memref<64xi32, #tpu.memory_space<vmem>>
        %dma_start3A_112 = arith.constant 0 : i32
        %dma_start3A_113 = tpu.memref_slice %arg11[%dma_start3A_112] : memref<10240xf32, #tpu.memory_space<vmem_shared>> -> memref<10240xf32, #tpu.memory_space<vmem_shared>>
        tpu.enqueue_indirect_dma source(%arg18 : memref<64xf32, #tpu.memory_space<vmem>>) target(%dma_start3A_113 : memref<10240xf32, #tpu.memory_space<vmem_shared>>) offsets(%dma_start3A_111 : memref<64xi32, #tpu.memory_space<vmem>>) semaphore(%run_scoped3A_108 : memref<!tpu.dma_semaphore, #tpu.memory_space<semaphore_mem>>) {add = true}
        %dma_wait3A_114 = arith.constant 0 : i32
        %dma_wait3A_115 = tpu.memref_slice %arg12[%run_scoped3A_77, %dma_wait3A_114] : memref<32x64xi32, #tpu.memory_space<vmem>> -> memref<1x64xi32, #tpu.memory_space<vmem>>
        %dma_wait3A_116 = tpu.memref_squeeze %dma_wait3A_115 : memref<1x64xi32, #tpu.memory_space<vmem>> -> memref<64xi32, #tpu.memory_space<vmem>>
        %dma_wait3A_117 = arith.constant 0 : i32
        %dma_wait3A_118 = tpu.memref_slice %arg11[%dma_wait3A_117] : memref<10240xf32, #tpu.memory_space<vmem_shared>> -> memref<10240xf32, #tpu.memory_space<vmem_shared>>
        tpu.wait_indirect_dma semaphore(%run_scoped3A_108 : memref<!tpu.dma_semaphore, #tpu.memory_space<semaphore_mem>>) src(%arg18 : memref<64xf32, #tpu.memory_space<vmem>>) dst(%dma_wait3A_118 : memref<10240xf32, #tpu.memory_space<vmem_shared>>)
        tpu.yield
      }) : () -> ()
      %dma_wait3A_78 = arith.constant 29 : i32
      %dma_wait3A_79 = arith.constant 0 : i32
      %dma_wait3A_80 = tpu.memref_slice %arg12[%dma_wait3A_78, %dma_wait3A_79] : memref<32x64xi32, #tpu.memory_space<vmem>> -> memref<1x64xi32, #tpu.memory_space<vmem>>
      %dma_wait3A_81 = tpu.memref_squeeze %dma_wait3A_80 : memref<1x64xi32, #tpu.memory_space<vmem>> -> memref<64xi32, #tpu.memory_space<vmem>>
      %dma_wait3A_82 = arith.constant 0 : i32
      %dma_wait3A_83 = arith.constant 0 : i32
      %dma_wait3A_84 = tpu.memref_slice %arg2[%dma_wait3A_82, %dma_wait3A_83] : memref<10240x128xf32, #tpu.memory_space<hbm>> -> memref<10240x128xf32, #tpu.memory_space<hbm>>
      tpu.wait_indirect_dma semaphore(%arg20 : memref<!tpu.dma_semaphore, #tpu.memory_space<semaphore_mem>>) src(%dma_wait3A_84 : memref<10240x128xf32, #tpu.memory_space<hbm>>) dst(%arg15 : memref<64x128xf32, #tpu.memory_space<vmem>>)
      %run_scoped3A_85 = arith.constant 29 : i32
      "tpu.region"() ({
        %run_scoped3A_108 = tpu.sem_alloc : memref<!tpu.dma_semaphore, #tpu.memory_space<semaphore_mem>>
        %dma_start3A_109 = arith.constant 0 : i32
        %dma_start3A_110 = tpu.memref_slice %arg13[%run_scoped3A_85, %dma_start3A_109] : memref<32x64xi32, #tpu.memory_space<vmem>> -> memref<1x64xi32, #tpu.memory_space<vmem>>
        %dma_start3A_111 = tpu.memref_squeeze %dma_start3A_110 : memref<1x64xi32, #tpu.memory_space<vmem>> -> memref<64xi32, #tpu.memory_space<vmem>>
        %dma_start3A_112 = arith.constant 0 : i32
        %dma_start3A_113 = arith.constant 0 : i32
        %dma_start3A_114 = tpu.memref_slice %arg9[%dma_start3A_112, %dma_start3A_113] : memref<10240x128xf32, #tpu.memory_space<vmem_shared>> -> memref<10240x128xf32, #tpu.memory_space<vmem_shared>>
        tpu.enqueue_indirect_dma source(%arg15 : memref<64x128xf32, #tpu.memory_space<vmem>>) target(%dma_start3A_114 : memref<10240x128xf32, #tpu.memory_space<vmem_shared>>) offsets(%dma_start3A_111 : memref<64xi32, #tpu.memory_space<vmem>>) semaphore(%run_scoped3A_108 : memref<!tpu.dma_semaphore, #tpu.memory_space<semaphore_mem>>) {add = true}
        %dma_wait3A_115 = arith.constant 0 : i32
        %dma_wait3A_116 = tpu.memref_slice %arg13[%run_scoped3A_85, %dma_wait3A_115] : memref<32x64xi32, #tpu.memory_space<vmem>> -> memref<1x64xi32, #tpu.memory_space<vmem>>
        %dma_wait3A_117 = tpu.memref_squeeze %dma_wait3A_116 : memref<1x64xi32, #tpu.memory_space<vmem>> -> memref<64xi32, #tpu.memory_space<vmem>>
        %dma_wait3A_118 = arith.constant 0 : i32
        %dma_wait3A_119 = arith.constant 0 : i32
        %dma_wait3A_120 = tpu.memref_slice %arg9[%dma_wait3A_118, %dma_wait3A_119] : memref<10240x128xf32, #tpu.memory_space<vmem_shared>> -> memref<10240x128xf32, #tpu.memory_space<vmem_shared>>
        tpu.wait_indirect_dma semaphore(%run_scoped3A_108 : memref<!tpu.dma_semaphore, #tpu.memory_space<semaphore_mem>>) src(%arg15 : memref<64x128xf32, #tpu.memory_space<vmem>>) dst(%dma_wait3A_120 : memref<10240x128xf32, #tpu.memory_space<vmem_shared>>)
        tpu.yield
      }) : () -> ()
      %run_scoped3A_86 = arith.constant 29 : i32
      "tpu.region"() ({
        %run_scoped3A_108 = tpu.sem_alloc : memref<!tpu.dma_semaphore, #tpu.memory_space<semaphore_mem>>
        %dma_start3A_109 = arith.constant 0 : i32
        %dma_start3A_110 = tpu.memref_slice %arg13[%run_scoped3A_86, %dma_start3A_109] : memref<32x64xi32, #tpu.memory_space<vmem>> -> memref<1x64xi32, #tpu.memory_space<vmem>>
        %dma_start3A_111 = tpu.memref_squeeze %dma_start3A_110 : memref<1x64xi32, #tpu.memory_space<vmem>> -> memref<64xi32, #tpu.memory_space<vmem>>
        %dma_start3A_112 = arith.constant 0 : i32
        %dma_start3A_113 = tpu.memref_slice %arg10[%dma_start3A_112] : memref<10240xf32, #tpu.memory_space<vmem_shared>> -> memref<10240xf32, #tpu.memory_space<vmem_shared>>
        tpu.enqueue_indirect_dma source(%arg18 : memref<64xf32, #tpu.memory_space<vmem>>) target(%dma_start3A_113 : memref<10240xf32, #tpu.memory_space<vmem_shared>>) offsets(%dma_start3A_111 : memref<64xi32, #tpu.memory_space<vmem>>) semaphore(%run_scoped3A_108 : memref<!tpu.dma_semaphore, #tpu.memory_space<semaphore_mem>>) {add = true}
        %dma_wait3A_114 = arith.constant 0 : i32
        %dma_wait3A_115 = tpu.memref_slice %arg13[%run_scoped3A_86, %dma_wait3A_114] : memref<32x64xi32, #tpu.memory_space<vmem>> -> memref<1x64xi32, #tpu.memory_space<vmem>>
        %dma_wait3A_116 = tpu.memref_squeeze %dma_wait3A_115 : memref<1x64xi32, #tpu.memory_space<vmem>> -> memref<64xi32, #tpu.memory_space<vmem>>
        %dma_wait3A_117 = arith.constant 0 : i32
        %dma_wait3A_118 = tpu.memref_slice %arg10[%dma_wait3A_117] : memref<10240xf32, #tpu.memory_space<vmem_shared>> -> memref<10240xf32, #tpu.memory_space<vmem_shared>>
        tpu.wait_indirect_dma semaphore(%run_scoped3A_108 : memref<!tpu.dma_semaphore, #tpu.memory_space<semaphore_mem>>) src(%arg18 : memref<64xf32, #tpu.memory_space<vmem>>) dst(%dma_wait3A_118 : memref<10240xf32, #tpu.memory_space<vmem_shared>>)
        tpu.yield
      }) : () -> ()
      %run_scoped3A_87 = arith.constant 29 : i32
      "tpu.region"() ({
        %run_scoped3A_108 = tpu.sem_alloc : memref<!tpu.dma_semaphore, #tpu.memory_space<semaphore_mem>>
        %dma_start3A_109 = arith.constant 0 : i32
        %dma_start3A_110 = tpu.memref_slice %arg12[%run_scoped3A_87, %dma_start3A_109] : memref<32x64xi32, #tpu.memory_space<vmem>> -> memref<1x64xi32, #tpu.memory_space<vmem>>
        %dma_start3A_111 = tpu.memref_squeeze %dma_start3A_110 : memref<1x64xi32, #tpu.memory_space<vmem>> -> memref<64xi32, #tpu.memory_space<vmem>>
        %dma_start3A_112 = arith.constant 0 : i32
        %dma_start3A_113 = tpu.memref_slice %arg11[%dma_start3A_112] : memref<10240xf32, #tpu.memory_space<vmem_shared>> -> memref<10240xf32, #tpu.memory_space<vmem_shared>>
        tpu.enqueue_indirect_dma source(%arg18 : memref<64xf32, #tpu.memory_space<vmem>>) target(%dma_start3A_113 : memref<10240xf32, #tpu.memory_space<vmem_shared>>) offsets(%dma_start3A_111 : memref<64xi32, #tpu.memory_space<vmem>>) semaphore(%run_scoped3A_108 : memref<!tpu.dma_semaphore, #tpu.memory_space<semaphore_mem>>) {add = true}
        %dma_wait3A_114 = arith.constant 0 : i32
        %dma_wait3A_115 = tpu.memref_slice %arg12[%run_scoped3A_87, %dma_wait3A_114] : memref<32x64xi32, #tpu.memory_space<vmem>> -> memref<1x64xi32, #tpu.memory_space<vmem>>
        %dma_wait3A_116 = tpu.memref_squeeze %dma_wait3A_115 : memref<1x64xi32, #tpu.memory_space<vmem>> -> memref<64xi32, #tpu.memory_space<vmem>>
        %dma_wait3A_117 = arith.constant 0 : i32
        %dma_wait3A_118 = tpu.memref_slice %arg11[%dma_wait3A_117] : memref<10240xf32, #tpu.memory_space<vmem_shared>> -> memref<10240xf32, #tpu.memory_space<vmem_shared>>
        tpu.wait_indirect_dma semaphore(%run_scoped3A_108 : memref<!tpu.dma_semaphore, #tpu.memory_space<semaphore_mem>>) src(%arg18 : memref<64xf32, #tpu.memory_space<vmem>>) dst(%dma_wait3A_118 : memref<10240xf32, #tpu.memory_space<vmem_shared>>)
        tpu.yield
      }) : () -> ()
      %dma_wait3A_88 = arith.constant 30 : i32
      %dma_wait3A_89 = arith.constant 0 : i32
      %dma_wait3A_90 = tpu.memref_slice %arg12[%dma_wait3A_88, %dma_wait3A_89] : memref<32x64xi32, #tpu.memory_space<vmem>> -> memref<1x64xi32, #tpu.memory_space<vmem>>
      %dma_wait3A_91 = tpu.memref_squeeze %dma_wait3A_90 : memref<1x64xi32, #tpu.memory_space<vmem>> -> memref<64xi32, #tpu.memory_space<vmem>>
      %dma_wait3A_92 = arith.constant 0 : i32
      %dma_wait3A_93 = arith.constant 0 : i32
      %dma_wait3A_94 = tpu.memref_slice %arg2[%dma_wait3A_92, %dma_wait3A_93] : memref<10240x128xf32, #tpu.memory_space<hbm>> -> memref<10240x128xf32, #tpu.memory_space<hbm>>
      tpu.wait_indirect_dma semaphore(%arg21 : memref<!tpu.dma_semaphore, #tpu.memory_space<semaphore_mem>>) src(%dma_wait3A_94 : memref<10240x128xf32, #tpu.memory_space<hbm>>) dst(%arg16 : memref<64x128xf32, #tpu.memory_space<vmem>>)
      %run_scoped3A_95 = arith.constant 30 : i32
      "tpu.region"() ({
        %run_scoped3A_108 = tpu.sem_alloc : memref<!tpu.dma_semaphore, #tpu.memory_space<semaphore_mem>>
        %dma_start3A_109 = arith.constant 0 : i32
        %dma_start3A_110 = tpu.memref_slice %arg13[%run_scoped3A_95, %dma_start3A_109] : memref<32x64xi32, #tpu.memory_space<vmem>> -> memref<1x64xi32, #tpu.memory_space<vmem>>
        %dma_start3A_111 = tpu.memref_squeeze %dma_start3A_110 : memref<1x64xi32, #tpu.memory_space<vmem>> -> memref<64xi32, #tpu.memory_space<vmem>>
        %dma_start3A_112 = arith.constant 0 : i32
        %dma_start3A_113 = arith.constant 0 : i32
        %dma_start3A_114 = tpu.memref_slice %arg9[%dma_start3A_112, %dma_start3A_113] : memref<10240x128xf32, #tpu.memory_space<vmem_shared>> -> memref<10240x128xf32, #tpu.memory_space<vmem_shared>>
        tpu.enqueue_indirect_dma source(%arg16 : memref<64x128xf32, #tpu.memory_space<vmem>>) target(%dma_start3A_114 : memref<10240x128xf32, #tpu.memory_space<vmem_shared>>) offsets(%dma_start3A_111 : memref<64xi32, #tpu.memory_space<vmem>>) semaphore(%run_scoped3A_108 : memref<!tpu.dma_semaphore, #tpu.memory_space<semaphore_mem>>) {add = true}
        %dma_wait3A_115 = arith.constant 0 : i32
        %dma_wait3A_116 = tpu.memref_slice %arg13[%run_scoped3A_95, %dma_wait3A_115] : memref<32x64xi32, #tpu.memory_space<vmem>> -> memref<1x64xi32, #tpu.memory_space<vmem>>
        %dma_wait3A_117 = tpu.memref_squeeze %dma_wait3A_116 : memref<1x64xi32, #tpu.memory_space<vmem>> -> memref<64xi32, #tpu.memory_space<vmem>>
        %dma_wait3A_118 = arith.constant 0 : i32
        %dma_wait3A_119 = arith.constant 0 : i32
        %dma_wait3A_120 = tpu.memref_slice %arg9[%dma_wait3A_118, %dma_wait3A_119] : memref<10240x128xf32, #tpu.memory_space<vmem_shared>> -> memref<10240x128xf32, #tpu.memory_space<vmem_shared>>
        tpu.wait_indirect_dma semaphore(%run_scoped3A_108 : memref<!tpu.dma_semaphore, #tpu.memory_space<semaphore_mem>>) src(%arg16 : memref<64x128xf32, #tpu.memory_space<vmem>>) dst(%dma_wait3A_120 : memref<10240x128xf32, #tpu.memory_space<vmem_shared>>)
        tpu.yield
      }) : () -> ()
      %run_scoped3A_96 = arith.constant 30 : i32
      "tpu.region"() ({
        %run_scoped3A_108 = tpu.sem_alloc : memref<!tpu.dma_semaphore, #tpu.memory_space<semaphore_mem>>
        %dma_start3A_109 = arith.constant 0 : i32
        %dma_start3A_110 = tpu.memref_slice %arg13[%run_scoped3A_96, %dma_start3A_109] : memref<32x64xi32, #tpu.memory_space<vmem>> -> memref<1x64xi32, #tpu.memory_space<vmem>>
        %dma_start3A_111 = tpu.memref_squeeze %dma_start3A_110 : memref<1x64xi32, #tpu.memory_space<vmem>> -> memref<64xi32, #tpu.memory_space<vmem>>
        %dma_start3A_112 = arith.constant 0 : i32
        %dma_start3A_113 = tpu.memref_slice %arg10[%dma_start3A_112] : memref<10240xf32, #tpu.memory_space<vmem_shared>> -> memref<10240xf32, #tpu.memory_space<vmem_shared>>
        tpu.enqueue_indirect_dma source(%arg18 : memref<64xf32, #tpu.memory_space<vmem>>) target(%dma_start3A_113 : memref<10240xf32, #tpu.memory_space<vmem_shared>>) offsets(%dma_start3A_111 : memref<64xi32, #tpu.memory_space<vmem>>) semaphore(%run_scoped3A_108 : memref<!tpu.dma_semaphore, #tpu.memory_space<semaphore_mem>>) {add = true}
        %dma_wait3A_114 = arith.constant 0 : i32
        %dma_wait3A_115 = tpu.memref_slice %arg13[%run_scoped3A_96, %dma_wait3A_114] : memref<32x64xi32, #tpu.memory_space<vmem>> -> memref<1x64xi32, #tpu.memory_space<vmem>>
        %dma_wait3A_116 = tpu.memref_squeeze %dma_wait3A_115 : memref<1x64xi32, #tpu.memory_space<vmem>> -> memref<64xi32, #tpu.memory_space<vmem>>
        %dma_wait3A_117 = arith.constant 0 : i32
        %dma_wait3A_118 = tpu.memref_slice %arg10[%dma_wait3A_117] : memref<10240xf32, #tpu.memory_space<vmem_shared>> -> memref<10240xf32, #tpu.memory_space<vmem_shared>>
        tpu.wait_indirect_dma semaphore(%run_scoped3A_108 : memref<!tpu.dma_semaphore, #tpu.memory_space<semaphore_mem>>) src(%arg18 : memref<64xf32, #tpu.memory_space<vmem>>) dst(%dma_wait3A_118 : memref<10240xf32, #tpu.memory_space<vmem_shared>>)
        tpu.yield
      }) : () -> ()
      %run_scoped3A_97 = arith.constant 30 : i32
      "tpu.region"() ({
        %run_scoped3A_108 = tpu.sem_alloc : memref<!tpu.dma_semaphore, #tpu.memory_space<semaphore_mem>>
        %dma_start3A_109 = arith.constant 0 : i32
        %dma_start3A_110 = tpu.memref_slice %arg12[%run_scoped3A_97, %dma_start3A_109] : memref<32x64xi32, #tpu.memory_space<vmem>> -> memref<1x64xi32, #tpu.memory_space<vmem>>
        %dma_start3A_111 = tpu.memref_squeeze %dma_start3A_110 : memref<1x64xi32, #tpu.memory_space<vmem>> -> memref<64xi32, #tpu.memory_space<vmem>>
        %dma_start3A_112 = arith.constant 0 : i32
        %dma_start3A_113 = tpu.memref_slice %arg11[%dma_start3A_112] : memref<10240xf32, #tpu.memory_space<vmem_shared>> -> memref<10240xf32, #tpu.memory_space<vmem_shared>>
        tpu.enqueue_indirect_dma source(%arg18 : memref<64xf32, #tpu.memory_space<vmem>>) target(%dma_start3A_113 : memref<10240xf32, #tpu.memory_space<vmem_shared>>) offsets(%dma_start3A_111 : memref<64xi32, #tpu.memory_space<vmem>>) semaphore(%run_scoped3A_108 : memref<!tpu.dma_semaphore, #tpu.memory_space<semaphore_mem>>) {add = true}
        %dma_wait3A_114 = arith.constant 0 : i32
        %dma_wait3A_115 = tpu.memref_slice %arg12[%run_scoped3A_97, %dma_wait3A_114] : memref<32x64xi32, #tpu.memory_space<vmem>> -> memref<1x64xi32, #tpu.memory_space<vmem>>
        %dma_wait3A_116 = tpu.memref_squeeze %dma_wait3A_115 : memref<1x64xi32, #tpu.memory_space<vmem>> -> memref<64xi32, #tpu.memory_space<vmem>>
        %dma_wait3A_117 = arith.constant 0 : i32
        %dma_wait3A_118 = tpu.memref_slice %arg11[%dma_wait3A_117] : memref<10240xf32, #tpu.memory_space<vmem_shared>> -> memref<10240xf32, #tpu.memory_space<vmem_shared>>
        tpu.wait_indirect_dma semaphore(%run_scoped3A_108 : memref<!tpu.dma_semaphore, #tpu.memory_space<semaphore_mem>>) src(%arg18 : memref<64xf32, #tpu.memory_space<vmem>>) dst(%dma_wait3A_118 : memref<10240xf32, #tpu.memory_space<vmem_shared>>)
        tpu.yield
      }) : () -> ()
      %dma_wait3A_98 = arith.constant 31 : i32
      %dma_wait3A_99 = arith.constant 0 : i32
      %dma_wait3A_100 = tpu.memref_slice %arg12[%dma_wait3A_98, %dma_wait3A_99] : memref<32x64xi32, #tpu.memory_space<vmem>> -> memref<1x64xi32, #tpu.memory_space<vmem>>
      %dma_wait3A_101 = tpu.memref_squeeze %dma_wait3A_100 : memref<1x64xi32, #tpu.memory_space<vmem>> -> memref<64xi32, #tpu.memory_space<vmem>>
      %dma_wait3A_102 = arith.constant 0 : i32
      %dma_wait3A_103 = arith.constant 0 : i32
      %dma_wait3A_104 = tpu.memref_slice %arg2[%dma_wait3A_102, %dma_wait3A_103] : memref<10240x128xf32, #tpu.memory_space<hbm>> -> memref<10240x128xf32, #tpu.memory_space<hbm>>
      tpu.wait_indirect_dma semaphore(%arg22 : memref<!tpu.dma_semaphore, #tpu.memory_space<semaphore_mem>>) src(%dma_wait3A_104 : memref<10240x128xf32, #tpu.memory_space<hbm>>) dst(%arg17 : memref<64x128xf32, #tpu.memory_space<vmem>>)
      %run_scoped3A_105 = arith.constant 31 : i32
      "tpu.region"() ({
        %run_scoped3A_108 = tpu.sem_alloc : memref<!tpu.dma_semaphore, #tpu.memory_space<semaphore_mem>>
        %dma_start3A_109 = arith.constant 0 : i32
        %dma_start3A_110 = tpu.memref_slice %arg13[%run_scoped3A_105, %dma_start3A_109] : memref<32x64xi32, #tpu.memory_space<vmem>> -> memref<1x64xi32, #tpu.memory_space<vmem>>
        %dma_start3A_111 = tpu.memref_squeeze %dma_start3A_110 : memref<1x64xi32, #tpu.memory_space<vmem>> -> memref<64xi32, #tpu.memory_space<vmem>>
        %dma_start3A_112 = arith.constant 0 : i32
        %dma_start3A_113 = arith.constant 0 : i32
        %dma_start3A_114 = tpu.memref_slice %arg9[%dma_start3A_112, %dma_start3A_113] : memref<10240x128xf32, #tpu.memory_space<vmem_shared>> -> memref<10240x128xf32, #tpu.memory_space<vmem_shared>>
        tpu.enqueue_indirect_dma source(%arg17 : memref<64x128xf32, #tpu.memory_space<vmem>>) target(%dma_start3A_114 : memref<10240x128xf32, #tpu.memory_space<vmem_shared>>) offsets(%dma_start3A_111 : memref<64xi32, #tpu.memory_space<vmem>>) semaphore(%run_scoped3A_108 : memref<!tpu.dma_semaphore, #tpu.memory_space<semaphore_mem>>) {add = true}
        %dma_wait3A_115 = arith.constant 0 : i32
        %dma_wait3A_116 = tpu.memref_slice %arg13[%run_scoped3A_105, %dma_wait3A_115] : memref<32x64xi32, #tpu.memory_space<vmem>> -> memref<1x64xi32, #tpu.memory_space<vmem>>
        %dma_wait3A_117 = tpu.memref_squeeze %dma_wait3A_116 : memref<1x64xi32, #tpu.memory_space<vmem>> -> memref<64xi32, #tpu.memory_space<vmem>>
        %dma_wait3A_118 = arith.constant 0 : i32
        %dma_wait3A_119 = arith.constant 0 : i32
        %dma_wait3A_120 = tpu.memref_slice %arg9[%dma_wait3A_118, %dma_wait3A_119] : memref<10240x128xf32, #tpu.memory_space<vmem_shared>> -> memref<10240x128xf32, #tpu.memory_space<vmem_shared>>
        tpu.wait_indirect_dma semaphore(%run_scoped3A_108 : memref<!tpu.dma_semaphore, #tpu.memory_space<semaphore_mem>>) src(%arg17 : memref<64x128xf32, #tpu.memory_space<vmem>>) dst(%dma_wait3A_120 : memref<10240x128xf32, #tpu.memory_space<vmem_shared>>)
        tpu.yield
      }) : () -> ()
      %run_scoped3A_106 = arith.constant 31 : i32
      "tpu.region"() ({
        %run_scoped3A_108 = tpu.sem_alloc : memref<!tpu.dma_semaphore, #tpu.memory_space<semaphore_mem>>
        %dma_start3A_109 = arith.constant 0 : i32
        %dma_start3A_110 = tpu.memref_slice %arg13[%run_scoped3A_106, %dma_start3A_109] : memref<32x64xi32, #tpu.memory_space<vmem>> -> memref<1x64xi32, #tpu.memory_space<vmem>>
        %dma_start3A_111 = tpu.memref_squeeze %dma_start3A_110 : memref<1x64xi32, #tpu.memory_space<vmem>> -> memref<64xi32, #tpu.memory_space<vmem>>
        %dma_start3A_112 = arith.constant 0 : i32
        %dma_start3A_113 = tpu.memref_slice %arg10[%dma_start3A_112] : memref<10240xf32, #tpu.memory_space<vmem_shared>> -> memref<10240xf32, #tpu.memory_space<vmem_shared>>
        tpu.enqueue_indirect_dma source(%arg18 : memref<64xf32, #tpu.memory_space<vmem>>) target(%dma_start3A_113 : memref<10240xf32, #tpu.memory_space<vmem_shared>>) offsets(%dma_start3A_111 : memref<64xi32, #tpu.memory_space<vmem>>) semaphore(%run_scoped3A_108 : memref<!tpu.dma_semaphore, #tpu.memory_space<semaphore_mem>>) {add = true}
        %dma_wait3A_114 = arith.constant 0 : i32
        %dma_wait3A_115 = tpu.memref_slice %arg13[%run_scoped3A_106, %dma_wait3A_114] : memref<32x64xi32, #tpu.memory_space<vmem>> -> memref<1x64xi32, #tpu.memory_space<vmem>>
        %dma_wait3A_116 = tpu.memref_squeeze %dma_wait3A_115 : memref<1x64xi32, #tpu.memory_space<vmem>> -> memref<64xi32, #tpu.memory_space<vmem>>
        %dma_wait3A_117 = arith.constant 0 : i32
        %dma_wait3A_118 = tpu.memref_slice %arg10[%dma_wait3A_117] : memref<10240xf32, #tpu.memory_space<vmem_shared>> -> memref<10240xf32, #tpu.memory_space<vmem_shared>>
        tpu.wait_indirect_dma semaphore(%run_scoped3A_108 : memref<!tpu.dma_semaphore, #tpu.memory_space<semaphore_mem>>) src(%arg18 : memref<64xf32, #tpu.memory_space<vmem>>) dst(%dma_wait3A_118 : memref<10240xf32, #tpu.memory_space<vmem_shared>>)
        tpu.yield
      }) : () -> ()
      %run_scoped3A_107 = arith.constant 31 : i32
      "tpu.region"() ({
        %run_scoped3A_108 = tpu.sem_alloc : memref<!tpu.dma_semaphore, #tpu.memory_space<semaphore_mem>>
        %dma_start3A_109 = arith.constant 0 : i32
        %dma_start3A_110 = tpu.memref_slice %arg12[%run_scoped3A_107, %dma_start3A_109] : memref<32x64xi32, #tpu.memory_space<vmem>> -> memref<1x64xi32, #tpu.memory_space<vmem>>
        %dma_start3A_111 = tpu.memref_squeeze %dma_start3A_110 : memref<1x64xi32, #tpu.memory_space<vmem>> -> memref<64xi32, #tpu.memory_space<vmem>>
        %dma_start3A_112 = arith.constant 0 : i32
        %dma_start3A_113 = tpu.memref_slice %arg11[%dma_start3A_112] : memref<10240xf32, #tpu.memory_space<vmem_shared>> -> memref<10240xf32, #tpu.memory_space<vmem_shared>>
        tpu.enqueue_indirect_dma source(%arg18 : memref<64xf32, #tpu.memory_space<vmem>>) target(%dma_start3A_113 : memref<10240xf32, #tpu.memory_space<vmem_shared>>) offsets(%dma_start3A_111 : memref<64xi32, #tpu.memory_space<vmem>>) semaphore(%run_scoped3A_108 : memref<!tpu.dma_semaphore, #tpu.memory_space<semaphore_mem>>) {add = true}
        %dma_wait3A_114 = arith.constant 0 : i32
        %dma_wait3A_115 = tpu.memref_slice %arg12[%run_scoped3A_107, %dma_wait3A_114] : memref<32x64xi32, #tpu.memory_space<vmem>> -> memref<1x64xi32, #tpu.memory_space<vmem>>
        %dma_wait3A_116 = tpu.memref_squeeze %dma_wait3A_115 : memref<1x64xi32, #tpu.memory_space<vmem>> -> memref<64xi32, #tpu.memory_space<vmem>>
        %dma_wait3A_117 = arith.constant 0 : i32
        %dma_wait3A_118 = tpu.memref_slice %arg11[%dma_wait3A_117] : memref<10240xf32, #tpu.memory_space<vmem_shared>> -> memref<10240xf32, #tpu.memory_space<vmem_shared>>
        tpu.wait_indirect_dma semaphore(%run_scoped3A_108 : memref<!tpu.dma_semaphore, #tpu.memory_space<semaphore_mem>>) src(%arg18 : memref<64xf32, #tpu.memory_space<vmem>>) dst(%dma_wait3A_118 : memref<10240xf32, #tpu.memory_space<vmem_shared>>)
        tpu.yield
      }) : () -> ()
    }
    %scan3A_26 = arith.constant 10 : i32
    %barrier3A_27 = arith.constant 0 : index
    tpu.barrier barrier_id(%barrier3A_27)
    "tpu.region"() ({
      %run_scoped3A_29 = tpu.sem_alloc : memref<!tpu.dma_semaphore, #tpu.memory_space<semaphore_mem>>
      %dma_start3A = arith.constant 0 : i32
      %dma_start3A_30 = tpu.memref_slice %arg7[%arg0, %mul3A_0, %dma_start3A] : memref<2x10240x128xf32, #tpu.memory_space<hbm>> -> memref<1x640x128xf32, #tpu.memory_space<hbm>>
      %dma_start3A_31 = tpu.memref_squeeze %dma_start3A_30 : memref<1x640x128xf32, #tpu.memory_space<hbm>> -> memref<640x128xf32, #tpu.memory_space<hbm>>
      %dma_start3A_32 = arith.constant 0 : i32
      %dma_start3A_33 = tpu.memref_slice %arg9[%mul3A_0, %dma_start3A_32] : memref<10240x128xf32, #tpu.memory_space<vmem_shared>> -> memref<640x128xf32, #tpu.memory_space<vmem_shared>>
      tpu.enqueue_dma source(%dma_start3A_33 : memref<640x128xf32, #tpu.memory_space<vmem_shared>>) target(%dma_start3A_31 : memref<640x128xf32, #tpu.memory_space<hbm>>) target_semaphore(%run_scoped3A_29 : memref<!tpu.dma_semaphore, #tpu.memory_space<semaphore_mem>>)
      %dma_wait3A = arith.constant 0 : i32
      %dma_wait3A_34 = tpu.memref_slice %arg7[%arg0, %mul3A_0, %dma_wait3A] : memref<2x10240x128xf32, #tpu.memory_space<hbm>> -> memref<1x640x128xf32, #tpu.memory_space<hbm>>
      %dma_wait3A_35 = tpu.memref_squeeze %dma_wait3A_34 : memref<1x640x128xf32, #tpu.memory_space<hbm>> -> memref<640x128xf32, #tpu.memory_space<hbm>>
      %dma_wait3A_36 = arith.constant 0 : i32
      %dma_wait3A_37 = tpu.memref_slice %arg9[%mul3A_0, %dma_wait3A_36] : memref<10240x128xf32, #tpu.memory_space<vmem_shared>> -> memref<640x128xf32, #tpu.memory_space<vmem_shared>>
      tpu.wait_dma2 semaphore(%run_scoped3A_29 : memref<!tpu.dma_semaphore, #tpu.memory_space<semaphore_mem>>) src(%dma_wait3A_37 : memref<640x128xf32, #tpu.memory_space<vmem_shared>>) dst(%dma_wait3A_35 : memref<640x128xf32, #tpu.memory_space<hbm>>)
      tpu.yield
    }) : () -> ()
    %run_scoped3A = arith.constant 0 : i32
    "tpu.region"() ({
      %run_scoped3A_29 = tpu.sem_alloc : memref<!tpu.dma_semaphore, #tpu.memory_space<semaphore_mem>>
      %dma_start3A = tpu.memref_slice %arg8[%arg0, %run_scoped3A, %mul3A_0] : memref<2x2x10240xf32, #tpu.memory_space<hbm>> -> memref<1x1x640xf32, #tpu.memory_space<hbm>>
      %dma_start3A_30 = tpu.memref_squeeze %dma_start3A : memref<1x1x640xf32, #tpu.memory_space<hbm>> -> memref<640xf32, #tpu.memory_space<hbm>>
      %dma_start3A_31 = tpu.memref_slice %arg10[%mul3A_0] : memref<10240xf32, #tpu.memory_space<vmem_shared>> -> memref<640xf32, #tpu.memory_space<vmem_shared>>
      tpu.enqueue_dma source(%dma_start3A_31 : memref<640xf32, #tpu.memory_space<vmem_shared>>) target(%dma_start3A_30 : memref<640xf32, #tpu.memory_space<hbm>>) target_semaphore(%run_scoped3A_29 : memref<!tpu.dma_semaphore, #tpu.memory_space<semaphore_mem>>)
      %dma_wait3A = tpu.memref_slice %arg8[%arg0, %run_scoped3A, %mul3A_0] : memref<2x2x10240xf32, #tpu.memory_space<hbm>> -> memref<1x1x640xf32, #tpu.memory_space<hbm>>
      %dma_wait3A_32 = tpu.memref_squeeze %dma_wait3A : memref<1x1x640xf32, #tpu.memory_space<hbm>> -> memref<640xf32, #tpu.memory_space<hbm>>
      %dma_wait3A_33 = tpu.memref_slice %arg10[%mul3A_0] : memref<10240xf32, #tpu.memory_space<vmem_shared>> -> memref<640xf32, #tpu.memory_space<vmem_shared>>
      tpu.wait_dma2 semaphore(%run_scoped3A_29 : memref<!tpu.dma_semaphore, #tpu.memory_space<semaphore_mem>>) src(%dma_wait3A_33 : memref<640xf32, #tpu.memory_space<vmem_shared>>) dst(%dma_wait3A_32 : memref<640xf32, #tpu.memory_space<hbm>>)
      tpu.yield
    }) : () -> ()
    %run_scoped3A_28 = arith.constant 1 : i32
    "tpu.region"() ({
      %run_scoped3A_29 = tpu.sem_alloc : memref<!tpu.dma_semaphore, #tpu.memory_space<semaphore_mem>>
      %dma_start3A = tpu.memref_slice %arg8[%arg0, %run_scoped3A_28, %mul3A_0] : memref<2x2x10240xf32, #tpu.memory_space<hbm>> -> memref<1x1x640xf32, #tpu.memory_space<hbm>>
      %dma_start3A_30 = tpu.memref_squeeze %dma_start3A : memref<1x1x640xf32, #tpu.memory_space<hbm>> -> memref<640xf32, #tpu.memory_space<hbm>>
      %dma_start3A_31 = tpu.memref_slice %arg11[%mul3A_0] : memref<10240xf32, #tpu.memory_space<vmem_shared>> -> memref<640xf32, #tpu.memory_space<vmem_shared>>
      tpu.enqueue_dma source(%dma_start3A_31 : memref<640xf32, #tpu.memory_space<vmem_shared>>) target(%dma_start3A_30 : memref<640xf32, #tpu.memory_space<hbm>>) target_semaphore(%run_scoped3A_29 : memref<!tpu.dma_semaphore, #tpu.memory_space<semaphore_mem>>)
      %dma_wait3A = tpu.memref_slice %arg8[%arg0, %run_scoped3A_28, %mul3A_0] : memref<2x2x10240xf32, #tpu.memory_space<hbm>> -> memref<1x1x640xf32, #tpu.memory_space<hbm>>
      %dma_wait3A_32 = tpu.memref_squeeze %dma_wait3A : memref<1x1x640xf32, #tpu.memory_space<hbm>> -> memref<640xf32, #tpu.memory_space<hbm>>
      %dma_wait3A_33 = tpu.memref_slice %arg11[%mul3A_0] : memref<10240xf32, #tpu.memory_space<vmem_shared>> -> memref<640xf32, #tpu.memory_space<vmem_shared>>
      tpu.wait_dma2 semaphore(%run_scoped3A_29 : memref<!tpu.dma_semaphore, #tpu.memory_space<semaphore_mem>>) src(%dma_wait3A_33 : memref<640xf32, #tpu.memory_space<vmem_shared>>) dst(%dma_wait3A_32 : memref<640xf32, #tpu.memory_space<hbm>>)
      tpu.yield
    }) : () -> ()
    return
  }
}

#map = affine_map<(d0, d1) -> (0, 0)>
#map1 = affine_map<(d0, d1) -> (0, 0, 0, 0)>
#map2 = affine_map<(d0, d1) -> (0, 0, 0)>
module attributes {stable_mosaic.version = 14 : i64} {
  func.func @sc_appnp(%arg0: i32, %arg1: i32, %arg2: memref<20480x128xf32, #tpu.memory_space<hbm>>, %arg3: memref<2x16x320x64xi32, #tpu.memory_space<hbm>>, %arg4: memref<2x16x320x64xi32, #tpu.memory_space<hbm>>, %arg5: memref<10240x128xf32, #tpu.memory_space<hbm>>, %arg6: memref<2x10240x128xf32, #tpu.memory_space<hbm>>, %arg7: memref<10240x128xf32, #tpu.memory_space<vmem_shared>>, %arg8: memref<32x64xi32, #tpu.memory_space<vmem>>, %arg9: memref<32x64xi32, #tpu.memory_space<vmem>>, %arg10: memref<64x128xf32, #tpu.memory_space<vmem>>, %arg11: memref<64x128xf32, #tpu.memory_space<vmem>>, %arg12: memref<64x128xf32, #tpu.memory_space<vmem>>, %arg13: memref<64x128xf32, #tpu.memory_space<vmem>>, %arg14: memref<!tpu.dma_semaphore, #tpu.memory_space<semaphore_mem>>, %arg15: memref<!tpu.dma_semaphore, #tpu.memory_space<semaphore_mem>>, %arg16: memref<!tpu.dma_semaphore, #tpu.memory_space<semaphore_mem>>, %arg17: memref<!tpu.dma_semaphore, #tpu.memory_space<semaphore_mem>>) attributes {dimension_semantics = [#tpu.dimension_semantics<core_parallel>, #tpu.dimension_semantics<subcore_parallel>], iteration_bounds = array<i64: 2, 16>, scalar_prefetch = 0 : i64, scratch_operands = 11 : i64, tpu.core_type = #tpu.core_type<sc_vector_subcore>, window_params = [{transform_indices = #map}, {transform_indices = #map1}, {transform_indices = #map1}, {transform_indices = #map}, {transform_indices = #map2}]} {
    %mul3A = arith.constant 640 : i32
    %mul3A_0 = arith.muli %arg1, %mul3A : i32
    "tpu.region"() ({
      %run_scoped3A = tpu.sem_alloc : memref<!tpu.dma_semaphore, #tpu.memory_space<semaphore_mem>>
      %dma_start3A = arith.constant 0 : i32
      %dma_start3A_6 = tpu.memref_slice %arg7[%mul3A_0, %dma_start3A] : memref<10240x128xf32, #tpu.memory_space<vmem_shared>> -> memref<640x128xf32, #tpu.memory_space<vmem_shared>>
      %dma_start3A_7 = arith.constant 0 : i32
      %dma_start3A_8 = tpu.memref_slice %arg5[%mul3A_0, %dma_start3A_7] : memref<10240x128xf32, #tpu.memory_space<hbm>> -> memref<640x128xf32, #tpu.memory_space<hbm>>
      tpu.enqueue_dma source(%dma_start3A_8 : memref<640x128xf32, #tpu.memory_space<hbm>>) target(%dma_start3A_6 : memref<640x128xf32, #tpu.memory_space<vmem_shared>>) target_semaphore(%run_scoped3A : memref<!tpu.dma_semaphore, #tpu.memory_space<semaphore_mem>>)
      %dma_wait3A = arith.constant 0 : i32
      %dma_wait3A_9 = tpu.memref_slice %arg7[%mul3A_0, %dma_wait3A] : memref<10240x128xf32, #tpu.memory_space<vmem_shared>> -> memref<640x128xf32, #tpu.memory_space<vmem_shared>>
      %dma_wait3A_10 = arith.constant 0 : i32
      %dma_wait3A_11 = tpu.memref_slice %arg5[%mul3A_0, %dma_wait3A_10] : memref<10240x128xf32, #tpu.memory_space<hbm>> -> memref<640x128xf32, #tpu.memory_space<hbm>>
      tpu.wait_dma2 semaphore(%run_scoped3A : memref<!tpu.dma_semaphore, #tpu.memory_space<semaphore_mem>>) src(%dma_wait3A_11 : memref<640x128xf32, #tpu.memory_space<hbm>>) dst(%dma_wait3A_9 : memref<640x128xf32, #tpu.memory_space<vmem_shared>>)
      tpu.yield
    }) : () -> ()
    %barrier3A = arith.constant 0 : index
    tpu.barrier barrier_id(%barrier3A)
    %scan3A = arith.constant 0 : i32
    %scan3A_1 = arith.constant 10 : i32
    %scan3A_2 = arith.addi %scan3A, %scan3A_1 : i32
    %scan3A_3 = arith.constant 1 : i32
    scf.for %scan3A_6 = %scan3A to %scan3A_2 step %scan3A_3  : i32 {
      %mul3A_7 = arith.constant 1 : i32
      %mul3A_8 = arith.muli %scan3A_6, %mul3A_7 : i32
      %add3A = arith.constant 0 : i32
      %add3A_9 = arith.addi %add3A, %mul3A_8 : i32
      %mul3A_10 = arith.constant 32 : i32
      %mul3A_11 = arith.muli %add3A_9, %mul3A_10 : i32
      "tpu.region"() ({
        %run_scoped3A_76 = tpu.sem_alloc : memref<!tpu.dma_semaphore, #tpu.memory_space<semaphore_mem>>
        %dma_start3A_77 = arith.constant 0 : i32
        %dma_start3A_78 = tpu.memref_slice %arg3[%arg0, %arg1, %mul3A_11, %dma_start3A_77] : memref<2x16x320x64xi32, #tpu.memory_space<hbm>> -> memref<1x1x32x64xi32, #tpu.memory_space<hbm>>
        %dma_start3A_79 = tpu.memref_squeeze %dma_start3A_78 : memref<1x1x32x64xi32, #tpu.memory_space<hbm>> -> memref<32x64xi32, #tpu.memory_space<hbm>>
        %dma_start3A_80 = arith.constant 0 : i32
        %dma_start3A_81 = tpu.memref_slice %arg3[%arg0, %arg1, %mul3A_11, %dma_start3A_80] : memref<2x16x320x64xi32, #tpu.memory_space<hbm>> -> memref<1x1x32x64xi32, #tpu.memory_space<hbm>>
        %dma_start3A_82 = tpu.memref_squeeze %dma_start3A_81 : memref<1x1x32x64xi32, #tpu.memory_space<hbm>> -> memref<32x64xi32, #tpu.memory_space<hbm>>
        tpu.enqueue_dma source(%dma_start3A_82 : memref<32x64xi32, #tpu.memory_space<hbm>>) target(%arg8 : memref<32x64xi32, #tpu.memory_space<vmem>>) target_semaphore(%run_scoped3A_76 : memref<!tpu.dma_semaphore, #tpu.memory_space<semaphore_mem>>)
        %dma_wait3A_83 = arith.constant 0 : i32
        %dma_wait3A_84 = tpu.memref_slice %arg3[%arg0, %arg1, %mul3A_11, %dma_wait3A_83] : memref<2x16x320x64xi32, #tpu.memory_space<hbm>> -> memref<1x1x32x64xi32, #tpu.memory_space<hbm>>
        %dma_wait3A_85 = tpu.memref_squeeze %dma_wait3A_84 : memref<1x1x32x64xi32, #tpu.memory_space<hbm>> -> memref<32x64xi32, #tpu.memory_space<hbm>>
        %dma_wait3A_86 = arith.constant 0 : i32
        %dma_wait3A_87 = tpu.memref_slice %arg3[%arg0, %arg1, %mul3A_11, %dma_wait3A_86] : memref<2x16x320x64xi32, #tpu.memory_space<hbm>> -> memref<1x1x32x64xi32, #tpu.memory_space<hbm>>
        %dma_wait3A_88 = tpu.memref_squeeze %dma_wait3A_87 : memref<1x1x32x64xi32, #tpu.memory_space<hbm>> -> memref<32x64xi32, #tpu.memory_space<hbm>>
        tpu.wait_dma2 semaphore(%run_scoped3A_76 : memref<!tpu.dma_semaphore, #tpu.memory_space<semaphore_mem>>) src(%dma_wait3A_88 : memref<32x64xi32, #tpu.memory_space<hbm>>) dst(%arg8 : memref<32x64xi32, #tpu.memory_space<vmem>>)
        tpu.yield
      }) : () -> ()
      %mul3A_12 = arith.constant 32 : i32
      %mul3A_13 = arith.muli %add3A_9, %mul3A_12 : i32
      "tpu.region"() ({
        %run_scoped3A_76 = tpu.sem_alloc : memref<!tpu.dma_semaphore, #tpu.memory_space<semaphore_mem>>
        %dma_start3A_77 = arith.constant 0 : i32
        %dma_start3A_78 = tpu.memref_slice %arg4[%arg0, %arg1, %mul3A_13, %dma_start3A_77] : memref<2x16x320x64xi32, #tpu.memory_space<hbm>> -> memref<1x1x32x64xi32, #tpu.memory_space<hbm>>
        %dma_start3A_79 = tpu.memref_squeeze %dma_start3A_78 : memref<1x1x32x64xi32, #tpu.memory_space<hbm>> -> memref<32x64xi32, #tpu.memory_space<hbm>>
        %dma_start3A_80 = arith.constant 0 : i32
        %dma_start3A_81 = tpu.memref_slice %arg4[%arg0, %arg1, %mul3A_13, %dma_start3A_80] : memref<2x16x320x64xi32, #tpu.memory_space<hbm>> -> memref<1x1x32x64xi32, #tpu.memory_space<hbm>>
        %dma_start3A_82 = tpu.memref_squeeze %dma_start3A_81 : memref<1x1x32x64xi32, #tpu.memory_space<hbm>> -> memref<32x64xi32, #tpu.memory_space<hbm>>
        tpu.enqueue_dma source(%dma_start3A_82 : memref<32x64xi32, #tpu.memory_space<hbm>>) target(%arg9 : memref<32x64xi32, #tpu.memory_space<vmem>>) target_semaphore(%run_scoped3A_76 : memref<!tpu.dma_semaphore, #tpu.memory_space<semaphore_mem>>)
        %dma_wait3A_83 = arith.constant 0 : i32
        %dma_wait3A_84 = tpu.memref_slice %arg4[%arg0, %arg1, %mul3A_13, %dma_wait3A_83] : memref<2x16x320x64xi32, #tpu.memory_space<hbm>> -> memref<1x1x32x64xi32, #tpu.memory_space<hbm>>
        %dma_wait3A_85 = tpu.memref_squeeze %dma_wait3A_84 : memref<1x1x32x64xi32, #tpu.memory_space<hbm>> -> memref<32x64xi32, #tpu.memory_space<hbm>>
        %dma_wait3A_86 = arith.constant 0 : i32
        %dma_wait3A_87 = tpu.memref_slice %arg4[%arg0, %arg1, %mul3A_13, %dma_wait3A_86] : memref<2x16x320x64xi32, #tpu.memory_space<hbm>> -> memref<1x1x32x64xi32, #tpu.memory_space<hbm>>
        %dma_wait3A_88 = tpu.memref_squeeze %dma_wait3A_87 : memref<1x1x32x64xi32, #tpu.memory_space<hbm>> -> memref<32x64xi32, #tpu.memory_space<hbm>>
        tpu.wait_dma2 semaphore(%run_scoped3A_76 : memref<!tpu.dma_semaphore, #tpu.memory_space<semaphore_mem>>) src(%dma_wait3A_88 : memref<32x64xi32, #tpu.memory_space<hbm>>) dst(%arg9 : memref<32x64xi32, #tpu.memory_space<vmem>>)
        tpu.yield
      }) : () -> ()
      %dma_start3A = arith.constant 0 : i32
      %dma_start3A_14 = arith.constant 0 : i32
      %dma_start3A_15 = tpu.memref_slice %arg8[%dma_start3A, %dma_start3A_14] : memref<32x64xi32, #tpu.memory_space<vmem>> -> memref<1x64xi32, #tpu.memory_space<vmem>>
      %dma_start3A_16 = tpu.memref_squeeze %dma_start3A_15 : memref<1x64xi32, #tpu.memory_space<vmem>> -> memref<64xi32, #tpu.memory_space<vmem>>
      %dma_start3A_17 = arith.constant 0 : i32
      %dma_start3A_18 = arith.constant 0 : i32
      %dma_start3A_19 = tpu.memref_slice %arg2[%dma_start3A_17, %dma_start3A_18] : memref<20480x128xf32, #tpu.memory_space<hbm>> -> memref<20480x128xf32, #tpu.memory_space<hbm>>
      tpu.enqueue_indirect_dma source(%dma_start3A_19 : memref<20480x128xf32, #tpu.memory_space<hbm>>) target(%arg10 : memref<64x128xf32, #tpu.memory_space<vmem>>) offsets(%dma_start3A_16 : memref<64xi32, #tpu.memory_space<vmem>>) semaphore(%arg14 : memref<!tpu.dma_semaphore, #tpu.memory_space<semaphore_mem>>)
      %dma_start3A_20 = arith.constant 1 : i32
      %dma_start3A_21 = arith.constant 0 : i32
      %dma_start3A_22 = tpu.memref_slice %arg8[%dma_start3A_20, %dma_start3A_21] : memref<32x64xi32, #tpu.memory_space<vmem>> -> memref<1x64xi32, #tpu.memory_space<vmem>>
      %dma_start3A_23 = tpu.memref_squeeze %dma_start3A_22 : memref<1x64xi32, #tpu.memory_space<vmem>> -> memref<64xi32, #tpu.memory_space<vmem>>
      %dma_start3A_24 = arith.constant 0 : i32
      %dma_start3A_25 = arith.constant 0 : i32
      %dma_start3A_26 = tpu.memref_slice %arg2[%dma_start3A_24, %dma_start3A_25] : memref<20480x128xf32, #tpu.memory_space<hbm>> -> memref<20480x128xf32, #tpu.memory_space<hbm>>
      tpu.enqueue_indirect_dma source(%dma_start3A_26 : memref<20480x128xf32, #tpu.memory_space<hbm>>) target(%arg11 : memref<64x128xf32, #tpu.memory_space<vmem>>) offsets(%dma_start3A_23 : memref<64xi32, #tpu.memory_space<vmem>>) semaphore(%arg15 : memref<!tpu.dma_semaphore, #tpu.memory_space<semaphore_mem>>)
      %dma_start3A_27 = arith.constant 2 : i32
      %dma_start3A_28 = arith.constant 0 : i32
      %dma_start3A_29 = tpu.memref_slice %arg8[%dma_start3A_27, %dma_start3A_28] : memref<32x64xi32, #tpu.memory_space<vmem>> -> memref<1x64xi32, #tpu.memory_space<vmem>>
      %dma_start3A_30 = tpu.memref_squeeze %dma_start3A_29 : memref<1x64xi32, #tpu.memory_space<vmem>> -> memref<64xi32, #tpu.memory_space<vmem>>
      %dma_start3A_31 = arith.constant 0 : i32
      %dma_start3A_32 = arith.constant 0 : i32
      %dma_start3A_33 = tpu.memref_slice %arg2[%dma_start3A_31, %dma_start3A_32] : memref<20480x128xf32, #tpu.memory_space<hbm>> -> memref<20480x128xf32, #tpu.memory_space<hbm>>
      tpu.enqueue_indirect_dma source(%dma_start3A_33 : memref<20480x128xf32, #tpu.memory_space<hbm>>) target(%arg12 : memref<64x128xf32, #tpu.memory_space<vmem>>) offsets(%dma_start3A_30 : memref<64xi32, #tpu.memory_space<vmem>>) semaphore(%arg16 : memref<!tpu.dma_semaphore, #tpu.memory_space<semaphore_mem>>)
      %dma_start3A_34 = arith.constant 3 : i32
      %dma_start3A_35 = arith.constant 0 : i32
      %dma_start3A_36 = tpu.memref_slice %arg8[%dma_start3A_34, %dma_start3A_35] : memref<32x64xi32, #tpu.memory_space<vmem>> -> memref<1x64xi32, #tpu.memory_space<vmem>>
      %dma_start3A_37 = tpu.memref_squeeze %dma_start3A_36 : memref<1x64xi32, #tpu.memory_space<vmem>> -> memref<64xi32, #tpu.memory_space<vmem>>
      %dma_start3A_38 = arith.constant 0 : i32
      %dma_start3A_39 = arith.constant 0 : i32
      %dma_start3A_40 = tpu.memref_slice %arg2[%dma_start3A_38, %dma_start3A_39] : memref<20480x128xf32, #tpu.memory_space<hbm>> -> memref<20480x128xf32, #tpu.memory_space<hbm>>
      tpu.enqueue_indirect_dma source(%dma_start3A_40 : memref<20480x128xf32, #tpu.memory_space<hbm>>) target(%arg13 : memref<64x128xf32, #tpu.memory_space<vmem>>) offsets(%dma_start3A_37 : memref<64xi32, #tpu.memory_space<vmem>>) semaphore(%arg17 : memref<!tpu.dma_semaphore, #tpu.memory_space<semaphore_mem>>)
      %scan3A_41 = arith.constant 0 : i32
      %scan3A_42 = arith.constant 7 : i32
      %scan3A_43 = arith.addi %scan3A_41, %scan3A_42 : i32
      %scan3A_44 = arith.constant 1 : i32
      scf.for %scan3A_76 = %scan3A_41 to %scan3A_43 step %scan3A_44  : i32 {
        %mul3A_77 = arith.constant 4 : i32
        %mul3A_78 = arith.muli %scan3A_76, %mul3A_77 : i32
        %add3A_79 = arith.constant 0 : i32
        %add3A_80 = arith.addi %add3A_79, %mul3A_78 : i32
        %add3A_81 = arith.constant 0 : i32
        %add3A_82 = arith.addi %add3A_80, %add3A_81 : i32
        %dma_wait3A_83 = arith.constant 0 : i32
        %dma_wait3A_84 = tpu.memref_slice %arg8[%add3A_82, %dma_wait3A_83] : memref<32x64xi32, #tpu.memory_space<vmem>> -> memref<1x64xi32, #tpu.memory_space<vmem>>
        %dma_wait3A_85 = tpu.memref_squeeze %dma_wait3A_84 : memref<1x64xi32, #tpu.memory_space<vmem>> -> memref<64xi32, #tpu.memory_space<vmem>>
        %dma_wait3A_86 = arith.constant 0 : i32
        %dma_wait3A_87 = arith.constant 0 : i32
        %dma_wait3A_88 = tpu.memref_slice %arg2[%dma_wait3A_86, %dma_wait3A_87] : memref<20480x128xf32, #tpu.memory_space<hbm>> -> memref<20480x128xf32, #tpu.memory_space<hbm>>
        tpu.wait_indirect_dma semaphore(%arg14 : memref<!tpu.dma_semaphore, #tpu.memory_space<semaphore_mem>>) src(%dma_wait3A_88 : memref<20480x128xf32, #tpu.memory_space<hbm>>) dst(%arg10 : memref<64x128xf32, #tpu.memory_space<vmem>>)
        %add3A_89 = arith.constant 0 : i32
        %add3A_90 = arith.addi %add3A_80, %add3A_89 : i32
        "tpu.region"() ({
          %run_scoped3A_161 = tpu.sem_alloc : memref<!tpu.dma_semaphore, #tpu.memory_space<semaphore_mem>>
          %dma_start3A_162 = arith.constant 0 : i32
          %dma_start3A_163 = tpu.memref_slice %arg9[%add3A_90, %dma_start3A_162] : memref<32x64xi32, #tpu.memory_space<vmem>> -> memref<1x64xi32, #tpu.memory_space<vmem>>
          %dma_start3A_164 = tpu.memref_squeeze %dma_start3A_163 : memref<1x64xi32, #tpu.memory_space<vmem>> -> memref<64xi32, #tpu.memory_space<vmem>>
          %dma_start3A_165 = arith.constant 0 : i32
          %dma_start3A_166 = arith.constant 0 : i32
          %dma_start3A_167 = tpu.memref_slice %arg7[%dma_start3A_165, %dma_start3A_166] : memref<10240x128xf32, #tpu.memory_space<vmem_shared>> -> memref<10240x128xf32, #tpu.memory_space<vmem_shared>>
          tpu.enqueue_indirect_dma source(%arg10 : memref<64x128xf32, #tpu.memory_space<vmem>>) target(%dma_start3A_167 : memref<10240x128xf32, #tpu.memory_space<vmem_shared>>) offsets(%dma_start3A_164 : memref<64xi32, #tpu.memory_space<vmem>>) semaphore(%run_scoped3A_161 : memref<!tpu.dma_semaphore, #tpu.memory_space<semaphore_mem>>) {add = true}
          %dma_wait3A_168 = arith.constant 0 : i32
          %dma_wait3A_169 = tpu.memref_slice %arg9[%add3A_90, %dma_wait3A_168] : memref<32x64xi32, #tpu.memory_space<vmem>> -> memref<1x64xi32, #tpu.memory_space<vmem>>
          %dma_wait3A_170 = tpu.memref_squeeze %dma_wait3A_169 : memref<1x64xi32, #tpu.memory_space<vmem>> -> memref<64xi32, #tpu.memory_space<vmem>>
          %dma_wait3A_171 = arith.constant 0 : i32
          %dma_wait3A_172 = arith.constant 0 : i32
          %dma_wait3A_173 = tpu.memref_slice %arg7[%dma_wait3A_171, %dma_wait3A_172] : memref<10240x128xf32, #tpu.memory_space<vmem_shared>> -> memref<10240x128xf32, #tpu.memory_space<vmem_shared>>
          tpu.wait_indirect_dma semaphore(%run_scoped3A_161 : memref<!tpu.dma_semaphore, #tpu.memory_space<semaphore_mem>>) src(%arg10 : memref<64x128xf32, #tpu.memory_space<vmem>>) dst(%dma_wait3A_173 : memref<10240x128xf32, #tpu.memory_space<vmem_shared>>)
          tpu.yield
        }) : () -> ()
        %add3A_91 = arith.constant 0 : i32
        %add3A_92 = arith.addi %add3A_80, %add3A_91 : i32
        %add3A_93 = arith.constant 4 : i32
        %add3A_94 = arith.addi %add3A_92, %add3A_93 : i32
        %dma_start3A_95 = arith.constant 0 : i32
        %dma_start3A_96 = tpu.memref_slice %arg8[%add3A_94, %dma_start3A_95] : memref<32x64xi32, #tpu.memory_space<vmem>> -> memref<1x64xi32, #tpu.memory_space<vmem>>
        %dma_start3A_97 = tpu.memref_squeeze %dma_start3A_96 : memref<1x64xi32, #tpu.memory_space<vmem>> -> memref<64xi32, #tpu.memory_space<vmem>>
        %dma_start3A_98 = arith.constant 0 : i32
        %dma_start3A_99 = arith.constant 0 : i32
        %dma_start3A_100 = tpu.memref_slice %arg2[%dma_start3A_98, %dma_start3A_99] : memref<20480x128xf32, #tpu.memory_space<hbm>> -> memref<20480x128xf32, #tpu.memory_space<hbm>>
        tpu.enqueue_indirect_dma source(%dma_start3A_100 : memref<20480x128xf32, #tpu.memory_space<hbm>>) target(%arg10 : memref<64x128xf32, #tpu.memory_space<vmem>>) offsets(%dma_start3A_97 : memref<64xi32, #tpu.memory_space<vmem>>) semaphore(%arg14 : memref<!tpu.dma_semaphore, #tpu.memory_space<semaphore_mem>>)
        %add3A_101 = arith.constant 1 : i32
        %add3A_102 = arith.addi %add3A_80, %add3A_101 : i32
        %dma_wait3A_103 = arith.constant 0 : i32
        %dma_wait3A_104 = tpu.memref_slice %arg8[%add3A_102, %dma_wait3A_103] : memref<32x64xi32, #tpu.memory_space<vmem>> -> memref<1x64xi32, #tpu.memory_space<vmem>>
        %dma_wait3A_105 = tpu.memref_squeeze %dma_wait3A_104 : memref<1x64xi32, #tpu.memory_space<vmem>> -> memref<64xi32, #tpu.memory_space<vmem>>
        %dma_wait3A_106 = arith.constant 0 : i32
        %dma_wait3A_107 = arith.constant 0 : i32
        %dma_wait3A_108 = tpu.memref_slice %arg2[%dma_wait3A_106, %dma_wait3A_107] : memref<20480x128xf32, #tpu.memory_space<hbm>> -> memref<20480x128xf32, #tpu.memory_space<hbm>>
        tpu.wait_indirect_dma semaphore(%arg15 : memref<!tpu.dma_semaphore, #tpu.memory_space<semaphore_mem>>) src(%dma_wait3A_108 : memref<20480x128xf32, #tpu.memory_space<hbm>>) dst(%arg11 : memref<64x128xf32, #tpu.memory_space<vmem>>)
        %add3A_109 = arith.constant 1 : i32
        %add3A_110 = arith.addi %add3A_80, %add3A_109 : i32
        "tpu.region"() ({
          %run_scoped3A_161 = tpu.sem_alloc : memref<!tpu.dma_semaphore, #tpu.memory_space<semaphore_mem>>
          %dma_start3A_162 = arith.constant 0 : i32
          %dma_start3A_163 = tpu.memref_slice %arg9[%add3A_110, %dma_start3A_162] : memref<32x64xi32, #tpu.memory_space<vmem>> -> memref<1x64xi32, #tpu.memory_space<vmem>>
          %dma_start3A_164 = tpu.memref_squeeze %dma_start3A_163 : memref<1x64xi32, #tpu.memory_space<vmem>> -> memref<64xi32, #tpu.memory_space<vmem>>
          %dma_start3A_165 = arith.constant 0 : i32
          %dma_start3A_166 = arith.constant 0 : i32
          %dma_start3A_167 = tpu.memref_slice %arg7[%dma_start3A_165, %dma_start3A_166] : memref<10240x128xf32, #tpu.memory_space<vmem_shared>> -> memref<10240x128xf32, #tpu.memory_space<vmem_shared>>
          tpu.enqueue_indirect_dma source(%arg11 : memref<64x128xf32, #tpu.memory_space<vmem>>) target(%dma_start3A_167 : memref<10240x128xf32, #tpu.memory_space<vmem_shared>>) offsets(%dma_start3A_164 : memref<64xi32, #tpu.memory_space<vmem>>) semaphore(%run_scoped3A_161 : memref<!tpu.dma_semaphore, #tpu.memory_space<semaphore_mem>>) {add = true}
          %dma_wait3A_168 = arith.constant 0 : i32
          %dma_wait3A_169 = tpu.memref_slice %arg9[%add3A_110, %dma_wait3A_168] : memref<32x64xi32, #tpu.memory_space<vmem>> -> memref<1x64xi32, #tpu.memory_space<vmem>>
          %dma_wait3A_170 = tpu.memref_squeeze %dma_wait3A_169 : memref<1x64xi32, #tpu.memory_space<vmem>> -> memref<64xi32, #tpu.memory_space<vmem>>
          %dma_wait3A_171 = arith.constant 0 : i32
          %dma_wait3A_172 = arith.constant 0 : i32
          %dma_wait3A_173 = tpu.memref_slice %arg7[%dma_wait3A_171, %dma_wait3A_172] : memref<10240x128xf32, #tpu.memory_space<vmem_shared>> -> memref<10240x128xf32, #tpu.memory_space<vmem_shared>>
          tpu.wait_indirect_dma semaphore(%run_scoped3A_161 : memref<!tpu.dma_semaphore, #tpu.memory_space<semaphore_mem>>) src(%arg11 : memref<64x128xf32, #tpu.memory_space<vmem>>) dst(%dma_wait3A_173 : memref<10240x128xf32, #tpu.memory_space<vmem_shared>>)
          tpu.yield
        }) : () -> ()
        %add3A_111 = arith.constant 1 : i32
        %add3A_112 = arith.addi %add3A_80, %add3A_111 : i32
        %add3A_113 = arith.constant 4 : i32
        %add3A_114 = arith.addi %add3A_112, %add3A_113 : i32
        %dma_start3A_115 = arith.constant 0 : i32
        %dma_start3A_116 = tpu.memref_slice %arg8[%add3A_114, %dma_start3A_115] : memref<32x64xi32, #tpu.memory_space<vmem>> -> memref<1x64xi32, #tpu.memory_space<vmem>>
        %dma_start3A_117 = tpu.memref_squeeze %dma_start3A_116 : memref<1x64xi32, #tpu.memory_space<vmem>> -> memref<64xi32, #tpu.memory_space<vmem>>
        %dma_start3A_118 = arith.constant 0 : i32
        %dma_start3A_119 = arith.constant 0 : i32
        %dma_start3A_120 = tpu.memref_slice %arg2[%dma_start3A_118, %dma_start3A_119] : memref<20480x128xf32, #tpu.memory_space<hbm>> -> memref<20480x128xf32, #tpu.memory_space<hbm>>
        tpu.enqueue_indirect_dma source(%dma_start3A_120 : memref<20480x128xf32, #tpu.memory_space<hbm>>) target(%arg11 : memref<64x128xf32, #tpu.memory_space<vmem>>) offsets(%dma_start3A_117 : memref<64xi32, #tpu.memory_space<vmem>>) semaphore(%arg15 : memref<!tpu.dma_semaphore, #tpu.memory_space<semaphore_mem>>)
        %add3A_121 = arith.constant 2 : i32
        %add3A_122 = arith.addi %add3A_80, %add3A_121 : i32
        %dma_wait3A_123 = arith.constant 0 : i32
        %dma_wait3A_124 = tpu.memref_slice %arg8[%add3A_122, %dma_wait3A_123] : memref<32x64xi32, #tpu.memory_space<vmem>> -> memref<1x64xi32, #tpu.memory_space<vmem>>
        %dma_wait3A_125 = tpu.memref_squeeze %dma_wait3A_124 : memref<1x64xi32, #tpu.memory_space<vmem>> -> memref<64xi32, #tpu.memory_space<vmem>>
        %dma_wait3A_126 = arith.constant 0 : i32
        %dma_wait3A_127 = arith.constant 0 : i32
        %dma_wait3A_128 = tpu.memref_slice %arg2[%dma_wait3A_126, %dma_wait3A_127] : memref<20480x128xf32, #tpu.memory_space<hbm>> -> memref<20480x128xf32, #tpu.memory_space<hbm>>
        tpu.wait_indirect_dma semaphore(%arg16 : memref<!tpu.dma_semaphore, #tpu.memory_space<semaphore_mem>>) src(%dma_wait3A_128 : memref<20480x128xf32, #tpu.memory_space<hbm>>) dst(%arg12 : memref<64x128xf32, #tpu.memory_space<vmem>>)
        %add3A_129 = arith.constant 2 : i32
        %add3A_130 = arith.addi %add3A_80, %add3A_129 : i32
        "tpu.region"() ({
          %run_scoped3A_161 = tpu.sem_alloc : memref<!tpu.dma_semaphore, #tpu.memory_space<semaphore_mem>>
          %dma_start3A_162 = arith.constant 0 : i32
          %dma_start3A_163 = tpu.memref_slice %arg9[%add3A_130, %dma_start3A_162] : memref<32x64xi32, #tpu.memory_space<vmem>> -> memref<1x64xi32, #tpu.memory_space<vmem>>
          %dma_start3A_164 = tpu.memref_squeeze %dma_start3A_163 : memref<1x64xi32, #tpu.memory_space<vmem>> -> memref<64xi32, #tpu.memory_space<vmem>>
          %dma_start3A_165 = arith.constant 0 : i32
          %dma_start3A_166 = arith.constant 0 : i32
          %dma_start3A_167 = tpu.memref_slice %arg7[%dma_start3A_165, %dma_start3A_166] : memref<10240x128xf32, #tpu.memory_space<vmem_shared>> -> memref<10240x128xf32, #tpu.memory_space<vmem_shared>>
          tpu.enqueue_indirect_dma source(%arg12 : memref<64x128xf32, #tpu.memory_space<vmem>>) target(%dma_start3A_167 : memref<10240x128xf32, #tpu.memory_space<vmem_shared>>) offsets(%dma_start3A_164 : memref<64xi32, #tpu.memory_space<vmem>>) semaphore(%run_scoped3A_161 : memref<!tpu.dma_semaphore, #tpu.memory_space<semaphore_mem>>) {add = true}
          %dma_wait3A_168 = arith.constant 0 : i32
          %dma_wait3A_169 = tpu.memref_slice %arg9[%add3A_130, %dma_wait3A_168] : memref<32x64xi32, #tpu.memory_space<vmem>> -> memref<1x64xi32, #tpu.memory_space<vmem>>
          %dma_wait3A_170 = tpu.memref_squeeze %dma_wait3A_169 : memref<1x64xi32, #tpu.memory_space<vmem>> -> memref<64xi32, #tpu.memory_space<vmem>>
          %dma_wait3A_171 = arith.constant 0 : i32
          %dma_wait3A_172 = arith.constant 0 : i32
          %dma_wait3A_173 = tpu.memref_slice %arg7[%dma_wait3A_171, %dma_wait3A_172] : memref<10240x128xf32, #tpu.memory_space<vmem_shared>> -> memref<10240x128xf32, #tpu.memory_space<vmem_shared>>
          tpu.wait_indirect_dma semaphore(%run_scoped3A_161 : memref<!tpu.dma_semaphore, #tpu.memory_space<semaphore_mem>>) src(%arg12 : memref<64x128xf32, #tpu.memory_space<vmem>>) dst(%dma_wait3A_173 : memref<10240x128xf32, #tpu.memory_space<vmem_shared>>)
          tpu.yield
        }) : () -> ()
        %add3A_131 = arith.constant 2 : i32
        %add3A_132 = arith.addi %add3A_80, %add3A_131 : i32
        %add3A_133 = arith.constant 4 : i32
        %add3A_134 = arith.addi %add3A_132, %add3A_133 : i32
        %dma_start3A_135 = arith.constant 0 : i32
        %dma_start3A_136 = tpu.memref_slice %arg8[%add3A_134, %dma_start3A_135] : memref<32x64xi32, #tpu.memory_space<vmem>> -> memref<1x64xi32, #tpu.memory_space<vmem>>
        %dma_start3A_137 = tpu.memref_squeeze %dma_start3A_136 : memref<1x64xi32, #tpu.memory_space<vmem>> -> memref<64xi32, #tpu.memory_space<vmem>>
        %dma_start3A_138 = arith.constant 0 : i32
        %dma_start3A_139 = arith.constant 0 : i32
        %dma_start3A_140 = tpu.memref_slice %arg2[%dma_start3A_138, %dma_start3A_139] : memref<20480x128xf32, #tpu.memory_space<hbm>> -> memref<20480x128xf32, #tpu.memory_space<hbm>>
        tpu.enqueue_indirect_dma source(%dma_start3A_140 : memref<20480x128xf32, #tpu.memory_space<hbm>>) target(%arg12 : memref<64x128xf32, #tpu.memory_space<vmem>>) offsets(%dma_start3A_137 : memref<64xi32, #tpu.memory_space<vmem>>) semaphore(%arg16 : memref<!tpu.dma_semaphore, #tpu.memory_space<semaphore_mem>>)
        %add3A_141 = arith.constant 3 : i32
        %add3A_142 = arith.addi %add3A_80, %add3A_141 : i32
        %dma_wait3A_143 = arith.constant 0 : i32
        %dma_wait3A_144 = tpu.memref_slice %arg8[%add3A_142, %dma_wait3A_143] : memref<32x64xi32, #tpu.memory_space<vmem>> -> memref<1x64xi32, #tpu.memory_space<vmem>>
        %dma_wait3A_145 = tpu.memref_squeeze %dma_wait3A_144 : memref<1x64xi32, #tpu.memory_space<vmem>> -> memref<64xi32, #tpu.memory_space<vmem>>
        %dma_wait3A_146 = arith.constant 0 : i32
        %dma_wait3A_147 = arith.constant 0 : i32
        %dma_wait3A_148 = tpu.memref_slice %arg2[%dma_wait3A_146, %dma_wait3A_147] : memref<20480x128xf32, #tpu.memory_space<hbm>> -> memref<20480x128xf32, #tpu.memory_space<hbm>>
        tpu.wait_indirect_dma semaphore(%arg17 : memref<!tpu.dma_semaphore, #tpu.memory_space<semaphore_mem>>) src(%dma_wait3A_148 : memref<20480x128xf32, #tpu.memory_space<hbm>>) dst(%arg13 : memref<64x128xf32, #tpu.memory_space<vmem>>)
        %add3A_149 = arith.constant 3 : i32
        %add3A_150 = arith.addi %add3A_80, %add3A_149 : i32
        "tpu.region"() ({
          %run_scoped3A_161 = tpu.sem_alloc : memref<!tpu.dma_semaphore, #tpu.memory_space<semaphore_mem>>
          %dma_start3A_162 = arith.constant 0 : i32
          %dma_start3A_163 = tpu.memref_slice %arg9[%add3A_150, %dma_start3A_162] : memref<32x64xi32, #tpu.memory_space<vmem>> -> memref<1x64xi32, #tpu.memory_space<vmem>>
          %dma_start3A_164 = tpu.memref_squeeze %dma_start3A_163 : memref<1x64xi32, #tpu.memory_space<vmem>> -> memref<64xi32, #tpu.memory_space<vmem>>
          %dma_start3A_165 = arith.constant 0 : i32
          %dma_start3A_166 = arith.constant 0 : i32
          %dma_start3A_167 = tpu.memref_slice %arg7[%dma_start3A_165, %dma_start3A_166] : memref<10240x128xf32, #tpu.memory_space<vmem_shared>> -> memref<10240x128xf32, #tpu.memory_space<vmem_shared>>
          tpu.enqueue_indirect_dma source(%arg13 : memref<64x128xf32, #tpu.memory_space<vmem>>) target(%dma_start3A_167 : memref<10240x128xf32, #tpu.memory_space<vmem_shared>>) offsets(%dma_start3A_164 : memref<64xi32, #tpu.memory_space<vmem>>) semaphore(%run_scoped3A_161 : memref<!tpu.dma_semaphore, #tpu.memory_space<semaphore_mem>>) {add = true}
          %dma_wait3A_168 = arith.constant 0 : i32
          %dma_wait3A_169 = tpu.memref_slice %arg9[%add3A_150, %dma_wait3A_168] : memref<32x64xi32, #tpu.memory_space<vmem>> -> memref<1x64xi32, #tpu.memory_space<vmem>>
          %dma_wait3A_170 = tpu.memref_squeeze %dma_wait3A_169 : memref<1x64xi32, #tpu.memory_space<vmem>> -> memref<64xi32, #tpu.memory_space<vmem>>
          %dma_wait3A_171 = arith.constant 0 : i32
          %dma_wait3A_172 = arith.constant 0 : i32
          %dma_wait3A_173 = tpu.memref_slice %arg7[%dma_wait3A_171, %dma_wait3A_172] : memref<10240x128xf32, #tpu.memory_space<vmem_shared>> -> memref<10240x128xf32, #tpu.memory_space<vmem_shared>>
          tpu.wait_indirect_dma semaphore(%run_scoped3A_161 : memref<!tpu.dma_semaphore, #tpu.memory_space<semaphore_mem>>) src(%arg13 : memref<64x128xf32, #tpu.memory_space<vmem>>) dst(%dma_wait3A_173 : memref<10240x128xf32, #tpu.memory_space<vmem_shared>>)
          tpu.yield
        }) : () -> ()
        %add3A_151 = arith.constant 3 : i32
        %add3A_152 = arith.addi %add3A_80, %add3A_151 : i32
        %add3A_153 = arith.constant 4 : i32
        %add3A_154 = arith.addi %add3A_152, %add3A_153 : i32
        %dma_start3A_155 = arith.constant 0 : i32
        %dma_start3A_156 = tpu.memref_slice %arg8[%add3A_154, %dma_start3A_155] : memref<32x64xi32, #tpu.memory_space<vmem>> -> memref<1x64xi32, #tpu.memory_space<vmem>>
        %dma_start3A_157 = tpu.memref_squeeze %dma_start3A_156 : memref<1x64xi32, #tpu.memory_space<vmem>> -> memref<64xi32, #tpu.memory_space<vmem>>
        %dma_start3A_158 = arith.constant 0 : i32
        %dma_start3A_159 = arith.constant 0 : i32
        %dma_start3A_160 = tpu.memref_slice %arg2[%dma_start3A_158, %dma_start3A_159] : memref<20480x128xf32, #tpu.memory_space<hbm>> -> memref<20480x128xf32, #tpu.memory_space<hbm>>
        tpu.enqueue_indirect_dma source(%dma_start3A_160 : memref<20480x128xf32, #tpu.memory_space<hbm>>) target(%arg13 : memref<64x128xf32, #tpu.memory_space<vmem>>) offsets(%dma_start3A_157 : memref<64xi32, #tpu.memory_space<vmem>>) semaphore(%arg17 : memref<!tpu.dma_semaphore, #tpu.memory_space<semaphore_mem>>)
      }
      %scan3A_45 = arith.constant 7 : i32
      %dma_wait3A = arith.constant 28 : i32
      %dma_wait3A_46 = arith.constant 0 : i32
      %dma_wait3A_47 = tpu.memref_slice %arg8[%dma_wait3A, %dma_wait3A_46] : memref<32x64xi32, #tpu.memory_space<vmem>> -> memref<1x64xi32, #tpu.memory_space<vmem>>
      %dma_wait3A_48 = tpu.memref_squeeze %dma_wait3A_47 : memref<1x64xi32, #tpu.memory_space<vmem>> -> memref<64xi32, #tpu.memory_space<vmem>>
      %dma_wait3A_49 = arith.constant 0 : i32
      %dma_wait3A_50 = arith.constant 0 : i32
      %dma_wait3A_51 = tpu.memref_slice %arg2[%dma_wait3A_49, %dma_wait3A_50] : memref<20480x128xf32, #tpu.memory_space<hbm>> -> memref<20480x128xf32, #tpu.memory_space<hbm>>
      tpu.wait_indirect_dma semaphore(%arg14 : memref<!tpu.dma_semaphore, #tpu.memory_space<semaphore_mem>>) src(%dma_wait3A_51 : memref<20480x128xf32, #tpu.memory_space<hbm>>) dst(%arg10 : memref<64x128xf32, #tpu.memory_space<vmem>>)
      %run_scoped3A = arith.constant 28 : i32
      "tpu.region"() ({
        %run_scoped3A_76 = tpu.sem_alloc : memref<!tpu.dma_semaphore, #tpu.memory_space<semaphore_mem>>
        %dma_start3A_77 = arith.constant 0 : i32
        %dma_start3A_78 = tpu.memref_slice %arg9[%run_scoped3A, %dma_start3A_77] : memref<32x64xi32, #tpu.memory_space<vmem>> -> memref<1x64xi32, #tpu.memory_space<vmem>>
        %dma_start3A_79 = tpu.memref_squeeze %dma_start3A_78 : memref<1x64xi32, #tpu.memory_space<vmem>> -> memref<64xi32, #tpu.memory_space<vmem>>
        %dma_start3A_80 = arith.constant 0 : i32
        %dma_start3A_81 = arith.constant 0 : i32
        %dma_start3A_82 = tpu.memref_slice %arg7[%dma_start3A_80, %dma_start3A_81] : memref<10240x128xf32, #tpu.memory_space<vmem_shared>> -> memref<10240x128xf32, #tpu.memory_space<vmem_shared>>
        tpu.enqueue_indirect_dma source(%arg10 : memref<64x128xf32, #tpu.memory_space<vmem>>) target(%dma_start3A_82 : memref<10240x128xf32, #tpu.memory_space<vmem_shared>>) offsets(%dma_start3A_79 : memref<64xi32, #tpu.memory_space<vmem>>) semaphore(%run_scoped3A_76 : memref<!tpu.dma_semaphore, #tpu.memory_space<semaphore_mem>>) {add = true}
        %dma_wait3A_83 = arith.constant 0 : i32
        %dma_wait3A_84 = tpu.memref_slice %arg9[%run_scoped3A, %dma_wait3A_83] : memref<32x64xi32, #tpu.memory_space<vmem>> -> memref<1x64xi32, #tpu.memory_space<vmem>>
        %dma_wait3A_85 = tpu.memref_squeeze %dma_wait3A_84 : memref<1x64xi32, #tpu.memory_space<vmem>> -> memref<64xi32, #tpu.memory_space<vmem>>
        %dma_wait3A_86 = arith.constant 0 : i32
        %dma_wait3A_87 = arith.constant 0 : i32
        %dma_wait3A_88 = tpu.memref_slice %arg7[%dma_wait3A_86, %dma_wait3A_87] : memref<10240x128xf32, #tpu.memory_space<vmem_shared>> -> memref<10240x128xf32, #tpu.memory_space<vmem_shared>>
        tpu.wait_indirect_dma semaphore(%run_scoped3A_76 : memref<!tpu.dma_semaphore, #tpu.memory_space<semaphore_mem>>) src(%arg10 : memref<64x128xf32, #tpu.memory_space<vmem>>) dst(%dma_wait3A_88 : memref<10240x128xf32, #tpu.memory_space<vmem_shared>>)
        tpu.yield
      }) : () -> ()
      %dma_wait3A_52 = arith.constant 29 : i32
      %dma_wait3A_53 = arith.constant 0 : i32
      %dma_wait3A_54 = tpu.memref_slice %arg8[%dma_wait3A_52, %dma_wait3A_53] : memref<32x64xi32, #tpu.memory_space<vmem>> -> memref<1x64xi32, #tpu.memory_space<vmem>>
      %dma_wait3A_55 = tpu.memref_squeeze %dma_wait3A_54 : memref<1x64xi32, #tpu.memory_space<vmem>> -> memref<64xi32, #tpu.memory_space<vmem>>
      %dma_wait3A_56 = arith.constant 0 : i32
      %dma_wait3A_57 = arith.constant 0 : i32
      %dma_wait3A_58 = tpu.memref_slice %arg2[%dma_wait3A_56, %dma_wait3A_57] : memref<20480x128xf32, #tpu.memory_space<hbm>> -> memref<20480x128xf32, #tpu.memory_space<hbm>>
      tpu.wait_indirect_dma semaphore(%arg15 : memref<!tpu.dma_semaphore, #tpu.memory_space<semaphore_mem>>) src(%dma_wait3A_58 : memref<20480x128xf32, #tpu.memory_space<hbm>>) dst(%arg11 : memref<64x128xf32, #tpu.memory_space<vmem>>)
      %run_scoped3A_59 = arith.constant 29 : i32
      "tpu.region"() ({
        %run_scoped3A_76 = tpu.sem_alloc : memref<!tpu.dma_semaphore, #tpu.memory_space<semaphore_mem>>
        %dma_start3A_77 = arith.constant 0 : i32
        %dma_start3A_78 = tpu.memref_slice %arg9[%run_scoped3A_59, %dma_start3A_77] : memref<32x64xi32, #tpu.memory_space<vmem>> -> memref<1x64xi32, #tpu.memory_space<vmem>>
        %dma_start3A_79 = tpu.memref_squeeze %dma_start3A_78 : memref<1x64xi32, #tpu.memory_space<vmem>> -> memref<64xi32, #tpu.memory_space<vmem>>
        %dma_start3A_80 = arith.constant 0 : i32
        %dma_start3A_81 = arith.constant 0 : i32
        %dma_start3A_82 = tpu.memref_slice %arg7[%dma_start3A_80, %dma_start3A_81] : memref<10240x128xf32, #tpu.memory_space<vmem_shared>> -> memref<10240x128xf32, #tpu.memory_space<vmem_shared>>
        tpu.enqueue_indirect_dma source(%arg11 : memref<64x128xf32, #tpu.memory_space<vmem>>) target(%dma_start3A_82 : memref<10240x128xf32, #tpu.memory_space<vmem_shared>>) offsets(%dma_start3A_79 : memref<64xi32, #tpu.memory_space<vmem>>) semaphore(%run_scoped3A_76 : memref<!tpu.dma_semaphore, #tpu.memory_space<semaphore_mem>>) {add = true}
        %dma_wait3A_83 = arith.constant 0 : i32
        %dma_wait3A_84 = tpu.memref_slice %arg9[%run_scoped3A_59, %dma_wait3A_83] : memref<32x64xi32, #tpu.memory_space<vmem>> -> memref<1x64xi32, #tpu.memory_space<vmem>>
        %dma_wait3A_85 = tpu.memref_squeeze %dma_wait3A_84 : memref<1x64xi32, #tpu.memory_space<vmem>> -> memref<64xi32, #tpu.memory_space<vmem>>
        %dma_wait3A_86 = arith.constant 0 : i32
        %dma_wait3A_87 = arith.constant 0 : i32
        %dma_wait3A_88 = tpu.memref_slice %arg7[%dma_wait3A_86, %dma_wait3A_87] : memref<10240x128xf32, #tpu.memory_space<vmem_shared>> -> memref<10240x128xf32, #tpu.memory_space<vmem_shared>>
        tpu.wait_indirect_dma semaphore(%run_scoped3A_76 : memref<!tpu.dma_semaphore, #tpu.memory_space<semaphore_mem>>) src(%arg11 : memref<64x128xf32, #tpu.memory_space<vmem>>) dst(%dma_wait3A_88 : memref<10240x128xf32, #tpu.memory_space<vmem_shared>>)
        tpu.yield
      }) : () -> ()
      %dma_wait3A_60 = arith.constant 30 : i32
      %dma_wait3A_61 = arith.constant 0 : i32
      %dma_wait3A_62 = tpu.memref_slice %arg8[%dma_wait3A_60, %dma_wait3A_61] : memref<32x64xi32, #tpu.memory_space<vmem>> -> memref<1x64xi32, #tpu.memory_space<vmem>>
      %dma_wait3A_63 = tpu.memref_squeeze %dma_wait3A_62 : memref<1x64xi32, #tpu.memory_space<vmem>> -> memref<64xi32, #tpu.memory_space<vmem>>
      %dma_wait3A_64 = arith.constant 0 : i32
      %dma_wait3A_65 = arith.constant 0 : i32
      %dma_wait3A_66 = tpu.memref_slice %arg2[%dma_wait3A_64, %dma_wait3A_65] : memref<20480x128xf32, #tpu.memory_space<hbm>> -> memref<20480x128xf32, #tpu.memory_space<hbm>>
      tpu.wait_indirect_dma semaphore(%arg16 : memref<!tpu.dma_semaphore, #tpu.memory_space<semaphore_mem>>) src(%dma_wait3A_66 : memref<20480x128xf32, #tpu.memory_space<hbm>>) dst(%arg12 : memref<64x128xf32, #tpu.memory_space<vmem>>)
      %run_scoped3A_67 = arith.constant 30 : i32
      "tpu.region"() ({
        %run_scoped3A_76 = tpu.sem_alloc : memref<!tpu.dma_semaphore, #tpu.memory_space<semaphore_mem>>
        %dma_start3A_77 = arith.constant 0 : i32
        %dma_start3A_78 = tpu.memref_slice %arg9[%run_scoped3A_67, %dma_start3A_77] : memref<32x64xi32, #tpu.memory_space<vmem>> -> memref<1x64xi32, #tpu.memory_space<vmem>>
        %dma_start3A_79 = tpu.memref_squeeze %dma_start3A_78 : memref<1x64xi32, #tpu.memory_space<vmem>> -> memref<64xi32, #tpu.memory_space<vmem>>
        %dma_start3A_80 = arith.constant 0 : i32
        %dma_start3A_81 = arith.constant 0 : i32
        %dma_start3A_82 = tpu.memref_slice %arg7[%dma_start3A_80, %dma_start3A_81] : memref<10240x128xf32, #tpu.memory_space<vmem_shared>> -> memref<10240x128xf32, #tpu.memory_space<vmem_shared>>
        tpu.enqueue_indirect_dma source(%arg12 : memref<64x128xf32, #tpu.memory_space<vmem>>) target(%dma_start3A_82 : memref<10240x128xf32, #tpu.memory_space<vmem_shared>>) offsets(%dma_start3A_79 : memref<64xi32, #tpu.memory_space<vmem>>) semaphore(%run_scoped3A_76 : memref<!tpu.dma_semaphore, #tpu.memory_space<semaphore_mem>>) {add = true}
        %dma_wait3A_83 = arith.constant 0 : i32
        %dma_wait3A_84 = tpu.memref_slice %arg9[%run_scoped3A_67, %dma_wait3A_83] : memref<32x64xi32, #tpu.memory_space<vmem>> -> memref<1x64xi32, #tpu.memory_space<vmem>>
        %dma_wait3A_85 = tpu.memref_squeeze %dma_wait3A_84 : memref<1x64xi32, #tpu.memory_space<vmem>> -> memref<64xi32, #tpu.memory_space<vmem>>
        %dma_wait3A_86 = arith.constant 0 : i32
        %dma_wait3A_87 = arith.constant 0 : i32
        %dma_wait3A_88 = tpu.memref_slice %arg7[%dma_wait3A_86, %dma_wait3A_87] : memref<10240x128xf32, #tpu.memory_space<vmem_shared>> -> memref<10240x128xf32, #tpu.memory_space<vmem_shared>>
        tpu.wait_indirect_dma semaphore(%run_scoped3A_76 : memref<!tpu.dma_semaphore, #tpu.memory_space<semaphore_mem>>) src(%arg12 : memref<64x128xf32, #tpu.memory_space<vmem>>) dst(%dma_wait3A_88 : memref<10240x128xf32, #tpu.memory_space<vmem_shared>>)
        tpu.yield
      }) : () -> ()
      %dma_wait3A_68 = arith.constant 31 : i32
      %dma_wait3A_69 = arith.constant 0 : i32
      %dma_wait3A_70 = tpu.memref_slice %arg8[%dma_wait3A_68, %dma_wait3A_69] : memref<32x64xi32, #tpu.memory_space<vmem>> -> memref<1x64xi32, #tpu.memory_space<vmem>>
      %dma_wait3A_71 = tpu.memref_squeeze %dma_wait3A_70 : memref<1x64xi32, #tpu.memory_space<vmem>> -> memref<64xi32, #tpu.memory_space<vmem>>
      %dma_wait3A_72 = arith.constant 0 : i32
      %dma_wait3A_73 = arith.constant 0 : i32
      %dma_wait3A_74 = tpu.memref_slice %arg2[%dma_wait3A_72, %dma_wait3A_73] : memref<20480x128xf32, #tpu.memory_space<hbm>> -> memref<20480x128xf32, #tpu.memory_space<hbm>>
      tpu.wait_indirect_dma semaphore(%arg17 : memref<!tpu.dma_semaphore, #tpu.memory_space<semaphore_mem>>) src(%dma_wait3A_74 : memref<20480x128xf32, #tpu.memory_space<hbm>>) dst(%arg13 : memref<64x128xf32, #tpu.memory_space<vmem>>)
      %run_scoped3A_75 = arith.constant 31 : i32
      "tpu.region"() ({
        %run_scoped3A_76 = tpu.sem_alloc : memref<!tpu.dma_semaphore, #tpu.memory_space<semaphore_mem>>
        %dma_start3A_77 = arith.constant 0 : i32
        %dma_start3A_78 = tpu.memref_slice %arg9[%run_scoped3A_75, %dma_start3A_77] : memref<32x64xi32, #tpu.memory_space<vmem>> -> memref<1x64xi32, #tpu.memory_space<vmem>>
        %dma_start3A_79 = tpu.memref_squeeze %dma_start3A_78 : memref<1x64xi32, #tpu.memory_space<vmem>> -> memref<64xi32, #tpu.memory_space<vmem>>
        %dma_start3A_80 = arith.constant 0 : i32
        %dma_start3A_81 = arith.constant 0 : i32
        %dma_start3A_82 = tpu.memref_slice %arg7[%dma_start3A_80, %dma_start3A_81] : memref<10240x128xf32, #tpu.memory_space<vmem_shared>> -> memref<10240x128xf32, #tpu.memory_space<vmem_shared>>
        tpu.enqueue_indirect_dma source(%arg13 : memref<64x128xf32, #tpu.memory_space<vmem>>) target(%dma_start3A_82 : memref<10240x128xf32, #tpu.memory_space<vmem_shared>>) offsets(%dma_start3A_79 : memref<64xi32, #tpu.memory_space<vmem>>) semaphore(%run_scoped3A_76 : memref<!tpu.dma_semaphore, #tpu.memory_space<semaphore_mem>>) {add = true}
        %dma_wait3A_83 = arith.constant 0 : i32
        %dma_wait3A_84 = tpu.memref_slice %arg9[%run_scoped3A_75, %dma_wait3A_83] : memref<32x64xi32, #tpu.memory_space<vmem>> -> memref<1x64xi32, #tpu.memory_space<vmem>>
        %dma_wait3A_85 = tpu.memref_squeeze %dma_wait3A_84 : memref<1x64xi32, #tpu.memory_space<vmem>> -> memref<64xi32, #tpu.memory_space<vmem>>
        %dma_wait3A_86 = arith.constant 0 : i32
        %dma_wait3A_87 = arith.constant 0 : i32
        %dma_wait3A_88 = tpu.memref_slice %arg7[%dma_wait3A_86, %dma_wait3A_87] : memref<10240x128xf32, #tpu.memory_space<vmem_shared>> -> memref<10240x128xf32, #tpu.memory_space<vmem_shared>>
        tpu.wait_indirect_dma semaphore(%run_scoped3A_76 : memref<!tpu.dma_semaphore, #tpu.memory_space<semaphore_mem>>) src(%arg13 : memref<64x128xf32, #tpu.memory_space<vmem>>) dst(%dma_wait3A_88 : memref<10240x128xf32, #tpu.memory_space<vmem_shared>>)
        tpu.yield
      }) : () -> ()
    }
    %scan3A_4 = arith.constant 10 : i32
    %barrier3A_5 = arith.constant 0 : index
    tpu.barrier barrier_id(%barrier3A_5)
    "tpu.region"() ({
      %run_scoped3A = tpu.sem_alloc : memref<!tpu.dma_semaphore, #tpu.memory_space<semaphore_mem>>
      %dma_start3A = arith.constant 0 : i32
      %dma_start3A_6 = tpu.memref_slice %arg6[%arg0, %mul3A_0, %dma_start3A] : memref<2x10240x128xf32, #tpu.memory_space<hbm>> -> memref<1x640x128xf32, #tpu.memory_space<hbm>>
      %dma_start3A_7 = tpu.memref_squeeze %dma_start3A_6 : memref<1x640x128xf32, #tpu.memory_space<hbm>> -> memref<640x128xf32, #tpu.memory_space<hbm>>
      %dma_start3A_8 = arith.constant 0 : i32
      %dma_start3A_9 = tpu.memref_slice %arg7[%mul3A_0, %dma_start3A_8] : memref<10240x128xf32, #tpu.memory_space<vmem_shared>> -> memref<640x128xf32, #tpu.memory_space<vmem_shared>>
      tpu.enqueue_dma source(%dma_start3A_9 : memref<640x128xf32, #tpu.memory_space<vmem_shared>>) target(%dma_start3A_7 : memref<640x128xf32, #tpu.memory_space<hbm>>) target_semaphore(%run_scoped3A : memref<!tpu.dma_semaphore, #tpu.memory_space<semaphore_mem>>)
      %dma_wait3A = arith.constant 0 : i32
      %dma_wait3A_10 = tpu.memref_slice %arg6[%arg0, %mul3A_0, %dma_wait3A] : memref<2x10240x128xf32, #tpu.memory_space<hbm>> -> memref<1x640x128xf32, #tpu.memory_space<hbm>>
      %dma_wait3A_11 = tpu.memref_squeeze %dma_wait3A_10 : memref<1x640x128xf32, #tpu.memory_space<hbm>> -> memref<640x128xf32, #tpu.memory_space<hbm>>
      %dma_wait3A_12 = arith.constant 0 : i32
      %dma_wait3A_13 = tpu.memref_slice %arg7[%mul3A_0, %dma_wait3A_12] : memref<10240x128xf32, #tpu.memory_space<vmem_shared>> -> memref<640x128xf32, #tpu.memory_space<vmem_shared>>
      tpu.wait_dma2 semaphore(%run_scoped3A : memref<!tpu.dma_semaphore, #tpu.memory_space<semaphore_mem>>) src(%dma_wait3A_13 : memref<640x128xf32, #tpu.memory_space<vmem_shared>>) dst(%dma_wait3A_11 : memref<640x128xf32, #tpu.memory_space<hbm>>)
      tpu.yield
    }) : () -> ()
    return
  }
}

#map = affine_map<(d0, d1) -> (0, 0)>
#map1 = affine_map<(d0, d1) -> (0, 0, 0, 0)>
#map2 = affine_map<(d0, d1) -> (0, 0, 0)>
module attributes {stable_mosaic.version = 14 : i64} {
  func.func @sc_appnp(%arg0: i32, %arg1: i32, %arg2: memref<20480x128xf32, #tpu.memory_space<hbm>>, %arg3: memref<2x16x320x64xi32, #tpu.memory_space<hbm>>, %arg4: memref<2x16x320x64xi32, #tpu.memory_space<hbm>>, %arg5: memref<10240x128xf32, #tpu.memory_space<hbm>>, %arg6: memref<2x10240x128xf32, #tpu.memory_space<hbm>>, %arg7: memref<10240x128xf32, #tpu.memory_space<vmem_shared>>, %arg8: memref<32x64xi32, #tpu.memory_space<vmem>>, %arg9: memref<32x64xi32, #tpu.memory_space<vmem>>, %arg10: memref<64x128xf32, #tpu.memory_space<vmem>>, %arg11: memref<64x128xf32, #tpu.memory_space<vmem>>, %arg12: memref<64x128xf32, #tpu.memory_space<vmem>>, %arg13: memref<64x128xf32, #tpu.memory_space<vmem>>, %arg14: memref<!tpu.dma_semaphore, #tpu.memory_space<semaphore_mem>>, %arg15: memref<!tpu.dma_semaphore, #tpu.memory_space<semaphore_mem>>, %arg16: memref<!tpu.dma_semaphore, #tpu.memory_space<semaphore_mem>>, %arg17: memref<!tpu.dma_semaphore, #tpu.memory_space<semaphore_mem>>) attributes {dimension_semantics = [#tpu.dimension_semantics<core_parallel>, #tpu.dimension_semantics<subcore_parallel>], iteration_bounds = array<i64: 2, 16>, scalar_prefetch = 0 : i64, scratch_operands = 11 : i64, tpu.core_type = #tpu.core_type<sc_vector_subcore>, window_params = [{transform_indices = #map}, {transform_indices = #map1}, {transform_indices = #map1}, {transform_indices = #map}, {transform_indices = #map2}]} {
    %mul3A = arith.constant 640 : i32
    %mul3A_0 = arith.muli %arg1, %mul3A : i32
    "tpu.region"() ({
      %run_scoped3A = tpu.sem_alloc : memref<!tpu.dma_semaphore, #tpu.memory_space<semaphore_mem>>
      %dma_start3A = arith.constant 0 : i32
      %dma_start3A_6 = tpu.memref_slice %arg7[%mul3A_0, %dma_start3A] : memref<10240x128xf32, #tpu.memory_space<vmem_shared>> -> memref<640x128xf32, #tpu.memory_space<vmem_shared>>
      %dma_start3A_7 = arith.constant 0 : i32
      %dma_start3A_8 = tpu.memref_slice %arg5[%mul3A_0, %dma_start3A_7] : memref<10240x128xf32, #tpu.memory_space<hbm>> -> memref<640x128xf32, #tpu.memory_space<hbm>>
      tpu.enqueue_dma source(%dma_start3A_8 : memref<640x128xf32, #tpu.memory_space<hbm>>) target(%dma_start3A_6 : memref<640x128xf32, #tpu.memory_space<vmem_shared>>) target_semaphore(%run_scoped3A : memref<!tpu.dma_semaphore, #tpu.memory_space<semaphore_mem>>)
      %dma_wait3A = arith.constant 0 : i32
      %dma_wait3A_9 = tpu.memref_slice %arg7[%mul3A_0, %dma_wait3A] : memref<10240x128xf32, #tpu.memory_space<vmem_shared>> -> memref<640x128xf32, #tpu.memory_space<vmem_shared>>
      %dma_wait3A_10 = arith.constant 0 : i32
      %dma_wait3A_11 = tpu.memref_slice %arg5[%mul3A_0, %dma_wait3A_10] : memref<10240x128xf32, #tpu.memory_space<hbm>> -> memref<640x128xf32, #tpu.memory_space<hbm>>
      tpu.wait_dma2 semaphore(%run_scoped3A : memref<!tpu.dma_semaphore, #tpu.memory_space<semaphore_mem>>) src(%dma_wait3A_11 : memref<640x128xf32, #tpu.memory_space<hbm>>) dst(%dma_wait3A_9 : memref<640x128xf32, #tpu.memory_space<vmem_shared>>)
      tpu.yield
    }) : () -> ()
    %barrier3A = arith.constant 0 : index
    tpu.barrier barrier_id(%barrier3A)
    %scan3A = arith.constant 0 : i32
    %scan3A_1 = arith.constant 10 : i32
    %scan3A_2 = arith.addi %scan3A, %scan3A_1 : i32
    %scan3A_3 = arith.constant 1 : i32
    scf.for %scan3A_6 = %scan3A to %scan3A_2 step %scan3A_3  : i32 {
      %mul3A_7 = arith.constant 1 : i32
      %mul3A_8 = arith.muli %scan3A_6, %mul3A_7 : i32
      %add3A = arith.constant 0 : i32
      %add3A_9 = arith.addi %add3A, %mul3A_8 : i32
      %mul3A_10 = arith.constant 32 : i32
      %mul3A_11 = arith.muli %add3A_9, %mul3A_10 : i32
      "tpu.region"() ({
        %run_scoped3A_76 = tpu.sem_alloc : memref<!tpu.dma_semaphore, #tpu.memory_space<semaphore_mem>>
        %dma_start3A_77 = arith.constant 0 : i32
        %dma_start3A_78 = tpu.memref_slice %arg3[%arg0, %arg1, %mul3A_11, %dma_start3A_77] : memref<2x16x320x64xi32, #tpu.memory_space<hbm>> -> memref<1x1x32x64xi32, #tpu.memory_space<hbm>>
        %dma_start3A_79 = tpu.memref_squeeze %dma_start3A_78 : memref<1x1x32x64xi32, #tpu.memory_space<hbm>> -> memref<32x64xi32, #tpu.memory_space<hbm>>
        %dma_start3A_80 = arith.constant 0 : i32
        %dma_start3A_81 = tpu.memref_slice %arg3[%arg0, %arg1, %mul3A_11, %dma_start3A_80] : memref<2x16x320x64xi32, #tpu.memory_space<hbm>> -> memref<1x1x32x64xi32, #tpu.memory_space<hbm>>
        %dma_start3A_82 = tpu.memref_squeeze %dma_start3A_81 : memref<1x1x32x64xi32, #tpu.memory_space<hbm>> -> memref<32x64xi32, #tpu.memory_space<hbm>>
        tpu.enqueue_dma source(%dma_start3A_82 : memref<32x64xi32, #tpu.memory_space<hbm>>) target(%arg8 : memref<32x64xi32, #tpu.memory_space<vmem>>) target_semaphore(%run_scoped3A_76 : memref<!tpu.dma_semaphore, #tpu.memory_space<semaphore_mem>>)
        %dma_wait3A_83 = arith.constant 0 : i32
        %dma_wait3A_84 = tpu.memref_slice %arg3[%arg0, %arg1, %mul3A_11, %dma_wait3A_83] : memref<2x16x320x64xi32, #tpu.memory_space<hbm>> -> memref<1x1x32x64xi32, #tpu.memory_space<hbm>>
        %dma_wait3A_85 = tpu.memref_squeeze %dma_wait3A_84 : memref<1x1x32x64xi32, #tpu.memory_space<hbm>> -> memref<32x64xi32, #tpu.memory_space<hbm>>
        %dma_wait3A_86 = arith.constant 0 : i32
        %dma_wait3A_87 = tpu.memref_slice %arg3[%arg0, %arg1, %mul3A_11, %dma_wait3A_86] : memref<2x16x320x64xi32, #tpu.memory_space<hbm>> -> memref<1x1x32x64xi32, #tpu.memory_space<hbm>>
        %dma_wait3A_88 = tpu.memref_squeeze %dma_wait3A_87 : memref<1x1x32x64xi32, #tpu.memory_space<hbm>> -> memref<32x64xi32, #tpu.memory_space<hbm>>
        tpu.wait_dma2 semaphore(%run_scoped3A_76 : memref<!tpu.dma_semaphore, #tpu.memory_space<semaphore_mem>>) src(%dma_wait3A_88 : memref<32x64xi32, #tpu.memory_space<hbm>>) dst(%arg8 : memref<32x64xi32, #tpu.memory_space<vmem>>)
        tpu.yield
      }) : () -> ()
      %mul3A_12 = arith.constant 32 : i32
      %mul3A_13 = arith.muli %add3A_9, %mul3A_12 : i32
      "tpu.region"() ({
        %run_scoped3A_76 = tpu.sem_alloc : memref<!tpu.dma_semaphore, #tpu.memory_space<semaphore_mem>>
        %dma_start3A_77 = arith.constant 0 : i32
        %dma_start3A_78 = tpu.memref_slice %arg4[%arg0, %arg1, %mul3A_13, %dma_start3A_77] : memref<2x16x320x64xi32, #tpu.memory_space<hbm>> -> memref<1x1x32x64xi32, #tpu.memory_space<hbm>>
        %dma_start3A_79 = tpu.memref_squeeze %dma_start3A_78 : memref<1x1x32x64xi32, #tpu.memory_space<hbm>> -> memref<32x64xi32, #tpu.memory_space<hbm>>
        %dma_start3A_80 = arith.constant 0 : i32
        %dma_start3A_81 = tpu.memref_slice %arg4[%arg0, %arg1, %mul3A_13, %dma_start3A_80] : memref<2x16x320x64xi32, #tpu.memory_space<hbm>> -> memref<1x1x32x64xi32, #tpu.memory_space<hbm>>
        %dma_start3A_82 = tpu.memref_squeeze %dma_start3A_81 : memref<1x1x32x64xi32, #tpu.memory_space<hbm>> -> memref<32x64xi32, #tpu.memory_space<hbm>>
        tpu.enqueue_dma source(%dma_start3A_82 : memref<32x64xi32, #tpu.memory_space<hbm>>) target(%arg9 : memref<32x64xi32, #tpu.memory_space<vmem>>) target_semaphore(%run_scoped3A_76 : memref<!tpu.dma_semaphore, #tpu.memory_space<semaphore_mem>>)
        %dma_wait3A_83 = arith.constant 0 : i32
        %dma_wait3A_84 = tpu.memref_slice %arg4[%arg0, %arg1, %mul3A_13, %dma_wait3A_83] : memref<2x16x320x64xi32, #tpu.memory_space<hbm>> -> memref<1x1x32x64xi32, #tpu.memory_space<hbm>>
        %dma_wait3A_85 = tpu.memref_squeeze %dma_wait3A_84 : memref<1x1x32x64xi32, #tpu.memory_space<hbm>> -> memref<32x64xi32, #tpu.memory_space<hbm>>
        %dma_wait3A_86 = arith.constant 0 : i32
        %dma_wait3A_87 = tpu.memref_slice %arg4[%arg0, %arg1, %mul3A_13, %dma_wait3A_86] : memref<2x16x320x64xi32, #tpu.memory_space<hbm>> -> memref<1x1x32x64xi32, #tpu.memory_space<hbm>>
        %dma_wait3A_88 = tpu.memref_squeeze %dma_wait3A_87 : memref<1x1x32x64xi32, #tpu.memory_space<hbm>> -> memref<32x64xi32, #tpu.memory_space<hbm>>
        tpu.wait_dma2 semaphore(%run_scoped3A_76 : memref<!tpu.dma_semaphore, #tpu.memory_space<semaphore_mem>>) src(%dma_wait3A_88 : memref<32x64xi32, #tpu.memory_space<hbm>>) dst(%arg9 : memref<32x64xi32, #tpu.memory_space<vmem>>)
        tpu.yield
      }) : () -> ()
      %dma_start3A = arith.constant 0 : i32
      %dma_start3A_14 = arith.constant 0 : i32
      %dma_start3A_15 = tpu.memref_slice %arg8[%dma_start3A, %dma_start3A_14] : memref<32x64xi32, #tpu.memory_space<vmem>> -> memref<1x64xi32, #tpu.memory_space<vmem>>
      %dma_start3A_16 = tpu.memref_squeeze %dma_start3A_15 : memref<1x64xi32, #tpu.memory_space<vmem>> -> memref<64xi32, #tpu.memory_space<vmem>>
      %dma_start3A_17 = arith.constant 0 : i32
      %dma_start3A_18 = arith.constant 0 : i32
      %dma_start3A_19 = tpu.memref_slice %arg2[%dma_start3A_17, %dma_start3A_18] : memref<20480x128xf32, #tpu.memory_space<hbm>> -> memref<20480x128xf32, #tpu.memory_space<hbm>>
      tpu.enqueue_indirect_dma source(%dma_start3A_19 : memref<20480x128xf32, #tpu.memory_space<hbm>>) target(%arg10 : memref<64x128xf32, #tpu.memory_space<vmem>>) offsets(%dma_start3A_16 : memref<64xi32, #tpu.memory_space<vmem>>) semaphore(%arg14 : memref<!tpu.dma_semaphore, #tpu.memory_space<semaphore_mem>>)
      %dma_start3A_20 = arith.constant 1 : i32
      %dma_start3A_21 = arith.constant 0 : i32
      %dma_start3A_22 = tpu.memref_slice %arg8[%dma_start3A_20, %dma_start3A_21] : memref<32x64xi32, #tpu.memory_space<vmem>> -> memref<1x64xi32, #tpu.memory_space<vmem>>
      %dma_start3A_23 = tpu.memref_squeeze %dma_start3A_22 : memref<1x64xi32, #tpu.memory_space<vmem>> -> memref<64xi32, #tpu.memory_space<vmem>>
      %dma_start3A_24 = arith.constant 0 : i32
      %dma_start3A_25 = arith.constant 0 : i32
      %dma_start3A_26 = tpu.memref_slice %arg2[%dma_start3A_24, %dma_start3A_25] : memref<20480x128xf32, #tpu.memory_space<hbm>> -> memref<20480x128xf32, #tpu.memory_space<hbm>>
      tpu.enqueue_indirect_dma source(%dma_start3A_26 : memref<20480x128xf32, #tpu.memory_space<hbm>>) target(%arg11 : memref<64x128xf32, #tpu.memory_space<vmem>>) offsets(%dma_start3A_23 : memref<64xi32, #tpu.memory_space<vmem>>) semaphore(%arg15 : memref<!tpu.dma_semaphore, #tpu.memory_space<semaphore_mem>>)
      %dma_start3A_27 = arith.constant 2 : i32
      %dma_start3A_28 = arith.constant 0 : i32
      %dma_start3A_29 = tpu.memref_slice %arg8[%dma_start3A_27, %dma_start3A_28] : memref<32x64xi32, #tpu.memory_space<vmem>> -> memref<1x64xi32, #tpu.memory_space<vmem>>
      %dma_start3A_30 = tpu.memref_squeeze %dma_start3A_29 : memref<1x64xi32, #tpu.memory_space<vmem>> -> memref<64xi32, #tpu.memory_space<vmem>>
      %dma_start3A_31 = arith.constant 0 : i32
      %dma_start3A_32 = arith.constant 0 : i32
      %dma_start3A_33 = tpu.memref_slice %arg2[%dma_start3A_31, %dma_start3A_32] : memref<20480x128xf32, #tpu.memory_space<hbm>> -> memref<20480x128xf32, #tpu.memory_space<hbm>>
      tpu.enqueue_indirect_dma source(%dma_start3A_33 : memref<20480x128xf32, #tpu.memory_space<hbm>>) target(%arg12 : memref<64x128xf32, #tpu.memory_space<vmem>>) offsets(%dma_start3A_30 : memref<64xi32, #tpu.memory_space<vmem>>) semaphore(%arg16 : memref<!tpu.dma_semaphore, #tpu.memory_space<semaphore_mem>>)
      %dma_start3A_34 = arith.constant 3 : i32
      %dma_start3A_35 = arith.constant 0 : i32
      %dma_start3A_36 = tpu.memref_slice %arg8[%dma_start3A_34, %dma_start3A_35] : memref<32x64xi32, #tpu.memory_space<vmem>> -> memref<1x64xi32, #tpu.memory_space<vmem>>
      %dma_start3A_37 = tpu.memref_squeeze %dma_start3A_36 : memref<1x64xi32, #tpu.memory_space<vmem>> -> memref<64xi32, #tpu.memory_space<vmem>>
      %dma_start3A_38 = arith.constant 0 : i32
      %dma_start3A_39 = arith.constant 0 : i32
      %dma_start3A_40 = tpu.memref_slice %arg2[%dma_start3A_38, %dma_start3A_39] : memref<20480x128xf32, #tpu.memory_space<hbm>> -> memref<20480x128xf32, #tpu.memory_space<hbm>>
      tpu.enqueue_indirect_dma source(%dma_start3A_40 : memref<20480x128xf32, #tpu.memory_space<hbm>>) target(%arg13 : memref<64x128xf32, #tpu.memory_space<vmem>>) offsets(%dma_start3A_37 : memref<64xi32, #tpu.memory_space<vmem>>) semaphore(%arg17 : memref<!tpu.dma_semaphore, #tpu.memory_space<semaphore_mem>>)
      %scan3A_41 = arith.constant 0 : i32
      %scan3A_42 = arith.constant 7 : i32
      %scan3A_43 = arith.addi %scan3A_41, %scan3A_42 : i32
      %scan3A_44 = arith.constant 1 : i32
      scf.for %scan3A_76 = %scan3A_41 to %scan3A_43 step %scan3A_44  : i32 {
        %mul3A_77 = arith.constant 4 : i32
        %mul3A_78 = arith.muli %scan3A_76, %mul3A_77 : i32
        %add3A_79 = arith.constant 0 : i32
        %add3A_80 = arith.addi %add3A_79, %mul3A_78 : i32
        %add3A_81 = arith.constant 0 : i32
        %add3A_82 = arith.addi %add3A_80, %add3A_81 : i32
        %dma_wait3A_83 = arith.constant 0 : i32
        %dma_wait3A_84 = tpu.memref_slice %arg8[%add3A_82, %dma_wait3A_83] : memref<32x64xi32, #tpu.memory_space<vmem>> -> memref<1x64xi32, #tpu.memory_space<vmem>>
        %dma_wait3A_85 = tpu.memref_squeeze %dma_wait3A_84 : memref<1x64xi32, #tpu.memory_space<vmem>> -> memref<64xi32, #tpu.memory_space<vmem>>
        %dma_wait3A_86 = arith.constant 0 : i32
        %dma_wait3A_87 = arith.constant 0 : i32
        %dma_wait3A_88 = tpu.memref_slice %arg2[%dma_wait3A_86, %dma_wait3A_87] : memref<20480x128xf32, #tpu.memory_space<hbm>> -> memref<20480x128xf32, #tpu.memory_space<hbm>>
        tpu.wait_indirect_dma semaphore(%arg14 : memref<!tpu.dma_semaphore, #tpu.memory_space<semaphore_mem>>) src(%dma_wait3A_88 : memref<20480x128xf32, #tpu.memory_space<hbm>>) dst(%arg10 : memref<64x128xf32, #tpu.memory_space<vmem>>)
        %add3A_89 = arith.constant 0 : i32
        %add3A_90 = arith.addi %add3A_80, %add3A_89 : i32
        "tpu.region"() ({
          %run_scoped3A_161 = tpu.sem_alloc : memref<!tpu.dma_semaphore, #tpu.memory_space<semaphore_mem>>
          %dma_start3A_162 = arith.constant 0 : i32
          %dma_start3A_163 = tpu.memref_slice %arg9[%add3A_90, %dma_start3A_162] : memref<32x64xi32, #tpu.memory_space<vmem>> -> memref<1x64xi32, #tpu.memory_space<vmem>>
          %dma_start3A_164 = tpu.memref_squeeze %dma_start3A_163 : memref<1x64xi32, #tpu.memory_space<vmem>> -> memref<64xi32, #tpu.memory_space<vmem>>
          %dma_start3A_165 = arith.constant 0 : i32
          %dma_start3A_166 = arith.constant 0 : i32
          %dma_start3A_167 = tpu.memref_slice %arg7[%dma_start3A_165, %dma_start3A_166] : memref<10240x128xf32, #tpu.memory_space<vmem_shared>> -> memref<10240x128xf32, #tpu.memory_space<vmem_shared>>
          tpu.enqueue_indirect_dma source(%arg10 : memref<64x128xf32, #tpu.memory_space<vmem>>) target(%dma_start3A_167 : memref<10240x128xf32, #tpu.memory_space<vmem_shared>>) offsets(%dma_start3A_164 : memref<64xi32, #tpu.memory_space<vmem>>) semaphore(%run_scoped3A_161 : memref<!tpu.dma_semaphore, #tpu.memory_space<semaphore_mem>>) {add = true}
          %dma_wait3A_168 = arith.constant 0 : i32
          %dma_wait3A_169 = tpu.memref_slice %arg9[%add3A_90, %dma_wait3A_168] : memref<32x64xi32, #tpu.memory_space<vmem>> -> memref<1x64xi32, #tpu.memory_space<vmem>>
          %dma_wait3A_170 = tpu.memref_squeeze %dma_wait3A_169 : memref<1x64xi32, #tpu.memory_space<vmem>> -> memref<64xi32, #tpu.memory_space<vmem>>
          %dma_wait3A_171 = arith.constant 0 : i32
          %dma_wait3A_172 = arith.constant 0 : i32
          %dma_wait3A_173 = tpu.memref_slice %arg7[%dma_wait3A_171, %dma_wait3A_172] : memref<10240x128xf32, #tpu.memory_space<vmem_shared>> -> memref<10240x128xf32, #tpu.memory_space<vmem_shared>>
          tpu.wait_indirect_dma semaphore(%run_scoped3A_161 : memref<!tpu.dma_semaphore, #tpu.memory_space<semaphore_mem>>) src(%arg10 : memref<64x128xf32, #tpu.memory_space<vmem>>) dst(%dma_wait3A_173 : memref<10240x128xf32, #tpu.memory_space<vmem_shared>>)
          tpu.yield
        }) : () -> ()
        %add3A_91 = arith.constant 0 : i32
        %add3A_92 = arith.addi %add3A_80, %add3A_91 : i32
        %add3A_93 = arith.constant 4 : i32
        %add3A_94 = arith.addi %add3A_92, %add3A_93 : i32
        %dma_start3A_95 = arith.constant 0 : i32
        %dma_start3A_96 = tpu.memref_slice %arg8[%add3A_94, %dma_start3A_95] : memref<32x64xi32, #tpu.memory_space<vmem>> -> memref<1x64xi32, #tpu.memory_space<vmem>>
        %dma_start3A_97 = tpu.memref_squeeze %dma_start3A_96 : memref<1x64xi32, #tpu.memory_space<vmem>> -> memref<64xi32, #tpu.memory_space<vmem>>
        %dma_start3A_98 = arith.constant 0 : i32
        %dma_start3A_99 = arith.constant 0 : i32
        %dma_start3A_100 = tpu.memref_slice %arg2[%dma_start3A_98, %dma_start3A_99] : memref<20480x128xf32, #tpu.memory_space<hbm>> -> memref<20480x128xf32, #tpu.memory_space<hbm>>
        tpu.enqueue_indirect_dma source(%dma_start3A_100 : memref<20480x128xf32, #tpu.memory_space<hbm>>) target(%arg10 : memref<64x128xf32, #tpu.memory_space<vmem>>) offsets(%dma_start3A_97 : memref<64xi32, #tpu.memory_space<vmem>>) semaphore(%arg14 : memref<!tpu.dma_semaphore, #tpu.memory_space<semaphore_mem>>)
        %add3A_101 = arith.constant 1 : i32
        %add3A_102 = arith.addi %add3A_80, %add3A_101 : i32
        %dma_wait3A_103 = arith.constant 0 : i32
        %dma_wait3A_104 = tpu.memref_slice %arg8[%add3A_102, %dma_wait3A_103] : memref<32x64xi32, #tpu.memory_space<vmem>> -> memref<1x64xi32, #tpu.memory_space<vmem>>
        %dma_wait3A_105 = tpu.memref_squeeze %dma_wait3A_104 : memref<1x64xi32, #tpu.memory_space<vmem>> -> memref<64xi32, #tpu.memory_space<vmem>>
        %dma_wait3A_106 = arith.constant 0 : i32
        %dma_wait3A_107 = arith.constant 0 : i32
        %dma_wait3A_108 = tpu.memref_slice %arg2[%dma_wait3A_106, %dma_wait3A_107] : memref<20480x128xf32, #tpu.memory_space<hbm>> -> memref<20480x128xf32, #tpu.memory_space<hbm>>
        tpu.wait_indirect_dma semaphore(%arg15 : memref<!tpu.dma_semaphore, #tpu.memory_space<semaphore_mem>>) src(%dma_wait3A_108 : memref<20480x128xf32, #tpu.memory_space<hbm>>) dst(%arg11 : memref<64x128xf32, #tpu.memory_space<vmem>>)
        %add3A_109 = arith.constant 1 : i32
        %add3A_110 = arith.addi %add3A_80, %add3A_109 : i32
        "tpu.region"() ({
          %run_scoped3A_161 = tpu.sem_alloc : memref<!tpu.dma_semaphore, #tpu.memory_space<semaphore_mem>>
          %dma_start3A_162 = arith.constant 0 : i32
          %dma_start3A_163 = tpu.memref_slice %arg9[%add3A_110, %dma_start3A_162] : memref<32x64xi32, #tpu.memory_space<vmem>> -> memref<1x64xi32, #tpu.memory_space<vmem>>
          %dma_start3A_164 = tpu.memref_squeeze %dma_start3A_163 : memref<1x64xi32, #tpu.memory_space<vmem>> -> memref<64xi32, #tpu.memory_space<vmem>>
          %dma_start3A_165 = arith.constant 0 : i32
          %dma_start3A_166 = arith.constant 0 : i32
          %dma_start3A_167 = tpu.memref_slice %arg7[%dma_start3A_165, %dma_start3A_166] : memref<10240x128xf32, #tpu.memory_space<vmem_shared>> -> memref<10240x128xf32, #tpu.memory_space<vmem_shared>>
          tpu.enqueue_indirect_dma source(%arg11 : memref<64x128xf32, #tpu.memory_space<vmem>>) target(%dma_start3A_167 : memref<10240x128xf32, #tpu.memory_space<vmem_shared>>) offsets(%dma_start3A_164 : memref<64xi32, #tpu.memory_space<vmem>>) semaphore(%run_scoped3A_161 : memref<!tpu.dma_semaphore, #tpu.memory_space<semaphore_mem>>) {add = true}
          %dma_wait3A_168 = arith.constant 0 : i32
          %dma_wait3A_169 = tpu.memref_slice %arg9[%add3A_110, %dma_wait3A_168] : memref<32x64xi32, #tpu.memory_space<vmem>> -> memref<1x64xi32, #tpu.memory_space<vmem>>
          %dma_wait3A_170 = tpu.memref_squeeze %dma_wait3A_169 : memref<1x64xi32, #tpu.memory_space<vmem>> -> memref<64xi32, #tpu.memory_space<vmem>>
          %dma_wait3A_171 = arith.constant 0 : i32
          %dma_wait3A_172 = arith.constant 0 : i32
          %dma_wait3A_173 = tpu.memref_slice %arg7[%dma_wait3A_171, %dma_wait3A_172] : memref<10240x128xf32, #tpu.memory_space<vmem_shared>> -> memref<10240x128xf32, #tpu.memory_space<vmem_shared>>
          tpu.wait_indirect_dma semaphore(%run_scoped3A_161 : memref<!tpu.dma_semaphore, #tpu.memory_space<semaphore_mem>>) src(%arg11 : memref<64x128xf32, #tpu.memory_space<vmem>>) dst(%dma_wait3A_173 : memref<10240x128xf32, #tpu.memory_space<vmem_shared>>)
          tpu.yield
        }) : () -> ()
        %add3A_111 = arith.constant 1 : i32
        %add3A_112 = arith.addi %add3A_80, %add3A_111 : i32
        %add3A_113 = arith.constant 4 : i32
        %add3A_114 = arith.addi %add3A_112, %add3A_113 : i32
        %dma_start3A_115 = arith.constant 0 : i32
        %dma_start3A_116 = tpu.memref_slice %arg8[%add3A_114, %dma_start3A_115] : memref<32x64xi32, #tpu.memory_space<vmem>> -> memref<1x64xi32, #tpu.memory_space<vmem>>
        %dma_start3A_117 = tpu.memref_squeeze %dma_start3A_116 : memref<1x64xi32, #tpu.memory_space<vmem>> -> memref<64xi32, #tpu.memory_space<vmem>>
        %dma_start3A_118 = arith.constant 0 : i32
        %dma_start3A_119 = arith.constant 0 : i32
        %dma_start3A_120 = tpu.memref_slice %arg2[%dma_start3A_118, %dma_start3A_119] : memref<20480x128xf32, #tpu.memory_space<hbm>> -> memref<20480x128xf32, #tpu.memory_space<hbm>>
        tpu.enqueue_indirect_dma source(%dma_start3A_120 : memref<20480x128xf32, #tpu.memory_space<hbm>>) target(%arg11 : memref<64x128xf32, #tpu.memory_space<vmem>>) offsets(%dma_start3A_117 : memref<64xi32, #tpu.memory_space<vmem>>) semaphore(%arg15 : memref<!tpu.dma_semaphore, #tpu.memory_space<semaphore_mem>>)
        %add3A_121 = arith.constant 2 : i32
        %add3A_122 = arith.addi %add3A_80, %add3A_121 : i32
        %dma_wait3A_123 = arith.constant 0 : i32
        %dma_wait3A_124 = tpu.memref_slice %arg8[%add3A_122, %dma_wait3A_123] : memref<32x64xi32, #tpu.memory_space<vmem>> -> memref<1x64xi32, #tpu.memory_space<vmem>>
        %dma_wait3A_125 = tpu.memref_squeeze %dma_wait3A_124 : memref<1x64xi32, #tpu.memory_space<vmem>> -> memref<64xi32, #tpu.memory_space<vmem>>
        %dma_wait3A_126 = arith.constant 0 : i32
        %dma_wait3A_127 = arith.constant 0 : i32
        %dma_wait3A_128 = tpu.memref_slice %arg2[%dma_wait3A_126, %dma_wait3A_127] : memref<20480x128xf32, #tpu.memory_space<hbm>> -> memref<20480x128xf32, #tpu.memory_space<hbm>>
        tpu.wait_indirect_dma semaphore(%arg16 : memref<!tpu.dma_semaphore, #tpu.memory_space<semaphore_mem>>) src(%dma_wait3A_128 : memref<20480x128xf32, #tpu.memory_space<hbm>>) dst(%arg12 : memref<64x128xf32, #tpu.memory_space<vmem>>)
        %add3A_129 = arith.constant 2 : i32
        %add3A_130 = arith.addi %add3A_80, %add3A_129 : i32
        "tpu.region"() ({
          %run_scoped3A_161 = tpu.sem_alloc : memref<!tpu.dma_semaphore, #tpu.memory_space<semaphore_mem>>
          %dma_start3A_162 = arith.constant 0 : i32
          %dma_start3A_163 = tpu.memref_slice %arg9[%add3A_130, %dma_start3A_162] : memref<32x64xi32, #tpu.memory_space<vmem>> -> memref<1x64xi32, #tpu.memory_space<vmem>>
          %dma_start3A_164 = tpu.memref_squeeze %dma_start3A_163 : memref<1x64xi32, #tpu.memory_space<vmem>> -> memref<64xi32, #tpu.memory_space<vmem>>
          %dma_start3A_165 = arith.constant 0 : i32
          %dma_start3A_166 = arith.constant 0 : i32
          %dma_start3A_167 = tpu.memref_slice %arg7[%dma_start3A_165, %dma_start3A_166] : memref<10240x128xf32, #tpu.memory_space<vmem_shared>> -> memref<10240x128xf32, #tpu.memory_space<vmem_shared>>
          tpu.enqueue_indirect_dma source(%arg12 : memref<64x128xf32, #tpu.memory_space<vmem>>) target(%dma_start3A_167 : memref<10240x128xf32, #tpu.memory_space<vmem_shared>>) offsets(%dma_start3A_164 : memref<64xi32, #tpu.memory_space<vmem>>) semaphore(%run_scoped3A_161 : memref<!tpu.dma_semaphore, #tpu.memory_space<semaphore_mem>>) {add = true}
          %dma_wait3A_168 = arith.constant 0 : i32
          %dma_wait3A_169 = tpu.memref_slice %arg9[%add3A_130, %dma_wait3A_168] : memref<32x64xi32, #tpu.memory_space<vmem>> -> memref<1x64xi32, #tpu.memory_space<vmem>>
          %dma_wait3A_170 = tpu.memref_squeeze %dma_wait3A_169 : memref<1x64xi32, #tpu.memory_space<vmem>> -> memref<64xi32, #tpu.memory_space<vmem>>
          %dma_wait3A_171 = arith.constant 0 : i32
          %dma_wait3A_172 = arith.constant 0 : i32
          %dma_wait3A_173 = tpu.memref_slice %arg7[%dma_wait3A_171, %dma_wait3A_172] : memref<10240x128xf32, #tpu.memory_space<vmem_shared>> -> memref<10240x128xf32, #tpu.memory_space<vmem_shared>>
          tpu.wait_indirect_dma semaphore(%run_scoped3A_161 : memref<!tpu.dma_semaphore, #tpu.memory_space<semaphore_mem>>) src(%arg12 : memref<64x128xf32, #tpu.memory_space<vmem>>) dst(%dma_wait3A_173 : memref<10240x128xf32, #tpu.memory_space<vmem_shared>>)
          tpu.yield
        }) : () -> ()
        %add3A_131 = arith.constant 2 : i32
        %add3A_132 = arith.addi %add3A_80, %add3A_131 : i32
        %add3A_133 = arith.constant 4 : i32
        %add3A_134 = arith.addi %add3A_132, %add3A_133 : i32
        %dma_start3A_135 = arith.constant 0 : i32
        %dma_start3A_136 = tpu.memref_slice %arg8[%add3A_134, %dma_start3A_135] : memref<32x64xi32, #tpu.memory_space<vmem>> -> memref<1x64xi32, #tpu.memory_space<vmem>>
        %dma_start3A_137 = tpu.memref_squeeze %dma_start3A_136 : memref<1x64xi32, #tpu.memory_space<vmem>> -> memref<64xi32, #tpu.memory_space<vmem>>
        %dma_start3A_138 = arith.constant 0 : i32
        %dma_start3A_139 = arith.constant 0 : i32
        %dma_start3A_140 = tpu.memref_slice %arg2[%dma_start3A_138, %dma_start3A_139] : memref<20480x128xf32, #tpu.memory_space<hbm>> -> memref<20480x128xf32, #tpu.memory_space<hbm>>
        tpu.enqueue_indirect_dma source(%dma_start3A_140 : memref<20480x128xf32, #tpu.memory_space<hbm>>) target(%arg12 : memref<64x128xf32, #tpu.memory_space<vmem>>) offsets(%dma_start3A_137 : memref<64xi32, #tpu.memory_space<vmem>>) semaphore(%arg16 : memref<!tpu.dma_semaphore, #tpu.memory_space<semaphore_mem>>)
        %add3A_141 = arith.constant 3 : i32
        %add3A_142 = arith.addi %add3A_80, %add3A_141 : i32
        %dma_wait3A_143 = arith.constant 0 : i32
        %dma_wait3A_144 = tpu.memref_slice %arg8[%add3A_142, %dma_wait3A_143] : memref<32x64xi32, #tpu.memory_space<vmem>> -> memref<1x64xi32, #tpu.memory_space<vmem>>
        %dma_wait3A_145 = tpu.memref_squeeze %dma_wait3A_144 : memref<1x64xi32, #tpu.memory_space<vmem>> -> memref<64xi32, #tpu.memory_space<vmem>>
        %dma_wait3A_146 = arith.constant 0 : i32
        %dma_wait3A_147 = arith.constant 0 : i32
        %dma_wait3A_148 = tpu.memref_slice %arg2[%dma_wait3A_146, %dma_wait3A_147] : memref<20480x128xf32, #tpu.memory_space<hbm>> -> memref<20480x128xf32, #tpu.memory_space<hbm>>
        tpu.wait_indirect_dma semaphore(%arg17 : memref<!tpu.dma_semaphore, #tpu.memory_space<semaphore_mem>>) src(%dma_wait3A_148 : memref<20480x128xf32, #tpu.memory_space<hbm>>) dst(%arg13 : memref<64x128xf32, #tpu.memory_space<vmem>>)
        %add3A_149 = arith.constant 3 : i32
        %add3A_150 = arith.addi %add3A_80, %add3A_149 : i32
        "tpu.region"() ({
          %run_scoped3A_161 = tpu.sem_alloc : memref<!tpu.dma_semaphore, #tpu.memory_space<semaphore_mem>>
          %dma_start3A_162 = arith.constant 0 : i32
          %dma_start3A_163 = tpu.memref_slice %arg9[%add3A_150, %dma_start3A_162] : memref<32x64xi32, #tpu.memory_space<vmem>> -> memref<1x64xi32, #tpu.memory_space<vmem>>
          %dma_start3A_164 = tpu.memref_squeeze %dma_start3A_163 : memref<1x64xi32, #tpu.memory_space<vmem>> -> memref<64xi32, #tpu.memory_space<vmem>>
          %dma_start3A_165 = arith.constant 0 : i32
          %dma_start3A_166 = arith.constant 0 : i32
          %dma_start3A_167 = tpu.memref_slice %arg7[%dma_start3A_165, %dma_start3A_166] : memref<10240x128xf32, #tpu.memory_space<vmem_shared>> -> memref<10240x128xf32, #tpu.memory_space<vmem_shared>>
          tpu.enqueue_indirect_dma source(%arg13 : memref<64x128xf32, #tpu.memory_space<vmem>>) target(%dma_start3A_167 : memref<10240x128xf32, #tpu.memory_space<vmem_shared>>) offsets(%dma_start3A_164 : memref<64xi32, #tpu.memory_space<vmem>>) semaphore(%run_scoped3A_161 : memref<!tpu.dma_semaphore, #tpu.memory_space<semaphore_mem>>) {add = true}
          %dma_wait3A_168 = arith.constant 0 : i32
          %dma_wait3A_169 = tpu.memref_slice %arg9[%add3A_150, %dma_wait3A_168] : memref<32x64xi32, #tpu.memory_space<vmem>> -> memref<1x64xi32, #tpu.memory_space<vmem>>
          %dma_wait3A_170 = tpu.memref_squeeze %dma_wait3A_169 : memref<1x64xi32, #tpu.memory_space<vmem>> -> memref<64xi32, #tpu.memory_space<vmem>>
          %dma_wait3A_171 = arith.constant 0 : i32
          %dma_wait3A_172 = arith.constant 0 : i32
          %dma_wait3A_173 = tpu.memref_slice %arg7[%dma_wait3A_171, %dma_wait3A_172] : memref<10240x128xf32, #tpu.memory_space<vmem_shared>> -> memref<10240x128xf32, #tpu.memory_space<vmem_shared>>
          tpu.wait_indirect_dma semaphore(%run_scoped3A_161 : memref<!tpu.dma_semaphore, #tpu.memory_space<semaphore_mem>>) src(%arg13 : memref<64x128xf32, #tpu.memory_space<vmem>>) dst(%dma_wait3A_173 : memref<10240x128xf32, #tpu.memory_space<vmem_shared>>)
          tpu.yield
        }) : () -> ()
        %add3A_151 = arith.constant 3 : i32
        %add3A_152 = arith.addi %add3A_80, %add3A_151 : i32
        %add3A_153 = arith.constant 4 : i32
        %add3A_154 = arith.addi %add3A_152, %add3A_153 : i32
        %dma_start3A_155 = arith.constant 0 : i32
        %dma_start3A_156 = tpu.memref_slice %arg8[%add3A_154, %dma_start3A_155] : memref<32x64xi32, #tpu.memory_space<vmem>> -> memref<1x64xi32, #tpu.memory_space<vmem>>
        %dma_start3A_157 = tpu.memref_squeeze %dma_start3A_156 : memref<1x64xi32, #tpu.memory_space<vmem>> -> memref<64xi32, #tpu.memory_space<vmem>>
        %dma_start3A_158 = arith.constant 0 : i32
        %dma_start3A_159 = arith.constant 0 : i32
        %dma_start3A_160 = tpu.memref_slice %arg2[%dma_start3A_158, %dma_start3A_159] : memref<20480x128xf32, #tpu.memory_space<hbm>> -> memref<20480x128xf32, #tpu.memory_space<hbm>>
        tpu.enqueue_indirect_dma source(%dma_start3A_160 : memref<20480x128xf32, #tpu.memory_space<hbm>>) target(%arg13 : memref<64x128xf32, #tpu.memory_space<vmem>>) offsets(%dma_start3A_157 : memref<64xi32, #tpu.memory_space<vmem>>) semaphore(%arg17 : memref<!tpu.dma_semaphore, #tpu.memory_space<semaphore_mem>>)
      }
      %scan3A_45 = arith.constant 7 : i32
      %dma_wait3A = arith.constant 28 : i32
      %dma_wait3A_46 = arith.constant 0 : i32
      %dma_wait3A_47 = tpu.memref_slice %arg8[%dma_wait3A, %dma_wait3A_46] : memref<32x64xi32, #tpu.memory_space<vmem>> -> memref<1x64xi32, #tpu.memory_space<vmem>>
      %dma_wait3A_48 = tpu.memref_squeeze %dma_wait3A_47 : memref<1x64xi32, #tpu.memory_space<vmem>> -> memref<64xi32, #tpu.memory_space<vmem>>
      %dma_wait3A_49 = arith.constant 0 : i32
      %dma_wait3A_50 = arith.constant 0 : i32
      %dma_wait3A_51 = tpu.memref_slice %arg2[%dma_wait3A_49, %dma_wait3A_50] : memref<20480x128xf32, #tpu.memory_space<hbm>> -> memref<20480x128xf32, #tpu.memory_space<hbm>>
      tpu.wait_indirect_dma semaphore(%arg14 : memref<!tpu.dma_semaphore, #tpu.memory_space<semaphore_mem>>) src(%dma_wait3A_51 : memref<20480x128xf32, #tpu.memory_space<hbm>>) dst(%arg10 : memref<64x128xf32, #tpu.memory_space<vmem>>)
      %run_scoped3A = arith.constant 28 : i32
      "tpu.region"() ({
        %run_scoped3A_76 = tpu.sem_alloc : memref<!tpu.dma_semaphore, #tpu.memory_space<semaphore_mem>>
        %dma_start3A_77 = arith.constant 0 : i32
        %dma_start3A_78 = tpu.memref_slice %arg9[%run_scoped3A, %dma_start3A_77] : memref<32x64xi32, #tpu.memory_space<vmem>> -> memref<1x64xi32, #tpu.memory_space<vmem>>
        %dma_start3A_79 = tpu.memref_squeeze %dma_start3A_78 : memref<1x64xi32, #tpu.memory_space<vmem>> -> memref<64xi32, #tpu.memory_space<vmem>>
        %dma_start3A_80 = arith.constant 0 : i32
        %dma_start3A_81 = arith.constant 0 : i32
        %dma_start3A_82 = tpu.memref_slice %arg7[%dma_start3A_80, %dma_start3A_81] : memref<10240x128xf32, #tpu.memory_space<vmem_shared>> -> memref<10240x128xf32, #tpu.memory_space<vmem_shared>>
        tpu.enqueue_indirect_dma source(%arg10 : memref<64x128xf32, #tpu.memory_space<vmem>>) target(%dma_start3A_82 : memref<10240x128xf32, #tpu.memory_space<vmem_shared>>) offsets(%dma_start3A_79 : memref<64xi32, #tpu.memory_space<vmem>>) semaphore(%run_scoped3A_76 : memref<!tpu.dma_semaphore, #tpu.memory_space<semaphore_mem>>) {add = true}
        %dma_wait3A_83 = arith.constant 0 : i32
        %dma_wait3A_84 = tpu.memref_slice %arg9[%run_scoped3A, %dma_wait3A_83] : memref<32x64xi32, #tpu.memory_space<vmem>> -> memref<1x64xi32, #tpu.memory_space<vmem>>
        %dma_wait3A_85 = tpu.memref_squeeze %dma_wait3A_84 : memref<1x64xi32, #tpu.memory_space<vmem>> -> memref<64xi32, #tpu.memory_space<vmem>>
        %dma_wait3A_86 = arith.constant 0 : i32
        %dma_wait3A_87 = arith.constant 0 : i32
        %dma_wait3A_88 = tpu.memref_slice %arg7[%dma_wait3A_86, %dma_wait3A_87] : memref<10240x128xf32, #tpu.memory_space<vmem_shared>> -> memref<10240x128xf32, #tpu.memory_space<vmem_shared>>
        tpu.wait_indirect_dma semaphore(%run_scoped3A_76 : memref<!tpu.dma_semaphore, #tpu.memory_space<semaphore_mem>>) src(%arg10 : memref<64x128xf32, #tpu.memory_space<vmem>>) dst(%dma_wait3A_88 : memref<10240x128xf32, #tpu.memory_space<vmem_shared>>)
        tpu.yield
      }) : () -> ()
      %dma_wait3A_52 = arith.constant 29 : i32
      %dma_wait3A_53 = arith.constant 0 : i32
      %dma_wait3A_54 = tpu.memref_slice %arg8[%dma_wait3A_52, %dma_wait3A_53] : memref<32x64xi32, #tpu.memory_space<vmem>> -> memref<1x64xi32, #tpu.memory_space<vmem>>
      %dma_wait3A_55 = tpu.memref_squeeze %dma_wait3A_54 : memref<1x64xi32, #tpu.memory_space<vmem>> -> memref<64xi32, #tpu.memory_space<vmem>>
      %dma_wait3A_56 = arith.constant 0 : i32
      %dma_wait3A_57 = arith.constant 0 : i32
      %dma_wait3A_58 = tpu.memref_slice %arg2[%dma_wait3A_56, %dma_wait3A_57] : memref<20480x128xf32, #tpu.memory_space<hbm>> -> memref<20480x128xf32, #tpu.memory_space<hbm>>
      tpu.wait_indirect_dma semaphore(%arg15 : memref<!tpu.dma_semaphore, #tpu.memory_space<semaphore_mem>>) src(%dma_wait3A_58 : memref<20480x128xf32, #tpu.memory_space<hbm>>) dst(%arg11 : memref<64x128xf32, #tpu.memory_space<vmem>>)
      %run_scoped3A_59 = arith.constant 29 : i32
      "tpu.region"() ({
        %run_scoped3A_76 = tpu.sem_alloc : memref<!tpu.dma_semaphore, #tpu.memory_space<semaphore_mem>>
        %dma_start3A_77 = arith.constant 0 : i32
        %dma_start3A_78 = tpu.memref_slice %arg9[%run_scoped3A_59, %dma_start3A_77] : memref<32x64xi32, #tpu.memory_space<vmem>> -> memref<1x64xi32, #tpu.memory_space<vmem>>
        %dma_start3A_79 = tpu.memref_squeeze %dma_start3A_78 : memref<1x64xi32, #tpu.memory_space<vmem>> -> memref<64xi32, #tpu.memory_space<vmem>>
        %dma_start3A_80 = arith.constant 0 : i32
        %dma_start3A_81 = arith.constant 0 : i32
        %dma_start3A_82 = tpu.memref_slice %arg7[%dma_start3A_80, %dma_start3A_81] : memref<10240x128xf32, #tpu.memory_space<vmem_shared>> -> memref<10240x128xf32, #tpu.memory_space<vmem_shared>>
        tpu.enqueue_indirect_dma source(%arg11 : memref<64x128xf32, #tpu.memory_space<vmem>>) target(%dma_start3A_82 : memref<10240x128xf32, #tpu.memory_space<vmem_shared>>) offsets(%dma_start3A_79 : memref<64xi32, #tpu.memory_space<vmem>>) semaphore(%run_scoped3A_76 : memref<!tpu.dma_semaphore, #tpu.memory_space<semaphore_mem>>) {add = true}
        %dma_wait3A_83 = arith.constant 0 : i32
        %dma_wait3A_84 = tpu.memref_slice %arg9[%run_scoped3A_59, %dma_wait3A_83] : memref<32x64xi32, #tpu.memory_space<vmem>> -> memref<1x64xi32, #tpu.memory_space<vmem>>
        %dma_wait3A_85 = tpu.memref_squeeze %dma_wait3A_84 : memref<1x64xi32, #tpu.memory_space<vmem>> -> memref<64xi32, #tpu.memory_space<vmem>>
        %dma_wait3A_86 = arith.constant 0 : i32
        %dma_wait3A_87 = arith.constant 0 : i32
        %dma_wait3A_88 = tpu.memref_slice %arg7[%dma_wait3A_86, %dma_wait3A_87] : memref<10240x128xf32, #tpu.memory_space<vmem_shared>> -> memref<10240x128xf32, #tpu.memory_space<vmem_shared>>
        tpu.wait_indirect_dma semaphore(%run_scoped3A_76 : memref<!tpu.dma_semaphore, #tpu.memory_space<semaphore_mem>>) src(%arg11 : memref<64x128xf32, #tpu.memory_space<vmem>>) dst(%dma_wait3A_88 : memref<10240x128xf32, #tpu.memory_space<vmem_shared>>)
        tpu.yield
      }) : () -> ()
      %dma_wait3A_60 = arith.constant 30 : i32
      %dma_wait3A_61 = arith.constant 0 : i32
      %dma_wait3A_62 = tpu.memref_slice %arg8[%dma_wait3A_60, %dma_wait3A_61] : memref<32x64xi32, #tpu.memory_space<vmem>> -> memref<1x64xi32, #tpu.memory_space<vmem>>
      %dma_wait3A_63 = tpu.memref_squeeze %dma_wait3A_62 : memref<1x64xi32, #tpu.memory_space<vmem>> -> memref<64xi32, #tpu.memory_space<vmem>>
      %dma_wait3A_64 = arith.constant 0 : i32
      %dma_wait3A_65 = arith.constant 0 : i32
      %dma_wait3A_66 = tpu.memref_slice %arg2[%dma_wait3A_64, %dma_wait3A_65] : memref<20480x128xf32, #tpu.memory_space<hbm>> -> memref<20480x128xf32, #tpu.memory_space<hbm>>
      tpu.wait_indirect_dma semaphore(%arg16 : memref<!tpu.dma_semaphore, #tpu.memory_space<semaphore_mem>>) src(%dma_wait3A_66 : memref<20480x128xf32, #tpu.memory_space<hbm>>) dst(%arg12 : memref<64x128xf32, #tpu.memory_space<vmem>>)
      %run_scoped3A_67 = arith.constant 30 : i32
      "tpu.region"() ({
        %run_scoped3A_76 = tpu.sem_alloc : memref<!tpu.dma_semaphore, #tpu.memory_space<semaphore_mem>>
        %dma_start3A_77 = arith.constant 0 : i32
        %dma_start3A_78 = tpu.memref_slice %arg9[%run_scoped3A_67, %dma_start3A_77] : memref<32x64xi32, #tpu.memory_space<vmem>> -> memref<1x64xi32, #tpu.memory_space<vmem>>
        %dma_start3A_79 = tpu.memref_squeeze %dma_start3A_78 : memref<1x64xi32, #tpu.memory_space<vmem>> -> memref<64xi32, #tpu.memory_space<vmem>>
        %dma_start3A_80 = arith.constant 0 : i32
        %dma_start3A_81 = arith.constant 0 : i32
        %dma_start3A_82 = tpu.memref_slice %arg7[%dma_start3A_80, %dma_start3A_81] : memref<10240x128xf32, #tpu.memory_space<vmem_shared>> -> memref<10240x128xf32, #tpu.memory_space<vmem_shared>>
        tpu.enqueue_indirect_dma source(%arg12 : memref<64x128xf32, #tpu.memory_space<vmem>>) target(%dma_start3A_82 : memref<10240x128xf32, #tpu.memory_space<vmem_shared>>) offsets(%dma_start3A_79 : memref<64xi32, #tpu.memory_space<vmem>>) semaphore(%run_scoped3A_76 : memref<!tpu.dma_semaphore, #tpu.memory_space<semaphore_mem>>) {add = true}
        %dma_wait3A_83 = arith.constant 0 : i32
        %dma_wait3A_84 = tpu.memref_slice %arg9[%run_scoped3A_67, %dma_wait3A_83] : memref<32x64xi32, #tpu.memory_space<vmem>> -> memref<1x64xi32, #tpu.memory_space<vmem>>
        %dma_wait3A_85 = tpu.memref_squeeze %dma_wait3A_84 : memref<1x64xi32, #tpu.memory_space<vmem>> -> memref<64xi32, #tpu.memory_space<vmem>>
        %dma_wait3A_86 = arith.constant 0 : i32
        %dma_wait3A_87 = arith.constant 0 : i32
        %dma_wait3A_88 = tpu.memref_slice %arg7[%dma_wait3A_86, %dma_wait3A_87] : memref<10240x128xf32, #tpu.memory_space<vmem_shared>> -> memref<10240x128xf32, #tpu.memory_space<vmem_shared>>
        tpu.wait_indirect_dma semaphore(%run_scoped3A_76 : memref<!tpu.dma_semaphore, #tpu.memory_space<semaphore_mem>>) src(%arg12 : memref<64x128xf32, #tpu.memory_space<vmem>>) dst(%dma_wait3A_88 : memref<10240x128xf32, #tpu.memory_space<vmem_shared>>)
        tpu.yield
      }) : () -> ()
      %dma_wait3A_68 = arith.constant 31 : i32
      %dma_wait3A_69 = arith.constant 0 : i32
      %dma_wait3A_70 = tpu.memref_slice %arg8[%dma_wait3A_68, %dma_wait3A_69] : memref<32x64xi32, #tpu.memory_space<vmem>> -> memref<1x64xi32, #tpu.memory_space<vmem>>
      %dma_wait3A_71 = tpu.memref_squeeze %dma_wait3A_70 : memref<1x64xi32, #tpu.memory_space<vmem>> -> memref<64xi32, #tpu.memory_space<vmem>>
      %dma_wait3A_72 = arith.constant 0 : i32
      %dma_wait3A_73 = arith.constant 0 : i32
      %dma_wait3A_74 = tpu.memref_slice %arg2[%dma_wait3A_72, %dma_wait3A_73] : memref<20480x128xf32, #tpu.memory_space<hbm>> -> memref<20480x128xf32, #tpu.memory_space<hbm>>
      tpu.wait_indirect_dma semaphore(%arg17 : memref<!tpu.dma_semaphore, #tpu.memory_space<semaphore_mem>>) src(%dma_wait3A_74 : memref<20480x128xf32, #tpu.memory_space<hbm>>) dst(%arg13 : memref<64x128xf32, #tpu.memory_space<vmem>>)
      %run_scoped3A_75 = arith.constant 31 : i32
      "tpu.region"() ({
        %run_scoped3A_76 = tpu.sem_alloc : memref<!tpu.dma_semaphore, #tpu.memory_space<semaphore_mem>>
        %dma_start3A_77 = arith.constant 0 : i32
        %dma_start3A_78 = tpu.memref_slice %arg9[%run_scoped3A_75, %dma_start3A_77] : memref<32x64xi32, #tpu.memory_space<vmem>> -> memref<1x64xi32, #tpu.memory_space<vmem>>
        %dma_start3A_79 = tpu.memref_squeeze %dma_start3A_78 : memref<1x64xi32, #tpu.memory_space<vmem>> -> memref<64xi32, #tpu.memory_space<vmem>>
        %dma_start3A_80 = arith.constant 0 : i32
        %dma_start3A_81 = arith.constant 0 : i32
        %dma_start3A_82 = tpu.memref_slice %arg7[%dma_start3A_80, %dma_start3A_81] : memref<10240x128xf32, #tpu.memory_space<vmem_shared>> -> memref<10240x128xf32, #tpu.memory_space<vmem_shared>>
        tpu.enqueue_indirect_dma source(%arg13 : memref<64x128xf32, #tpu.memory_space<vmem>>) target(%dma_start3A_82 : memref<10240x128xf32, #tpu.memory_space<vmem_shared>>) offsets(%dma_start3A_79 : memref<64xi32, #tpu.memory_space<vmem>>) semaphore(%run_scoped3A_76 : memref<!tpu.dma_semaphore, #tpu.memory_space<semaphore_mem>>) {add = true}
        %dma_wait3A_83 = arith.constant 0 : i32
        %dma_wait3A_84 = tpu.memref_slice %arg9[%run_scoped3A_75, %dma_wait3A_83] : memref<32x64xi32, #tpu.memory_space<vmem>> -> memref<1x64xi32, #tpu.memory_space<vmem>>
        %dma_wait3A_85 = tpu.memref_squeeze %dma_wait3A_84 : memref<1x64xi32, #tpu.memory_space<vmem>> -> memref<64xi32, #tpu.memory_space<vmem>>
        %dma_wait3A_86 = arith.constant 0 : i32
        %dma_wait3A_87 = arith.constant 0 : i32
        %dma_wait3A_88 = tpu.memref_slice %arg7[%dma_wait3A_86, %dma_wait3A_87] : memref<10240x128xf32, #tpu.memory_space<vmem_shared>> -> memref<10240x128xf32, #tpu.memory_space<vmem_shared>>
        tpu.wait_indirect_dma semaphore(%run_scoped3A_76 : memref<!tpu.dma_semaphore, #tpu.memory_space<semaphore_mem>>) src(%arg13 : memref<64x128xf32, #tpu.memory_space<vmem>>) dst(%dma_wait3A_88 : memref<10240x128xf32, #tpu.memory_space<vmem_shared>>)
        tpu.yield
      }) : () -> ()
    }
    %scan3A_4 = arith.constant 10 : i32
    %barrier3A_5 = arith.constant 0 : index
    tpu.barrier barrier_id(%barrier3A_5)
    "tpu.region"() ({
      %run_scoped3A = tpu.sem_alloc : memref<!tpu.dma_semaphore, #tpu.memory_space<semaphore_mem>>
      %dma_start3A = arith.constant 0 : i32
      %dma_start3A_6 = tpu.memref_slice %arg6[%arg0, %mul3A_0, %dma_start3A] : memref<2x10240x128xf32, #tpu.memory_space<hbm>> -> memref<1x640x128xf32, #tpu.memory_space<hbm>>
      %dma_start3A_7 = tpu.memref_squeeze %dma_start3A_6 : memref<1x640x128xf32, #tpu.memory_space<hbm>> -> memref<640x128xf32, #tpu.memory_space<hbm>>
      %dma_start3A_8 = arith.constant 0 : i32
      %dma_start3A_9 = tpu.memref_slice %arg7[%mul3A_0, %dma_start3A_8] : memref<10240x128xf32, #tpu.memory_space<vmem_shared>> -> memref<640x128xf32, #tpu.memory_space<vmem_shared>>
      tpu.enqueue_dma source(%dma_start3A_9 : memref<640x128xf32, #tpu.memory_space<vmem_shared>>) target(%dma_start3A_7 : memref<640x128xf32, #tpu.memory_space<hbm>>) target_semaphore(%run_scoped3A : memref<!tpu.dma_semaphore, #tpu.memory_space<semaphore_mem>>)
      %dma_wait3A = arith.constant 0 : i32
      %dma_wait3A_10 = tpu.memref_slice %arg6[%arg0, %mul3A_0, %dma_wait3A] : memref<2x10240x128xf32, #tpu.memory_space<hbm>> -> memref<1x640x128xf32, #tpu.memory_space<hbm>>
      %dma_wait3A_11 = tpu.memref_squeeze %dma_wait3A_10 : memref<1x640x128xf32, #tpu.memory_space<hbm>> -> memref<640x128xf32, #tpu.memory_space<hbm>>
      %dma_wait3A_12 = arith.constant 0 : i32
      %dma_wait3A_13 = tpu.memref_slice %arg7[%mul3A_0, %dma_wait3A_12] : memref<10240x128xf32, #tpu.memory_space<vmem_shared>> -> memref<640x128xf32, #tpu.memory_space<vmem_shared>>
      tpu.wait_dma2 semaphore(%run_scoped3A : memref<!tpu.dma_semaphore, #tpu.memory_space<semaphore_mem>>) src(%dma_wait3A_13 : memref<640x128xf32, #tpu.memory_space<vmem_shared>>) dst(%dma_wait3A_11 : memref<640x128xf32, #tpu.memory_space<hbm>>)
      tpu.yield
    }) : () -> ()
    return
  }
}

#map = affine_map<(d0, d1) -> (0, 0)>
#map1 = affine_map<(d0, d1) -> (0, 0, 0, 0)>
#map2 = affine_map<(d0, d1) -> (0, 0, 0)>
module attributes {stable_mosaic.version = 14 : i64} {
  func.func @sc_appnp(%arg0: i32, %arg1: i32, %arg2: memref<20480x128xf32, #tpu.memory_space<hbm>>, %arg3: memref<2x16x320x64xi32, #tpu.memory_space<hbm>>, %arg4: memref<2x16x320x64xi32, #tpu.memory_space<hbm>>, %arg5: memref<10240x128xf32, #tpu.memory_space<hbm>>, %arg6: memref<2x10240x128xf32, #tpu.memory_space<hbm>>, %arg7: memref<10240x128xf32, #tpu.memory_space<vmem_shared>>, %arg8: memref<32x64xi32, #tpu.memory_space<vmem>>, %arg9: memref<32x64xi32, #tpu.memory_space<vmem>>, %arg10: memref<64x128xf32, #tpu.memory_space<vmem>>, %arg11: memref<64x128xf32, #tpu.memory_space<vmem>>, %arg12: memref<64x128xf32, #tpu.memory_space<vmem>>, %arg13: memref<64x128xf32, #tpu.memory_space<vmem>>, %arg14: memref<!tpu.dma_semaphore, #tpu.memory_space<semaphore_mem>>, %arg15: memref<!tpu.dma_semaphore, #tpu.memory_space<semaphore_mem>>, %arg16: memref<!tpu.dma_semaphore, #tpu.memory_space<semaphore_mem>>, %arg17: memref<!tpu.dma_semaphore, #tpu.memory_space<semaphore_mem>>) attributes {dimension_semantics = [#tpu.dimension_semantics<core_parallel>, #tpu.dimension_semantics<subcore_parallel>], iteration_bounds = array<i64: 2, 16>, scalar_prefetch = 0 : i64, scratch_operands = 11 : i64, tpu.core_type = #tpu.core_type<sc_vector_subcore>, window_params = [{transform_indices = #map}, {transform_indices = #map1}, {transform_indices = #map1}, {transform_indices = #map}, {transform_indices = #map2}]} {
    %mul3A = arith.constant 640 : i32
    %mul3A_0 = arith.muli %arg1, %mul3A : i32
    "tpu.region"() ({
      %run_scoped3A = tpu.sem_alloc : memref<!tpu.dma_semaphore, #tpu.memory_space<semaphore_mem>>
      %dma_start3A = arith.constant 0 : i32
      %dma_start3A_6 = tpu.memref_slice %arg7[%mul3A_0, %dma_start3A] : memref<10240x128xf32, #tpu.memory_space<vmem_shared>> -> memref<640x128xf32, #tpu.memory_space<vmem_shared>>
      %dma_start3A_7 = arith.constant 0 : i32
      %dma_start3A_8 = tpu.memref_slice %arg5[%mul3A_0, %dma_start3A_7] : memref<10240x128xf32, #tpu.memory_space<hbm>> -> memref<640x128xf32, #tpu.memory_space<hbm>>
      tpu.enqueue_dma source(%dma_start3A_8 : memref<640x128xf32, #tpu.memory_space<hbm>>) target(%dma_start3A_6 : memref<640x128xf32, #tpu.memory_space<vmem_shared>>) target_semaphore(%run_scoped3A : memref<!tpu.dma_semaphore, #tpu.memory_space<semaphore_mem>>)
      %dma_wait3A = arith.constant 0 : i32
      %dma_wait3A_9 = tpu.memref_slice %arg7[%mul3A_0, %dma_wait3A] : memref<10240x128xf32, #tpu.memory_space<vmem_shared>> -> memref<640x128xf32, #tpu.memory_space<vmem_shared>>
      %dma_wait3A_10 = arith.constant 0 : i32
      %dma_wait3A_11 = tpu.memref_slice %arg5[%mul3A_0, %dma_wait3A_10] : memref<10240x128xf32, #tpu.memory_space<hbm>> -> memref<640x128xf32, #tpu.memory_space<hbm>>
      tpu.wait_dma2 semaphore(%run_scoped3A : memref<!tpu.dma_semaphore, #tpu.memory_space<semaphore_mem>>) src(%dma_wait3A_11 : memref<640x128xf32, #tpu.memory_space<hbm>>) dst(%dma_wait3A_9 : memref<640x128xf32, #tpu.memory_space<vmem_shared>>)
      tpu.yield
    }) : () -> ()
    %barrier3A = arith.constant 0 : index
    tpu.barrier barrier_id(%barrier3A)
    %scan3A = arith.constant 0 : i32
    %scan3A_1 = arith.constant 10 : i32
    %scan3A_2 = arith.addi %scan3A, %scan3A_1 : i32
    %scan3A_3 = arith.constant 1 : i32
    scf.for %scan3A_6 = %scan3A to %scan3A_2 step %scan3A_3  : i32 {
      %mul3A_7 = arith.constant 1 : i32
      %mul3A_8 = arith.muli %scan3A_6, %mul3A_7 : i32
      %add3A = arith.constant 0 : i32
      %add3A_9 = arith.addi %add3A, %mul3A_8 : i32
      %mul3A_10 = arith.constant 32 : i32
      %mul3A_11 = arith.muli %add3A_9, %mul3A_10 : i32
      "tpu.region"() ({
        %run_scoped3A_76 = tpu.sem_alloc : memref<!tpu.dma_semaphore, #tpu.memory_space<semaphore_mem>>
        %dma_start3A_77 = arith.constant 0 : i32
        %dma_start3A_78 = tpu.memref_slice %arg3[%arg0, %arg1, %mul3A_11, %dma_start3A_77] : memref<2x16x320x64xi32, #tpu.memory_space<hbm>> -> memref<1x1x32x64xi32, #tpu.memory_space<hbm>>
        %dma_start3A_79 = tpu.memref_squeeze %dma_start3A_78 : memref<1x1x32x64xi32, #tpu.memory_space<hbm>> -> memref<32x64xi32, #tpu.memory_space<hbm>>
        %dma_start3A_80 = arith.constant 0 : i32
        %dma_start3A_81 = tpu.memref_slice %arg3[%arg0, %arg1, %mul3A_11, %dma_start3A_80] : memref<2x16x320x64xi32, #tpu.memory_space<hbm>> -> memref<1x1x32x64xi32, #tpu.memory_space<hbm>>
        %dma_start3A_82 = tpu.memref_squeeze %dma_start3A_81 : memref<1x1x32x64xi32, #tpu.memory_space<hbm>> -> memref<32x64xi32, #tpu.memory_space<hbm>>
        tpu.enqueue_dma source(%dma_start3A_82 : memref<32x64xi32, #tpu.memory_space<hbm>>) target(%arg8 : memref<32x64xi32, #tpu.memory_space<vmem>>) target_semaphore(%run_scoped3A_76 : memref<!tpu.dma_semaphore, #tpu.memory_space<semaphore_mem>>)
        %dma_wait3A_83 = arith.constant 0 : i32
        %dma_wait3A_84 = tpu.memref_slice %arg3[%arg0, %arg1, %mul3A_11, %dma_wait3A_83] : memref<2x16x320x64xi32, #tpu.memory_space<hbm>> -> memref<1x1x32x64xi32, #tpu.memory_space<hbm>>
        %dma_wait3A_85 = tpu.memref_squeeze %dma_wait3A_84 : memref<1x1x32x64xi32, #tpu.memory_space<hbm>> -> memref<32x64xi32, #tpu.memory_space<hbm>>
        %dma_wait3A_86 = arith.constant 0 : i32
        %dma_wait3A_87 = tpu.memref_slice %arg3[%arg0, %arg1, %mul3A_11, %dma_wait3A_86] : memref<2x16x320x64xi32, #tpu.memory_space<hbm>> -> memref<1x1x32x64xi32, #tpu.memory_space<hbm>>
        %dma_wait3A_88 = tpu.memref_squeeze %dma_wait3A_87 : memref<1x1x32x64xi32, #tpu.memory_space<hbm>> -> memref<32x64xi32, #tpu.memory_space<hbm>>
        tpu.wait_dma2 semaphore(%run_scoped3A_76 : memref<!tpu.dma_semaphore, #tpu.memory_space<semaphore_mem>>) src(%dma_wait3A_88 : memref<32x64xi32, #tpu.memory_space<hbm>>) dst(%arg8 : memref<32x64xi32, #tpu.memory_space<vmem>>)
        tpu.yield
      }) : () -> ()
      %mul3A_12 = arith.constant 32 : i32
      %mul3A_13 = arith.muli %add3A_9, %mul3A_12 : i32
      "tpu.region"() ({
        %run_scoped3A_76 = tpu.sem_alloc : memref<!tpu.dma_semaphore, #tpu.memory_space<semaphore_mem>>
        %dma_start3A_77 = arith.constant 0 : i32
        %dma_start3A_78 = tpu.memref_slice %arg4[%arg0, %arg1, %mul3A_13, %dma_start3A_77] : memref<2x16x320x64xi32, #tpu.memory_space<hbm>> -> memref<1x1x32x64xi32, #tpu.memory_space<hbm>>
        %dma_start3A_79 = tpu.memref_squeeze %dma_start3A_78 : memref<1x1x32x64xi32, #tpu.memory_space<hbm>> -> memref<32x64xi32, #tpu.memory_space<hbm>>
        %dma_start3A_80 = arith.constant 0 : i32
        %dma_start3A_81 = tpu.memref_slice %arg4[%arg0, %arg1, %mul3A_13, %dma_start3A_80] : memref<2x16x320x64xi32, #tpu.memory_space<hbm>> -> memref<1x1x32x64xi32, #tpu.memory_space<hbm>>
        %dma_start3A_82 = tpu.memref_squeeze %dma_start3A_81 : memref<1x1x32x64xi32, #tpu.memory_space<hbm>> -> memref<32x64xi32, #tpu.memory_space<hbm>>
        tpu.enqueue_dma source(%dma_start3A_82 : memref<32x64xi32, #tpu.memory_space<hbm>>) target(%arg9 : memref<32x64xi32, #tpu.memory_space<vmem>>) target_semaphore(%run_scoped3A_76 : memref<!tpu.dma_semaphore, #tpu.memory_space<semaphore_mem>>)
        %dma_wait3A_83 = arith.constant 0 : i32
        %dma_wait3A_84 = tpu.memref_slice %arg4[%arg0, %arg1, %mul3A_13, %dma_wait3A_83] : memref<2x16x320x64xi32, #tpu.memory_space<hbm>> -> memref<1x1x32x64xi32, #tpu.memory_space<hbm>>
        %dma_wait3A_85 = tpu.memref_squeeze %dma_wait3A_84 : memref<1x1x32x64xi32, #tpu.memory_space<hbm>> -> memref<32x64xi32, #tpu.memory_space<hbm>>
        %dma_wait3A_86 = arith.constant 0 : i32
        %dma_wait3A_87 = tpu.memref_slice %arg4[%arg0, %arg1, %mul3A_13, %dma_wait3A_86] : memref<2x16x320x64xi32, #tpu.memory_space<hbm>> -> memref<1x1x32x64xi32, #tpu.memory_space<hbm>>
        %dma_wait3A_88 = tpu.memref_squeeze %dma_wait3A_87 : memref<1x1x32x64xi32, #tpu.memory_space<hbm>> -> memref<32x64xi32, #tpu.memory_space<hbm>>
        tpu.wait_dma2 semaphore(%run_scoped3A_76 : memref<!tpu.dma_semaphore, #tpu.memory_space<semaphore_mem>>) src(%dma_wait3A_88 : memref<32x64xi32, #tpu.memory_space<hbm>>) dst(%arg9 : memref<32x64xi32, #tpu.memory_space<vmem>>)
        tpu.yield
      }) : () -> ()
      %dma_start3A = arith.constant 0 : i32
      %dma_start3A_14 = arith.constant 0 : i32
      %dma_start3A_15 = tpu.memref_slice %arg8[%dma_start3A, %dma_start3A_14] : memref<32x64xi32, #tpu.memory_space<vmem>> -> memref<1x64xi32, #tpu.memory_space<vmem>>
      %dma_start3A_16 = tpu.memref_squeeze %dma_start3A_15 : memref<1x64xi32, #tpu.memory_space<vmem>> -> memref<64xi32, #tpu.memory_space<vmem>>
      %dma_start3A_17 = arith.constant 0 : i32
      %dma_start3A_18 = arith.constant 0 : i32
      %dma_start3A_19 = tpu.memref_slice %arg2[%dma_start3A_17, %dma_start3A_18] : memref<20480x128xf32, #tpu.memory_space<hbm>> -> memref<20480x128xf32, #tpu.memory_space<hbm>>
      tpu.enqueue_indirect_dma source(%dma_start3A_19 : memref<20480x128xf32, #tpu.memory_space<hbm>>) target(%arg10 : memref<64x128xf32, #tpu.memory_space<vmem>>) offsets(%dma_start3A_16 : memref<64xi32, #tpu.memory_space<vmem>>) semaphore(%arg14 : memref<!tpu.dma_semaphore, #tpu.memory_space<semaphore_mem>>)
      %dma_start3A_20 = arith.constant 1 : i32
      %dma_start3A_21 = arith.constant 0 : i32
      %dma_start3A_22 = tpu.memref_slice %arg8[%dma_start3A_20, %dma_start3A_21] : memref<32x64xi32, #tpu.memory_space<vmem>> -> memref<1x64xi32, #tpu.memory_space<vmem>>
      %dma_start3A_23 = tpu.memref_squeeze %dma_start3A_22 : memref<1x64xi32, #tpu.memory_space<vmem>> -> memref<64xi32, #tpu.memory_space<vmem>>
      %dma_start3A_24 = arith.constant 0 : i32
      %dma_start3A_25 = arith.constant 0 : i32
      %dma_start3A_26 = tpu.memref_slice %arg2[%dma_start3A_24, %dma_start3A_25] : memref<20480x128xf32, #tpu.memory_space<hbm>> -> memref<20480x128xf32, #tpu.memory_space<hbm>>
      tpu.enqueue_indirect_dma source(%dma_start3A_26 : memref<20480x128xf32, #tpu.memory_space<hbm>>) target(%arg11 : memref<64x128xf32, #tpu.memory_space<vmem>>) offsets(%dma_start3A_23 : memref<64xi32, #tpu.memory_space<vmem>>) semaphore(%arg15 : memref<!tpu.dma_semaphore, #tpu.memory_space<semaphore_mem>>)
      %dma_start3A_27 = arith.constant 2 : i32
      %dma_start3A_28 = arith.constant 0 : i32
      %dma_start3A_29 = tpu.memref_slice %arg8[%dma_start3A_27, %dma_start3A_28] : memref<32x64xi32, #tpu.memory_space<vmem>> -> memref<1x64xi32, #tpu.memory_space<vmem>>
      %dma_start3A_30 = tpu.memref_squeeze %dma_start3A_29 : memref<1x64xi32, #tpu.memory_space<vmem>> -> memref<64xi32, #tpu.memory_space<vmem>>
      %dma_start3A_31 = arith.constant 0 : i32
      %dma_start3A_32 = arith.constant 0 : i32
      %dma_start3A_33 = tpu.memref_slice %arg2[%dma_start3A_31, %dma_start3A_32] : memref<20480x128xf32, #tpu.memory_space<hbm>> -> memref<20480x128xf32, #tpu.memory_space<hbm>>
      tpu.enqueue_indirect_dma source(%dma_start3A_33 : memref<20480x128xf32, #tpu.memory_space<hbm>>) target(%arg12 : memref<64x128xf32, #tpu.memory_space<vmem>>) offsets(%dma_start3A_30 : memref<64xi32, #tpu.memory_space<vmem>>) semaphore(%arg16 : memref<!tpu.dma_semaphore, #tpu.memory_space<semaphore_mem>>)
      %dma_start3A_34 = arith.constant 3 : i32
      %dma_start3A_35 = arith.constant 0 : i32
      %dma_start3A_36 = tpu.memref_slice %arg8[%dma_start3A_34, %dma_start3A_35] : memref<32x64xi32, #tpu.memory_space<vmem>> -> memref<1x64xi32, #tpu.memory_space<vmem>>
      %dma_start3A_37 = tpu.memref_squeeze %dma_start3A_36 : memref<1x64xi32, #tpu.memory_space<vmem>> -> memref<64xi32, #tpu.memory_space<vmem>>
      %dma_start3A_38 = arith.constant 0 : i32
      %dma_start3A_39 = arith.constant 0 : i32
      %dma_start3A_40 = tpu.memref_slice %arg2[%dma_start3A_38, %dma_start3A_39] : memref<20480x128xf32, #tpu.memory_space<hbm>> -> memref<20480x128xf32, #tpu.memory_space<hbm>>
      tpu.enqueue_indirect_dma source(%dma_start3A_40 : memref<20480x128xf32, #tpu.memory_space<hbm>>) target(%arg13 : memref<64x128xf32, #tpu.memory_space<vmem>>) offsets(%dma_start3A_37 : memref<64xi32, #tpu.memory_space<vmem>>) semaphore(%arg17 : memref<!tpu.dma_semaphore, #tpu.memory_space<semaphore_mem>>)
      %scan3A_41 = arith.constant 0 : i32
      %scan3A_42 = arith.constant 7 : i32
      %scan3A_43 = arith.addi %scan3A_41, %scan3A_42 : i32
      %scan3A_44 = arith.constant 1 : i32
      scf.for %scan3A_76 = %scan3A_41 to %scan3A_43 step %scan3A_44  : i32 {
        %mul3A_77 = arith.constant 4 : i32
        %mul3A_78 = arith.muli %scan3A_76, %mul3A_77 : i32
        %add3A_79 = arith.constant 0 : i32
        %add3A_80 = arith.addi %add3A_79, %mul3A_78 : i32
        %add3A_81 = arith.constant 0 : i32
        %add3A_82 = arith.addi %add3A_80, %add3A_81 : i32
        %dma_wait3A_83 = arith.constant 0 : i32
        %dma_wait3A_84 = tpu.memref_slice %arg8[%add3A_82, %dma_wait3A_83] : memref<32x64xi32, #tpu.memory_space<vmem>> -> memref<1x64xi32, #tpu.memory_space<vmem>>
        %dma_wait3A_85 = tpu.memref_squeeze %dma_wait3A_84 : memref<1x64xi32, #tpu.memory_space<vmem>> -> memref<64xi32, #tpu.memory_space<vmem>>
        %dma_wait3A_86 = arith.constant 0 : i32
        %dma_wait3A_87 = arith.constant 0 : i32
        %dma_wait3A_88 = tpu.memref_slice %arg2[%dma_wait3A_86, %dma_wait3A_87] : memref<20480x128xf32, #tpu.memory_space<hbm>> -> memref<20480x128xf32, #tpu.memory_space<hbm>>
        tpu.wait_indirect_dma semaphore(%arg14 : memref<!tpu.dma_semaphore, #tpu.memory_space<semaphore_mem>>) src(%dma_wait3A_88 : memref<20480x128xf32, #tpu.memory_space<hbm>>) dst(%arg10 : memref<64x128xf32, #tpu.memory_space<vmem>>)
        %add3A_89 = arith.constant 0 : i32
        %add3A_90 = arith.addi %add3A_80, %add3A_89 : i32
        "tpu.region"() ({
          %run_scoped3A_161 = tpu.sem_alloc : memref<!tpu.dma_semaphore, #tpu.memory_space<semaphore_mem>>
          %dma_start3A_162 = arith.constant 0 : i32
          %dma_start3A_163 = tpu.memref_slice %arg9[%add3A_90, %dma_start3A_162] : memref<32x64xi32, #tpu.memory_space<vmem>> -> memref<1x64xi32, #tpu.memory_space<vmem>>
          %dma_start3A_164 = tpu.memref_squeeze %dma_start3A_163 : memref<1x64xi32, #tpu.memory_space<vmem>> -> memref<64xi32, #tpu.memory_space<vmem>>
          %dma_start3A_165 = arith.constant 0 : i32
          %dma_start3A_166 = arith.constant 0 : i32
          %dma_start3A_167 = tpu.memref_slice %arg7[%dma_start3A_165, %dma_start3A_166] : memref<10240x128xf32, #tpu.memory_space<vmem_shared>> -> memref<10240x128xf32, #tpu.memory_space<vmem_shared>>
          tpu.enqueue_indirect_dma source(%arg10 : memref<64x128xf32, #tpu.memory_space<vmem>>) target(%dma_start3A_167 : memref<10240x128xf32, #tpu.memory_space<vmem_shared>>) offsets(%dma_start3A_164 : memref<64xi32, #tpu.memory_space<vmem>>) semaphore(%run_scoped3A_161 : memref<!tpu.dma_semaphore, #tpu.memory_space<semaphore_mem>>) {add = true}
          %dma_wait3A_168 = arith.constant 0 : i32
          %dma_wait3A_169 = tpu.memref_slice %arg9[%add3A_90, %dma_wait3A_168] : memref<32x64xi32, #tpu.memory_space<vmem>> -> memref<1x64xi32, #tpu.memory_space<vmem>>
          %dma_wait3A_170 = tpu.memref_squeeze %dma_wait3A_169 : memref<1x64xi32, #tpu.memory_space<vmem>> -> memref<64xi32, #tpu.memory_space<vmem>>
          %dma_wait3A_171 = arith.constant 0 : i32
          %dma_wait3A_172 = arith.constant 0 : i32
          %dma_wait3A_173 = tpu.memref_slice %arg7[%dma_wait3A_171, %dma_wait3A_172] : memref<10240x128xf32, #tpu.memory_space<vmem_shared>> -> memref<10240x128xf32, #tpu.memory_space<vmem_shared>>
          tpu.wait_indirect_dma semaphore(%run_scoped3A_161 : memref<!tpu.dma_semaphore, #tpu.memory_space<semaphore_mem>>) src(%arg10 : memref<64x128xf32, #tpu.memory_space<vmem>>) dst(%dma_wait3A_173 : memref<10240x128xf32, #tpu.memory_space<vmem_shared>>)
          tpu.yield
        }) : () -> ()
        %add3A_91 = arith.constant 0 : i32
        %add3A_92 = arith.addi %add3A_80, %add3A_91 : i32
        %add3A_93 = arith.constant 4 : i32
        %add3A_94 = arith.addi %add3A_92, %add3A_93 : i32
        %dma_start3A_95 = arith.constant 0 : i32
        %dma_start3A_96 = tpu.memref_slice %arg8[%add3A_94, %dma_start3A_95] : memref<32x64xi32, #tpu.memory_space<vmem>> -> memref<1x64xi32, #tpu.memory_space<vmem>>
        %dma_start3A_97 = tpu.memref_squeeze %dma_start3A_96 : memref<1x64xi32, #tpu.memory_space<vmem>> -> memref<64xi32, #tpu.memory_space<vmem>>
        %dma_start3A_98 = arith.constant 0 : i32
        %dma_start3A_99 = arith.constant 0 : i32
        %dma_start3A_100 = tpu.memref_slice %arg2[%dma_start3A_98, %dma_start3A_99] : memref<20480x128xf32, #tpu.memory_space<hbm>> -> memref<20480x128xf32, #tpu.memory_space<hbm>>
        tpu.enqueue_indirect_dma source(%dma_start3A_100 : memref<20480x128xf32, #tpu.memory_space<hbm>>) target(%arg10 : memref<64x128xf32, #tpu.memory_space<vmem>>) offsets(%dma_start3A_97 : memref<64xi32, #tpu.memory_space<vmem>>) semaphore(%arg14 : memref<!tpu.dma_semaphore, #tpu.memory_space<semaphore_mem>>)
        %add3A_101 = arith.constant 1 : i32
        %add3A_102 = arith.addi %add3A_80, %add3A_101 : i32
        %dma_wait3A_103 = arith.constant 0 : i32
        %dma_wait3A_104 = tpu.memref_slice %arg8[%add3A_102, %dma_wait3A_103] : memref<32x64xi32, #tpu.memory_space<vmem>> -> memref<1x64xi32, #tpu.memory_space<vmem>>
        %dma_wait3A_105 = tpu.memref_squeeze %dma_wait3A_104 : memref<1x64xi32, #tpu.memory_space<vmem>> -> memref<64xi32, #tpu.memory_space<vmem>>
        %dma_wait3A_106 = arith.constant 0 : i32
        %dma_wait3A_107 = arith.constant 0 : i32
        %dma_wait3A_108 = tpu.memref_slice %arg2[%dma_wait3A_106, %dma_wait3A_107] : memref<20480x128xf32, #tpu.memory_space<hbm>> -> memref<20480x128xf32, #tpu.memory_space<hbm>>
        tpu.wait_indirect_dma semaphore(%arg15 : memref<!tpu.dma_semaphore, #tpu.memory_space<semaphore_mem>>) src(%dma_wait3A_108 : memref<20480x128xf32, #tpu.memory_space<hbm>>) dst(%arg11 : memref<64x128xf32, #tpu.memory_space<vmem>>)
        %add3A_109 = arith.constant 1 : i32
        %add3A_110 = arith.addi %add3A_80, %add3A_109 : i32
        "tpu.region"() ({
          %run_scoped3A_161 = tpu.sem_alloc : memref<!tpu.dma_semaphore, #tpu.memory_space<semaphore_mem>>
          %dma_start3A_162 = arith.constant 0 : i32
          %dma_start3A_163 = tpu.memref_slice %arg9[%add3A_110, %dma_start3A_162] : memref<32x64xi32, #tpu.memory_space<vmem>> -> memref<1x64xi32, #tpu.memory_space<vmem>>
          %dma_start3A_164 = tpu.memref_squeeze %dma_start3A_163 : memref<1x64xi32, #tpu.memory_space<vmem>> -> memref<64xi32, #tpu.memory_space<vmem>>
          %dma_start3A_165 = arith.constant 0 : i32
          %dma_start3A_166 = arith.constant 0 : i32
          %dma_start3A_167 = tpu.memref_slice %arg7[%dma_start3A_165, %dma_start3A_166] : memref<10240x128xf32, #tpu.memory_space<vmem_shared>> -> memref<10240x128xf32, #tpu.memory_space<vmem_shared>>
          tpu.enqueue_indirect_dma source(%arg11 : memref<64x128xf32, #tpu.memory_space<vmem>>) target(%dma_start3A_167 : memref<10240x128xf32, #tpu.memory_space<vmem_shared>>) offsets(%dma_start3A_164 : memref<64xi32, #tpu.memory_space<vmem>>) semaphore(%run_scoped3A_161 : memref<!tpu.dma_semaphore, #tpu.memory_space<semaphore_mem>>) {add = true}
          %dma_wait3A_168 = arith.constant 0 : i32
          %dma_wait3A_169 = tpu.memref_slice %arg9[%add3A_110, %dma_wait3A_168] : memref<32x64xi32, #tpu.memory_space<vmem>> -> memref<1x64xi32, #tpu.memory_space<vmem>>
          %dma_wait3A_170 = tpu.memref_squeeze %dma_wait3A_169 : memref<1x64xi32, #tpu.memory_space<vmem>> -> memref<64xi32, #tpu.memory_space<vmem>>
          %dma_wait3A_171 = arith.constant 0 : i32
          %dma_wait3A_172 = arith.constant 0 : i32
          %dma_wait3A_173 = tpu.memref_slice %arg7[%dma_wait3A_171, %dma_wait3A_172] : memref<10240x128xf32, #tpu.memory_space<vmem_shared>> -> memref<10240x128xf32, #tpu.memory_space<vmem_shared>>
          tpu.wait_indirect_dma semaphore(%run_scoped3A_161 : memref<!tpu.dma_semaphore, #tpu.memory_space<semaphore_mem>>) src(%arg11 : memref<64x128xf32, #tpu.memory_space<vmem>>) dst(%dma_wait3A_173 : memref<10240x128xf32, #tpu.memory_space<vmem_shared>>)
          tpu.yield
        }) : () -> ()
        %add3A_111 = arith.constant 1 : i32
        %add3A_112 = arith.addi %add3A_80, %add3A_111 : i32
        %add3A_113 = arith.constant 4 : i32
        %add3A_114 = arith.addi %add3A_112, %add3A_113 : i32
        %dma_start3A_115 = arith.constant 0 : i32
        %dma_start3A_116 = tpu.memref_slice %arg8[%add3A_114, %dma_start3A_115] : memref<32x64xi32, #tpu.memory_space<vmem>> -> memref<1x64xi32, #tpu.memory_space<vmem>>
        %dma_start3A_117 = tpu.memref_squeeze %dma_start3A_116 : memref<1x64xi32, #tpu.memory_space<vmem>> -> memref<64xi32, #tpu.memory_space<vmem>>
        %dma_start3A_118 = arith.constant 0 : i32
        %dma_start3A_119 = arith.constant 0 : i32
        %dma_start3A_120 = tpu.memref_slice %arg2[%dma_start3A_118, %dma_start3A_119] : memref<20480x128xf32, #tpu.memory_space<hbm>> -> memref<20480x128xf32, #tpu.memory_space<hbm>>
        tpu.enqueue_indirect_dma source(%dma_start3A_120 : memref<20480x128xf32, #tpu.memory_space<hbm>>) target(%arg11 : memref<64x128xf32, #tpu.memory_space<vmem>>) offsets(%dma_start3A_117 : memref<64xi32, #tpu.memory_space<vmem>>) semaphore(%arg15 : memref<!tpu.dma_semaphore, #tpu.memory_space<semaphore_mem>>)
        %add3A_121 = arith.constant 2 : i32
        %add3A_122 = arith.addi %add3A_80, %add3A_121 : i32
        %dma_wait3A_123 = arith.constant 0 : i32
        %dma_wait3A_124 = tpu.memref_slice %arg8[%add3A_122, %dma_wait3A_123] : memref<32x64xi32, #tpu.memory_space<vmem>> -> memref<1x64xi32, #tpu.memory_space<vmem>>
        %dma_wait3A_125 = tpu.memref_squeeze %dma_wait3A_124 : memref<1x64xi32, #tpu.memory_space<vmem>> -> memref<64xi32, #tpu.memory_space<vmem>>
        %dma_wait3A_126 = arith.constant 0 : i32
        %dma_wait3A_127 = arith.constant 0 : i32
        %dma_wait3A_128 = tpu.memref_slice %arg2[%dma_wait3A_126, %dma_wait3A_127] : memref<20480x128xf32, #tpu.memory_space<hbm>> -> memref<20480x128xf32, #tpu.memory_space<hbm>>
        tpu.wait_indirect_dma semaphore(%arg16 : memref<!tpu.dma_semaphore, #tpu.memory_space<semaphore_mem>>) src(%dma_wait3A_128 : memref<20480x128xf32, #tpu.memory_space<hbm>>) dst(%arg12 : memref<64x128xf32, #tpu.memory_space<vmem>>)
        %add3A_129 = arith.constant 2 : i32
        %add3A_130 = arith.addi %add3A_80, %add3A_129 : i32
        "tpu.region"() ({
          %run_scoped3A_161 = tpu.sem_alloc : memref<!tpu.dma_semaphore, #tpu.memory_space<semaphore_mem>>
          %dma_start3A_162 = arith.constant 0 : i32
          %dma_start3A_163 = tpu.memref_slice %arg9[%add3A_130, %dma_start3A_162] : memref<32x64xi32, #tpu.memory_space<vmem>> -> memref<1x64xi32, #tpu.memory_space<vmem>>
          %dma_start3A_164 = tpu.memref_squeeze %dma_start3A_163 : memref<1x64xi32, #tpu.memory_space<vmem>> -> memref<64xi32, #tpu.memory_space<vmem>>
          %dma_start3A_165 = arith.constant 0 : i32
          %dma_start3A_166 = arith.constant 0 : i32
          %dma_start3A_167 = tpu.memref_slice %arg7[%dma_start3A_165, %dma_start3A_166] : memref<10240x128xf32, #tpu.memory_space<vmem_shared>> -> memref<10240x128xf32, #tpu.memory_space<vmem_shared>>
          tpu.enqueue_indirect_dma source(%arg12 : memref<64x128xf32, #tpu.memory_space<vmem>>) target(%dma_start3A_167 : memref<10240x128xf32, #tpu.memory_space<vmem_shared>>) offsets(%dma_start3A_164 : memref<64xi32, #tpu.memory_space<vmem>>) semaphore(%run_scoped3A_161 : memref<!tpu.dma_semaphore, #tpu.memory_space<semaphore_mem>>) {add = true}
          %dma_wait3A_168 = arith.constant 0 : i32
          %dma_wait3A_169 = tpu.memref_slice %arg9[%add3A_130, %dma_wait3A_168] : memref<32x64xi32, #tpu.memory_space<vmem>> -> memref<1x64xi32, #tpu.memory_space<vmem>>
          %dma_wait3A_170 = tpu.memref_squeeze %dma_wait3A_169 : memref<1x64xi32, #tpu.memory_space<vmem>> -> memref<64xi32, #tpu.memory_space<vmem>>
          %dma_wait3A_171 = arith.constant 0 : i32
          %dma_wait3A_172 = arith.constant 0 : i32
          %dma_wait3A_173 = tpu.memref_slice %arg7[%dma_wait3A_171, %dma_wait3A_172] : memref<10240x128xf32, #tpu.memory_space<vmem_shared>> -> memref<10240x128xf32, #tpu.memory_space<vmem_shared>>
          tpu.wait_indirect_dma semaphore(%run_scoped3A_161 : memref<!tpu.dma_semaphore, #tpu.memory_space<semaphore_mem>>) src(%arg12 : memref<64x128xf32, #tpu.memory_space<vmem>>) dst(%dma_wait3A_173 : memref<10240x128xf32, #tpu.memory_space<vmem_shared>>)
          tpu.yield
        }) : () -> ()
        %add3A_131 = arith.constant 2 : i32
        %add3A_132 = arith.addi %add3A_80, %add3A_131 : i32
        %add3A_133 = arith.constant 4 : i32
        %add3A_134 = arith.addi %add3A_132, %add3A_133 : i32
        %dma_start3A_135 = arith.constant 0 : i32
        %dma_start3A_136 = tpu.memref_slice %arg8[%add3A_134, %dma_start3A_135] : memref<32x64xi32, #tpu.memory_space<vmem>> -> memref<1x64xi32, #tpu.memory_space<vmem>>
        %dma_start3A_137 = tpu.memref_squeeze %dma_start3A_136 : memref<1x64xi32, #tpu.memory_space<vmem>> -> memref<64xi32, #tpu.memory_space<vmem>>
        %dma_start3A_138 = arith.constant 0 : i32
        %dma_start3A_139 = arith.constant 0 : i32
        %dma_start3A_140 = tpu.memref_slice %arg2[%dma_start3A_138, %dma_start3A_139] : memref<20480x128xf32, #tpu.memory_space<hbm>> -> memref<20480x128xf32, #tpu.memory_space<hbm>>
        tpu.enqueue_indirect_dma source(%dma_start3A_140 : memref<20480x128xf32, #tpu.memory_space<hbm>>) target(%arg12 : memref<64x128xf32, #tpu.memory_space<vmem>>) offsets(%dma_start3A_137 : memref<64xi32, #tpu.memory_space<vmem>>) semaphore(%arg16 : memref<!tpu.dma_semaphore, #tpu.memory_space<semaphore_mem>>)
        %add3A_141 = arith.constant 3 : i32
        %add3A_142 = arith.addi %add3A_80, %add3A_141 : i32
        %dma_wait3A_143 = arith.constant 0 : i32
        %dma_wait3A_144 = tpu.memref_slice %arg8[%add3A_142, %dma_wait3A_143] : memref<32x64xi32, #tpu.memory_space<vmem>> -> memref<1x64xi32, #tpu.memory_space<vmem>>
        %dma_wait3A_145 = tpu.memref_squeeze %dma_wait3A_144 : memref<1x64xi32, #tpu.memory_space<vmem>> -> memref<64xi32, #tpu.memory_space<vmem>>
        %dma_wait3A_146 = arith.constant 0 : i32
        %dma_wait3A_147 = arith.constant 0 : i32
        %dma_wait3A_148 = tpu.memref_slice %arg2[%dma_wait3A_146, %dma_wait3A_147] : memref<20480x128xf32, #tpu.memory_space<hbm>> -> memref<20480x128xf32, #tpu.memory_space<hbm>>
        tpu.wait_indirect_dma semaphore(%arg17 : memref<!tpu.dma_semaphore, #tpu.memory_space<semaphore_mem>>) src(%dma_wait3A_148 : memref<20480x128xf32, #tpu.memory_space<hbm>>) dst(%arg13 : memref<64x128xf32, #tpu.memory_space<vmem>>)
        %add3A_149 = arith.constant 3 : i32
        %add3A_150 = arith.addi %add3A_80, %add3A_149 : i32
        "tpu.region"() ({
          %run_scoped3A_161 = tpu.sem_alloc : memref<!tpu.dma_semaphore, #tpu.memory_space<semaphore_mem>>
          %dma_start3A_162 = arith.constant 0 : i32
          %dma_start3A_163 = tpu.memref_slice %arg9[%add3A_150, %dma_start3A_162] : memref<32x64xi32, #tpu.memory_space<vmem>> -> memref<1x64xi32, #tpu.memory_space<vmem>>
          %dma_start3A_164 = tpu.memref_squeeze %dma_start3A_163 : memref<1x64xi32, #tpu.memory_space<vmem>> -> memref<64xi32, #tpu.memory_space<vmem>>
          %dma_start3A_165 = arith.constant 0 : i32
          %dma_start3A_166 = arith.constant 0 : i32
          %dma_start3A_167 = tpu.memref_slice %arg7[%dma_start3A_165, %dma_start3A_166] : memref<10240x128xf32, #tpu.memory_space<vmem_shared>> -> memref<10240x128xf32, #tpu.memory_space<vmem_shared>>
          tpu.enqueue_indirect_dma source(%arg13 : memref<64x128xf32, #tpu.memory_space<vmem>>) target(%dma_start3A_167 : memref<10240x128xf32, #tpu.memory_space<vmem_shared>>) offsets(%dma_start3A_164 : memref<64xi32, #tpu.memory_space<vmem>>) semaphore(%run_scoped3A_161 : memref<!tpu.dma_semaphore, #tpu.memory_space<semaphore_mem>>) {add = true}
          %dma_wait3A_168 = arith.constant 0 : i32
          %dma_wait3A_169 = tpu.memref_slice %arg9[%add3A_150, %dma_wait3A_168] : memref<32x64xi32, #tpu.memory_space<vmem>> -> memref<1x64xi32, #tpu.memory_space<vmem>>
          %dma_wait3A_170 = tpu.memref_squeeze %dma_wait3A_169 : memref<1x64xi32, #tpu.memory_space<vmem>> -> memref<64xi32, #tpu.memory_space<vmem>>
          %dma_wait3A_171 = arith.constant 0 : i32
          %dma_wait3A_172 = arith.constant 0 : i32
          %dma_wait3A_173 = tpu.memref_slice %arg7[%dma_wait3A_171, %dma_wait3A_172] : memref<10240x128xf32, #tpu.memory_space<vmem_shared>> -> memref<10240x128xf32, #tpu.memory_space<vmem_shared>>
          tpu.wait_indirect_dma semaphore(%run_scoped3A_161 : memref<!tpu.dma_semaphore, #tpu.memory_space<semaphore_mem>>) src(%arg13 : memref<64x128xf32, #tpu.memory_space<vmem>>) dst(%dma_wait3A_173 : memref<10240x128xf32, #tpu.memory_space<vmem_shared>>)
          tpu.yield
        }) : () -> ()
        %add3A_151 = arith.constant 3 : i32
        %add3A_152 = arith.addi %add3A_80, %add3A_151 : i32
        %add3A_153 = arith.constant 4 : i32
        %add3A_154 = arith.addi %add3A_152, %add3A_153 : i32
        %dma_start3A_155 = arith.constant 0 : i32
        %dma_start3A_156 = tpu.memref_slice %arg8[%add3A_154, %dma_start3A_155] : memref<32x64xi32, #tpu.memory_space<vmem>> -> memref<1x64xi32, #tpu.memory_space<vmem>>
        %dma_start3A_157 = tpu.memref_squeeze %dma_start3A_156 : memref<1x64xi32, #tpu.memory_space<vmem>> -> memref<64xi32, #tpu.memory_space<vmem>>
        %dma_start3A_158 = arith.constant 0 : i32
        %dma_start3A_159 = arith.constant 0 : i32
        %dma_start3A_160 = tpu.memref_slice %arg2[%dma_start3A_158, %dma_start3A_159] : memref<20480x128xf32, #tpu.memory_space<hbm>> -> memref<20480x128xf32, #tpu.memory_space<hbm>>
        tpu.enqueue_indirect_dma source(%dma_start3A_160 : memref<20480x128xf32, #tpu.memory_space<hbm>>) target(%arg13 : memref<64x128xf32, #tpu.memory_space<vmem>>) offsets(%dma_start3A_157 : memref<64xi32, #tpu.memory_space<vmem>>) semaphore(%arg17 : memref<!tpu.dma_semaphore, #tpu.memory_space<semaphore_mem>>)
      }
      %scan3A_45 = arith.constant 7 : i32
      %dma_wait3A = arith.constant 28 : i32
      %dma_wait3A_46 = arith.constant 0 : i32
      %dma_wait3A_47 = tpu.memref_slice %arg8[%dma_wait3A, %dma_wait3A_46] : memref<32x64xi32, #tpu.memory_space<vmem>> -> memref<1x64xi32, #tpu.memory_space<vmem>>
      %dma_wait3A_48 = tpu.memref_squeeze %dma_wait3A_47 : memref<1x64xi32, #tpu.memory_space<vmem>> -> memref<64xi32, #tpu.memory_space<vmem>>
      %dma_wait3A_49 = arith.constant 0 : i32
      %dma_wait3A_50 = arith.constant 0 : i32
      %dma_wait3A_51 = tpu.memref_slice %arg2[%dma_wait3A_49, %dma_wait3A_50] : memref<20480x128xf32, #tpu.memory_space<hbm>> -> memref<20480x128xf32, #tpu.memory_space<hbm>>
      tpu.wait_indirect_dma semaphore(%arg14 : memref<!tpu.dma_semaphore, #tpu.memory_space<semaphore_mem>>) src(%dma_wait3A_51 : memref<20480x128xf32, #tpu.memory_space<hbm>>) dst(%arg10 : memref<64x128xf32, #tpu.memory_space<vmem>>)
      %run_scoped3A = arith.constant 28 : i32
      "tpu.region"() ({
        %run_scoped3A_76 = tpu.sem_alloc : memref<!tpu.dma_semaphore, #tpu.memory_space<semaphore_mem>>
        %dma_start3A_77 = arith.constant 0 : i32
        %dma_start3A_78 = tpu.memref_slice %arg9[%run_scoped3A, %dma_start3A_77] : memref<32x64xi32, #tpu.memory_space<vmem>> -> memref<1x64xi32, #tpu.memory_space<vmem>>
        %dma_start3A_79 = tpu.memref_squeeze %dma_start3A_78 : memref<1x64xi32, #tpu.memory_space<vmem>> -> memref<64xi32, #tpu.memory_space<vmem>>
        %dma_start3A_80 = arith.constant 0 : i32
        %dma_start3A_81 = arith.constant 0 : i32
        %dma_start3A_82 = tpu.memref_slice %arg7[%dma_start3A_80, %dma_start3A_81] : memref<10240x128xf32, #tpu.memory_space<vmem_shared>> -> memref<10240x128xf32, #tpu.memory_space<vmem_shared>>
        tpu.enqueue_indirect_dma source(%arg10 : memref<64x128xf32, #tpu.memory_space<vmem>>) target(%dma_start3A_82 : memref<10240x128xf32, #tpu.memory_space<vmem_shared>>) offsets(%dma_start3A_79 : memref<64xi32, #tpu.memory_space<vmem>>) semaphore(%run_scoped3A_76 : memref<!tpu.dma_semaphore, #tpu.memory_space<semaphore_mem>>) {add = true}
        %dma_wait3A_83 = arith.constant 0 : i32
        %dma_wait3A_84 = tpu.memref_slice %arg9[%run_scoped3A, %dma_wait3A_83] : memref<32x64xi32, #tpu.memory_space<vmem>> -> memref<1x64xi32, #tpu.memory_space<vmem>>
        %dma_wait3A_85 = tpu.memref_squeeze %dma_wait3A_84 : memref<1x64xi32, #tpu.memory_space<vmem>> -> memref<64xi32, #tpu.memory_space<vmem>>
        %dma_wait3A_86 = arith.constant 0 : i32
        %dma_wait3A_87 = arith.constant 0 : i32
        %dma_wait3A_88 = tpu.memref_slice %arg7[%dma_wait3A_86, %dma_wait3A_87] : memref<10240x128xf32, #tpu.memory_space<vmem_shared>> -> memref<10240x128xf32, #tpu.memory_space<vmem_shared>>
        tpu.wait_indirect_dma semaphore(%run_scoped3A_76 : memref<!tpu.dma_semaphore, #tpu.memory_space<semaphore_mem>>) src(%arg10 : memref<64x128xf32, #tpu.memory_space<vmem>>) dst(%dma_wait3A_88 : memref<10240x128xf32, #tpu.memory_space<vmem_shared>>)
        tpu.yield
      }) : () -> ()
      %dma_wait3A_52 = arith.constant 29 : i32
      %dma_wait3A_53 = arith.constant 0 : i32
      %dma_wait3A_54 = tpu.memref_slice %arg8[%dma_wait3A_52, %dma_wait3A_53] : memref<32x64xi32, #tpu.memory_space<vmem>> -> memref<1x64xi32, #tpu.memory_space<vmem>>
      %dma_wait3A_55 = tpu.memref_squeeze %dma_wait3A_54 : memref<1x64xi32, #tpu.memory_space<vmem>> -> memref<64xi32, #tpu.memory_space<vmem>>
      %dma_wait3A_56 = arith.constant 0 : i32
      %dma_wait3A_57 = arith.constant 0 : i32
      %dma_wait3A_58 = tpu.memref_slice %arg2[%dma_wait3A_56, %dma_wait3A_57] : memref<20480x128xf32, #tpu.memory_space<hbm>> -> memref<20480x128xf32, #tpu.memory_space<hbm>>
      tpu.wait_indirect_dma semaphore(%arg15 : memref<!tpu.dma_semaphore, #tpu.memory_space<semaphore_mem>>) src(%dma_wait3A_58 : memref<20480x128xf32, #tpu.memory_space<hbm>>) dst(%arg11 : memref<64x128xf32, #tpu.memory_space<vmem>>)
      %run_scoped3A_59 = arith.constant 29 : i32
      "tpu.region"() ({
        %run_scoped3A_76 = tpu.sem_alloc : memref<!tpu.dma_semaphore, #tpu.memory_space<semaphore_mem>>
        %dma_start3A_77 = arith.constant 0 : i32
        %dma_start3A_78 = tpu.memref_slice %arg9[%run_scoped3A_59, %dma_start3A_77] : memref<32x64xi32, #tpu.memory_space<vmem>> -> memref<1x64xi32, #tpu.memory_space<vmem>>
        %dma_start3A_79 = tpu.memref_squeeze %dma_start3A_78 : memref<1x64xi32, #tpu.memory_space<vmem>> -> memref<64xi32, #tpu.memory_space<vmem>>
        %dma_start3A_80 = arith.constant 0 : i32
        %dma_start3A_81 = arith.constant 0 : i32
        %dma_start3A_82 = tpu.memref_slice %arg7[%dma_start3A_80, %dma_start3A_81] : memref<10240x128xf32, #tpu.memory_space<vmem_shared>> -> memref<10240x128xf32, #tpu.memory_space<vmem_shared>>
        tpu.enqueue_indirect_dma source(%arg11 : memref<64x128xf32, #tpu.memory_space<vmem>>) target(%dma_start3A_82 : memref<10240x128xf32, #tpu.memory_space<vmem_shared>>) offsets(%dma_start3A_79 : memref<64xi32, #tpu.memory_space<vmem>>) semaphore(%run_scoped3A_76 : memref<!tpu.dma_semaphore, #tpu.memory_space<semaphore_mem>>) {add = true}
        %dma_wait3A_83 = arith.constant 0 : i32
        %dma_wait3A_84 = tpu.memref_slice %arg9[%run_scoped3A_59, %dma_wait3A_83] : memref<32x64xi32, #tpu.memory_space<vmem>> -> memref<1x64xi32, #tpu.memory_space<vmem>>
        %dma_wait3A_85 = tpu.memref_squeeze %dma_wait3A_84 : memref<1x64xi32, #tpu.memory_space<vmem>> -> memref<64xi32, #tpu.memory_space<vmem>>
        %dma_wait3A_86 = arith.constant 0 : i32
        %dma_wait3A_87 = arith.constant 0 : i32
        %dma_wait3A_88 = tpu.memref_slice %arg7[%dma_wait3A_86, %dma_wait3A_87] : memref<10240x128xf32, #tpu.memory_space<vmem_shared>> -> memref<10240x128xf32, #tpu.memory_space<vmem_shared>>
        tpu.wait_indirect_dma semaphore(%run_scoped3A_76 : memref<!tpu.dma_semaphore, #tpu.memory_space<semaphore_mem>>) src(%arg11 : memref<64x128xf32, #tpu.memory_space<vmem>>) dst(%dma_wait3A_88 : memref<10240x128xf32, #tpu.memory_space<vmem_shared>>)
        tpu.yield
      }) : () -> ()
      %dma_wait3A_60 = arith.constant 30 : i32
      %dma_wait3A_61 = arith.constant 0 : i32
      %dma_wait3A_62 = tpu.memref_slice %arg8[%dma_wait3A_60, %dma_wait3A_61] : memref<32x64xi32, #tpu.memory_space<vmem>> -> memref<1x64xi32, #tpu.memory_space<vmem>>
      %dma_wait3A_63 = tpu.memref_squeeze %dma_wait3A_62 : memref<1x64xi32, #tpu.memory_space<vmem>> -> memref<64xi32, #tpu.memory_space<vmem>>
      %dma_wait3A_64 = arith.constant 0 : i32
      %dma_wait3A_65 = arith.constant 0 : i32
      %dma_wait3A_66 = tpu.memref_slice %arg2[%dma_wait3A_64, %dma_wait3A_65] : memref<20480x128xf32, #tpu.memory_space<hbm>> -> memref<20480x128xf32, #tpu.memory_space<hbm>>
      tpu.wait_indirect_dma semaphore(%arg16 : memref<!tpu.dma_semaphore, #tpu.memory_space<semaphore_mem>>) src(%dma_wait3A_66 : memref<20480x128xf32, #tpu.memory_space<hbm>>) dst(%arg12 : memref<64x128xf32, #tpu.memory_space<vmem>>)
      %run_scoped3A_67 = arith.constant 30 : i32
      "tpu.region"() ({
        %run_scoped3A_76 = tpu.sem_alloc : memref<!tpu.dma_semaphore, #tpu.memory_space<semaphore_mem>>
        %dma_start3A_77 = arith.constant 0 : i32
        %dma_start3A_78 = tpu.memref_slice %arg9[%run_scoped3A_67, %dma_start3A_77] : memref<32x64xi32, #tpu.memory_space<vmem>> -> memref<1x64xi32, #tpu.memory_space<vmem>>
        %dma_start3A_79 = tpu.memref_squeeze %dma_start3A_78 : memref<1x64xi32, #tpu.memory_space<vmem>> -> memref<64xi32, #tpu.memory_space<vmem>>
        %dma_start3A_80 = arith.constant 0 : i32
        %dma_start3A_81 = arith.constant 0 : i32
        %dma_start3A_82 = tpu.memref_slice %arg7[%dma_start3A_80, %dma_start3A_81] : memref<10240x128xf32, #tpu.memory_space<vmem_shared>> -> memref<10240x128xf32, #tpu.memory_space<vmem_shared>>
        tpu.enqueue_indirect_dma source(%arg12 : memref<64x128xf32, #tpu.memory_space<vmem>>) target(%dma_start3A_82 : memref<10240x128xf32, #tpu.memory_space<vmem_shared>>) offsets(%dma_start3A_79 : memref<64xi32, #tpu.memory_space<vmem>>) semaphore(%run_scoped3A_76 : memref<!tpu.dma_semaphore, #tpu.memory_space<semaphore_mem>>) {add = true}
        %dma_wait3A_83 = arith.constant 0 : i32
        %dma_wait3A_84 = tpu.memref_slice %arg9[%run_scoped3A_67, %dma_wait3A_83] : memref<32x64xi32, #tpu.memory_space<vmem>> -> memref<1x64xi32, #tpu.memory_space<vmem>>
        %dma_wait3A_85 = tpu.memref_squeeze %dma_wait3A_84 : memref<1x64xi32, #tpu.memory_space<vmem>> -> memref<64xi32, #tpu.memory_space<vmem>>
        %dma_wait3A_86 = arith.constant 0 : i32
        %dma_wait3A_87 = arith.constant 0 : i32
        %dma_wait3A_88 = tpu.memref_slice %arg7[%dma_wait3A_86, %dma_wait3A_87] : memref<10240x128xf32, #tpu.memory_space<vmem_shared>> -> memref<10240x128xf32, #tpu.memory_space<vmem_shared>>
        tpu.wait_indirect_dma semaphore(%run_scoped3A_76 : memref<!tpu.dma_semaphore, #tpu.memory_space<semaphore_mem>>) src(%arg12 : memref<64x128xf32, #tpu.memory_space<vmem>>) dst(%dma_wait3A_88 : memref<10240x128xf32, #tpu.memory_space<vmem_shared>>)
        tpu.yield
      }) : () -> ()
      %dma_wait3A_68 = arith.constant 31 : i32
      %dma_wait3A_69 = arith.constant 0 : i32
      %dma_wait3A_70 = tpu.memref_slice %arg8[%dma_wait3A_68, %dma_wait3A_69] : memref<32x64xi32, #tpu.memory_space<vmem>> -> memref<1x64xi32, #tpu.memory_space<vmem>>
      %dma_wait3A_71 = tpu.memref_squeeze %dma_wait3A_70 : memref<1x64xi32, #tpu.memory_space<vmem>> -> memref<64xi32, #tpu.memory_space<vmem>>
      %dma_wait3A_72 = arith.constant 0 : i32
      %dma_wait3A_73 = arith.constant 0 : i32
      %dma_wait3A_74 = tpu.memref_slice %arg2[%dma_wait3A_72, %dma_wait3A_73] : memref<20480x128xf32, #tpu.memory_space<hbm>> -> memref<20480x128xf32, #tpu.memory_space<hbm>>
      tpu.wait_indirect_dma semaphore(%arg17 : memref<!tpu.dma_semaphore, #tpu.memory_space<semaphore_mem>>) src(%dma_wait3A_74 : memref<20480x128xf32, #tpu.memory_space<hbm>>) dst(%arg13 : memref<64x128xf32, #tpu.memory_space<vmem>>)
      %run_scoped3A_75 = arith.constant 31 : i32
      "tpu.region"() ({
        %run_scoped3A_76 = tpu.sem_alloc : memref<!tpu.dma_semaphore, #tpu.memory_space<semaphore_mem>>
        %dma_start3A_77 = arith.constant 0 : i32
        %dma_start3A_78 = tpu.memref_slice %arg9[%run_scoped3A_75, %dma_start3A_77] : memref<32x64xi32, #tpu.memory_space<vmem>> -> memref<1x64xi32, #tpu.memory_space<vmem>>
        %dma_start3A_79 = tpu.memref_squeeze %dma_start3A_78 : memref<1x64xi32, #tpu.memory_space<vmem>> -> memref<64xi32, #tpu.memory_space<vmem>>
        %dma_start3A_80 = arith.constant 0 : i32
        %dma_start3A_81 = arith.constant 0 : i32
        %dma_start3A_82 = tpu.memref_slice %arg7[%dma_start3A_80, %dma_start3A_81] : memref<10240x128xf32, #tpu.memory_space<vmem_shared>> -> memref<10240x128xf32, #tpu.memory_space<vmem_shared>>
        tpu.enqueue_indirect_dma source(%arg13 : memref<64x128xf32, #tpu.memory_space<vmem>>) target(%dma_start3A_82 : memref<10240x128xf32, #tpu.memory_space<vmem_shared>>) offsets(%dma_start3A_79 : memref<64xi32, #tpu.memory_space<vmem>>) semaphore(%run_scoped3A_76 : memref<!tpu.dma_semaphore, #tpu.memory_space<semaphore_mem>>) {add = true}
        %dma_wait3A_83 = arith.constant 0 : i32
        %dma_wait3A_84 = tpu.memref_slice %arg9[%run_scoped3A_75, %dma_wait3A_83] : memref<32x64xi32, #tpu.memory_space<vmem>> -> memref<1x64xi32, #tpu.memory_space<vmem>>
        %dma_wait3A_85 = tpu.memref_squeeze %dma_wait3A_84 : memref<1x64xi32, #tpu.memory_space<vmem>> -> memref<64xi32, #tpu.memory_space<vmem>>
        %dma_wait3A_86 = arith.constant 0 : i32
        %dma_wait3A_87 = arith.constant 0 : i32
        %dma_wait3A_88 = tpu.memref_slice %arg7[%dma_wait3A_86, %dma_wait3A_87] : memref<10240x128xf32, #tpu.memory_space<vmem_shared>> -> memref<10240x128xf32, #tpu.memory_space<vmem_shared>>
        tpu.wait_indirect_dma semaphore(%run_scoped3A_76 : memref<!tpu.dma_semaphore, #tpu.memory_space<semaphore_mem>>) src(%arg13 : memref<64x128xf32, #tpu.memory_space<vmem>>) dst(%dma_wait3A_88 : memref<10240x128xf32, #tpu.memory_space<vmem_shared>>)
        tpu.yield
      }) : () -> ()
    }
    %scan3A_4 = arith.constant 10 : i32
    %barrier3A_5 = arith.constant 0 : index
    tpu.barrier barrier_id(%barrier3A_5)
    "tpu.region"() ({
      %run_scoped3A = tpu.sem_alloc : memref<!tpu.dma_semaphore, #tpu.memory_space<semaphore_mem>>
      %dma_start3A = arith.constant 0 : i32
      %dma_start3A_6 = tpu.memref_slice %arg6[%arg0, %mul3A_0, %dma_start3A] : memref<2x10240x128xf32, #tpu.memory_space<hbm>> -> memref<1x640x128xf32, #tpu.memory_space<hbm>>
      %dma_start3A_7 = tpu.memref_squeeze %dma_start3A_6 : memref<1x640x128xf32, #tpu.memory_space<hbm>> -> memref<640x128xf32, #tpu.memory_space<hbm>>
      %dma_start3A_8 = arith.constant 0 : i32
      %dma_start3A_9 = tpu.memref_slice %arg7[%mul3A_0, %dma_start3A_8] : memref<10240x128xf32, #tpu.memory_space<vmem_shared>> -> memref<640x128xf32, #tpu.memory_space<vmem_shared>>
      tpu.enqueue_dma source(%dma_start3A_9 : memref<640x128xf32, #tpu.memory_space<vmem_shared>>) target(%dma_start3A_7 : memref<640x128xf32, #tpu.memory_space<hbm>>) target_semaphore(%run_scoped3A : memref<!tpu.dma_semaphore, #tpu.memory_space<semaphore_mem>>)
      %dma_wait3A = arith.constant 0 : i32
      %dma_wait3A_10 = tpu.memref_slice %arg6[%arg0, %mul3A_0, %dma_wait3A] : memref<2x10240x128xf32, #tpu.memory_space<hbm>> -> memref<1x640x128xf32, #tpu.memory_space<hbm>>
      %dma_wait3A_11 = tpu.memref_squeeze %dma_wait3A_10 : memref<1x640x128xf32, #tpu.memory_space<hbm>> -> memref<640x128xf32, #tpu.memory_space<hbm>>
      %dma_wait3A_12 = arith.constant 0 : i32
      %dma_wait3A_13 = tpu.memref_slice %arg7[%mul3A_0, %dma_wait3A_12] : memref<10240x128xf32, #tpu.memory_space<vmem_shared>> -> memref<640x128xf32, #tpu.memory_space<vmem_shared>>
      tpu.wait_dma2 semaphore(%run_scoped3A : memref<!tpu.dma_semaphore, #tpu.memory_space<semaphore_mem>>) src(%dma_wait3A_13 : memref<640x128xf32, #tpu.memory_space<vmem_shared>>) dst(%dma_wait3A_11 : memref<640x128xf32, #tpu.memory_space<hbm>>)
      tpu.yield
    }) : () -> ()
    return
  }
}

#map = affine_map<(d0, d1) -> (0, 0)>
#map1 = affine_map<(d0, d1) -> (0, 0, 0, 0)>
#map2 = affine_map<(d0, d1) -> (0, 0, 0)>
module attributes {stable_mosaic.version = 14 : i64} {
  func.func @sc_appnp(%arg0: i32, %arg1: i32, %arg2: memref<20480x128xf32, #tpu.memory_space<hbm>>, %arg3: memref<2x16x320x64xi32, #tpu.memory_space<hbm>>, %arg4: memref<2x16x320x64xi32, #tpu.memory_space<hbm>>, %arg5: memref<10240x128xf32, #tpu.memory_space<hbm>>, %arg6: memref<2x10240x128xf32, #tpu.memory_space<hbm>>, %arg7: memref<10240x128xf32, #tpu.memory_space<vmem_shared>>, %arg8: memref<32x64xi32, #tpu.memory_space<vmem>>, %arg9: memref<32x64xi32, #tpu.memory_space<vmem>>, %arg10: memref<64x128xf32, #tpu.memory_space<vmem>>, %arg11: memref<64x128xf32, #tpu.memory_space<vmem>>, %arg12: memref<64x128xf32, #tpu.memory_space<vmem>>, %arg13: memref<64x128xf32, #tpu.memory_space<vmem>>, %arg14: memref<!tpu.dma_semaphore, #tpu.memory_space<semaphore_mem>>, %arg15: memref<!tpu.dma_semaphore, #tpu.memory_space<semaphore_mem>>, %arg16: memref<!tpu.dma_semaphore, #tpu.memory_space<semaphore_mem>>, %arg17: memref<!tpu.dma_semaphore, #tpu.memory_space<semaphore_mem>>) attributes {dimension_semantics = [#tpu.dimension_semantics<core_parallel>, #tpu.dimension_semantics<subcore_parallel>], iteration_bounds = array<i64: 2, 16>, scalar_prefetch = 0 : i64, scratch_operands = 11 : i64, tpu.core_type = #tpu.core_type<sc_vector_subcore>, window_params = [{transform_indices = #map}, {transform_indices = #map1}, {transform_indices = #map1}, {transform_indices = #map}, {transform_indices = #map2}]} {
    %mul3A = arith.constant 640 : i32
    %mul3A_0 = arith.muli %arg1, %mul3A : i32
    "tpu.region"() ({
      %run_scoped3A = tpu.sem_alloc : memref<!tpu.dma_semaphore, #tpu.memory_space<semaphore_mem>>
      %dma_start3A = arith.constant 0 : i32
      %dma_start3A_6 = tpu.memref_slice %arg7[%mul3A_0, %dma_start3A] : memref<10240x128xf32, #tpu.memory_space<vmem_shared>> -> memref<640x128xf32, #tpu.memory_space<vmem_shared>>
      %dma_start3A_7 = arith.constant 0 : i32
      %dma_start3A_8 = tpu.memref_slice %arg5[%mul3A_0, %dma_start3A_7] : memref<10240x128xf32, #tpu.memory_space<hbm>> -> memref<640x128xf32, #tpu.memory_space<hbm>>
      tpu.enqueue_dma source(%dma_start3A_8 : memref<640x128xf32, #tpu.memory_space<hbm>>) target(%dma_start3A_6 : memref<640x128xf32, #tpu.memory_space<vmem_shared>>) target_semaphore(%run_scoped3A : memref<!tpu.dma_semaphore, #tpu.memory_space<semaphore_mem>>)
      %dma_wait3A = arith.constant 0 : i32
      %dma_wait3A_9 = tpu.memref_slice %arg7[%mul3A_0, %dma_wait3A] : memref<10240x128xf32, #tpu.memory_space<vmem_shared>> -> memref<640x128xf32, #tpu.memory_space<vmem_shared>>
      %dma_wait3A_10 = arith.constant 0 : i32
      %dma_wait3A_11 = tpu.memref_slice %arg5[%mul3A_0, %dma_wait3A_10] : memref<10240x128xf32, #tpu.memory_space<hbm>> -> memref<640x128xf32, #tpu.memory_space<hbm>>
      tpu.wait_dma2 semaphore(%run_scoped3A : memref<!tpu.dma_semaphore, #tpu.memory_space<semaphore_mem>>) src(%dma_wait3A_11 : memref<640x128xf32, #tpu.memory_space<hbm>>) dst(%dma_wait3A_9 : memref<640x128xf32, #tpu.memory_space<vmem_shared>>)
      tpu.yield
    }) : () -> ()
    %barrier3A = arith.constant 0 : index
    tpu.barrier barrier_id(%barrier3A)
    %scan3A = arith.constant 0 : i32
    %scan3A_1 = arith.constant 10 : i32
    %scan3A_2 = arith.addi %scan3A, %scan3A_1 : i32
    %scan3A_3 = arith.constant 1 : i32
    scf.for %scan3A_6 = %scan3A to %scan3A_2 step %scan3A_3  : i32 {
      %mul3A_7 = arith.constant 1 : i32
      %mul3A_8 = arith.muli %scan3A_6, %mul3A_7 : i32
      %add3A = arith.constant 0 : i32
      %add3A_9 = arith.addi %add3A, %mul3A_8 : i32
      %mul3A_10 = arith.constant 32 : i32
      %mul3A_11 = arith.muli %add3A_9, %mul3A_10 : i32
      "tpu.region"() ({
        %run_scoped3A_76 = tpu.sem_alloc : memref<!tpu.dma_semaphore, #tpu.memory_space<semaphore_mem>>
        %dma_start3A_77 = arith.constant 0 : i32
        %dma_start3A_78 = tpu.memref_slice %arg3[%arg0, %arg1, %mul3A_11, %dma_start3A_77] : memref<2x16x320x64xi32, #tpu.memory_space<hbm>> -> memref<1x1x32x64xi32, #tpu.memory_space<hbm>>
        %dma_start3A_79 = tpu.memref_squeeze %dma_start3A_78 : memref<1x1x32x64xi32, #tpu.memory_space<hbm>> -> memref<32x64xi32, #tpu.memory_space<hbm>>
        %dma_start3A_80 = arith.constant 0 : i32
        %dma_start3A_81 = tpu.memref_slice %arg3[%arg0, %arg1, %mul3A_11, %dma_start3A_80] : memref<2x16x320x64xi32, #tpu.memory_space<hbm>> -> memref<1x1x32x64xi32, #tpu.memory_space<hbm>>
        %dma_start3A_82 = tpu.memref_squeeze %dma_start3A_81 : memref<1x1x32x64xi32, #tpu.memory_space<hbm>> -> memref<32x64xi32, #tpu.memory_space<hbm>>
        tpu.enqueue_dma source(%dma_start3A_82 : memref<32x64xi32, #tpu.memory_space<hbm>>) target(%arg8 : memref<32x64xi32, #tpu.memory_space<vmem>>) target_semaphore(%run_scoped3A_76 : memref<!tpu.dma_semaphore, #tpu.memory_space<semaphore_mem>>)
        %dma_wait3A_83 = arith.constant 0 : i32
        %dma_wait3A_84 = tpu.memref_slice %arg3[%arg0, %arg1, %mul3A_11, %dma_wait3A_83] : memref<2x16x320x64xi32, #tpu.memory_space<hbm>> -> memref<1x1x32x64xi32, #tpu.memory_space<hbm>>
        %dma_wait3A_85 = tpu.memref_squeeze %dma_wait3A_84 : memref<1x1x32x64xi32, #tpu.memory_space<hbm>> -> memref<32x64xi32, #tpu.memory_space<hbm>>
        %dma_wait3A_86 = arith.constant 0 : i32
        %dma_wait3A_87 = tpu.memref_slice %arg3[%arg0, %arg1, %mul3A_11, %dma_wait3A_86] : memref<2x16x320x64xi32, #tpu.memory_space<hbm>> -> memref<1x1x32x64xi32, #tpu.memory_space<hbm>>
        %dma_wait3A_88 = tpu.memref_squeeze %dma_wait3A_87 : memref<1x1x32x64xi32, #tpu.memory_space<hbm>> -> memref<32x64xi32, #tpu.memory_space<hbm>>
        tpu.wait_dma2 semaphore(%run_scoped3A_76 : memref<!tpu.dma_semaphore, #tpu.memory_space<semaphore_mem>>) src(%dma_wait3A_88 : memref<32x64xi32, #tpu.memory_space<hbm>>) dst(%arg8 : memref<32x64xi32, #tpu.memory_space<vmem>>)
        tpu.yield
      }) : () -> ()
      %mul3A_12 = arith.constant 32 : i32
      %mul3A_13 = arith.muli %add3A_9, %mul3A_12 : i32
      "tpu.region"() ({
        %run_scoped3A_76 = tpu.sem_alloc : memref<!tpu.dma_semaphore, #tpu.memory_space<semaphore_mem>>
        %dma_start3A_77 = arith.constant 0 : i32
        %dma_start3A_78 = tpu.memref_slice %arg4[%arg0, %arg1, %mul3A_13, %dma_start3A_77] : memref<2x16x320x64xi32, #tpu.memory_space<hbm>> -> memref<1x1x32x64xi32, #tpu.memory_space<hbm>>
        %dma_start3A_79 = tpu.memref_squeeze %dma_start3A_78 : memref<1x1x32x64xi32, #tpu.memory_space<hbm>> -> memref<32x64xi32, #tpu.memory_space<hbm>>
        %dma_start3A_80 = arith.constant 0 : i32
        %dma_start3A_81 = tpu.memref_slice %arg4[%arg0, %arg1, %mul3A_13, %dma_start3A_80] : memref<2x16x320x64xi32, #tpu.memory_space<hbm>> -> memref<1x1x32x64xi32, #tpu.memory_space<hbm>>
        %dma_start3A_82 = tpu.memref_squeeze %dma_start3A_81 : memref<1x1x32x64xi32, #tpu.memory_space<hbm>> -> memref<32x64xi32, #tpu.memory_space<hbm>>
        tpu.enqueue_dma source(%dma_start3A_82 : memref<32x64xi32, #tpu.memory_space<hbm>>) target(%arg9 : memref<32x64xi32, #tpu.memory_space<vmem>>) target_semaphore(%run_scoped3A_76 : memref<!tpu.dma_semaphore, #tpu.memory_space<semaphore_mem>>)
        %dma_wait3A_83 = arith.constant 0 : i32
        %dma_wait3A_84 = tpu.memref_slice %arg4[%arg0, %arg1, %mul3A_13, %dma_wait3A_83] : memref<2x16x320x64xi32, #tpu.memory_space<hbm>> -> memref<1x1x32x64xi32, #tpu.memory_space<hbm>>
        %dma_wait3A_85 = tpu.memref_squeeze %dma_wait3A_84 : memref<1x1x32x64xi32, #tpu.memory_space<hbm>> -> memref<32x64xi32, #tpu.memory_space<hbm>>
        %dma_wait3A_86 = arith.constant 0 : i32
        %dma_wait3A_87 = tpu.memref_slice %arg4[%arg0, %arg1, %mul3A_13, %dma_wait3A_86] : memref<2x16x320x64xi32, #tpu.memory_space<hbm>> -> memref<1x1x32x64xi32, #tpu.memory_space<hbm>>
        %dma_wait3A_88 = tpu.memref_squeeze %dma_wait3A_87 : memref<1x1x32x64xi32, #tpu.memory_space<hbm>> -> memref<32x64xi32, #tpu.memory_space<hbm>>
        tpu.wait_dma2 semaphore(%run_scoped3A_76 : memref<!tpu.dma_semaphore, #tpu.memory_space<semaphore_mem>>) src(%dma_wait3A_88 : memref<32x64xi32, #tpu.memory_space<hbm>>) dst(%arg9 : memref<32x64xi32, #tpu.memory_space<vmem>>)
        tpu.yield
      }) : () -> ()
      %dma_start3A = arith.constant 0 : i32
      %dma_start3A_14 = arith.constant 0 : i32
      %dma_start3A_15 = tpu.memref_slice %arg8[%dma_start3A, %dma_start3A_14] : memref<32x64xi32, #tpu.memory_space<vmem>> -> memref<1x64xi32, #tpu.memory_space<vmem>>
      %dma_start3A_16 = tpu.memref_squeeze %dma_start3A_15 : memref<1x64xi32, #tpu.memory_space<vmem>> -> memref<64xi32, #tpu.memory_space<vmem>>
      %dma_start3A_17 = arith.constant 0 : i32
      %dma_start3A_18 = arith.constant 0 : i32
      %dma_start3A_19 = tpu.memref_slice %arg2[%dma_start3A_17, %dma_start3A_18] : memref<20480x128xf32, #tpu.memory_space<hbm>> -> memref<20480x128xf32, #tpu.memory_space<hbm>>
      tpu.enqueue_indirect_dma source(%dma_start3A_19 : memref<20480x128xf32, #tpu.memory_space<hbm>>) target(%arg10 : memref<64x128xf32, #tpu.memory_space<vmem>>) offsets(%dma_start3A_16 : memref<64xi32, #tpu.memory_space<vmem>>) semaphore(%arg14 : memref<!tpu.dma_semaphore, #tpu.memory_space<semaphore_mem>>)
      %dma_start3A_20 = arith.constant 1 : i32
      %dma_start3A_21 = arith.constant 0 : i32
      %dma_start3A_22 = tpu.memref_slice %arg8[%dma_start3A_20, %dma_start3A_21] : memref<32x64xi32, #tpu.memory_space<vmem>> -> memref<1x64xi32, #tpu.memory_space<vmem>>
      %dma_start3A_23 = tpu.memref_squeeze %dma_start3A_22 : memref<1x64xi32, #tpu.memory_space<vmem>> -> memref<64xi32, #tpu.memory_space<vmem>>
      %dma_start3A_24 = arith.constant 0 : i32
      %dma_start3A_25 = arith.constant 0 : i32
      %dma_start3A_26 = tpu.memref_slice %arg2[%dma_start3A_24, %dma_start3A_25] : memref<20480x128xf32, #tpu.memory_space<hbm>> -> memref<20480x128xf32, #tpu.memory_space<hbm>>
      tpu.enqueue_indirect_dma source(%dma_start3A_26 : memref<20480x128xf32, #tpu.memory_space<hbm>>) target(%arg11 : memref<64x128xf32, #tpu.memory_space<vmem>>) offsets(%dma_start3A_23 : memref<64xi32, #tpu.memory_space<vmem>>) semaphore(%arg15 : memref<!tpu.dma_semaphore, #tpu.memory_space<semaphore_mem>>)
      %dma_start3A_27 = arith.constant 2 : i32
      %dma_start3A_28 = arith.constant 0 : i32
      %dma_start3A_29 = tpu.memref_slice %arg8[%dma_start3A_27, %dma_start3A_28] : memref<32x64xi32, #tpu.memory_space<vmem>> -> memref<1x64xi32, #tpu.memory_space<vmem>>
      %dma_start3A_30 = tpu.memref_squeeze %dma_start3A_29 : memref<1x64xi32, #tpu.memory_space<vmem>> -> memref<64xi32, #tpu.memory_space<vmem>>
      %dma_start3A_31 = arith.constant 0 : i32
      %dma_start3A_32 = arith.constant 0 : i32
      %dma_start3A_33 = tpu.memref_slice %arg2[%dma_start3A_31, %dma_start3A_32] : memref<20480x128xf32, #tpu.memory_space<hbm>> -> memref<20480x128xf32, #tpu.memory_space<hbm>>
      tpu.enqueue_indirect_dma source(%dma_start3A_33 : memref<20480x128xf32, #tpu.memory_space<hbm>>) target(%arg12 : memref<64x128xf32, #tpu.memory_space<vmem>>) offsets(%dma_start3A_30 : memref<64xi32, #tpu.memory_space<vmem>>) semaphore(%arg16 : memref<!tpu.dma_semaphore, #tpu.memory_space<semaphore_mem>>)
      %dma_start3A_34 = arith.constant 3 : i32
      %dma_start3A_35 = arith.constant 0 : i32
      %dma_start3A_36 = tpu.memref_slice %arg8[%dma_start3A_34, %dma_start3A_35] : memref<32x64xi32, #tpu.memory_space<vmem>> -> memref<1x64xi32, #tpu.memory_space<vmem>>
      %dma_start3A_37 = tpu.memref_squeeze %dma_start3A_36 : memref<1x64xi32, #tpu.memory_space<vmem>> -> memref<64xi32, #tpu.memory_space<vmem>>
      %dma_start3A_38 = arith.constant 0 : i32
      %dma_start3A_39 = arith.constant 0 : i32
      %dma_start3A_40 = tpu.memref_slice %arg2[%dma_start3A_38, %dma_start3A_39] : memref<20480x128xf32, #tpu.memory_space<hbm>> -> memref<20480x128xf32, #tpu.memory_space<hbm>>
      tpu.enqueue_indirect_dma source(%dma_start3A_40 : memref<20480x128xf32, #tpu.memory_space<hbm>>) target(%arg13 : memref<64x128xf32, #tpu.memory_space<vmem>>) offsets(%dma_start3A_37 : memref<64xi32, #tpu.memory_space<vmem>>) semaphore(%arg17 : memref<!tpu.dma_semaphore, #tpu.memory_space<semaphore_mem>>)
      %scan3A_41 = arith.constant 0 : i32
      %scan3A_42 = arith.constant 7 : i32
      %scan3A_43 = arith.addi %scan3A_41, %scan3A_42 : i32
      %scan3A_44 = arith.constant 1 : i32
      scf.for %scan3A_76 = %scan3A_41 to %scan3A_43 step %scan3A_44  : i32 {
        %mul3A_77 = arith.constant 4 : i32
        %mul3A_78 = arith.muli %scan3A_76, %mul3A_77 : i32
        %add3A_79 = arith.constant 0 : i32
        %add3A_80 = arith.addi %add3A_79, %mul3A_78 : i32
        %add3A_81 = arith.constant 0 : i32
        %add3A_82 = arith.addi %add3A_80, %add3A_81 : i32
        %dma_wait3A_83 = arith.constant 0 : i32
        %dma_wait3A_84 = tpu.memref_slice %arg8[%add3A_82, %dma_wait3A_83] : memref<32x64xi32, #tpu.memory_space<vmem>> -> memref<1x64xi32, #tpu.memory_space<vmem>>
        %dma_wait3A_85 = tpu.memref_squeeze %dma_wait3A_84 : memref<1x64xi32, #tpu.memory_space<vmem>> -> memref<64xi32, #tpu.memory_space<vmem>>
        %dma_wait3A_86 = arith.constant 0 : i32
        %dma_wait3A_87 = arith.constant 0 : i32
        %dma_wait3A_88 = tpu.memref_slice %arg2[%dma_wait3A_86, %dma_wait3A_87] : memref<20480x128xf32, #tpu.memory_space<hbm>> -> memref<20480x128xf32, #tpu.memory_space<hbm>>
        tpu.wait_indirect_dma semaphore(%arg14 : memref<!tpu.dma_semaphore, #tpu.memory_space<semaphore_mem>>) src(%dma_wait3A_88 : memref<20480x128xf32, #tpu.memory_space<hbm>>) dst(%arg10 : memref<64x128xf32, #tpu.memory_space<vmem>>)
        %add3A_89 = arith.constant 0 : i32
        %add3A_90 = arith.addi %add3A_80, %add3A_89 : i32
        "tpu.region"() ({
          %run_scoped3A_161 = tpu.sem_alloc : memref<!tpu.dma_semaphore, #tpu.memory_space<semaphore_mem>>
          %dma_start3A_162 = arith.constant 0 : i32
          %dma_start3A_163 = tpu.memref_slice %arg9[%add3A_90, %dma_start3A_162] : memref<32x64xi32, #tpu.memory_space<vmem>> -> memref<1x64xi32, #tpu.memory_space<vmem>>
          %dma_start3A_164 = tpu.memref_squeeze %dma_start3A_163 : memref<1x64xi32, #tpu.memory_space<vmem>> -> memref<64xi32, #tpu.memory_space<vmem>>
          %dma_start3A_165 = arith.constant 0 : i32
          %dma_start3A_166 = arith.constant 0 : i32
          %dma_start3A_167 = tpu.memref_slice %arg7[%dma_start3A_165, %dma_start3A_166] : memref<10240x128xf32, #tpu.memory_space<vmem_shared>> -> memref<10240x128xf32, #tpu.memory_space<vmem_shared>>
          tpu.enqueue_indirect_dma source(%arg10 : memref<64x128xf32, #tpu.memory_space<vmem>>) target(%dma_start3A_167 : memref<10240x128xf32, #tpu.memory_space<vmem_shared>>) offsets(%dma_start3A_164 : memref<64xi32, #tpu.memory_space<vmem>>) semaphore(%run_scoped3A_161 : memref<!tpu.dma_semaphore, #tpu.memory_space<semaphore_mem>>) {add = true}
          %dma_wait3A_168 = arith.constant 0 : i32
          %dma_wait3A_169 = tpu.memref_slice %arg9[%add3A_90, %dma_wait3A_168] : memref<32x64xi32, #tpu.memory_space<vmem>> -> memref<1x64xi32, #tpu.memory_space<vmem>>
          %dma_wait3A_170 = tpu.memref_squeeze %dma_wait3A_169 : memref<1x64xi32, #tpu.memory_space<vmem>> -> memref<64xi32, #tpu.memory_space<vmem>>
          %dma_wait3A_171 = arith.constant 0 : i32
          %dma_wait3A_172 = arith.constant 0 : i32
          %dma_wait3A_173 = tpu.memref_slice %arg7[%dma_wait3A_171, %dma_wait3A_172] : memref<10240x128xf32, #tpu.memory_space<vmem_shared>> -> memref<10240x128xf32, #tpu.memory_space<vmem_shared>>
          tpu.wait_indirect_dma semaphore(%run_scoped3A_161 : memref<!tpu.dma_semaphore, #tpu.memory_space<semaphore_mem>>) src(%arg10 : memref<64x128xf32, #tpu.memory_space<vmem>>) dst(%dma_wait3A_173 : memref<10240x128xf32, #tpu.memory_space<vmem_shared>>)
          tpu.yield
        }) : () -> ()
        %add3A_91 = arith.constant 0 : i32
        %add3A_92 = arith.addi %add3A_80, %add3A_91 : i32
        %add3A_93 = arith.constant 4 : i32
        %add3A_94 = arith.addi %add3A_92, %add3A_93 : i32
        %dma_start3A_95 = arith.constant 0 : i32
        %dma_start3A_96 = tpu.memref_slice %arg8[%add3A_94, %dma_start3A_95] : memref<32x64xi32, #tpu.memory_space<vmem>> -> memref<1x64xi32, #tpu.memory_space<vmem>>
        %dma_start3A_97 = tpu.memref_squeeze %dma_start3A_96 : memref<1x64xi32, #tpu.memory_space<vmem>> -> memref<64xi32, #tpu.memory_space<vmem>>
        %dma_start3A_98 = arith.constant 0 : i32
        %dma_start3A_99 = arith.constant 0 : i32
        %dma_start3A_100 = tpu.memref_slice %arg2[%dma_start3A_98, %dma_start3A_99] : memref<20480x128xf32, #tpu.memory_space<hbm>> -> memref<20480x128xf32, #tpu.memory_space<hbm>>
        tpu.enqueue_indirect_dma source(%dma_start3A_100 : memref<20480x128xf32, #tpu.memory_space<hbm>>) target(%arg10 : memref<64x128xf32, #tpu.memory_space<vmem>>) offsets(%dma_start3A_97 : memref<64xi32, #tpu.memory_space<vmem>>) semaphore(%arg14 : memref<!tpu.dma_semaphore, #tpu.memory_space<semaphore_mem>>)
        %add3A_101 = arith.constant 1 : i32
        %add3A_102 = arith.addi %add3A_80, %add3A_101 : i32
        %dma_wait3A_103 = arith.constant 0 : i32
        %dma_wait3A_104 = tpu.memref_slice %arg8[%add3A_102, %dma_wait3A_103] : memref<32x64xi32, #tpu.memory_space<vmem>> -> memref<1x64xi32, #tpu.memory_space<vmem>>
        %dma_wait3A_105 = tpu.memref_squeeze %dma_wait3A_104 : memref<1x64xi32, #tpu.memory_space<vmem>> -> memref<64xi32, #tpu.memory_space<vmem>>
        %dma_wait3A_106 = arith.constant 0 : i32
        %dma_wait3A_107 = arith.constant 0 : i32
        %dma_wait3A_108 = tpu.memref_slice %arg2[%dma_wait3A_106, %dma_wait3A_107] : memref<20480x128xf32, #tpu.memory_space<hbm>> -> memref<20480x128xf32, #tpu.memory_space<hbm>>
        tpu.wait_indirect_dma semaphore(%arg15 : memref<!tpu.dma_semaphore, #tpu.memory_space<semaphore_mem>>) src(%dma_wait3A_108 : memref<20480x128xf32, #tpu.memory_space<hbm>>) dst(%arg11 : memref<64x128xf32, #tpu.memory_space<vmem>>)
        %add3A_109 = arith.constant 1 : i32
        %add3A_110 = arith.addi %add3A_80, %add3A_109 : i32
        "tpu.region"() ({
          %run_scoped3A_161 = tpu.sem_alloc : memref<!tpu.dma_semaphore, #tpu.memory_space<semaphore_mem>>
          %dma_start3A_162 = arith.constant 0 : i32
          %dma_start3A_163 = tpu.memref_slice %arg9[%add3A_110, %dma_start3A_162] : memref<32x64xi32, #tpu.memory_space<vmem>> -> memref<1x64xi32, #tpu.memory_space<vmem>>
          %dma_start3A_164 = tpu.memref_squeeze %dma_start3A_163 : memref<1x64xi32, #tpu.memory_space<vmem>> -> memref<64xi32, #tpu.memory_space<vmem>>
          %dma_start3A_165 = arith.constant 0 : i32
          %dma_start3A_166 = arith.constant 0 : i32
          %dma_start3A_167 = tpu.memref_slice %arg7[%dma_start3A_165, %dma_start3A_166] : memref<10240x128xf32, #tpu.memory_space<vmem_shared>> -> memref<10240x128xf32, #tpu.memory_space<vmem_shared>>
          tpu.enqueue_indirect_dma source(%arg11 : memref<64x128xf32, #tpu.memory_space<vmem>>) target(%dma_start3A_167 : memref<10240x128xf32, #tpu.memory_space<vmem_shared>>) offsets(%dma_start3A_164 : memref<64xi32, #tpu.memory_space<vmem>>) semaphore(%run_scoped3A_161 : memref<!tpu.dma_semaphore, #tpu.memory_space<semaphore_mem>>) {add = true}
          %dma_wait3A_168 = arith.constant 0 : i32
          %dma_wait3A_169 = tpu.memref_slice %arg9[%add3A_110, %dma_wait3A_168] : memref<32x64xi32, #tpu.memory_space<vmem>> -> memref<1x64xi32, #tpu.memory_space<vmem>>
          %dma_wait3A_170 = tpu.memref_squeeze %dma_wait3A_169 : memref<1x64xi32, #tpu.memory_space<vmem>> -> memref<64xi32, #tpu.memory_space<vmem>>
          %dma_wait3A_171 = arith.constant 0 : i32
          %dma_wait3A_172 = arith.constant 0 : i32
          %dma_wait3A_173 = tpu.memref_slice %arg7[%dma_wait3A_171, %dma_wait3A_172] : memref<10240x128xf32, #tpu.memory_space<vmem_shared>> -> memref<10240x128xf32, #tpu.memory_space<vmem_shared>>
          tpu.wait_indirect_dma semaphore(%run_scoped3A_161 : memref<!tpu.dma_semaphore, #tpu.memory_space<semaphore_mem>>) src(%arg11 : memref<64x128xf32, #tpu.memory_space<vmem>>) dst(%dma_wait3A_173 : memref<10240x128xf32, #tpu.memory_space<vmem_shared>>)
          tpu.yield
        }) : () -> ()
        %add3A_111 = arith.constant 1 : i32
        %add3A_112 = arith.addi %add3A_80, %add3A_111 : i32
        %add3A_113 = arith.constant 4 : i32
        %add3A_114 = arith.addi %add3A_112, %add3A_113 : i32
        %dma_start3A_115 = arith.constant 0 : i32
        %dma_start3A_116 = tpu.memref_slice %arg8[%add3A_114, %dma_start3A_115] : memref<32x64xi32, #tpu.memory_space<vmem>> -> memref<1x64xi32, #tpu.memory_space<vmem>>
        %dma_start3A_117 = tpu.memref_squeeze %dma_start3A_116 : memref<1x64xi32, #tpu.memory_space<vmem>> -> memref<64xi32, #tpu.memory_space<vmem>>
        %dma_start3A_118 = arith.constant 0 : i32
        %dma_start3A_119 = arith.constant 0 : i32
        %dma_start3A_120 = tpu.memref_slice %arg2[%dma_start3A_118, %dma_start3A_119] : memref<20480x128xf32, #tpu.memory_space<hbm>> -> memref<20480x128xf32, #tpu.memory_space<hbm>>
        tpu.enqueue_indirect_dma source(%dma_start3A_120 : memref<20480x128xf32, #tpu.memory_space<hbm>>) target(%arg11 : memref<64x128xf32, #tpu.memory_space<vmem>>) offsets(%dma_start3A_117 : memref<64xi32, #tpu.memory_space<vmem>>) semaphore(%arg15 : memref<!tpu.dma_semaphore, #tpu.memory_space<semaphore_mem>>)
        %add3A_121 = arith.constant 2 : i32
        %add3A_122 = arith.addi %add3A_80, %add3A_121 : i32
        %dma_wait3A_123 = arith.constant 0 : i32
        %dma_wait3A_124 = tpu.memref_slice %arg8[%add3A_122, %dma_wait3A_123] : memref<32x64xi32, #tpu.memory_space<vmem>> -> memref<1x64xi32, #tpu.memory_space<vmem>>
        %dma_wait3A_125 = tpu.memref_squeeze %dma_wait3A_124 : memref<1x64xi32, #tpu.memory_space<vmem>> -> memref<64xi32, #tpu.memory_space<vmem>>
        %dma_wait3A_126 = arith.constant 0 : i32
        %dma_wait3A_127 = arith.constant 0 : i32
        %dma_wait3A_128 = tpu.memref_slice %arg2[%dma_wait3A_126, %dma_wait3A_127] : memref<20480x128xf32, #tpu.memory_space<hbm>> -> memref<20480x128xf32, #tpu.memory_space<hbm>>
        tpu.wait_indirect_dma semaphore(%arg16 : memref<!tpu.dma_semaphore, #tpu.memory_space<semaphore_mem>>) src(%dma_wait3A_128 : memref<20480x128xf32, #tpu.memory_space<hbm>>) dst(%arg12 : memref<64x128xf32, #tpu.memory_space<vmem>>)
        %add3A_129 = arith.constant 2 : i32
        %add3A_130 = arith.addi %add3A_80, %add3A_129 : i32
        "tpu.region"() ({
          %run_scoped3A_161 = tpu.sem_alloc : memref<!tpu.dma_semaphore, #tpu.memory_space<semaphore_mem>>
          %dma_start3A_162 = arith.constant 0 : i32
          %dma_start3A_163 = tpu.memref_slice %arg9[%add3A_130, %dma_start3A_162] : memref<32x64xi32, #tpu.memory_space<vmem>> -> memref<1x64xi32, #tpu.memory_space<vmem>>
          %dma_start3A_164 = tpu.memref_squeeze %dma_start3A_163 : memref<1x64xi32, #tpu.memory_space<vmem>> -> memref<64xi32, #tpu.memory_space<vmem>>
          %dma_start3A_165 = arith.constant 0 : i32
          %dma_start3A_166 = arith.constant 0 : i32
          %dma_start3A_167 = tpu.memref_slice %arg7[%dma_start3A_165, %dma_start3A_166] : memref<10240x128xf32, #tpu.memory_space<vmem_shared>> -> memref<10240x128xf32, #tpu.memory_space<vmem_shared>>
          tpu.enqueue_indirect_dma source(%arg12 : memref<64x128xf32, #tpu.memory_space<vmem>>) target(%dma_start3A_167 : memref<10240x128xf32, #tpu.memory_space<vmem_shared>>) offsets(%dma_start3A_164 : memref<64xi32, #tpu.memory_space<vmem>>) semaphore(%run_scoped3A_161 : memref<!tpu.dma_semaphore, #tpu.memory_space<semaphore_mem>>) {add = true}
          %dma_wait3A_168 = arith.constant 0 : i32
          %dma_wait3A_169 = tpu.memref_slice %arg9[%add3A_130, %dma_wait3A_168] : memref<32x64xi32, #tpu.memory_space<vmem>> -> memref<1x64xi32, #tpu.memory_space<vmem>>
          %dma_wait3A_170 = tpu.memref_squeeze %dma_wait3A_169 : memref<1x64xi32, #tpu.memory_space<vmem>> -> memref<64xi32, #tpu.memory_space<vmem>>
          %dma_wait3A_171 = arith.constant 0 : i32
          %dma_wait3A_172 = arith.constant 0 : i32
          %dma_wait3A_173 = tpu.memref_slice %arg7[%dma_wait3A_171, %dma_wait3A_172] : memref<10240x128xf32, #tpu.memory_space<vmem_shared>> -> memref<10240x128xf32, #tpu.memory_space<vmem_shared>>
          tpu.wait_indirect_dma semaphore(%run_scoped3A_161 : memref<!tpu.dma_semaphore, #tpu.memory_space<semaphore_mem>>) src(%arg12 : memref<64x128xf32, #tpu.memory_space<vmem>>) dst(%dma_wait3A_173 : memref<10240x128xf32, #tpu.memory_space<vmem_shared>>)
          tpu.yield
        }) : () -> ()
        %add3A_131 = arith.constant 2 : i32
        %add3A_132 = arith.addi %add3A_80, %add3A_131 : i32
        %add3A_133 = arith.constant 4 : i32
        %add3A_134 = arith.addi %add3A_132, %add3A_133 : i32
        %dma_start3A_135 = arith.constant 0 : i32
        %dma_start3A_136 = tpu.memref_slice %arg8[%add3A_134, %dma_start3A_135] : memref<32x64xi32, #tpu.memory_space<vmem>> -> memref<1x64xi32, #tpu.memory_space<vmem>>
        %dma_start3A_137 = tpu.memref_squeeze %dma_start3A_136 : memref<1x64xi32, #tpu.memory_space<vmem>> -> memref<64xi32, #tpu.memory_space<vmem>>
        %dma_start3A_138 = arith.constant 0 : i32
        %dma_start3A_139 = arith.constant 0 : i32
        %dma_start3A_140 = tpu.memref_slice %arg2[%dma_start3A_138, %dma_start3A_139] : memref<20480x128xf32, #tpu.memory_space<hbm>> -> memref<20480x128xf32, #tpu.memory_space<hbm>>
        tpu.enqueue_indirect_dma source(%dma_start3A_140 : memref<20480x128xf32, #tpu.memory_space<hbm>>) target(%arg12 : memref<64x128xf32, #tpu.memory_space<vmem>>) offsets(%dma_start3A_137 : memref<64xi32, #tpu.memory_space<vmem>>) semaphore(%arg16 : memref<!tpu.dma_semaphore, #tpu.memory_space<semaphore_mem>>)
        %add3A_141 = arith.constant 3 : i32
        %add3A_142 = arith.addi %add3A_80, %add3A_141 : i32
        %dma_wait3A_143 = arith.constant 0 : i32
        %dma_wait3A_144 = tpu.memref_slice %arg8[%add3A_142, %dma_wait3A_143] : memref<32x64xi32, #tpu.memory_space<vmem>> -> memref<1x64xi32, #tpu.memory_space<vmem>>
        %dma_wait3A_145 = tpu.memref_squeeze %dma_wait3A_144 : memref<1x64xi32, #tpu.memory_space<vmem>> -> memref<64xi32, #tpu.memory_space<vmem>>
        %dma_wait3A_146 = arith.constant 0 : i32
        %dma_wait3A_147 = arith.constant 0 : i32
        %dma_wait3A_148 = tpu.memref_slice %arg2[%dma_wait3A_146, %dma_wait3A_147] : memref<20480x128xf32, #tpu.memory_space<hbm>> -> memref<20480x128xf32, #tpu.memory_space<hbm>>
        tpu.wait_indirect_dma semaphore(%arg17 : memref<!tpu.dma_semaphore, #tpu.memory_space<semaphore_mem>>) src(%dma_wait3A_148 : memref<20480x128xf32, #tpu.memory_space<hbm>>) dst(%arg13 : memref<64x128xf32, #tpu.memory_space<vmem>>)
        %add3A_149 = arith.constant 3 : i32
        %add3A_150 = arith.addi %add3A_80, %add3A_149 : i32
        "tpu.region"() ({
          %run_scoped3A_161 = tpu.sem_alloc : memref<!tpu.dma_semaphore, #tpu.memory_space<semaphore_mem>>
          %dma_start3A_162 = arith.constant 0 : i32
          %dma_start3A_163 = tpu.memref_slice %arg9[%add3A_150, %dma_start3A_162] : memref<32x64xi32, #tpu.memory_space<vmem>> -> memref<1x64xi32, #tpu.memory_space<vmem>>
          %dma_start3A_164 = tpu.memref_squeeze %dma_start3A_163 : memref<1x64xi32, #tpu.memory_space<vmem>> -> memref<64xi32, #tpu.memory_space<vmem>>
          %dma_start3A_165 = arith.constant 0 : i32
          %dma_start3A_166 = arith.constant 0 : i32
          %dma_start3A_167 = tpu.memref_slice %arg7[%dma_start3A_165, %dma_start3A_166] : memref<10240x128xf32, #tpu.memory_space<vmem_shared>> -> memref<10240x128xf32, #tpu.memory_space<vmem_shared>>
          tpu.enqueue_indirect_dma source(%arg13 : memref<64x128xf32, #tpu.memory_space<vmem>>) target(%dma_start3A_167 : memref<10240x128xf32, #tpu.memory_space<vmem_shared>>) offsets(%dma_start3A_164 : memref<64xi32, #tpu.memory_space<vmem>>) semaphore(%run_scoped3A_161 : memref<!tpu.dma_semaphore, #tpu.memory_space<semaphore_mem>>) {add = true}
          %dma_wait3A_168 = arith.constant 0 : i32
          %dma_wait3A_169 = tpu.memref_slice %arg9[%add3A_150, %dma_wait3A_168] : memref<32x64xi32, #tpu.memory_space<vmem>> -> memref<1x64xi32, #tpu.memory_space<vmem>>
          %dma_wait3A_170 = tpu.memref_squeeze %dma_wait3A_169 : memref<1x64xi32, #tpu.memory_space<vmem>> -> memref<64xi32, #tpu.memory_space<vmem>>
          %dma_wait3A_171 = arith.constant 0 : i32
          %dma_wait3A_172 = arith.constant 0 : i32
          %dma_wait3A_173 = tpu.memref_slice %arg7[%dma_wait3A_171, %dma_wait3A_172] : memref<10240x128xf32, #tpu.memory_space<vmem_shared>> -> memref<10240x128xf32, #tpu.memory_space<vmem_shared>>
          tpu.wait_indirect_dma semaphore(%run_scoped3A_161 : memref<!tpu.dma_semaphore, #tpu.memory_space<semaphore_mem>>) src(%arg13 : memref<64x128xf32, #tpu.memory_space<vmem>>) dst(%dma_wait3A_173 : memref<10240x128xf32, #tpu.memory_space<vmem_shared>>)
          tpu.yield
        }) : () -> ()
        %add3A_151 = arith.constant 3 : i32
        %add3A_152 = arith.addi %add3A_80, %add3A_151 : i32
        %add3A_153 = arith.constant 4 : i32
        %add3A_154 = arith.addi %add3A_152, %add3A_153 : i32
        %dma_start3A_155 = arith.constant 0 : i32
        %dma_start3A_156 = tpu.memref_slice %arg8[%add3A_154, %dma_start3A_155] : memref<32x64xi32, #tpu.memory_space<vmem>> -> memref<1x64xi32, #tpu.memory_space<vmem>>
        %dma_start3A_157 = tpu.memref_squeeze %dma_start3A_156 : memref<1x64xi32, #tpu.memory_space<vmem>> -> memref<64xi32, #tpu.memory_space<vmem>>
        %dma_start3A_158 = arith.constant 0 : i32
        %dma_start3A_159 = arith.constant 0 : i32
        %dma_start3A_160 = tpu.memref_slice %arg2[%dma_start3A_158, %dma_start3A_159] : memref<20480x128xf32, #tpu.memory_space<hbm>> -> memref<20480x128xf32, #tpu.memory_space<hbm>>
        tpu.enqueue_indirect_dma source(%dma_start3A_160 : memref<20480x128xf32, #tpu.memory_space<hbm>>) target(%arg13 : memref<64x128xf32, #tpu.memory_space<vmem>>) offsets(%dma_start3A_157 : memref<64xi32, #tpu.memory_space<vmem>>) semaphore(%arg17 : memref<!tpu.dma_semaphore, #tpu.memory_space<semaphore_mem>>)
      }
      %scan3A_45 = arith.constant 7 : i32
      %dma_wait3A = arith.constant 28 : i32
      %dma_wait3A_46 = arith.constant 0 : i32
      %dma_wait3A_47 = tpu.memref_slice %arg8[%dma_wait3A, %dma_wait3A_46] : memref<32x64xi32, #tpu.memory_space<vmem>> -> memref<1x64xi32, #tpu.memory_space<vmem>>
      %dma_wait3A_48 = tpu.memref_squeeze %dma_wait3A_47 : memref<1x64xi32, #tpu.memory_space<vmem>> -> memref<64xi32, #tpu.memory_space<vmem>>
      %dma_wait3A_49 = arith.constant 0 : i32
      %dma_wait3A_50 = arith.constant 0 : i32
      %dma_wait3A_51 = tpu.memref_slice %arg2[%dma_wait3A_49, %dma_wait3A_50] : memref<20480x128xf32, #tpu.memory_space<hbm>> -> memref<20480x128xf32, #tpu.memory_space<hbm>>
      tpu.wait_indirect_dma semaphore(%arg14 : memref<!tpu.dma_semaphore, #tpu.memory_space<semaphore_mem>>) src(%dma_wait3A_51 : memref<20480x128xf32, #tpu.memory_space<hbm>>) dst(%arg10 : memref<64x128xf32, #tpu.memory_space<vmem>>)
      %run_scoped3A = arith.constant 28 : i32
      "tpu.region"() ({
        %run_scoped3A_76 = tpu.sem_alloc : memref<!tpu.dma_semaphore, #tpu.memory_space<semaphore_mem>>
        %dma_start3A_77 = arith.constant 0 : i32
        %dma_start3A_78 = tpu.memref_slice %arg9[%run_scoped3A, %dma_start3A_77] : memref<32x64xi32, #tpu.memory_space<vmem>> -> memref<1x64xi32, #tpu.memory_space<vmem>>
        %dma_start3A_79 = tpu.memref_squeeze %dma_start3A_78 : memref<1x64xi32, #tpu.memory_space<vmem>> -> memref<64xi32, #tpu.memory_space<vmem>>
        %dma_start3A_80 = arith.constant 0 : i32
        %dma_start3A_81 = arith.constant 0 : i32
        %dma_start3A_82 = tpu.memref_slice %arg7[%dma_start3A_80, %dma_start3A_81] : memref<10240x128xf32, #tpu.memory_space<vmem_shared>> -> memref<10240x128xf32, #tpu.memory_space<vmem_shared>>
        tpu.enqueue_indirect_dma source(%arg10 : memref<64x128xf32, #tpu.memory_space<vmem>>) target(%dma_start3A_82 : memref<10240x128xf32, #tpu.memory_space<vmem_shared>>) offsets(%dma_start3A_79 : memref<64xi32, #tpu.memory_space<vmem>>) semaphore(%run_scoped3A_76 : memref<!tpu.dma_semaphore, #tpu.memory_space<semaphore_mem>>) {add = true}
        %dma_wait3A_83 = arith.constant 0 : i32
        %dma_wait3A_84 = tpu.memref_slice %arg9[%run_scoped3A, %dma_wait3A_83] : memref<32x64xi32, #tpu.memory_space<vmem>> -> memref<1x64xi32, #tpu.memory_space<vmem>>
        %dma_wait3A_85 = tpu.memref_squeeze %dma_wait3A_84 : memref<1x64xi32, #tpu.memory_space<vmem>> -> memref<64xi32, #tpu.memory_space<vmem>>
        %dma_wait3A_86 = arith.constant 0 : i32
        %dma_wait3A_87 = arith.constant 0 : i32
        %dma_wait3A_88 = tpu.memref_slice %arg7[%dma_wait3A_86, %dma_wait3A_87] : memref<10240x128xf32, #tpu.memory_space<vmem_shared>> -> memref<10240x128xf32, #tpu.memory_space<vmem_shared>>
        tpu.wait_indirect_dma semaphore(%run_scoped3A_76 : memref<!tpu.dma_semaphore, #tpu.memory_space<semaphore_mem>>) src(%arg10 : memref<64x128xf32, #tpu.memory_space<vmem>>) dst(%dma_wait3A_88 : memref<10240x128xf32, #tpu.memory_space<vmem_shared>>)
        tpu.yield
      }) : () -> ()
      %dma_wait3A_52 = arith.constant 29 : i32
      %dma_wait3A_53 = arith.constant 0 : i32
      %dma_wait3A_54 = tpu.memref_slice %arg8[%dma_wait3A_52, %dma_wait3A_53] : memref<32x64xi32, #tpu.memory_space<vmem>> -> memref<1x64xi32, #tpu.memory_space<vmem>>
      %dma_wait3A_55 = tpu.memref_squeeze %dma_wait3A_54 : memref<1x64xi32, #tpu.memory_space<vmem>> -> memref<64xi32, #tpu.memory_space<vmem>>
      %dma_wait3A_56 = arith.constant 0 : i32
      %dma_wait3A_57 = arith.constant 0 : i32
      %dma_wait3A_58 = tpu.memref_slice %arg2[%dma_wait3A_56, %dma_wait3A_57] : memref<20480x128xf32, #tpu.memory_space<hbm>> -> memref<20480x128xf32, #tpu.memory_space<hbm>>
      tpu.wait_indirect_dma semaphore(%arg15 : memref<!tpu.dma_semaphore, #tpu.memory_space<semaphore_mem>>) src(%dma_wait3A_58 : memref<20480x128xf32, #tpu.memory_space<hbm>>) dst(%arg11 : memref<64x128xf32, #tpu.memory_space<vmem>>)
      %run_scoped3A_59 = arith.constant 29 : i32
      "tpu.region"() ({
        %run_scoped3A_76 = tpu.sem_alloc : memref<!tpu.dma_semaphore, #tpu.memory_space<semaphore_mem>>
        %dma_start3A_77 = arith.constant 0 : i32
        %dma_start3A_78 = tpu.memref_slice %arg9[%run_scoped3A_59, %dma_start3A_77] : memref<32x64xi32, #tpu.memory_space<vmem>> -> memref<1x64xi32, #tpu.memory_space<vmem>>
        %dma_start3A_79 = tpu.memref_squeeze %dma_start3A_78 : memref<1x64xi32, #tpu.memory_space<vmem>> -> memref<64xi32, #tpu.memory_space<vmem>>
        %dma_start3A_80 = arith.constant 0 : i32
        %dma_start3A_81 = arith.constant 0 : i32
        %dma_start3A_82 = tpu.memref_slice %arg7[%dma_start3A_80, %dma_start3A_81] : memref<10240x128xf32, #tpu.memory_space<vmem_shared>> -> memref<10240x128xf32, #tpu.memory_space<vmem_shared>>
        tpu.enqueue_indirect_dma source(%arg11 : memref<64x128xf32, #tpu.memory_space<vmem>>) target(%dma_start3A_82 : memref<10240x128xf32, #tpu.memory_space<vmem_shared>>) offsets(%dma_start3A_79 : memref<64xi32, #tpu.memory_space<vmem>>) semaphore(%run_scoped3A_76 : memref<!tpu.dma_semaphore, #tpu.memory_space<semaphore_mem>>) {add = true}
        %dma_wait3A_83 = arith.constant 0 : i32
        %dma_wait3A_84 = tpu.memref_slice %arg9[%run_scoped3A_59, %dma_wait3A_83] : memref<32x64xi32, #tpu.memory_space<vmem>> -> memref<1x64xi32, #tpu.memory_space<vmem>>
        %dma_wait3A_85 = tpu.memref_squeeze %dma_wait3A_84 : memref<1x64xi32, #tpu.memory_space<vmem>> -> memref<64xi32, #tpu.memory_space<vmem>>
        %dma_wait3A_86 = arith.constant 0 : i32
        %dma_wait3A_87 = arith.constant 0 : i32
        %dma_wait3A_88 = tpu.memref_slice %arg7[%dma_wait3A_86, %dma_wait3A_87] : memref<10240x128xf32, #tpu.memory_space<vmem_shared>> -> memref<10240x128xf32, #tpu.memory_space<vmem_shared>>
        tpu.wait_indirect_dma semaphore(%run_scoped3A_76 : memref<!tpu.dma_semaphore, #tpu.memory_space<semaphore_mem>>) src(%arg11 : memref<64x128xf32, #tpu.memory_space<vmem>>) dst(%dma_wait3A_88 : memref<10240x128xf32, #tpu.memory_space<vmem_shared>>)
        tpu.yield
      }) : () -> ()
      %dma_wait3A_60 = arith.constant 30 : i32
      %dma_wait3A_61 = arith.constant 0 : i32
      %dma_wait3A_62 = tpu.memref_slice %arg8[%dma_wait3A_60, %dma_wait3A_61] : memref<32x64xi32, #tpu.memory_space<vmem>> -> memref<1x64xi32, #tpu.memory_space<vmem>>
      %dma_wait3A_63 = tpu.memref_squeeze %dma_wait3A_62 : memref<1x64xi32, #tpu.memory_space<vmem>> -> memref<64xi32, #tpu.memory_space<vmem>>
      %dma_wait3A_64 = arith.constant 0 : i32
      %dma_wait3A_65 = arith.constant 0 : i32
      %dma_wait3A_66 = tpu.memref_slice %arg2[%dma_wait3A_64, %dma_wait3A_65] : memref<20480x128xf32, #tpu.memory_space<hbm>> -> memref<20480x128xf32, #tpu.memory_space<hbm>>
      tpu.wait_indirect_dma semaphore(%arg16 : memref<!tpu.dma_semaphore, #tpu.memory_space<semaphore_mem>>) src(%dma_wait3A_66 : memref<20480x128xf32, #tpu.memory_space<hbm>>) dst(%arg12 : memref<64x128xf32, #tpu.memory_space<vmem>>)
      %run_scoped3A_67 = arith.constant 30 : i32
      "tpu.region"() ({
        %run_scoped3A_76 = tpu.sem_alloc : memref<!tpu.dma_semaphore, #tpu.memory_space<semaphore_mem>>
        %dma_start3A_77 = arith.constant 0 : i32
        %dma_start3A_78 = tpu.memref_slice %arg9[%run_scoped3A_67, %dma_start3A_77] : memref<32x64xi32, #tpu.memory_space<vmem>> -> memref<1x64xi32, #tpu.memory_space<vmem>>
        %dma_start3A_79 = tpu.memref_squeeze %dma_start3A_78 : memref<1x64xi32, #tpu.memory_space<vmem>> -> memref<64xi32, #tpu.memory_space<vmem>>
        %dma_start3A_80 = arith.constant 0 : i32
        %dma_start3A_81 = arith.constant 0 : i32
        %dma_start3A_82 = tpu.memref_slice %arg7[%dma_start3A_80, %dma_start3A_81] : memref<10240x128xf32, #tpu.memory_space<vmem_shared>> -> memref<10240x128xf32, #tpu.memory_space<vmem_shared>>
        tpu.enqueue_indirect_dma source(%arg12 : memref<64x128xf32, #tpu.memory_space<vmem>>) target(%dma_start3A_82 : memref<10240x128xf32, #tpu.memory_space<vmem_shared>>) offsets(%dma_start3A_79 : memref<64xi32, #tpu.memory_space<vmem>>) semaphore(%run_scoped3A_76 : memref<!tpu.dma_semaphore, #tpu.memory_space<semaphore_mem>>) {add = true}
        %dma_wait3A_83 = arith.constant 0 : i32
        %dma_wait3A_84 = tpu.memref_slice %arg9[%run_scoped3A_67, %dma_wait3A_83] : memref<32x64xi32, #tpu.memory_space<vmem>> -> memref<1x64xi32, #tpu.memory_space<vmem>>
        %dma_wait3A_85 = tpu.memref_squeeze %dma_wait3A_84 : memref<1x64xi32, #tpu.memory_space<vmem>> -> memref<64xi32, #tpu.memory_space<vmem>>
        %dma_wait3A_86 = arith.constant 0 : i32
        %dma_wait3A_87 = arith.constant 0 : i32
        %dma_wait3A_88 = tpu.memref_slice %arg7[%dma_wait3A_86, %dma_wait3A_87] : memref<10240x128xf32, #tpu.memory_space<vmem_shared>> -> memref<10240x128xf32, #tpu.memory_space<vmem_shared>>
        tpu.wait_indirect_dma semaphore(%run_scoped3A_76 : memref<!tpu.dma_semaphore, #tpu.memory_space<semaphore_mem>>) src(%arg12 : memref<64x128xf32, #tpu.memory_space<vmem>>) dst(%dma_wait3A_88 : memref<10240x128xf32, #tpu.memory_space<vmem_shared>>)
        tpu.yield
      }) : () -> ()
      %dma_wait3A_68 = arith.constant 31 : i32
      %dma_wait3A_69 = arith.constant 0 : i32
      %dma_wait3A_70 = tpu.memref_slice %arg8[%dma_wait3A_68, %dma_wait3A_69] : memref<32x64xi32, #tpu.memory_space<vmem>> -> memref<1x64xi32, #tpu.memory_space<vmem>>
      %dma_wait3A_71 = tpu.memref_squeeze %dma_wait3A_70 : memref<1x64xi32, #tpu.memory_space<vmem>> -> memref<64xi32, #tpu.memory_space<vmem>>
      %dma_wait3A_72 = arith.constant 0 : i32
      %dma_wait3A_73 = arith.constant 0 : i32
      %dma_wait3A_74 = tpu.memref_slice %arg2[%dma_wait3A_72, %dma_wait3A_73] : memref<20480x128xf32, #tpu.memory_space<hbm>> -> memref<20480x128xf32, #tpu.memory_space<hbm>>
      tpu.wait_indirect_dma semaphore(%arg17 : memref<!tpu.dma_semaphore, #tpu.memory_space<semaphore_mem>>) src(%dma_wait3A_74 : memref<20480x128xf32, #tpu.memory_space<hbm>>) dst(%arg13 : memref<64x128xf32, #tpu.memory_space<vmem>>)
      %run_scoped3A_75 = arith.constant 31 : i32
      "tpu.region"() ({
        %run_scoped3A_76 = tpu.sem_alloc : memref<!tpu.dma_semaphore, #tpu.memory_space<semaphore_mem>>
        %dma_start3A_77 = arith.constant 0 : i32
        %dma_start3A_78 = tpu.memref_slice %arg9[%run_scoped3A_75, %dma_start3A_77] : memref<32x64xi32, #tpu.memory_space<vmem>> -> memref<1x64xi32, #tpu.memory_space<vmem>>
        %dma_start3A_79 = tpu.memref_squeeze %dma_start3A_78 : memref<1x64xi32, #tpu.memory_space<vmem>> -> memref<64xi32, #tpu.memory_space<vmem>>
        %dma_start3A_80 = arith.constant 0 : i32
        %dma_start3A_81 = arith.constant 0 : i32
        %dma_start3A_82 = tpu.memref_slice %arg7[%dma_start3A_80, %dma_start3A_81] : memref<10240x128xf32, #tpu.memory_space<vmem_shared>> -> memref<10240x128xf32, #tpu.memory_space<vmem_shared>>
        tpu.enqueue_indirect_dma source(%arg13 : memref<64x128xf32, #tpu.memory_space<vmem>>) target(%dma_start3A_82 : memref<10240x128xf32, #tpu.memory_space<vmem_shared>>) offsets(%dma_start3A_79 : memref<64xi32, #tpu.memory_space<vmem>>) semaphore(%run_scoped3A_76 : memref<!tpu.dma_semaphore, #tpu.memory_space<semaphore_mem>>) {add = true}
        %dma_wait3A_83 = arith.constant 0 : i32
        %dma_wait3A_84 = tpu.memref_slice %arg9[%run_scoped3A_75, %dma_wait3A_83] : memref<32x64xi32, #tpu.memory_space<vmem>> -> memref<1x64xi32, #tpu.memory_space<vmem>>
        %dma_wait3A_85 = tpu.memref_squeeze %dma_wait3A_84 : memref<1x64xi32, #tpu.memory_space<vmem>> -> memref<64xi32, #tpu.memory_space<vmem>>
        %dma_wait3A_86 = arith.constant 0 : i32
        %dma_wait3A_87 = arith.constant 0 : i32
        %dma_wait3A_88 = tpu.memref_slice %arg7[%dma_wait3A_86, %dma_wait3A_87] : memref<10240x128xf32, #tpu.memory_space<vmem_shared>> -> memref<10240x128xf32, #tpu.memory_space<vmem_shared>>
        tpu.wait_indirect_dma semaphore(%run_scoped3A_76 : memref<!tpu.dma_semaphore, #tpu.memory_space<semaphore_mem>>) src(%arg13 : memref<64x128xf32, #tpu.memory_space<vmem>>) dst(%dma_wait3A_88 : memref<10240x128xf32, #tpu.memory_space<vmem_shared>>)
        tpu.yield
      }) : () -> ()
    }
    %scan3A_4 = arith.constant 10 : i32
    %barrier3A_5 = arith.constant 0 : index
    tpu.barrier barrier_id(%barrier3A_5)
    "tpu.region"() ({
      %run_scoped3A = tpu.sem_alloc : memref<!tpu.dma_semaphore, #tpu.memory_space<semaphore_mem>>
      %dma_start3A = arith.constant 0 : i32
      %dma_start3A_6 = tpu.memref_slice %arg6[%arg0, %mul3A_0, %dma_start3A] : memref<2x10240x128xf32, #tpu.memory_space<hbm>> -> memref<1x640x128xf32, #tpu.memory_space<hbm>>
      %dma_start3A_7 = tpu.memref_squeeze %dma_start3A_6 : memref<1x640x128xf32, #tpu.memory_space<hbm>> -> memref<640x128xf32, #tpu.memory_space<hbm>>
      %dma_start3A_8 = arith.constant 0 : i32
      %dma_start3A_9 = tpu.memref_slice %arg7[%mul3A_0, %dma_start3A_8] : memref<10240x128xf32, #tpu.memory_space<vmem_shared>> -> memref<640x128xf32, #tpu.memory_space<vmem_shared>>
      tpu.enqueue_dma source(%dma_start3A_9 : memref<640x128xf32, #tpu.memory_space<vmem_shared>>) target(%dma_start3A_7 : memref<640x128xf32, #tpu.memory_space<hbm>>) target_semaphore(%run_scoped3A : memref<!tpu.dma_semaphore, #tpu.memory_space<semaphore_mem>>)
      %dma_wait3A = arith.constant 0 : i32
      %dma_wait3A_10 = tpu.memref_slice %arg6[%arg0, %mul3A_0, %dma_wait3A] : memref<2x10240x128xf32, #tpu.memory_space<hbm>> -> memref<1x640x128xf32, #tpu.memory_space<hbm>>
      %dma_wait3A_11 = tpu.memref_squeeze %dma_wait3A_10 : memref<1x640x128xf32, #tpu.memory_space<hbm>> -> memref<640x128xf32, #tpu.memory_space<hbm>>
      %dma_wait3A_12 = arith.constant 0 : i32
      %dma_wait3A_13 = tpu.memref_slice %arg7[%mul3A_0, %dma_wait3A_12] : memref<10240x128xf32, #tpu.memory_space<vmem_shared>> -> memref<640x128xf32, #tpu.memory_space<vmem_shared>>
      tpu.wait_dma2 semaphore(%run_scoped3A : memref<!tpu.dma_semaphore, #tpu.memory_space<semaphore_mem>>) src(%dma_wait3A_13 : memref<640x128xf32, #tpu.memory_space<vmem_shared>>) dst(%dma_wait3A_11 : memref<640x128xf32, #tpu.memory_space<hbm>>)
      tpu.yield
    }) : () -> ()
    return
  }
}

#map = affine_map<(d0, d1) -> (0, 0)>
#map1 = affine_map<(d0, d1) -> (0, 0, 0, 0)>
#map2 = affine_map<(d0, d1) -> (0, 0, 0)>
module attributes {stable_mosaic.version = 14 : i64} {
  func.func @sc_appnp(%arg0: i32, %arg1: i32, %arg2: memref<20480x128xf32, #tpu.memory_space<hbm>>, %arg3: memref<2x16x320x64xi32, #tpu.memory_space<hbm>>, %arg4: memref<2x16x320x64xi32, #tpu.memory_space<hbm>>, %arg5: memref<10240x128xf32, #tpu.memory_space<hbm>>, %arg6: memref<2x10240x128xf32, #tpu.memory_space<hbm>>, %arg7: memref<10240x128xf32, #tpu.memory_space<vmem_shared>>, %arg8: memref<32x64xi32, #tpu.memory_space<vmem>>, %arg9: memref<32x64xi32, #tpu.memory_space<vmem>>, %arg10: memref<64x128xf32, #tpu.memory_space<vmem>>, %arg11: memref<64x128xf32, #tpu.memory_space<vmem>>, %arg12: memref<64x128xf32, #tpu.memory_space<vmem>>, %arg13: memref<64x128xf32, #tpu.memory_space<vmem>>, %arg14: memref<!tpu.dma_semaphore, #tpu.memory_space<semaphore_mem>>, %arg15: memref<!tpu.dma_semaphore, #tpu.memory_space<semaphore_mem>>, %arg16: memref<!tpu.dma_semaphore, #tpu.memory_space<semaphore_mem>>, %arg17: memref<!tpu.dma_semaphore, #tpu.memory_space<semaphore_mem>>) attributes {dimension_semantics = [#tpu.dimension_semantics<core_parallel>, #tpu.dimension_semantics<subcore_parallel>], iteration_bounds = array<i64: 2, 16>, scalar_prefetch = 0 : i64, scratch_operands = 11 : i64, tpu.core_type = #tpu.core_type<sc_vector_subcore>, window_params = [{transform_indices = #map}, {transform_indices = #map1}, {transform_indices = #map1}, {transform_indices = #map}, {transform_indices = #map2}]} {
    %mul3A = arith.constant 640 : i32
    %mul3A_0 = arith.muli %arg1, %mul3A : i32
    "tpu.region"() ({
      %run_scoped3A = tpu.sem_alloc : memref<!tpu.dma_semaphore, #tpu.memory_space<semaphore_mem>>
      %dma_start3A = arith.constant 0 : i32
      %dma_start3A_6 = tpu.memref_slice %arg7[%mul3A_0, %dma_start3A] : memref<10240x128xf32, #tpu.memory_space<vmem_shared>> -> memref<640x128xf32, #tpu.memory_space<vmem_shared>>
      %dma_start3A_7 = arith.constant 0 : i32
      %dma_start3A_8 = tpu.memref_slice %arg5[%mul3A_0, %dma_start3A_7] : memref<10240x128xf32, #tpu.memory_space<hbm>> -> memref<640x128xf32, #tpu.memory_space<hbm>>
      tpu.enqueue_dma source(%dma_start3A_8 : memref<640x128xf32, #tpu.memory_space<hbm>>) target(%dma_start3A_6 : memref<640x128xf32, #tpu.memory_space<vmem_shared>>) target_semaphore(%run_scoped3A : memref<!tpu.dma_semaphore, #tpu.memory_space<semaphore_mem>>)
      %dma_wait3A = arith.constant 0 : i32
      %dma_wait3A_9 = tpu.memref_slice %arg7[%mul3A_0, %dma_wait3A] : memref<10240x128xf32, #tpu.memory_space<vmem_shared>> -> memref<640x128xf32, #tpu.memory_space<vmem_shared>>
      %dma_wait3A_10 = arith.constant 0 : i32
      %dma_wait3A_11 = tpu.memref_slice %arg5[%mul3A_0, %dma_wait3A_10] : memref<10240x128xf32, #tpu.memory_space<hbm>> -> memref<640x128xf32, #tpu.memory_space<hbm>>
      tpu.wait_dma2 semaphore(%run_scoped3A : memref<!tpu.dma_semaphore, #tpu.memory_space<semaphore_mem>>) src(%dma_wait3A_11 : memref<640x128xf32, #tpu.memory_space<hbm>>) dst(%dma_wait3A_9 : memref<640x128xf32, #tpu.memory_space<vmem_shared>>)
      tpu.yield
    }) : () -> ()
    %barrier3A = arith.constant 0 : index
    tpu.barrier barrier_id(%barrier3A)
    %scan3A = arith.constant 0 : i32
    %scan3A_1 = arith.constant 10 : i32
    %scan3A_2 = arith.addi %scan3A, %scan3A_1 : i32
    %scan3A_3 = arith.constant 1 : i32
    scf.for %scan3A_6 = %scan3A to %scan3A_2 step %scan3A_3  : i32 {
      %mul3A_7 = arith.constant 1 : i32
      %mul3A_8 = arith.muli %scan3A_6, %mul3A_7 : i32
      %add3A = arith.constant 0 : i32
      %add3A_9 = arith.addi %add3A, %mul3A_8 : i32
      %mul3A_10 = arith.constant 32 : i32
      %mul3A_11 = arith.muli %add3A_9, %mul3A_10 : i32
      "tpu.region"() ({
        %run_scoped3A_76 = tpu.sem_alloc : memref<!tpu.dma_semaphore, #tpu.memory_space<semaphore_mem>>
        %dma_start3A_77 = arith.constant 0 : i32
        %dma_start3A_78 = tpu.memref_slice %arg3[%arg0, %arg1, %mul3A_11, %dma_start3A_77] : memref<2x16x320x64xi32, #tpu.memory_space<hbm>> -> memref<1x1x32x64xi32, #tpu.memory_space<hbm>>
        %dma_start3A_79 = tpu.memref_squeeze %dma_start3A_78 : memref<1x1x32x64xi32, #tpu.memory_space<hbm>> -> memref<32x64xi32, #tpu.memory_space<hbm>>
        %dma_start3A_80 = arith.constant 0 : i32
        %dma_start3A_81 = tpu.memref_slice %arg3[%arg0, %arg1, %mul3A_11, %dma_start3A_80] : memref<2x16x320x64xi32, #tpu.memory_space<hbm>> -> memref<1x1x32x64xi32, #tpu.memory_space<hbm>>
        %dma_start3A_82 = tpu.memref_squeeze %dma_start3A_81 : memref<1x1x32x64xi32, #tpu.memory_space<hbm>> -> memref<32x64xi32, #tpu.memory_space<hbm>>
        tpu.enqueue_dma source(%dma_start3A_82 : memref<32x64xi32, #tpu.memory_space<hbm>>) target(%arg8 : memref<32x64xi32, #tpu.memory_space<vmem>>) target_semaphore(%run_scoped3A_76 : memref<!tpu.dma_semaphore, #tpu.memory_space<semaphore_mem>>)
        %dma_wait3A_83 = arith.constant 0 : i32
        %dma_wait3A_84 = tpu.memref_slice %arg3[%arg0, %arg1, %mul3A_11, %dma_wait3A_83] : memref<2x16x320x64xi32, #tpu.memory_space<hbm>> -> memref<1x1x32x64xi32, #tpu.memory_space<hbm>>
        %dma_wait3A_85 = tpu.memref_squeeze %dma_wait3A_84 : memref<1x1x32x64xi32, #tpu.memory_space<hbm>> -> memref<32x64xi32, #tpu.memory_space<hbm>>
        %dma_wait3A_86 = arith.constant 0 : i32
        %dma_wait3A_87 = tpu.memref_slice %arg3[%arg0, %arg1, %mul3A_11, %dma_wait3A_86] : memref<2x16x320x64xi32, #tpu.memory_space<hbm>> -> memref<1x1x32x64xi32, #tpu.memory_space<hbm>>
        %dma_wait3A_88 = tpu.memref_squeeze %dma_wait3A_87 : memref<1x1x32x64xi32, #tpu.memory_space<hbm>> -> memref<32x64xi32, #tpu.memory_space<hbm>>
        tpu.wait_dma2 semaphore(%run_scoped3A_76 : memref<!tpu.dma_semaphore, #tpu.memory_space<semaphore_mem>>) src(%dma_wait3A_88 : memref<32x64xi32, #tpu.memory_space<hbm>>) dst(%arg8 : memref<32x64xi32, #tpu.memory_space<vmem>>)
        tpu.yield
      }) : () -> ()
      %mul3A_12 = arith.constant 32 : i32
      %mul3A_13 = arith.muli %add3A_9, %mul3A_12 : i32
      "tpu.region"() ({
        %run_scoped3A_76 = tpu.sem_alloc : memref<!tpu.dma_semaphore, #tpu.memory_space<semaphore_mem>>
        %dma_start3A_77 = arith.constant 0 : i32
        %dma_start3A_78 = tpu.memref_slice %arg4[%arg0, %arg1, %mul3A_13, %dma_start3A_77] : memref<2x16x320x64xi32, #tpu.memory_space<hbm>> -> memref<1x1x32x64xi32, #tpu.memory_space<hbm>>
        %dma_start3A_79 = tpu.memref_squeeze %dma_start3A_78 : memref<1x1x32x64xi32, #tpu.memory_space<hbm>> -> memref<32x64xi32, #tpu.memory_space<hbm>>
        %dma_start3A_80 = arith.constant 0 : i32
        %dma_start3A_81 = tpu.memref_slice %arg4[%arg0, %arg1, %mul3A_13, %dma_start3A_80] : memref<2x16x320x64xi32, #tpu.memory_space<hbm>> -> memref<1x1x32x64xi32, #tpu.memory_space<hbm>>
        %dma_start3A_82 = tpu.memref_squeeze %dma_start3A_81 : memref<1x1x32x64xi32, #tpu.memory_space<hbm>> -> memref<32x64xi32, #tpu.memory_space<hbm>>
        tpu.enqueue_dma source(%dma_start3A_82 : memref<32x64xi32, #tpu.memory_space<hbm>>) target(%arg9 : memref<32x64xi32, #tpu.memory_space<vmem>>) target_semaphore(%run_scoped3A_76 : memref<!tpu.dma_semaphore, #tpu.memory_space<semaphore_mem>>)
        %dma_wait3A_83 = arith.constant 0 : i32
        %dma_wait3A_84 = tpu.memref_slice %arg4[%arg0, %arg1, %mul3A_13, %dma_wait3A_83] : memref<2x16x320x64xi32, #tpu.memory_space<hbm>> -> memref<1x1x32x64xi32, #tpu.memory_space<hbm>>
        %dma_wait3A_85 = tpu.memref_squeeze %dma_wait3A_84 : memref<1x1x32x64xi32, #tpu.memory_space<hbm>> -> memref<32x64xi32, #tpu.memory_space<hbm>>
        %dma_wait3A_86 = arith.constant 0 : i32
        %dma_wait3A_87 = tpu.memref_slice %arg4[%arg0, %arg1, %mul3A_13, %dma_wait3A_86] : memref<2x16x320x64xi32, #tpu.memory_space<hbm>> -> memref<1x1x32x64xi32, #tpu.memory_space<hbm>>
        %dma_wait3A_88 = tpu.memref_squeeze %dma_wait3A_87 : memref<1x1x32x64xi32, #tpu.memory_space<hbm>> -> memref<32x64xi32, #tpu.memory_space<hbm>>
        tpu.wait_dma2 semaphore(%run_scoped3A_76 : memref<!tpu.dma_semaphore, #tpu.memory_space<semaphore_mem>>) src(%dma_wait3A_88 : memref<32x64xi32, #tpu.memory_space<hbm>>) dst(%arg9 : memref<32x64xi32, #tpu.memory_space<vmem>>)
        tpu.yield
      }) : () -> ()
      %dma_start3A = arith.constant 0 : i32
      %dma_start3A_14 = arith.constant 0 : i32
      %dma_start3A_15 = tpu.memref_slice %arg8[%dma_start3A, %dma_start3A_14] : memref<32x64xi32, #tpu.memory_space<vmem>> -> memref<1x64xi32, #tpu.memory_space<vmem>>
      %dma_start3A_16 = tpu.memref_squeeze %dma_start3A_15 : memref<1x64xi32, #tpu.memory_space<vmem>> -> memref<64xi32, #tpu.memory_space<vmem>>
      %dma_start3A_17 = arith.constant 0 : i32
      %dma_start3A_18 = arith.constant 0 : i32
      %dma_start3A_19 = tpu.memref_slice %arg2[%dma_start3A_17, %dma_start3A_18] : memref<20480x128xf32, #tpu.memory_space<hbm>> -> memref<20480x128xf32, #tpu.memory_space<hbm>>
      tpu.enqueue_indirect_dma source(%dma_start3A_19 : memref<20480x128xf32, #tpu.memory_space<hbm>>) target(%arg10 : memref<64x128xf32, #tpu.memory_space<vmem>>) offsets(%dma_start3A_16 : memref<64xi32, #tpu.memory_space<vmem>>) semaphore(%arg14 : memref<!tpu.dma_semaphore, #tpu.memory_space<semaphore_mem>>)
      %dma_start3A_20 = arith.constant 1 : i32
      %dma_start3A_21 = arith.constant 0 : i32
      %dma_start3A_22 = tpu.memref_slice %arg8[%dma_start3A_20, %dma_start3A_21] : memref<32x64xi32, #tpu.memory_space<vmem>> -> memref<1x64xi32, #tpu.memory_space<vmem>>
      %dma_start3A_23 = tpu.memref_squeeze %dma_start3A_22 : memref<1x64xi32, #tpu.memory_space<vmem>> -> memref<64xi32, #tpu.memory_space<vmem>>
      %dma_start3A_24 = arith.constant 0 : i32
      %dma_start3A_25 = arith.constant 0 : i32
      %dma_start3A_26 = tpu.memref_slice %arg2[%dma_start3A_24, %dma_start3A_25] : memref<20480x128xf32, #tpu.memory_space<hbm>> -> memref<20480x128xf32, #tpu.memory_space<hbm>>
      tpu.enqueue_indirect_dma source(%dma_start3A_26 : memref<20480x128xf32, #tpu.memory_space<hbm>>) target(%arg11 : memref<64x128xf32, #tpu.memory_space<vmem>>) offsets(%dma_start3A_23 : memref<64xi32, #tpu.memory_space<vmem>>) semaphore(%arg15 : memref<!tpu.dma_semaphore, #tpu.memory_space<semaphore_mem>>)
      %dma_start3A_27 = arith.constant 2 : i32
      %dma_start3A_28 = arith.constant 0 : i32
      %dma_start3A_29 = tpu.memref_slice %arg8[%dma_start3A_27, %dma_start3A_28] : memref<32x64xi32, #tpu.memory_space<vmem>> -> memref<1x64xi32, #tpu.memory_space<vmem>>
      %dma_start3A_30 = tpu.memref_squeeze %dma_start3A_29 : memref<1x64xi32, #tpu.memory_space<vmem>> -> memref<64xi32, #tpu.memory_space<vmem>>
      %dma_start3A_31 = arith.constant 0 : i32
      %dma_start3A_32 = arith.constant 0 : i32
      %dma_start3A_33 = tpu.memref_slice %arg2[%dma_start3A_31, %dma_start3A_32] : memref<20480x128xf32, #tpu.memory_space<hbm>> -> memref<20480x128xf32, #tpu.memory_space<hbm>>
      tpu.enqueue_indirect_dma source(%dma_start3A_33 : memref<20480x128xf32, #tpu.memory_space<hbm>>) target(%arg12 : memref<64x128xf32, #tpu.memory_space<vmem>>) offsets(%dma_start3A_30 : memref<64xi32, #tpu.memory_space<vmem>>) semaphore(%arg16 : memref<!tpu.dma_semaphore, #tpu.memory_space<semaphore_mem>>)
      %dma_start3A_34 = arith.constant 3 : i32
      %dma_start3A_35 = arith.constant 0 : i32
      %dma_start3A_36 = tpu.memref_slice %arg8[%dma_start3A_34, %dma_start3A_35] : memref<32x64xi32, #tpu.memory_space<vmem>> -> memref<1x64xi32, #tpu.memory_space<vmem>>
      %dma_start3A_37 = tpu.memref_squeeze %dma_start3A_36 : memref<1x64xi32, #tpu.memory_space<vmem>> -> memref<64xi32, #tpu.memory_space<vmem>>
      %dma_start3A_38 = arith.constant 0 : i32
      %dma_start3A_39 = arith.constant 0 : i32
      %dma_start3A_40 = tpu.memref_slice %arg2[%dma_start3A_38, %dma_start3A_39] : memref<20480x128xf32, #tpu.memory_space<hbm>> -> memref<20480x128xf32, #tpu.memory_space<hbm>>
      tpu.enqueue_indirect_dma source(%dma_start3A_40 : memref<20480x128xf32, #tpu.memory_space<hbm>>) target(%arg13 : memref<64x128xf32, #tpu.memory_space<vmem>>) offsets(%dma_start3A_37 : memref<64xi32, #tpu.memory_space<vmem>>) semaphore(%arg17 : memref<!tpu.dma_semaphore, #tpu.memory_space<semaphore_mem>>)
      %scan3A_41 = arith.constant 0 : i32
      %scan3A_42 = arith.constant 7 : i32
      %scan3A_43 = arith.addi %scan3A_41, %scan3A_42 : i32
      %scan3A_44 = arith.constant 1 : i32
      scf.for %scan3A_76 = %scan3A_41 to %scan3A_43 step %scan3A_44  : i32 {
        %mul3A_77 = arith.constant 4 : i32
        %mul3A_78 = arith.muli %scan3A_76, %mul3A_77 : i32
        %add3A_79 = arith.constant 0 : i32
        %add3A_80 = arith.addi %add3A_79, %mul3A_78 : i32
        %add3A_81 = arith.constant 0 : i32
        %add3A_82 = arith.addi %add3A_80, %add3A_81 : i32
        %dma_wait3A_83 = arith.constant 0 : i32
        %dma_wait3A_84 = tpu.memref_slice %arg8[%add3A_82, %dma_wait3A_83] : memref<32x64xi32, #tpu.memory_space<vmem>> -> memref<1x64xi32, #tpu.memory_space<vmem>>
        %dma_wait3A_85 = tpu.memref_squeeze %dma_wait3A_84 : memref<1x64xi32, #tpu.memory_space<vmem>> -> memref<64xi32, #tpu.memory_space<vmem>>
        %dma_wait3A_86 = arith.constant 0 : i32
        %dma_wait3A_87 = arith.constant 0 : i32
        %dma_wait3A_88 = tpu.memref_slice %arg2[%dma_wait3A_86, %dma_wait3A_87] : memref<20480x128xf32, #tpu.memory_space<hbm>> -> memref<20480x128xf32, #tpu.memory_space<hbm>>
        tpu.wait_indirect_dma semaphore(%arg14 : memref<!tpu.dma_semaphore, #tpu.memory_space<semaphore_mem>>) src(%dma_wait3A_88 : memref<20480x128xf32, #tpu.memory_space<hbm>>) dst(%arg10 : memref<64x128xf32, #tpu.memory_space<vmem>>)
        %add3A_89 = arith.constant 0 : i32
        %add3A_90 = arith.addi %add3A_80, %add3A_89 : i32
        "tpu.region"() ({
          %run_scoped3A_161 = tpu.sem_alloc : memref<!tpu.dma_semaphore, #tpu.memory_space<semaphore_mem>>
          %dma_start3A_162 = arith.constant 0 : i32
          %dma_start3A_163 = tpu.memref_slice %arg9[%add3A_90, %dma_start3A_162] : memref<32x64xi32, #tpu.memory_space<vmem>> -> memref<1x64xi32, #tpu.memory_space<vmem>>
          %dma_start3A_164 = tpu.memref_squeeze %dma_start3A_163 : memref<1x64xi32, #tpu.memory_space<vmem>> -> memref<64xi32, #tpu.memory_space<vmem>>
          %dma_start3A_165 = arith.constant 0 : i32
          %dma_start3A_166 = arith.constant 0 : i32
          %dma_start3A_167 = tpu.memref_slice %arg7[%dma_start3A_165, %dma_start3A_166] : memref<10240x128xf32, #tpu.memory_space<vmem_shared>> -> memref<10240x128xf32, #tpu.memory_space<vmem_shared>>
          tpu.enqueue_indirect_dma source(%arg10 : memref<64x128xf32, #tpu.memory_space<vmem>>) target(%dma_start3A_167 : memref<10240x128xf32, #tpu.memory_space<vmem_shared>>) offsets(%dma_start3A_164 : memref<64xi32, #tpu.memory_space<vmem>>) semaphore(%run_scoped3A_161 : memref<!tpu.dma_semaphore, #tpu.memory_space<semaphore_mem>>) {add = true}
          %dma_wait3A_168 = arith.constant 0 : i32
          %dma_wait3A_169 = tpu.memref_slice %arg9[%add3A_90, %dma_wait3A_168] : memref<32x64xi32, #tpu.memory_space<vmem>> -> memref<1x64xi32, #tpu.memory_space<vmem>>
          %dma_wait3A_170 = tpu.memref_squeeze %dma_wait3A_169 : memref<1x64xi32, #tpu.memory_space<vmem>> -> memref<64xi32, #tpu.memory_space<vmem>>
          %dma_wait3A_171 = arith.constant 0 : i32
          %dma_wait3A_172 = arith.constant 0 : i32
          %dma_wait3A_173 = tpu.memref_slice %arg7[%dma_wait3A_171, %dma_wait3A_172] : memref<10240x128xf32, #tpu.memory_space<vmem_shared>> -> memref<10240x128xf32, #tpu.memory_space<vmem_shared>>
          tpu.wait_indirect_dma semaphore(%run_scoped3A_161 : memref<!tpu.dma_semaphore, #tpu.memory_space<semaphore_mem>>) src(%arg10 : memref<64x128xf32, #tpu.memory_space<vmem>>) dst(%dma_wait3A_173 : memref<10240x128xf32, #tpu.memory_space<vmem_shared>>)
          tpu.yield
        }) : () -> ()
        %add3A_91 = arith.constant 0 : i32
        %add3A_92 = arith.addi %add3A_80, %add3A_91 : i32
        %add3A_93 = arith.constant 4 : i32
        %add3A_94 = arith.addi %add3A_92, %add3A_93 : i32
        %dma_start3A_95 = arith.constant 0 : i32
        %dma_start3A_96 = tpu.memref_slice %arg8[%add3A_94, %dma_start3A_95] : memref<32x64xi32, #tpu.memory_space<vmem>> -> memref<1x64xi32, #tpu.memory_space<vmem>>
        %dma_start3A_97 = tpu.memref_squeeze %dma_start3A_96 : memref<1x64xi32, #tpu.memory_space<vmem>> -> memref<64xi32, #tpu.memory_space<vmem>>
        %dma_start3A_98 = arith.constant 0 : i32
        %dma_start3A_99 = arith.constant 0 : i32
        %dma_start3A_100 = tpu.memref_slice %arg2[%dma_start3A_98, %dma_start3A_99] : memref<20480x128xf32, #tpu.memory_space<hbm>> -> memref<20480x128xf32, #tpu.memory_space<hbm>>
        tpu.enqueue_indirect_dma source(%dma_start3A_100 : memref<20480x128xf32, #tpu.memory_space<hbm>>) target(%arg10 : memref<64x128xf32, #tpu.memory_space<vmem>>) offsets(%dma_start3A_97 : memref<64xi32, #tpu.memory_space<vmem>>) semaphore(%arg14 : memref<!tpu.dma_semaphore, #tpu.memory_space<semaphore_mem>>)
        %add3A_101 = arith.constant 1 : i32
        %add3A_102 = arith.addi %add3A_80, %add3A_101 : i32
        %dma_wait3A_103 = arith.constant 0 : i32
        %dma_wait3A_104 = tpu.memref_slice %arg8[%add3A_102, %dma_wait3A_103] : memref<32x64xi32, #tpu.memory_space<vmem>> -> memref<1x64xi32, #tpu.memory_space<vmem>>
        %dma_wait3A_105 = tpu.memref_squeeze %dma_wait3A_104 : memref<1x64xi32, #tpu.memory_space<vmem>> -> memref<64xi32, #tpu.memory_space<vmem>>
        %dma_wait3A_106 = arith.constant 0 : i32
        %dma_wait3A_107 = arith.constant 0 : i32
        %dma_wait3A_108 = tpu.memref_slice %arg2[%dma_wait3A_106, %dma_wait3A_107] : memref<20480x128xf32, #tpu.memory_space<hbm>> -> memref<20480x128xf32, #tpu.memory_space<hbm>>
        tpu.wait_indirect_dma semaphore(%arg15 : memref<!tpu.dma_semaphore, #tpu.memory_space<semaphore_mem>>) src(%dma_wait3A_108 : memref<20480x128xf32, #tpu.memory_space<hbm>>) dst(%arg11 : memref<64x128xf32, #tpu.memory_space<vmem>>)
        %add3A_109 = arith.constant 1 : i32
        %add3A_110 = arith.addi %add3A_80, %add3A_109 : i32
        "tpu.region"() ({
          %run_scoped3A_161 = tpu.sem_alloc : memref<!tpu.dma_semaphore, #tpu.memory_space<semaphore_mem>>
          %dma_start3A_162 = arith.constant 0 : i32
          %dma_start3A_163 = tpu.memref_slice %arg9[%add3A_110, %dma_start3A_162] : memref<32x64xi32, #tpu.memory_space<vmem>> -> memref<1x64xi32, #tpu.memory_space<vmem>>
          %dma_start3A_164 = tpu.memref_squeeze %dma_start3A_163 : memref<1x64xi32, #tpu.memory_space<vmem>> -> memref<64xi32, #tpu.memory_space<vmem>>
          %dma_start3A_165 = arith.constant 0 : i32
          %dma_start3A_166 = arith.constant 0 : i32
          %dma_start3A_167 = tpu.memref_slice %arg7[%dma_start3A_165, %dma_start3A_166] : memref<10240x128xf32, #tpu.memory_space<vmem_shared>> -> memref<10240x128xf32, #tpu.memory_space<vmem_shared>>
          tpu.enqueue_indirect_dma source(%arg11 : memref<64x128xf32, #tpu.memory_space<vmem>>) target(%dma_start3A_167 : memref<10240x128xf32, #tpu.memory_space<vmem_shared>>) offsets(%dma_start3A_164 : memref<64xi32, #tpu.memory_space<vmem>>) semaphore(%run_scoped3A_161 : memref<!tpu.dma_semaphore, #tpu.memory_space<semaphore_mem>>) {add = true}
          %dma_wait3A_168 = arith.constant 0 : i32
          %dma_wait3A_169 = tpu.memref_slice %arg9[%add3A_110, %dma_wait3A_168] : memref<32x64xi32, #tpu.memory_space<vmem>> -> memref<1x64xi32, #tpu.memory_space<vmem>>
          %dma_wait3A_170 = tpu.memref_squeeze %dma_wait3A_169 : memref<1x64xi32, #tpu.memory_space<vmem>> -> memref<64xi32, #tpu.memory_space<vmem>>
          %dma_wait3A_171 = arith.constant 0 : i32
          %dma_wait3A_172 = arith.constant 0 : i32
          %dma_wait3A_173 = tpu.memref_slice %arg7[%dma_wait3A_171, %dma_wait3A_172] : memref<10240x128xf32, #tpu.memory_space<vmem_shared>> -> memref<10240x128xf32, #tpu.memory_space<vmem_shared>>
          tpu.wait_indirect_dma semaphore(%run_scoped3A_161 : memref<!tpu.dma_semaphore, #tpu.memory_space<semaphore_mem>>) src(%arg11 : memref<64x128xf32, #tpu.memory_space<vmem>>) dst(%dma_wait3A_173 : memref<10240x128xf32, #tpu.memory_space<vmem_shared>>)
          tpu.yield
        }) : () -> ()
        %add3A_111 = arith.constant 1 : i32
        %add3A_112 = arith.addi %add3A_80, %add3A_111 : i32
        %add3A_113 = arith.constant 4 : i32
        %add3A_114 = arith.addi %add3A_112, %add3A_113 : i32
        %dma_start3A_115 = arith.constant 0 : i32
        %dma_start3A_116 = tpu.memref_slice %arg8[%add3A_114, %dma_start3A_115] : memref<32x64xi32, #tpu.memory_space<vmem>> -> memref<1x64xi32, #tpu.memory_space<vmem>>
        %dma_start3A_117 = tpu.memref_squeeze %dma_start3A_116 : memref<1x64xi32, #tpu.memory_space<vmem>> -> memref<64xi32, #tpu.memory_space<vmem>>
        %dma_start3A_118 = arith.constant 0 : i32
        %dma_start3A_119 = arith.constant 0 : i32
        %dma_start3A_120 = tpu.memref_slice %arg2[%dma_start3A_118, %dma_start3A_119] : memref<20480x128xf32, #tpu.memory_space<hbm>> -> memref<20480x128xf32, #tpu.memory_space<hbm>>
        tpu.enqueue_indirect_dma source(%dma_start3A_120 : memref<20480x128xf32, #tpu.memory_space<hbm>>) target(%arg11 : memref<64x128xf32, #tpu.memory_space<vmem>>) offsets(%dma_start3A_117 : memref<64xi32, #tpu.memory_space<vmem>>) semaphore(%arg15 : memref<!tpu.dma_semaphore, #tpu.memory_space<semaphore_mem>>)
        %add3A_121 = arith.constant 2 : i32
        %add3A_122 = arith.addi %add3A_80, %add3A_121 : i32
        %dma_wait3A_123 = arith.constant 0 : i32
        %dma_wait3A_124 = tpu.memref_slice %arg8[%add3A_122, %dma_wait3A_123] : memref<32x64xi32, #tpu.memory_space<vmem>> -> memref<1x64xi32, #tpu.memory_space<vmem>>
        %dma_wait3A_125 = tpu.memref_squeeze %dma_wait3A_124 : memref<1x64xi32, #tpu.memory_space<vmem>> -> memref<64xi32, #tpu.memory_space<vmem>>
        %dma_wait3A_126 = arith.constant 0 : i32
        %dma_wait3A_127 = arith.constant 0 : i32
        %dma_wait3A_128 = tpu.memref_slice %arg2[%dma_wait3A_126, %dma_wait3A_127] : memref<20480x128xf32, #tpu.memory_space<hbm>> -> memref<20480x128xf32, #tpu.memory_space<hbm>>
        tpu.wait_indirect_dma semaphore(%arg16 : memref<!tpu.dma_semaphore, #tpu.memory_space<semaphore_mem>>) src(%dma_wait3A_128 : memref<20480x128xf32, #tpu.memory_space<hbm>>) dst(%arg12 : memref<64x128xf32, #tpu.memory_space<vmem>>)
        %add3A_129 = arith.constant 2 : i32
        %add3A_130 = arith.addi %add3A_80, %add3A_129 : i32
        "tpu.region"() ({
          %run_scoped3A_161 = tpu.sem_alloc : memref<!tpu.dma_semaphore, #tpu.memory_space<semaphore_mem>>
          %dma_start3A_162 = arith.constant 0 : i32
          %dma_start3A_163 = tpu.memref_slice %arg9[%add3A_130, %dma_start3A_162] : memref<32x64xi32, #tpu.memory_space<vmem>> -> memref<1x64xi32, #tpu.memory_space<vmem>>
          %dma_start3A_164 = tpu.memref_squeeze %dma_start3A_163 : memref<1x64xi32, #tpu.memory_space<vmem>> -> memref<64xi32, #tpu.memory_space<vmem>>
          %dma_start3A_165 = arith.constant 0 : i32
          %dma_start3A_166 = arith.constant 0 : i32
          %dma_start3A_167 = tpu.memref_slice %arg7[%dma_start3A_165, %dma_start3A_166] : memref<10240x128xf32, #tpu.memory_space<vmem_shared>> -> memref<10240x128xf32, #tpu.memory_space<vmem_shared>>
          tpu.enqueue_indirect_dma source(%arg12 : memref<64x128xf32, #tpu.memory_space<vmem>>) target(%dma_start3A_167 : memref<10240x128xf32, #tpu.memory_space<vmem_shared>>) offsets(%dma_start3A_164 : memref<64xi32, #tpu.memory_space<vmem>>) semaphore(%run_scoped3A_161 : memref<!tpu.dma_semaphore, #tpu.memory_space<semaphore_mem>>) {add = true}
          %dma_wait3A_168 = arith.constant 0 : i32
          %dma_wait3A_169 = tpu.memref_slice %arg9[%add3A_130, %dma_wait3A_168] : memref<32x64xi32, #tpu.memory_space<vmem>> -> memref<1x64xi32, #tpu.memory_space<vmem>>
          %dma_wait3A_170 = tpu.memref_squeeze %dma_wait3A_169 : memref<1x64xi32, #tpu.memory_space<vmem>> -> memref<64xi32, #tpu.memory_space<vmem>>
          %dma_wait3A_171 = arith.constant 0 : i32
          %dma_wait3A_172 = arith.constant 0 : i32
          %dma_wait3A_173 = tpu.memref_slice %arg7[%dma_wait3A_171, %dma_wait3A_172] : memref<10240x128xf32, #tpu.memory_space<vmem_shared>> -> memref<10240x128xf32, #tpu.memory_space<vmem_shared>>
          tpu.wait_indirect_dma semaphore(%run_scoped3A_161 : memref<!tpu.dma_semaphore, #tpu.memory_space<semaphore_mem>>) src(%arg12 : memref<64x128xf32, #tpu.memory_space<vmem>>) dst(%dma_wait3A_173 : memref<10240x128xf32, #tpu.memory_space<vmem_shared>>)
          tpu.yield
        }) : () -> ()
        %add3A_131 = arith.constant 2 : i32
        %add3A_132 = arith.addi %add3A_80, %add3A_131 : i32
        %add3A_133 = arith.constant 4 : i32
        %add3A_134 = arith.addi %add3A_132, %add3A_133 : i32
        %dma_start3A_135 = arith.constant 0 : i32
        %dma_start3A_136 = tpu.memref_slice %arg8[%add3A_134, %dma_start3A_135] : memref<32x64xi32, #tpu.memory_space<vmem>> -> memref<1x64xi32, #tpu.memory_space<vmem>>
        %dma_start3A_137 = tpu.memref_squeeze %dma_start3A_136 : memref<1x64xi32, #tpu.memory_space<vmem>> -> memref<64xi32, #tpu.memory_space<vmem>>
        %dma_start3A_138 = arith.constant 0 : i32
        %dma_start3A_139 = arith.constant 0 : i32
        %dma_start3A_140 = tpu.memref_slice %arg2[%dma_start3A_138, %dma_start3A_139] : memref<20480x128xf32, #tpu.memory_space<hbm>> -> memref<20480x128xf32, #tpu.memory_space<hbm>>
        tpu.enqueue_indirect_dma source(%dma_start3A_140 : memref<20480x128xf32, #tpu.memory_space<hbm>>) target(%arg12 : memref<64x128xf32, #tpu.memory_space<vmem>>) offsets(%dma_start3A_137 : memref<64xi32, #tpu.memory_space<vmem>>) semaphore(%arg16 : memref<!tpu.dma_semaphore, #tpu.memory_space<semaphore_mem>>)
        %add3A_141 = arith.constant 3 : i32
        %add3A_142 = arith.addi %add3A_80, %add3A_141 : i32
        %dma_wait3A_143 = arith.constant 0 : i32
        %dma_wait3A_144 = tpu.memref_slice %arg8[%add3A_142, %dma_wait3A_143] : memref<32x64xi32, #tpu.memory_space<vmem>> -> memref<1x64xi32, #tpu.memory_space<vmem>>
        %dma_wait3A_145 = tpu.memref_squeeze %dma_wait3A_144 : memref<1x64xi32, #tpu.memory_space<vmem>> -> memref<64xi32, #tpu.memory_space<vmem>>
        %dma_wait3A_146 = arith.constant 0 : i32
        %dma_wait3A_147 = arith.constant 0 : i32
        %dma_wait3A_148 = tpu.memref_slice %arg2[%dma_wait3A_146, %dma_wait3A_147] : memref<20480x128xf32, #tpu.memory_space<hbm>> -> memref<20480x128xf32, #tpu.memory_space<hbm>>
        tpu.wait_indirect_dma semaphore(%arg17 : memref<!tpu.dma_semaphore, #tpu.memory_space<semaphore_mem>>) src(%dma_wait3A_148 : memref<20480x128xf32, #tpu.memory_space<hbm>>) dst(%arg13 : memref<64x128xf32, #tpu.memory_space<vmem>>)
        %add3A_149 = arith.constant 3 : i32
        %add3A_150 = arith.addi %add3A_80, %add3A_149 : i32
        "tpu.region"() ({
          %run_scoped3A_161 = tpu.sem_alloc : memref<!tpu.dma_semaphore, #tpu.memory_space<semaphore_mem>>
          %dma_start3A_162 = arith.constant 0 : i32
          %dma_start3A_163 = tpu.memref_slice %arg9[%add3A_150, %dma_start3A_162] : memref<32x64xi32, #tpu.memory_space<vmem>> -> memref<1x64xi32, #tpu.memory_space<vmem>>
          %dma_start3A_164 = tpu.memref_squeeze %dma_start3A_163 : memref<1x64xi32, #tpu.memory_space<vmem>> -> memref<64xi32, #tpu.memory_space<vmem>>
          %dma_start3A_165 = arith.constant 0 : i32
          %dma_start3A_166 = arith.constant 0 : i32
          %dma_start3A_167 = tpu.memref_slice %arg7[%dma_start3A_165, %dma_start3A_166] : memref<10240x128xf32, #tpu.memory_space<vmem_shared>> -> memref<10240x128xf32, #tpu.memory_space<vmem_shared>>
          tpu.enqueue_indirect_dma source(%arg13 : memref<64x128xf32, #tpu.memory_space<vmem>>) target(%dma_start3A_167 : memref<10240x128xf32, #tpu.memory_space<vmem_shared>>) offsets(%dma_start3A_164 : memref<64xi32, #tpu.memory_space<vmem>>) semaphore(%run_scoped3A_161 : memref<!tpu.dma_semaphore, #tpu.memory_space<semaphore_mem>>) {add = true}
          %dma_wait3A_168 = arith.constant 0 : i32
          %dma_wait3A_169 = tpu.memref_slice %arg9[%add3A_150, %dma_wait3A_168] : memref<32x64xi32, #tpu.memory_space<vmem>> -> memref<1x64xi32, #tpu.memory_space<vmem>>
          %dma_wait3A_170 = tpu.memref_squeeze %dma_wait3A_169 : memref<1x64xi32, #tpu.memory_space<vmem>> -> memref<64xi32, #tpu.memory_space<vmem>>
          %dma_wait3A_171 = arith.constant 0 : i32
          %dma_wait3A_172 = arith.constant 0 : i32
          %dma_wait3A_173 = tpu.memref_slice %arg7[%dma_wait3A_171, %dma_wait3A_172] : memref<10240x128xf32, #tpu.memory_space<vmem_shared>> -> memref<10240x128xf32, #tpu.memory_space<vmem_shared>>
          tpu.wait_indirect_dma semaphore(%run_scoped3A_161 : memref<!tpu.dma_semaphore, #tpu.memory_space<semaphore_mem>>) src(%arg13 : memref<64x128xf32, #tpu.memory_space<vmem>>) dst(%dma_wait3A_173 : memref<10240x128xf32, #tpu.memory_space<vmem_shared>>)
          tpu.yield
        }) : () -> ()
        %add3A_151 = arith.constant 3 : i32
        %add3A_152 = arith.addi %add3A_80, %add3A_151 : i32
        %add3A_153 = arith.constant 4 : i32
        %add3A_154 = arith.addi %add3A_152, %add3A_153 : i32
        %dma_start3A_155 = arith.constant 0 : i32
        %dma_start3A_156 = tpu.memref_slice %arg8[%add3A_154, %dma_start3A_155] : memref<32x64xi32, #tpu.memory_space<vmem>> -> memref<1x64xi32, #tpu.memory_space<vmem>>
        %dma_start3A_157 = tpu.memref_squeeze %dma_start3A_156 : memref<1x64xi32, #tpu.memory_space<vmem>> -> memref<64xi32, #tpu.memory_space<vmem>>
        %dma_start3A_158 = arith.constant 0 : i32
        %dma_start3A_159 = arith.constant 0 : i32
        %dma_start3A_160 = tpu.memref_slice %arg2[%dma_start3A_158, %dma_start3A_159] : memref<20480x128xf32, #tpu.memory_space<hbm>> -> memref<20480x128xf32, #tpu.memory_space<hbm>>
        tpu.enqueue_indirect_dma source(%dma_start3A_160 : memref<20480x128xf32, #tpu.memory_space<hbm>>) target(%arg13 : memref<64x128xf32, #tpu.memory_space<vmem>>) offsets(%dma_start3A_157 : memref<64xi32, #tpu.memory_space<vmem>>) semaphore(%arg17 : memref<!tpu.dma_semaphore, #tpu.memory_space<semaphore_mem>>)
      }
      %scan3A_45 = arith.constant 7 : i32
      %dma_wait3A = arith.constant 28 : i32
      %dma_wait3A_46 = arith.constant 0 : i32
      %dma_wait3A_47 = tpu.memref_slice %arg8[%dma_wait3A, %dma_wait3A_46] : memref<32x64xi32, #tpu.memory_space<vmem>> -> memref<1x64xi32, #tpu.memory_space<vmem>>
      %dma_wait3A_48 = tpu.memref_squeeze %dma_wait3A_47 : memref<1x64xi32, #tpu.memory_space<vmem>> -> memref<64xi32, #tpu.memory_space<vmem>>
      %dma_wait3A_49 = arith.constant 0 : i32
      %dma_wait3A_50 = arith.constant 0 : i32
      %dma_wait3A_51 = tpu.memref_slice %arg2[%dma_wait3A_49, %dma_wait3A_50] : memref<20480x128xf32, #tpu.memory_space<hbm>> -> memref<20480x128xf32, #tpu.memory_space<hbm>>
      tpu.wait_indirect_dma semaphore(%arg14 : memref<!tpu.dma_semaphore, #tpu.memory_space<semaphore_mem>>) src(%dma_wait3A_51 : memref<20480x128xf32, #tpu.memory_space<hbm>>) dst(%arg10 : memref<64x128xf32, #tpu.memory_space<vmem>>)
      %run_scoped3A = arith.constant 28 : i32
      "tpu.region"() ({
        %run_scoped3A_76 = tpu.sem_alloc : memref<!tpu.dma_semaphore, #tpu.memory_space<semaphore_mem>>
        %dma_start3A_77 = arith.constant 0 : i32
        %dma_start3A_78 = tpu.memref_slice %arg9[%run_scoped3A, %dma_start3A_77] : memref<32x64xi32, #tpu.memory_space<vmem>> -> memref<1x64xi32, #tpu.memory_space<vmem>>
        %dma_start3A_79 = tpu.memref_squeeze %dma_start3A_78 : memref<1x64xi32, #tpu.memory_space<vmem>> -> memref<64xi32, #tpu.memory_space<vmem>>
        %dma_start3A_80 = arith.constant 0 : i32
        %dma_start3A_81 = arith.constant 0 : i32
        %dma_start3A_82 = tpu.memref_slice %arg7[%dma_start3A_80, %dma_start3A_81] : memref<10240x128xf32, #tpu.memory_space<vmem_shared>> -> memref<10240x128xf32, #tpu.memory_space<vmem_shared>>
        tpu.enqueue_indirect_dma source(%arg10 : memref<64x128xf32, #tpu.memory_space<vmem>>) target(%dma_start3A_82 : memref<10240x128xf32, #tpu.memory_space<vmem_shared>>) offsets(%dma_start3A_79 : memref<64xi32, #tpu.memory_space<vmem>>) semaphore(%run_scoped3A_76 : memref<!tpu.dma_semaphore, #tpu.memory_space<semaphore_mem>>) {add = true}
        %dma_wait3A_83 = arith.constant 0 : i32
        %dma_wait3A_84 = tpu.memref_slice %arg9[%run_scoped3A, %dma_wait3A_83] : memref<32x64xi32, #tpu.memory_space<vmem>> -> memref<1x64xi32, #tpu.memory_space<vmem>>
        %dma_wait3A_85 = tpu.memref_squeeze %dma_wait3A_84 : memref<1x64xi32, #tpu.memory_space<vmem>> -> memref<64xi32, #tpu.memory_space<vmem>>
        %dma_wait3A_86 = arith.constant 0 : i32
        %dma_wait3A_87 = arith.constant 0 : i32
        %dma_wait3A_88 = tpu.memref_slice %arg7[%dma_wait3A_86, %dma_wait3A_87] : memref<10240x128xf32, #tpu.memory_space<vmem_shared>> -> memref<10240x128xf32, #tpu.memory_space<vmem_shared>>
        tpu.wait_indirect_dma semaphore(%run_scoped3A_76 : memref<!tpu.dma_semaphore, #tpu.memory_space<semaphore_mem>>) src(%arg10 : memref<64x128xf32, #tpu.memory_space<vmem>>) dst(%dma_wait3A_88 : memref<10240x128xf32, #tpu.memory_space<vmem_shared>>)
        tpu.yield
      }) : () -> ()
      %dma_wait3A_52 = arith.constant 29 : i32
      %dma_wait3A_53 = arith.constant 0 : i32
      %dma_wait3A_54 = tpu.memref_slice %arg8[%dma_wait3A_52, %dma_wait3A_53] : memref<32x64xi32, #tpu.memory_space<vmem>> -> memref<1x64xi32, #tpu.memory_space<vmem>>
      %dma_wait3A_55 = tpu.memref_squeeze %dma_wait3A_54 : memref<1x64xi32, #tpu.memory_space<vmem>> -> memref<64xi32, #tpu.memory_space<vmem>>
      %dma_wait3A_56 = arith.constant 0 : i32
      %dma_wait3A_57 = arith.constant 0 : i32
      %dma_wait3A_58 = tpu.memref_slice %arg2[%dma_wait3A_56, %dma_wait3A_57] : memref<20480x128xf32, #tpu.memory_space<hbm>> -> memref<20480x128xf32, #tpu.memory_space<hbm>>
      tpu.wait_indirect_dma semaphore(%arg15 : memref<!tpu.dma_semaphore, #tpu.memory_space<semaphore_mem>>) src(%dma_wait3A_58 : memref<20480x128xf32, #tpu.memory_space<hbm>>) dst(%arg11 : memref<64x128xf32, #tpu.memory_space<vmem>>)
      %run_scoped3A_59 = arith.constant 29 : i32
      "tpu.region"() ({
        %run_scoped3A_76 = tpu.sem_alloc : memref<!tpu.dma_semaphore, #tpu.memory_space<semaphore_mem>>
        %dma_start3A_77 = arith.constant 0 : i32
        %dma_start3A_78 = tpu.memref_slice %arg9[%run_scoped3A_59, %dma_start3A_77] : memref<32x64xi32, #tpu.memory_space<vmem>> -> memref<1x64xi32, #tpu.memory_space<vmem>>
        %dma_start3A_79 = tpu.memref_squeeze %dma_start3A_78 : memref<1x64xi32, #tpu.memory_space<vmem>> -> memref<64xi32, #tpu.memory_space<vmem>>
        %dma_start3A_80 = arith.constant 0 : i32
        %dma_start3A_81 = arith.constant 0 : i32
        %dma_start3A_82 = tpu.memref_slice %arg7[%dma_start3A_80, %dma_start3A_81] : memref<10240x128xf32, #tpu.memory_space<vmem_shared>> -> memref<10240x128xf32, #tpu.memory_space<vmem_shared>>
        tpu.enqueue_indirect_dma source(%arg11 : memref<64x128xf32, #tpu.memory_space<vmem>>) target(%dma_start3A_82 : memref<10240x128xf32, #tpu.memory_space<vmem_shared>>) offsets(%dma_start3A_79 : memref<64xi32, #tpu.memory_space<vmem>>) semaphore(%run_scoped3A_76 : memref<!tpu.dma_semaphore, #tpu.memory_space<semaphore_mem>>) {add = true}
        %dma_wait3A_83 = arith.constant 0 : i32
        %dma_wait3A_84 = tpu.memref_slice %arg9[%run_scoped3A_59, %dma_wait3A_83] : memref<32x64xi32, #tpu.memory_space<vmem>> -> memref<1x64xi32, #tpu.memory_space<vmem>>
        %dma_wait3A_85 = tpu.memref_squeeze %dma_wait3A_84 : memref<1x64xi32, #tpu.memory_space<vmem>> -> memref<64xi32, #tpu.memory_space<vmem>>
        %dma_wait3A_86 = arith.constant 0 : i32
        %dma_wait3A_87 = arith.constant 0 : i32
        %dma_wait3A_88 = tpu.memref_slice %arg7[%dma_wait3A_86, %dma_wait3A_87] : memref<10240x128xf32, #tpu.memory_space<vmem_shared>> -> memref<10240x128xf32, #tpu.memory_space<vmem_shared>>
        tpu.wait_indirect_dma semaphore(%run_scoped3A_76 : memref<!tpu.dma_semaphore, #tpu.memory_space<semaphore_mem>>) src(%arg11 : memref<64x128xf32, #tpu.memory_space<vmem>>) dst(%dma_wait3A_88 : memref<10240x128xf32, #tpu.memory_space<vmem_shared>>)
        tpu.yield
      }) : () -> ()
      %dma_wait3A_60 = arith.constant 30 : i32
      %dma_wait3A_61 = arith.constant 0 : i32
      %dma_wait3A_62 = tpu.memref_slice %arg8[%dma_wait3A_60, %dma_wait3A_61] : memref<32x64xi32, #tpu.memory_space<vmem>> -> memref<1x64xi32, #tpu.memory_space<vmem>>
      %dma_wait3A_63 = tpu.memref_squeeze %dma_wait3A_62 : memref<1x64xi32, #tpu.memory_space<vmem>> -> memref<64xi32, #tpu.memory_space<vmem>>
      %dma_wait3A_64 = arith.constant 0 : i32
      %dma_wait3A_65 = arith.constant 0 : i32
      %dma_wait3A_66 = tpu.memref_slice %arg2[%dma_wait3A_64, %dma_wait3A_65] : memref<20480x128xf32, #tpu.memory_space<hbm>> -> memref<20480x128xf32, #tpu.memory_space<hbm>>
      tpu.wait_indirect_dma semaphore(%arg16 : memref<!tpu.dma_semaphore, #tpu.memory_space<semaphore_mem>>) src(%dma_wait3A_66 : memref<20480x128xf32, #tpu.memory_space<hbm>>) dst(%arg12 : memref<64x128xf32, #tpu.memory_space<vmem>>)
      %run_scoped3A_67 = arith.constant 30 : i32
      "tpu.region"() ({
        %run_scoped3A_76 = tpu.sem_alloc : memref<!tpu.dma_semaphore, #tpu.memory_space<semaphore_mem>>
        %dma_start3A_77 = arith.constant 0 : i32
        %dma_start3A_78 = tpu.memref_slice %arg9[%run_scoped3A_67, %dma_start3A_77] : memref<32x64xi32, #tpu.memory_space<vmem>> -> memref<1x64xi32, #tpu.memory_space<vmem>>
        %dma_start3A_79 = tpu.memref_squeeze %dma_start3A_78 : memref<1x64xi32, #tpu.memory_space<vmem>> -> memref<64xi32, #tpu.memory_space<vmem>>
        %dma_start3A_80 = arith.constant 0 : i32
        %dma_start3A_81 = arith.constant 0 : i32
        %dma_start3A_82 = tpu.memref_slice %arg7[%dma_start3A_80, %dma_start3A_81] : memref<10240x128xf32, #tpu.memory_space<vmem_shared>> -> memref<10240x128xf32, #tpu.memory_space<vmem_shared>>
        tpu.enqueue_indirect_dma source(%arg12 : memref<64x128xf32, #tpu.memory_space<vmem>>) target(%dma_start3A_82 : memref<10240x128xf32, #tpu.memory_space<vmem_shared>>) offsets(%dma_start3A_79 : memref<64xi32, #tpu.memory_space<vmem>>) semaphore(%run_scoped3A_76 : memref<!tpu.dma_semaphore, #tpu.memory_space<semaphore_mem>>) {add = true}
        %dma_wait3A_83 = arith.constant 0 : i32
        %dma_wait3A_84 = tpu.memref_slice %arg9[%run_scoped3A_67, %dma_wait3A_83] : memref<32x64xi32, #tpu.memory_space<vmem>> -> memref<1x64xi32, #tpu.memory_space<vmem>>
        %dma_wait3A_85 = tpu.memref_squeeze %dma_wait3A_84 : memref<1x64xi32, #tpu.memory_space<vmem>> -> memref<64xi32, #tpu.memory_space<vmem>>
        %dma_wait3A_86 = arith.constant 0 : i32
        %dma_wait3A_87 = arith.constant 0 : i32
        %dma_wait3A_88 = tpu.memref_slice %arg7[%dma_wait3A_86, %dma_wait3A_87] : memref<10240x128xf32, #tpu.memory_space<vmem_shared>> -> memref<10240x128xf32, #tpu.memory_space<vmem_shared>>
        tpu.wait_indirect_dma semaphore(%run_scoped3A_76 : memref<!tpu.dma_semaphore, #tpu.memory_space<semaphore_mem>>) src(%arg12 : memref<64x128xf32, #tpu.memory_space<vmem>>) dst(%dma_wait3A_88 : memref<10240x128xf32, #tpu.memory_space<vmem_shared>>)
        tpu.yield
      }) : () -> ()
      %dma_wait3A_68 = arith.constant 31 : i32
      %dma_wait3A_69 = arith.constant 0 : i32
      %dma_wait3A_70 = tpu.memref_slice %arg8[%dma_wait3A_68, %dma_wait3A_69] : memref<32x64xi32, #tpu.memory_space<vmem>> -> memref<1x64xi32, #tpu.memory_space<vmem>>
      %dma_wait3A_71 = tpu.memref_squeeze %dma_wait3A_70 : memref<1x64xi32, #tpu.memory_space<vmem>> -> memref<64xi32, #tpu.memory_space<vmem>>
      %dma_wait3A_72 = arith.constant 0 : i32
      %dma_wait3A_73 = arith.constant 0 : i32
      %dma_wait3A_74 = tpu.memref_slice %arg2[%dma_wait3A_72, %dma_wait3A_73] : memref<20480x128xf32, #tpu.memory_space<hbm>> -> memref<20480x128xf32, #tpu.memory_space<hbm>>
      tpu.wait_indirect_dma semaphore(%arg17 : memref<!tpu.dma_semaphore, #tpu.memory_space<semaphore_mem>>) src(%dma_wait3A_74 : memref<20480x128xf32, #tpu.memory_space<hbm>>) dst(%arg13 : memref<64x128xf32, #tpu.memory_space<vmem>>)
      %run_scoped3A_75 = arith.constant 31 : i32
      "tpu.region"() ({
        %run_scoped3A_76 = tpu.sem_alloc : memref<!tpu.dma_semaphore, #tpu.memory_space<semaphore_mem>>
        %dma_start3A_77 = arith.constant 0 : i32
        %dma_start3A_78 = tpu.memref_slice %arg9[%run_scoped3A_75, %dma_start3A_77] : memref<32x64xi32, #tpu.memory_space<vmem>> -> memref<1x64xi32, #tpu.memory_space<vmem>>
        %dma_start3A_79 = tpu.memref_squeeze %dma_start3A_78 : memref<1x64xi32, #tpu.memory_space<vmem>> -> memref<64xi32, #tpu.memory_space<vmem>>
        %dma_start3A_80 = arith.constant 0 : i32
        %dma_start3A_81 = arith.constant 0 : i32
        %dma_start3A_82 = tpu.memref_slice %arg7[%dma_start3A_80, %dma_start3A_81] : memref<10240x128xf32, #tpu.memory_space<vmem_shared>> -> memref<10240x128xf32, #tpu.memory_space<vmem_shared>>
        tpu.enqueue_indirect_dma source(%arg13 : memref<64x128xf32, #tpu.memory_space<vmem>>) target(%dma_start3A_82 : memref<10240x128xf32, #tpu.memory_space<vmem_shared>>) offsets(%dma_start3A_79 : memref<64xi32, #tpu.memory_space<vmem>>) semaphore(%run_scoped3A_76 : memref<!tpu.dma_semaphore, #tpu.memory_space<semaphore_mem>>) {add = true}
        %dma_wait3A_83 = arith.constant 0 : i32
        %dma_wait3A_84 = tpu.memref_slice %arg9[%run_scoped3A_75, %dma_wait3A_83] : memref<32x64xi32, #tpu.memory_space<vmem>> -> memref<1x64xi32, #tpu.memory_space<vmem>>
        %dma_wait3A_85 = tpu.memref_squeeze %dma_wait3A_84 : memref<1x64xi32, #tpu.memory_space<vmem>> -> memref<64xi32, #tpu.memory_space<vmem>>
        %dma_wait3A_86 = arith.constant 0 : i32
        %dma_wait3A_87 = arith.constant 0 : i32
        %dma_wait3A_88 = tpu.memref_slice %arg7[%dma_wait3A_86, %dma_wait3A_87] : memref<10240x128xf32, #tpu.memory_space<vmem_shared>> -> memref<10240x128xf32, #tpu.memory_space<vmem_shared>>
        tpu.wait_indirect_dma semaphore(%run_scoped3A_76 : memref<!tpu.dma_semaphore, #tpu.memory_space<semaphore_mem>>) src(%arg13 : memref<64x128xf32, #tpu.memory_space<vmem>>) dst(%dma_wait3A_88 : memref<10240x128xf32, #tpu.memory_space<vmem_shared>>)
        tpu.yield
      }) : () -> ()
    }
    %scan3A_4 = arith.constant 10 : i32
    %barrier3A_5 = arith.constant 0 : index
    tpu.barrier barrier_id(%barrier3A_5)
    "tpu.region"() ({
      %run_scoped3A = tpu.sem_alloc : memref<!tpu.dma_semaphore, #tpu.memory_space<semaphore_mem>>
      %dma_start3A = arith.constant 0 : i32
      %dma_start3A_6 = tpu.memref_slice %arg6[%arg0, %mul3A_0, %dma_start3A] : memref<2x10240x128xf32, #tpu.memory_space<hbm>> -> memref<1x640x128xf32, #tpu.memory_space<hbm>>
      %dma_start3A_7 = tpu.memref_squeeze %dma_start3A_6 : memref<1x640x128xf32, #tpu.memory_space<hbm>> -> memref<640x128xf32, #tpu.memory_space<hbm>>
      %dma_start3A_8 = arith.constant 0 : i32
      %dma_start3A_9 = tpu.memref_slice %arg7[%mul3A_0, %dma_start3A_8] : memref<10240x128xf32, #tpu.memory_space<vmem_shared>> -> memref<640x128xf32, #tpu.memory_space<vmem_shared>>
      tpu.enqueue_dma source(%dma_start3A_9 : memref<640x128xf32, #tpu.memory_space<vmem_shared>>) target(%dma_start3A_7 : memref<640x128xf32, #tpu.memory_space<hbm>>) target_semaphore(%run_scoped3A : memref<!tpu.dma_semaphore, #tpu.memory_space<semaphore_mem>>)
      %dma_wait3A = arith.constant 0 : i32
      %dma_wait3A_10 = tpu.memref_slice %arg6[%arg0, %mul3A_0, %dma_wait3A] : memref<2x10240x128xf32, #tpu.memory_space<hbm>> -> memref<1x640x128xf32, #tpu.memory_space<hbm>>
      %dma_wait3A_11 = tpu.memref_squeeze %dma_wait3A_10 : memref<1x640x128xf32, #tpu.memory_space<hbm>> -> memref<640x128xf32, #tpu.memory_space<hbm>>
      %dma_wait3A_12 = arith.constant 0 : i32
      %dma_wait3A_13 = tpu.memref_slice %arg7[%mul3A_0, %dma_wait3A_12] : memref<10240x128xf32, #tpu.memory_space<vmem_shared>> -> memref<640x128xf32, #tpu.memory_space<vmem_shared>>
      tpu.wait_dma2 semaphore(%run_scoped3A : memref<!tpu.dma_semaphore, #tpu.memory_space<semaphore_mem>>) src(%dma_wait3A_13 : memref<640x128xf32, #tpu.memory_space<vmem_shared>>) dst(%dma_wait3A_11 : memref<640x128xf32, #tpu.memory_space<hbm>>)
      tpu.yield
    }) : () -> ()
    return
  }
}

module attributes {stable_mosaic.version = 14 : i64} {
  func.func @_prep_body(%arg0: i32, %arg1: memref<1024x128xf32, #tpu.memory_space<vmem>>, %arg2: memref<128x128xf32, #tpu.memory_space<vmem>>, %arg3: memref<1x128xf32, #tpu.memory_space<vmem>>, %arg4: memref<1024x128xf32, #tpu.memory_space<vmem>>) attributes {dimension_semantics = [#tpu.dimension_semantics<arbitrary>], iteration_bounds = array<i64: 10>, scalar_prefetch = 0 : i64, scratch_operands = 0 : i64, tpu.core_type = #tpu.core_type<tc>, window_params = [{transform_indices = @transform_0, window_bounds = array<i64: 1024, 128>}, {pipeline_mode = #tpu.pipeline_mode<synchronous>, transform_indices = @transform_1, window_bounds = array<i64: 128, 128>}, {pipeline_mode = #tpu.pipeline_mode<synchronous>, transform_indices = @transform_2, window_bounds = array<i64: 1, 128>}, {transform_indices = @transform_3, window_bounds = array<i64: 1024, 128>}]} {
    %get3A = arith.constant 0 : index
    %get3A_0 = arith.constant 0 : index
    %get3A_1 = vector.load %arg1[%get3A, %get3A_0] : memref<1024x128xf32, #tpu.memory_space<vmem>>, vector<1024x128xf32>
    %get3A_2 = arith.constant 0 : index
    %get3A_3 = arith.constant 0 : index
    %get3A_4 = vector.load %arg2[%get3A_2, %get3A_3] : memref<128x128xf32, #tpu.memory_space<vmem>>, vector<128x128xf32>
    %dot_general3A = arith.constant dense<0.000000e+00> : vector<1024x128xf32>
    %dot_general3A_5 = tpu.matmul %get3A_1, %get3A_4, %dot_general3A {dimension_numbers = #tpu.dot_dimension_numbers<[1], [1], [0], [0], [0, 0, 1, 0], [], []>, transpose_lhs_hint = false} : vector<1024x128xf32>, vector<128x128xf32>, vector<1024x128xf32> -> vector<1024x128xf32>
    %get3A_6 = arith.constant 0 : index
    %get3A_7 = arith.constant 0 : index
    %get3A_8 = vector.load %arg3[%get3A_6, %get3A_7] : memref<1x128xf32, #tpu.memory_space<vmem>>, vector<1x128xf32>
    %add3A = vector.broadcast %get3A_8 : vector<1x128xf32> to vector<1024x128xf32>
    %add3A_9 = arith.addf %dot_general3A_5, %add3A : vector<1024x128xf32>
    %gt3A = arith.constant 0.000000e+00 : f32
    %gt3A_10 = vector.broadcast %gt3A : f32 to vector<1024x128xf32>
    %gt3A_11 = arith.cmpf ogt, %add3A_9, %gt3A_10 : vector<1024x128xf32>
    %min3A = arith.constant 0.000000e+00 : f32
    %min3A_12 = vector.broadcast %min3A : f32 to vector<1024x128xf32>
    %min3A_13 = arith.minimumf %add3A_9, %min3A_12 : vector<1024x128xf32>
    %exp3A = math.exp %min3A_13 : vector<1024x128xf32>
    %sub3A = arith.constant 1.000000e+00 : f32
    %sub3A_14 = vector.broadcast %sub3A : f32 to vector<1024x128xf32>
    %sub3A_15 = arith.subf %exp3A, %sub3A_14 : vector<1024x128xf32>
    %select_n3A = arith.select %gt3A_11, %add3A_9, %sub3A_15 : vector<1024x128xi1>, vector<1024x128xf32>
    %mul3A = arith.constant 1024 : i32
    %mul3A_16 = arith.muli %arg0, %mul3A : i32
    %iota3A = tpu.iota {dimensions = array<i32: 0>} : vector<1024x1xi32>
    %add3A_17 = vector.broadcast %mul3A_16 : i32 to vector<1024x1xi32>
    %add3A_18 = arith.addi %add3A_17, %iota3A : vector<1024x1xi32>
    %lt3A = arith.constant 10000 : i32
    %lt3A_19 = vector.broadcast %lt3A : i32 to vector<1024x1xi32>
    %lt3A_20 = arith.cmpi slt, %add3A_18, %lt3A_19 : vector<1024x1xi32>
    %jit3A = arith.constant 0.000000e+00 : f32
    %broadcast_in_dim3A = vector.shape_cast %lt3A_20 : vector<1024x1xi1> to vector<1024x1xi1>
    %broadcast_in_dim3A_21 = vector.broadcast %broadcast_in_dim3A : vector<1024x1xi1> to vector<1024x128xi1>
    %broadcast_in_dim3A_22 = vector.broadcast %jit3A : f32 to vector<1024x128xf32>
    %select_n3A_23 = arith.select %broadcast_in_dim3A_21, %select_n3A, %broadcast_in_dim3A_22 : vector<1024x128xi1>, vector<1024x128xf32>
    %swap3A = arith.constant 0 : index
    %swap3A_24 = arith.constant 0 : index
    %swap3A_25 = vector.load %arg4[%swap3A, %swap3A_24] : memref<1024x128xf32, #tpu.memory_space<vmem>>, vector<1024x128xf32>
    tpu.vector_store %arg4[%swap3A, %swap3A_24], %select_n3A_23 {strides = array<i32>} : memref<1024x128xf32, #tpu.memory_space<vmem>>, vector<1024x128xf32>,
    return
  }
  func.func @transform_0(%arg0: i32) -> (i32, i32) {
    %c0_i32 = arith.constant 0 : i32
    %c0_i32_0 = arith.constant 0 : i32
    return %arg0, %c0_i32 : i32, i32
  }
  func.func @transform_1(%arg0: i32) -> (i32, i32) {
    %c0_i32 = arith.constant 0 : i32
    %c0_i32_0 = arith.constant 0 : i32
    %c0_i32_1 = arith.constant 0 : i32
    return %c0_i32, %c0_i32_0 : i32, i32
  }
  func.func @transform_2(%arg0: i32) -> (i32, i32) {
    %c0_i32 = arith.constant 0 : i32
    %c0_i32_0 = arith.constant 0 : i32
    %c0_i32_1 = arith.constant 0 : i32
    return %c0_i32, %c0_i32_0 : i32, i32
  }
  func.func @transform_3(%arg0: i32) -> (i32, i32) {
    %c0_i32 = arith.constant 0 : i32
    %c0_i32_0 = arith.constant 0 : i32
    return %arg0, %c0_i32 : i32, i32
  }
}

module attributes {stable_mosaic.version = 14 : i64} {
  func.func @_scale0_body(%arg0: i32, %arg1: i32, %arg2: memref<1024x128xf32, #tpu.memory_space<vmem>>, %arg3: memref<1x2x1024xf32, #tpu.memory_space<vmem>>, %arg4: memref<1x1024x128xf32, #tpu.memory_space<vmem>>) attributes {dimension_semantics = [#tpu.dimension_semantics<arbitrary>, #tpu.dimension_semantics<arbitrary>], iteration_bounds = array<i64: 2, 10>, scalar_prefetch = 0 : i64, scratch_operands = 0 : i64, tpu.core_type = #tpu.core_type<tc>, window_params = [{transform_indices = @transform_0, window_bounds = array<i64: 1024, 128>}, {transform_indices = @transform_1, window_bounds = array<i64: 1, 2, 1024>}, {transform_indices = @transform_2, window_bounds = array<i64: 1, 1024, 128>}]} {
    %get3A = arith.constant 0 : index
    %get3A_0 = arith.constant 1 : index
    %get3A_1 = arith.constant 0 : index
    %get3A_2 = vector.load %arg3[%get3A, %get3A_0, %get3A_1] : memref<1x2x1024xf32, #tpu.memory_space<vmem>>, vector<1x1x1024xf32>
    %get3A_3 = vector.shape_cast %get3A_2 : vector<1x1x1024xf32> to vector<1024xf32>
    %max3A = arith.constant 1.000000e+00 : f32
    %max3A_4 = vector.broadcast %max3A : f32 to vector<1024xf32>
    %max3A_5 = arith.maximumf %get3A_3, %max3A_4 : vector<1024xf32>
    %rsqrt3A = math.rsqrt %max3A_5 : vector<1024xf32>
    %get3A_6 = arith.constant 0 : index
    %get3A_7 = arith.constant 0 : index
    %get3A_8 = vector.load %arg2[%get3A_6, %get3A_7] : memref<1024x128xf32, #tpu.memory_space<vmem>>, vector<1024x128xf32>
    %broadcast_in_dim3A = vector.shape_cast %rsqrt3A : vector<1024xf32> to vector<1024x1xf32>
    %mul3A = vector.broadcast %broadcast_in_dim3A : vector<1024x1xf32> to vector<1024x128xf32>
    %mul3A_9 = arith.mulf %get3A_8, %mul3A : vector<1024x128xf32>
    %swap3A = arith.constant 0 : index
    %swap3A_10 = arith.constant 0 : index
    %swap3A_11 = arith.constant 0 : index
    %swap3A_12 = vector.load %arg4[%swap3A, %swap3A_10, %swap3A_11] : memref<1x1024x128xf32, #tpu.memory_space<vmem>>, vector<1x1024x128xf32>
    %swap3A_13 = vector.shape_cast %swap3A_12 : vector<1x1024x128xf32> to vector<1024x128xf32>
    %swap3A_14 = vector.shape_cast %mul3A_9 : vector<1024x128xf32> to vector<1x1024x128xf32>
    tpu.vector_store %arg4[%swap3A, %swap3A_10, %swap3A_11], %swap3A_14 {strides = array<i32>} : memref<1x1024x128xf32, #tpu.memory_space<vmem>>, vector<1x1024x128xf32>,
    return
  }
  func.func @transform_0(%arg0: i32, %arg1: i32) -> (i32, i32) {
    %c0_i32 = arith.constant 0 : i32
    %c0_i32_0 = arith.constant 0 : i32
    return %arg1, %c0_i32 : i32, i32
  }
  func.func @transform_1(%arg0: i32, %arg1: i32) -> (i32, i32, i32) {
    %c0_i32 = arith.constant 0 : i32
    %c0_i32_0 = arith.constant 0 : i32
    return %arg0, %c0_i32, %arg1 : i32, i32, i32
  }
  func.func @transform_2(%arg0: i32, %arg1: i32) -> (i32, i32, i32) {
    %c0_i32 = arith.constant 0 : i32
    %c0_i32_0 = arith.constant 0 : i32
    return %arg0, %arg1, %c0_i32 : i32, i32, i32
  }
}

module attributes {stable_mosaic.version = 14 : i64} {
  func.func @_blend_body(%arg0: i32, %arg1: i32, %arg2: memref<1x1024x128xf32, #tpu.memory_space<vmem>>, %arg3: memref<1x2x1024xf32, #tpu.memory_space<vmem>>, %arg4: memref<1024x128xf32, #tpu.memory_space<vmem>>, %arg5: memref<1x1024x128xf32, #tpu.memory_space<vmem>>) attributes {dimension_semantics = [#tpu.dimension_semantics<arbitrary>, #tpu.dimension_semantics<arbitrary>], iteration_bounds = array<i64: 2, 10>, scalar_prefetch = 0 : i64, scratch_operands = 0 : i64, tpu.core_type = #tpu.core_type<tc>, window_params = [{transform_indices = @transform_0, window_bounds = array<i64: 1, 1024, 128>}, {transform_indices = @transform_1, window_bounds = array<i64: 1, 2, 1024>}, {transform_indices = @transform_2, window_bounds = array<i64: 1024, 128>}, {transform_indices = @transform_3, window_bounds = array<i64: 1, 1024, 128>}]} {
    %get3A = arith.constant 0 : index
    %get3A_0 = arith.constant 0 : index
    %get3A_1 = arith.constant 0 : index
    %get3A_2 = vector.load %arg3[%get3A, %get3A_0, %get3A_1] : memref<1x2x1024xf32, #tpu.memory_space<vmem>>, vector<1x1x1024xf32>
    %get3A_3 = vector.shape_cast %get3A_2 : vector<1x1x1024xf32> to vector<1024xf32>
    %max3A = arith.constant 1.000000e+00 : f32
    %max3A_4 = vector.broadcast %max3A : f32 to vector<1024xf32>
    %max3A_5 = arith.maximumf %get3A_3, %max3A_4 : vector<1024xf32>
    %rsqrt3A = math.rsqrt %max3A_5 : vector<1024xf32>
    %get3A_6 = arith.constant 0 : index
    %get3A_7 = arith.constant 0 : index
    %get3A_8 = arith.constant 0 : index
    %get3A_9 = vector.load %arg2[%get3A_6, %get3A_7, %get3A_8] : memref<1x1024x128xf32, #tpu.memory_space<vmem>>, vector<1x1024x128xf32>
    %get3A_10 = vector.shape_cast %get3A_9 : vector<1x1024x128xf32> to vector<1024x128xf32>
    %broadcast_in_dim3A = vector.shape_cast %rsqrt3A : vector<1024xf32> to vector<1024x1xf32>
    %mul3A = vector.broadcast %broadcast_in_dim3A : vector<1024x1xf32> to vector<1024x128xf32>
    %mul3A_11 = arith.mulf %get3A_10, %mul3A : vector<1024x128xf32>
    %mul3A_12 = arith.constant 0.899999976 : f32
    %mul3A_13 = vector.broadcast %mul3A_12 : f32 to vector<1024x128xf32>
    %mul3A_14 = arith.mulf %mul3A_13, %mul3A_11 : vector<1024x128xf32>
    %get3A_15 = arith.constant 0 : index
    %get3A_16 = arith.constant 0 : index
    %get3A_17 = vector.load %arg4[%get3A_15, %get3A_16] : memref<1024x128xf32, #tpu.memory_space<vmem>>, vector<1024x128xf32>
    %mul3A_18 = arith.constant 1.000000e-01 : f32
    %mul3A_19 = vector.broadcast %mul3A_18 : f32 to vector<1024x128xf32>
    %mul3A_20 = arith.mulf %mul3A_19, %get3A_17 : vector<1024x128xf32>
    %add3A = arith.addf %mul3A_14, %mul3A_20 : vector<1024x128xf32>
    %get3A_21 = arith.constant 0 : index
    %get3A_22 = arith.constant 1 : index
    %get3A_23 = arith.constant 0 : index
    %get3A_24 = vector.load %arg3[%get3A_21, %get3A_22, %get3A_23] : memref<1x2x1024xf32, #tpu.memory_space<vmem>>, vector<1x1x1024xf32>
    %get3A_25 = vector.shape_cast %get3A_24 : vector<1x1x1024xf32> to vector<1024xf32>
    %max3A_26 = arith.constant 1.000000e+00 : f32
    %max3A_27 = vector.broadcast %max3A_26 : f32 to vector<1024xf32>
    %max3A_28 = arith.maximumf %get3A_25, %max3A_27 : vector<1024xf32>
    %rsqrt3A_29 = math.rsqrt %max3A_28 : vector<1024xf32>
    %broadcast_in_dim3A_30 = vector.shape_cast %rsqrt3A_29 : vector<1024xf32> to vector<1024x1xf32>
    %mul3A_31 = vector.broadcast %broadcast_in_dim3A_30 : vector<1024x1xf32> to vector<1024x128xf32>
    %mul3A_32 = arith.mulf %add3A, %mul3A_31 : vector<1024x128xf32>
    %swap3A = arith.constant 0 : index
    %swap3A_33 = arith.constant 0 : index
    %swap3A_34 = arith.constant 0 : index
    %swap3A_35 = vector.load %arg5[%swap3A, %swap3A_33, %swap3A_34] : memref<1x1024x128xf32, #tpu.memory_space<vmem>>, vector<1x1024x128xf32>
    %swap3A_36 = vector.shape_cast %swap3A_35 : vector<1x1024x128xf32> to vector<1024x128xf32>
    %swap3A_37 = vector.shape_cast %mul3A_32 : vector<1024x128xf32> to vector<1x1024x128xf32>
    tpu.vector_store %arg5[%swap3A, %swap3A_33, %swap3A_34], %swap3A_37 {strides = array<i32>} : memref<1x1024x128xf32, #tpu.memory_space<vmem>>, vector<1x1024x128xf32>,
    return
  }
  func.func @transform_0(%arg0: i32, %arg1: i32) -> (i32, i32, i32) {
    %c0_i32 = arith.constant 0 : i32
    %c0_i32_0 = arith.constant 0 : i32
    return %arg0, %arg1, %c0_i32 : i32, i32, i32
  }
  func.func @transform_1(%arg0: i32, %arg1: i32) -> (i32, i32, i32) {
    %c0_i32 = arith.constant 0 : i32
    %c0_i32_0 = arith.constant 0 : i32
    return %arg0, %c0_i32, %arg1 : i32, i32, i32
  }
  func.func @transform_2(%arg0: i32, %arg1: i32) -> (i32, i32) {
    %c0_i32 = arith.constant 0 : i32
    %c0_i32_0 = arith.constant 0 : i32
    return %arg1, %c0_i32 : i32, i32
  }
  func.func @transform_3(%arg0: i32, %arg1: i32) -> (i32, i32, i32) {
    %c0_i32 = arith.constant 0 : i32
    %c0_i32_0 = arith.constant 0 : i32
    return %arg0, %arg1, %c0_i32 : i32, i32, i32
  }
}

module attributes {stable_mosaic.version = 14 : i64} {
  func.func @_gcpost_body(%arg0: i32, %arg1: i32, %arg2: memref<1x1024x128xf32, #tpu.memory_space<vmem>>, %arg3: memref<1x2x1024xf32, #tpu.memory_space<vmem>>, %arg4: memref<1x128x128xf32, #tpu.memory_space<vmem>>, %arg5: memref<1x1x128xf32, #tpu.memory_space<vmem>>, %arg6: memref<2xf32, #tpu.memory_space<smem>>, %arg7: memref<1x1024x128xf32, #tpu.memory_space<vmem>>) attributes {dimension_semantics = [#tpu.dimension_semantics<arbitrary>, #tpu.dimension_semantics<arbitrary>], iteration_bounds = array<i64: 2, 10>, scalar_prefetch = 0 : i64, scratch_operands = 0 : i64, tpu.core_type = #tpu.core_type<tc>, window_params = [{transform_indices = @transform_0, window_bounds = array<i64: 1, 1024, 128>}, {transform_indices = @transform_1, window_bounds = array<i64: 1, 2, 1024>}, {transform_indices = @transform_2, window_bounds = array<i64: 1, 128, 128>}, {transform_indices = @transform_3, window_bounds = array<i64: 1, 1, 128>}, {transform_indices = @transform_4, window_bounds = array<i64: 2>}, {transform_indices = @transform_5, window_bounds = array<i64: 1, 1024, 128>}]} {
    %get3A = arith.constant 0 : index
    %get3A_0 = arith.constant 0 : index
    %get3A_1 = arith.constant 0 : index
    %get3A_2 = vector.load %arg3[%get3A, %get3A_0, %get3A_1] : memref<1x2x1024xf32, #tpu.memory_space<vmem>>, vector<1x1x1024xf32>
    %get3A_3 = vector.shape_cast %get3A_2 : vector<1x1x1024xf32> to vector<1024xf32>
    %max3A = arith.constant 1.000000e+00 : f32
    %max3A_4 = vector.broadcast %max3A : f32 to vector<1024xf32>
    %max3A_5 = arith.maximumf %get3A_3, %max3A_4 : vector<1024xf32>
    %div3A = arith.constant 1.000000e+00 : f32
    %div3A_6 = vector.broadcast %div3A : f32 to vector<1024xf32>
    %div3A_7 = arith.divf %div3A_6, %max3A_5 : vector<1024xf32>
    %get3A_8 = arith.constant 0 : index
    %get3A_9 = arith.constant 0 : index
    %get3A_10 = arith.constant 0 : index
    %get3A_11 = vector.load %arg2[%get3A_8, %get3A_9, %get3A_10] : memref<1x1024x128xf32, #tpu.memory_space<vmem>>, vector<1x1024x128xf32>
    %get3A_12 = vector.shape_cast %get3A_11 : vector<1x1024x128xf32> to vector<1024x128xf32>
    %broadcast_in_dim3A = vector.shape_cast %div3A_7 : vector<1024xf32> to vector<1024x1xf32>
    %mul3A = vector.broadcast %broadcast_in_dim3A : vector<1024x1xf32> to vector<1024x128xf32>
    %mul3A_13 = arith.mulf %get3A_12, %mul3A : vector<1024x128xf32>
    %get3A_14 = arith.constant 0 : index
    %get3A_15 = arith.constant 0 : index
    %get3A_16 = arith.constant 0 : index
    %get3A_17 = vector.load %arg4[%get3A_14, %get3A_15, %get3A_16] : memref<1x128x128xf32, #tpu.memory_space<vmem>>, vector<1x128x128xf32>
    %get3A_18 = vector.shape_cast %get3A_17 : vector<1x128x128xf32> to vector<128x128xf32>
    %dot_general3A = arith.constant dense<0.000000e+00> : vector<1024x128xf32>
    %dot_general3A_19 = tpu.matmul %mul3A_13, %get3A_18, %dot_general3A {dimension_numbers = #tpu.dot_dimension_numbers<[1], [0], [0], [1], [0, 0, 1, 1], [], []>, transpose_lhs_hint = false} : vector<1024x128xf32>, vector<128x128xf32>, vector<1024x128xf32> -> vector<1024x128xf32>
    %get3A_20 = arith.constant 0 : index
    %get3A_21 = arith.constant 0 : index
    %get3A_22 = arith.constant 0 : index
    %get3A_23 = vector.load %arg5[%get3A_20, %get3A_21, %get3A_22] : memref<1x1x128xf32, #tpu.memory_space<vmem>>, vector<1x1x128xf32>
    %get3A_24 = vector.shape_cast %get3A_23 : vector<1x1x128xf32> to vector<1x128xf32>
    %add3A = vector.broadcast %get3A_24 : vector<1x128xf32> to vector<1024x128xf32>
    %add3A_25 = arith.addf %dot_general3A_19, %add3A : vector<1024x128xf32>
    %get3A_26 = arith.index_cast %arg0 : i32 to index
    %get3A_27 = memref.load %arg6[%get3A_26] : memref<2xf32, #tpu.memory_space<smem>>
    %ge3A = arith.constant 0.000000e+00 : f32
    %ge3A_28 = vector.broadcast %ge3A : f32 to vector<1024x128xf32>
    %ge3A_29 = arith.cmpf oge, %add3A_25, %ge3A_28 : vector<1024x128xf32>
    %mul3A_30 = vector.broadcast %get3A_27 : f32 to vector<1024x128xf32>
    %mul3A_31 = arith.mulf %mul3A_30, %add3A_25 : vector<1024x128xf32>
    %select_n3A = arith.select %ge3A_29, %add3A_25, %mul3A_31 : vector<1024x128xi1>, vector<1024x128xf32>
    %mul3A_32 = arith.constant 1024 : i32
    %mul3A_33 = arith.muli %arg1, %mul3A_32 : i32
    %iota3A = tpu.iota {dimensions = array<i32: 0>} : vector<1024x1xi32>
    %add3A_34 = vector.broadcast %mul3A_33 : i32 to vector<1024x1xi32>
    %add3A_35 = arith.addi %add3A_34, %iota3A : vector<1024x1xi32>
    %lt3A = arith.constant 10000 : i32
    %lt3A_36 = vector.broadcast %lt3A : i32 to vector<1024x1xi32>
    %lt3A_37 = arith.cmpi slt, %add3A_35, %lt3A_36 : vector<1024x1xi32>
    %jit3A = arith.constant 0.000000e+00 : f32
    %broadcast_in_dim3A_38 = vector.shape_cast %lt3A_37 : vector<1024x1xi1> to vector<1024x1xi1>
    %broadcast_in_dim3A_39 = vector.broadcast %broadcast_in_dim3A_38 : vector<1024x1xi1> to vector<1024x128xi1>
    %broadcast_in_dim3A_40 = vector.broadcast %jit3A : f32 to vector<1024x128xf32>
    %select_n3A_41 = arith.select %broadcast_in_dim3A_39, %select_n3A, %broadcast_in_dim3A_40 : vector<1024x128xi1>, vector<1024x128xf32>
    %swap3A = arith.constant 0 : index
    %swap3A_42 = arith.constant 0 : index
    %swap3A_43 = arith.constant 0 : index
    %swap3A_44 = vector.load %arg7[%swap3A, %swap3A_42, %swap3A_43] : memref<1x1024x128xf32, #tpu.memory_space<vmem>>, vector<1x1024x128xf32>
    %swap3A_45 = vector.shape_cast %swap3A_44 : vector<1x1024x128xf32> to vector<1024x128xf32>
    %swap3A_46 = vector.shape_cast %select_n3A_41 : vector<1024x128xf32> to vector<1x1024x128xf32>
    tpu.vector_store %arg7[%swap3A, %swap3A_42, %swap3A_43], %swap3A_46 {strides = array<i32>} : memref<1x1024x128xf32, #tpu.memory_space<vmem>>, vector<1x1024x128xf32>,
    return
  }
  func.func @transform_0(%arg0: i32, %arg1: i32) -> (i32, i32, i32) {
    %c0_i32 = arith.constant 0 : i32
    %c0_i32_0 = arith.constant 0 : i32
    return %arg0, %arg1, %c0_i32 : i32, i32, i32
  }
  func.func @transform_1(%arg0: i32, %arg1: i32) -> (i32, i32, i32) {
    %c0_i32 = arith.constant 0 : i32
    %c0_i32_0 = arith.constant 0 : i32
    return %arg0, %c0_i32, %arg1 : i32, i32, i32
  }
  func.func @transform_2(%arg0: i32, %arg1: i32) -> (i32, i32, i32) {
    %c0_i32 = arith.constant 0 : i32
    %c0_i32_0 = arith.constant 0 : i32
    %c0_i32_1 = arith.constant 0 : i32
    return %arg0, %c0_i32, %c0_i32_0 : i32, i32, i32
  }
  func.func @transform_3(%arg0: i32, %arg1: i32) -> (i32, i32, i32) {
    %c0_i32 = arith.constant 0 : i32
    %c0_i32_0 = arith.constant 0 : i32
    %c0_i32_1 = arith.constant 0 : i32
    return %arg0, %c0_i32, %c0_i32_0 : i32, i32, i32
  }
  func.func @transform_4(%arg0: i32, %arg1: i32) -> i32 {
    %c0_i32 = arith.constant 0 : i32
    %c0_i32_0 = arith.constant 0 : i32
    return %c0_i32 : i32
  }
  func.func @transform_5(%arg0: i32, %arg1: i32) -> (i32, i32, i32) {
    %c0_i32 = arith.constant 0 : i32
    %c0_i32_0 = arith.constant 0 : i32
    return %arg0, %arg1, %c0_i32 : i32, i32, i32
  }
}

module attributes {stable_mosaic.version = 14 : i64} {
  func.func @_blend_body(%arg0: i32, %arg1: i32, %arg2: memref<1x1024x128xf32, #tpu.memory_space<vmem>>, %arg3: memref<1x2x1024xf32, #tpu.memory_space<vmem>>, %arg4: memref<1024x128xf32, #tpu.memory_space<vmem>>, %arg5: memref<1x1024x128xf32, #tpu.memory_space<vmem>>) attributes {dimension_semantics = [#tpu.dimension_semantics<arbitrary>, #tpu.dimension_semantics<arbitrary>], iteration_bounds = array<i64: 2, 10>, scalar_prefetch = 0 : i64, scratch_operands = 0 : i64, tpu.core_type = #tpu.core_type<tc>, window_params = [{transform_indices = @transform_0, window_bounds = array<i64: 1, 1024, 128>}, {transform_indices = @transform_1, window_bounds = array<i64: 1, 2, 1024>}, {transform_indices = @transform_2, window_bounds = array<i64: 1024, 128>}, {transform_indices = @transform_3, window_bounds = array<i64: 1, 1024, 128>}]} {
    %get3A = arith.constant 0 : index
    %get3A_0 = arith.constant 0 : index
    %get3A_1 = arith.constant 0 : index
    %get3A_2 = vector.load %arg3[%get3A, %get3A_0, %get3A_1] : memref<1x2x1024xf32, #tpu.memory_space<vmem>>, vector<1x1x1024xf32>
    %get3A_3 = vector.shape_cast %get3A_2 : vector<1x1x1024xf32> to vector<1024xf32>
    %max3A = arith.constant 1.000000e+00 : f32
    %max3A_4 = vector.broadcast %max3A : f32 to vector<1024xf32>
    %max3A_5 = arith.maximumf %get3A_3, %max3A_4 : vector<1024xf32>
    %rsqrt3A = math.rsqrt %max3A_5 : vector<1024xf32>
    %get3A_6 = arith.constant 0 : index
    %get3A_7 = arith.constant 0 : index
    %get3A_8 = arith.constant 0 : index
    %get3A_9 = vector.load %arg2[%get3A_6, %get3A_7, %get3A_8] : memref<1x1024x128xf32, #tpu.memory_space<vmem>>, vector<1x1024x128xf32>
    %get3A_10 = vector.shape_cast %get3A_9 : vector<1x1024x128xf32> to vector<1024x128xf32>
    %broadcast_in_dim3A = vector.shape_cast %rsqrt3A : vector<1024xf32> to vector<1024x1xf32>
    %mul3A = vector.broadcast %broadcast_in_dim3A : vector<1024x1xf32> to vector<1024x128xf32>
    %mul3A_11 = arith.mulf %get3A_10, %mul3A : vector<1024x128xf32>
    %mul3A_12 = arith.constant 0.899999976 : f32
    %mul3A_13 = vector.broadcast %mul3A_12 : f32 to vector<1024x128xf32>
    %mul3A_14 = arith.mulf %mul3A_13, %mul3A_11 : vector<1024x128xf32>
    %get3A_15 = arith.constant 0 : index
    %get3A_16 = arith.constant 0 : index
    %get3A_17 = vector.load %arg4[%get3A_15, %get3A_16] : memref<1024x128xf32, #tpu.memory_space<vmem>>, vector<1024x128xf32>
    %mul3A_18 = arith.constant 1.000000e-01 : f32
    %mul3A_19 = vector.broadcast %mul3A_18 : f32 to vector<1024x128xf32>
    %mul3A_20 = arith.mulf %mul3A_19, %get3A_17 : vector<1024x128xf32>
    %add3A = arith.addf %mul3A_14, %mul3A_20 : vector<1024x128xf32>
    %swap3A = arith.constant 0 : index
    %swap3A_21 = arith.constant 0 : index
    %swap3A_22 = arith.constant 0 : index
    %swap3A_23 = vector.load %arg5[%swap3A, %swap3A_21, %swap3A_22] : memref<1x1024x128xf32, #tpu.memory_space<vmem>>, vector<1x1024x128xf32>
    %swap3A_24 = vector.shape_cast %swap3A_23 : vector<1x1024x128xf32> to vector<1024x128xf32>
    %swap3A_25 = vector.shape_cast %add3A : vector<1024x128xf32> to vector<1x1024x128xf32>
    tpu.vector_store %arg5[%swap3A, %swap3A_21, %swap3A_22], %swap3A_25 {strides = array<i32>} : memref<1x1024x128xf32, #tpu.memory_space<vmem>>, vector<1x1024x128xf32>,
    return
  }
  func.func @transform_0(%arg0: i32, %arg1: i32) -> (i32, i32, i32) {
    %c0_i32 = arith.constant 0 : i32
    %c0_i32_0 = arith.constant 0 : i32
    return %arg0, %arg1, %c0_i32 : i32, i32, i32
  }
  func.func @transform_1(%arg0: i32, %arg1: i32) -> (i32, i32, i32) {
    %c0_i32 = arith.constant 0 : i32
    %c0_i32_0 = arith.constant 0 : i32
    return %arg0, %c0_i32, %arg1 : i32, i32, i32
  }
  func.func @transform_2(%arg0: i32, %arg1: i32) -> (i32, i32) {
    %c0_i32 = arith.constant 0 : i32
    %c0_i32_0 = arith.constant 0 : i32
    return %arg1, %c0_i32 : i32, i32
  }
  func.func @transform_3(%arg0: i32, %arg1: i32) -> (i32, i32, i32) {
    %c0_i32 = arith.constant 0 : i32
    %c0_i32_0 = arith.constant 0 : i32
    return %arg0, %arg1, %c0_i32 : i32, i32, i32
  }
}

module attributes {stable_mosaic.version = 14 : i64} {
  func.func @_attn_sum_body(%arg0: i32, %arg1: memref<2x1024x128xf32, #tpu.memory_space<vmem>>, %arg2: memref<2x1024x128xf32, #tpu.memory_space<vmem>>, %arg3: memref<128x128xf32, #tpu.memory_space<vmem>>, %arg4: memref<1x128xf32, #tpu.memory_space<vmem>>, %arg5: memref<1x128xf32, #tpu.memory_space<vmem>>, %arg6: memref<8x128xf32, #tpu.memory_space<vmem>>, %arg7: memref<4xf32, #tpu.memory_space<smem>>) attributes {dimension_semantics = [#tpu.dimension_semantics<arbitrary>], iteration_bounds = array<i64: 10>, scalar_prefetch = 0 : i64, scratch_operands = 1 : i64, tpu.core_type = #tpu.core_type<tc>, window_params = [{transform_indices = @transform_0, window_bounds = array<i64: 2, 1024, 128>}, {transform_indices = @transform_1, window_bounds = array<i64: 2, 1024, 128>}, {pipeline_mode = #tpu.pipeline_mode<synchronous>, transform_indices = @transform_2, window_bounds = array<i64: 128, 128>}, {pipeline_mode = #tpu.pipeline_mode<synchronous>, transform_indices = @transform_3, window_bounds = array<i64: 1, 128>}, {pipeline_mode = #tpu.pipeline_mode<synchronous>, transform_indices = @transform_4, window_bounds = array<i64: 1, 128>}, {pipeline_mode = #tpu.pipeline_mode<synchronous>, transform_indices = @transform_5, window_bounds = array<i64: 8, 128>}]} {
    %eq3A = arith.constant 0 : i32
    %eq3A_0 = arith.cmpi eq, %arg0, %eq3A : i32
    %convert_element_type3A = arith.extui %eq3A_0 : i1 to i32
    %cond3A = arith.constant 0 : i32
    %cond3A_1 = arith.cmpi ne, %convert_element_type3A, %cond3A : i32
    scf.if %cond3A_1 {
      %swap3A_138 = arith.constant 0.000000e+00 : f32
      %swap3A_139 = arith.constant 0 : index
      %swap3A_140 = memref.load %arg7[%swap3A_139] : memref<4xf32, #tpu.memory_space<smem>>
      memref.store %swap3A_138, %arg7[%swap3A_139] : memref<4xf32, #tpu.memory_space<smem>>
      %swap3A_141 = arith.constant 0.000000e+00 : f32
      %swap3A_142 = arith.constant 1 : index
      %swap3A_143 = memref.load %arg7[%swap3A_142] : memref<4xf32, #tpu.memory_space<smem>>
      memref.store %swap3A_141, %arg7[%swap3A_142] : memref<4xf32, #tpu.memory_space<smem>>
      %swap3A_144 = arith.constant 0.000000e+00 : f32
      %swap3A_145 = arith.constant 2 : index
      %swap3A_146 = memref.load %arg7[%swap3A_145] : memref<4xf32, #tpu.memory_space<smem>>
      memref.store %swap3A_144, %arg7[%swap3A_145] : memref<4xf32, #tpu.memory_space<smem>>
      %swap3A_147 = arith.constant 0.000000e+00 : f32
      %swap3A_148 = arith.constant 3 : index
      %swap3A_149 = memref.load %arg7[%swap3A_148] : memref<4xf32, #tpu.memory_space<smem>>
      memref.store %swap3A_147, %arg7[%swap3A_148] : memref<4xf32, #tpu.memory_space<smem>>
    } else {
    }
    %mul3A = arith.constant 1024 : i32
    %mul3A_2 = arith.muli %arg0, %mul3A : i32
    %iota3A = tpu.iota {dimensions = array<i32: 0>} : vector<1024x1xi32>
    %add3A = vector.broadcast %mul3A_2 : i32 to vector<1024x1xi32>
    %add3A_3 = arith.addi %add3A, %iota3A : vector<1024x1xi32>
    %lt3A = arith.constant 10000 : i32
    %lt3A_4 = vector.broadcast %lt3A : i32 to vector<1024x1xi32>
    %lt3A_5 = arith.cmpi slt, %add3A_3, %lt3A_4 : vector<1024x1xi32>
    %get3A = arith.constant 0 : index
    %get3A_6 = arith.constant 0 : index
    %get3A_7 = vector.load %arg5[%get3A, %get3A_6] : memref<1x128xf32, #tpu.memory_space<vmem>>, vector<1x128xf32>
    %get3A_8 = arith.constant 0 : index
    %get3A_9 = arith.constant 0 : index
    %get3A_10 = arith.constant 0 : index
    %get3A_11 = vector.load %arg1[%get3A_8, %get3A_9, %get3A_10] : memref<2x1024x128xf32, #tpu.memory_space<vmem>>, vector<1x1024x128xf32>
    %get3A_12 = vector.shape_cast %get3A_11 : vector<1x1024x128xf32> to vector<1024x128xf32>
    %get3A_13 = arith.constant 0 : index
    %get3A_14 = arith.constant 0 : index
    %get3A_15 = vector.load %arg3[%get3A_13, %get3A_14] : memref<128x128xf32, #tpu.memory_space<vmem>>, vector<128x128xf32>
    %dot_general3A = arith.constant dense<0.000000e+00> : vector<1024x128xf32>
    %dot_general3A_16 = tpu.matmul %get3A_12, %get3A_15, %dot_general3A {dimension_numbers = #tpu.dot_dimension_numbers<[1], [0], [0], [1], [0, 0, 1, 1], [], []>, transpose_lhs_hint = false} : vector<1024x128xf32>, vector<128x128xf32>, vector<1024x128xf32> -> vector<1024x128xf32>
    %get3A_17 = arith.constant 0 : index
    %get3A_18 = arith.constant 0 : index
    %get3A_19 = vector.load %arg4[%get3A_17, %get3A_18] : memref<1x128xf32, #tpu.memory_space<vmem>>, vector<1x128xf32>
    %add3A_20 = vector.broadcast %get3A_19 : vector<1x128xf32> to vector<1024x128xf32>
    %add3A_21 = arith.addf %dot_general3A_16, %add3A_20 : vector<1024x128xf32>
    %tanh3A = math.tanh %add3A_21 : vector<1024x128xf32>
    %get3A_22 = arith.constant 0 : index
    %get3A_23 = memref.load %arg7[%get3A_22] : memref<4xf32, #tpu.memory_space<smem>>
    %mul3A_24 = vector.broadcast %get3A_7 : vector<1x128xf32> to vector<1024x128xf32>
    %mul3A_25 = arith.mulf %tanh3A, %mul3A_24 : vector<1024x128xf32>
    %jit3A = arith.constant 0.000000e+00 : f32
    %broadcast_in_dim3A = vector.shape_cast %lt3A_5 : vector<1024x1xi1> to vector<1024x1xi1>
    %broadcast_in_dim3A_26 = vector.broadcast %broadcast_in_dim3A : vector<1024x1xi1> to vector<1024x128xi1>
    %broadcast_in_dim3A_27 = vector.broadcast %jit3A : f32 to vector<1024x128xf32>
    %select_n3A = arith.select %broadcast_in_dim3A_26, %mul3A_25, %broadcast_in_dim3A_27 : vector<1024x128xi1>, vector<1024x128xf32>
    %reduce_sum3A = vector.shape_cast %select_n3A : vector<1024x128xf32> to vector<1x1024x128xf32>
    %reduce_sum3A_28 = arith.constant dense<0.000000e+00> : vector<1xf32>
    %reduce_sum3A_29 = vector.multi_reduction <add>, %reduce_sum3A, %reduce_sum3A_28 [1, 2] : vector<1x1024x128xf32> to vector<1xf32>
    %reduce_sum3A_30 = vector.shape_cast %reduce_sum3A_29 : vector<1xf32> to vector<1x1x1xf32>
    %reduce_sum3A_31 = vector.extract %reduce_sum3A_30[0, 0, 0] : f32 from vector<1x1x1xf32>
    %add3A_32 = arith.addf %get3A_23, %reduce_sum3A_31 : f32
    %swap3A = arith.constant 0 : index
    %swap3A_33 = memref.load %arg7[%swap3A] : memref<4xf32, #tpu.memory_space<smem>>
    memref.store %add3A_32, %arg7[%swap3A] : memref<4xf32, #tpu.memory_space<smem>>
    %get3A_34 = arith.constant 1 : index
    %get3A_35 = arith.constant 0 : index
    %get3A_36 = arith.constant 0 : index
    %get3A_37 = vector.load %arg1[%get3A_34, %get3A_35, %get3A_36] : memref<2x1024x128xf32, #tpu.memory_space<vmem>>, vector<1x1024x128xf32>
    %get3A_38 = vector.shape_cast %get3A_37 : vector<1x1024x128xf32> to vector<1024x128xf32>
    %get3A_39 = arith.constant 0 : index
    %get3A_40 = arith.constant 0 : index
    %get3A_41 = vector.load %arg3[%get3A_39, %get3A_40] : memref<128x128xf32, #tpu.memory_space<vmem>>, vector<128x128xf32>
    %dot_general3A_42 = arith.constant dense<0.000000e+00> : vector<1024x128xf32>
    %dot_general3A_43 = tpu.matmul %get3A_38, %get3A_41, %dot_general3A_42 {dimension_numbers = #tpu.dot_dimension_numbers<[1], [0], [0], [1], [0, 0, 1, 1], [], []>, transpose_lhs_hint = false} : vector<1024x128xf32>, vector<128x128xf32>, vector<1024x128xf32> -> vector<1024x128xf32>
    %get3A_44 = arith.constant 0 : index
    %get3A_45 = arith.constant 0 : index
    %get3A_46 = vector.load %arg4[%get3A_44, %get3A_45] : memref<1x128xf32, #tpu.memory_space<vmem>>, vector<1x128xf32>
    %add3A_47 = vector.broadcast %get3A_46 : vector<1x128xf32> to vector<1024x128xf32>
    %add3A_48 = arith.addf %dot_general3A_43, %add3A_47 : vector<1024x128xf32>
    %tanh3A_49 = math.tanh %add3A_48 : vector<1024x128xf32>
    %get3A_50 = arith.constant 1 : index
    %get3A_51 = memref.load %arg7[%get3A_50] : memref<4xf32, #tpu.memory_space<smem>>
    %mul3A_52 = vector.broadcast %get3A_7 : vector<1x128xf32> to vector<1024x128xf32>
    %mul3A_53 = arith.mulf %tanh3A_49, %mul3A_52 : vector<1024x128xf32>
    %jit3A_54 = arith.constant 0.000000e+00 : f32
    %broadcast_in_dim3A_55 = vector.shape_cast %lt3A_5 : vector<1024x1xi1> to vector<1024x1xi1>
    %broadcast_in_dim3A_56 = vector.broadcast %broadcast_in_dim3A_55 : vector<1024x1xi1> to vector<1024x128xi1>
    %broadcast_in_dim3A_57 = vector.broadcast %jit3A_54 : f32 to vector<1024x128xf32>
    %select_n3A_58 = arith.select %broadcast_in_dim3A_56, %mul3A_53, %broadcast_in_dim3A_57 : vector<1024x128xi1>, vector<1024x128xf32>
    %reduce_sum3A_59 = vector.shape_cast %select_n3A_58 : vector<1024x128xf32> to vector<1x1024x128xf32>
    %reduce_sum3A_60 = arith.constant dense<0.000000e+00> : vector<1xf32>
    %reduce_sum3A_61 = vector.multi_reduction <add>, %reduce_sum3A_59, %reduce_sum3A_60 [1, 2] : vector<1x1024x128xf32> to vector<1xf32>
    %reduce_sum3A_62 = vector.shape_cast %reduce_sum3A_61 : vector<1xf32> to vector<1x1x1xf32>
    %reduce_sum3A_63 = vector.extract %reduce_sum3A_62[0, 0, 0] : f32 from vector<1x1x1xf32>
    %add3A_64 = arith.addf %get3A_51, %reduce_sum3A_63 : f32
    %swap3A_65 = arith.constant 1 : index
    %swap3A_66 = memref.load %arg7[%swap3A_65] : memref<4xf32, #tpu.memory_space<smem>>
    memref.store %add3A_64, %arg7[%swap3A_65] : memref<4xf32, #tpu.memory_space<smem>>
    %get3A_67 = arith.constant 0 : index
    %get3A_68 = arith.constant 0 : index
    %get3A_69 = arith.constant 0 : index
    %get3A_70 = vector.load %arg2[%get3A_67, %get3A_68, %get3A_69] : memref<2x1024x128xf32, #tpu.memory_space<vmem>>, vector<1x1024x128xf32>
    %get3A_71 = vector.shape_cast %get3A_70 : vector<1x1024x128xf32> to vector<1024x128xf32>
    %get3A_72 = arith.constant 0 : index
    %get3A_73 = arith.constant 0 : index
    %get3A_74 = vector.load %arg3[%get3A_72, %get3A_73] : memref<128x128xf32, #tpu.memory_space<vmem>>, vector<128x128xf32>
    %dot_general3A_75 = arith.constant dense<0.000000e+00> : vector<1024x128xf32>
    %dot_general3A_76 = tpu.matmul %get3A_71, %get3A_74, %dot_general3A_75 {dimension_numbers = #tpu.dot_dimension_numbers<[1], [0], [0], [1], [0, 0, 1, 1], [], []>, transpose_lhs_hint = false} : vector<1024x128xf32>, vector<128x128xf32>, vector<1024x128xf32> -> vector<1024x128xf32>
    %get3A_77 = arith.constant 0 : index
    %get3A_78 = arith.constant 0 : index
    %get3A_79 = vector.load %arg4[%get3A_77, %get3A_78] : memref<1x128xf32, #tpu.memory_space<vmem>>, vector<1x128xf32>
    %add3A_80 = vector.broadcast %get3A_79 : vector<1x128xf32> to vector<1024x128xf32>
    %add3A_81 = arith.addf %dot_general3A_76, %add3A_80 : vector<1024x128xf32>
    %tanh3A_82 = math.tanh %add3A_81 : vector<1024x128xf32>
    %get3A_83 = arith.constant 2 : index
    %get3A_84 = memref.load %arg7[%get3A_83] : memref<4xf32, #tpu.memory_space<smem>>
    %mul3A_85 = vector.broadcast %get3A_7 : vector<1x128xf32> to vector<1024x128xf32>
    %mul3A_86 = arith.mulf %tanh3A_82, %mul3A_85 : vector<1024x128xf32>
    %jit3A_87 = arith.constant 0.000000e+00 : f32
    %broadcast_in_dim3A_88 = vector.shape_cast %lt3A_5 : vector<1024x1xi1> to vector<1024x1xi1>
    %broadcast_in_dim3A_89 = vector.broadcast %broadcast_in_dim3A_88 : vector<1024x1xi1> to vector<1024x128xi1>
    %broadcast_in_dim3A_90 = vector.broadcast %jit3A_87 : f32 to vector<1024x128xf32>
    %select_n3A_91 = arith.select %broadcast_in_dim3A_89, %mul3A_86, %broadcast_in_dim3A_90 : vector<1024x128xi1>, vector<1024x128xf32>
    %reduce_sum3A_92 = vector.shape_cast %select_n3A_91 : vector<1024x128xf32> to vector<1x1024x128xf32>
    %reduce_sum3A_93 = arith.constant dense<0.000000e+00> : vector<1xf32>
    %reduce_sum3A_94 = vector.multi_reduction <add>, %reduce_sum3A_92, %reduce_sum3A_93 [1, 2] : vector<1x1024x128xf32> to vector<1xf32>
    %reduce_sum3A_95 = vector.shape_cast %reduce_sum3A_94 : vector<1xf32> to vector<1x1x1xf32>
    %reduce_sum3A_96 = vector.extract %reduce_sum3A_95[0, 0, 0] : f32 from vector<1x1x1xf32>
    %add3A_97 = arith.addf %get3A_84, %reduce_sum3A_96 : f32
    %swap3A_98 = arith.constant 2 : index
    %swap3A_99 = memref.load %arg7[%swap3A_98] : memref<4xf32, #tpu.memory_space<smem>>
    memref.store %add3A_97, %arg7[%swap3A_98] : memref<4xf32, #tpu.memory_space<smem>>
    %get3A_100 = arith.constant 1 : index
    %get3A_101 = arith.constant 0 : index
    %get3A_102 = arith.constant 0 : index
    %get3A_103 = vector.load %arg2[%get3A_100, %get3A_101, %get3A_102] : memref<2x1024x128xf32, #tpu.memory_space<vmem>>, vector<1x1024x128xf32>
    %get3A_104 = vector.shape_cast %get3A_103 : vector<1x1024x128xf32> to vector<1024x128xf32>
    %get3A_105 = arith.constant 0 : index
    %get3A_106 = arith.constant 0 : index
    %get3A_107 = vector.load %arg3[%get3A_105, %get3A_106] : memref<128x128xf32, #tpu.memory_space<vmem>>, vector<128x128xf32>
    %dot_general3A_108 = arith.constant dense<0.000000e+00> : vector<1024x128xf32>
    %dot_general3A_109 = tpu.matmul %get3A_104, %get3A_107, %dot_general3A_108 {dimension_numbers = #tpu.dot_dimension_numbers<[1], [0], [0], [1], [0, 0, 1, 1], [], []>, transpose_lhs_hint = false} : vector<1024x128xf32>, vector<128x128xf32>, vector<1024x128xf32> -> vector<1024x128xf32>
    %get3A_110 = arith.constant 0 : index
    %get3A_111 = arith.constant 0 : index
    %get3A_112 = vector.load %arg4[%get3A_110, %get3A_111] : memref<1x128xf32, #tpu.memory_space<vmem>>, vector<1x128xf32>
    %add3A_113 = vector.broadcast %get3A_112 : vector<1x128xf32> to vector<1024x128xf32>
    %add3A_114 = arith.addf %dot_general3A_109, %add3A_113 : vector<1024x128xf32>
    %tanh3A_115 = math.tanh %add3A_114 : vector<1024x128xf32>
    %get3A_116 = arith.constant 3 : index
    %get3A_117 = memref.load %arg7[%get3A_116] : memref<4xf32, #tpu.memory_space<smem>>
    %mul3A_118 = vector.broadcast %get3A_7 : vector<1x128xf32> to vector<1024x128xf32>
    %mul3A_119 = arith.mulf %tanh3A_115, %mul3A_118 : vector<1024x128xf32>
    %jit3A_120 = arith.constant 0.000000e+00 : f32
    %broadcast_in_dim3A_121 = vector.shape_cast %lt3A_5 : vector<1024x1xi1> to vector<1024x1xi1>
    %broadcast_in_dim3A_122 = vector.broadcast %broadcast_in_dim3A_121 : vector<1024x1xi1> to vector<1024x128xi1>
    %broadcast_in_dim3A_123 = vector.broadcast %jit3A_120 : f32 to vector<1024x128xf32>
    %select_n3A_124 = arith.select %broadcast_in_dim3A_122, %mul3A_119, %broadcast_in_dim3A_123 : vector<1024x128xi1>, vector<1024x128xf32>
    %reduce_sum3A_125 = vector.shape_cast %select_n3A_124 : vector<1024x128xf32> to vector<1x1024x128xf32>
    %reduce_sum3A_126 = arith.constant dense<0.000000e+00> : vector<1xf32>
    %reduce_sum3A_127 = vector.multi_reduction <add>, %reduce_sum3A_125, %reduce_sum3A_126 [1, 2] : vector<1x1024x128xf32> to vector<1xf32>
    %reduce_sum3A_128 = vector.shape_cast %reduce_sum3A_127 : vector<1xf32> to vector<1x1x1xf32>
    %reduce_sum3A_129 = vector.extract %reduce_sum3A_128[0, 0, 0] : f32 from vector<1x1x1xf32>
    %add3A_130 = arith.addf %get3A_117, %reduce_sum3A_129 : f32
    %swap3A_131 = arith.constant 3 : index
    %swap3A_132 = memref.load %arg7[%swap3A_131] : memref<4xf32, #tpu.memory_space<smem>>
    memref.store %add3A_130, %arg7[%swap3A_131] : memref<4xf32, #tpu.memory_space<smem>>
    %eq3A_133 = arith.constant 9 : i32
    %eq3A_134 = arith.cmpi eq, %arg0, %eq3A_133 : i32
    %convert_element_type3A_135 = arith.extui %eq3A_134 : i1 to i32
    %cond3A_136 = arith.constant 0 : i32
    %cond3A_137 = arith.cmpi ne, %convert_element_type3A_135, %cond3A_136 : i32
    scf.if %cond3A_137 {
      %iota3A_138 = tpu.iota {dimensions = array<i32: 0>} : vector<8x128xi32>
      %eq3A_139 = arith.constant 0 : i32
      %eq3A_140 = vector.broadcast %eq3A_139 : i32 to vector<8x128xi32>
      %eq3A_141 = arith.cmpi eq, %iota3A_138, %eq3A_140 : vector<8x128xi32>
      %get3A_142 = arith.constant 0 : index
      %get3A_143 = memref.load %arg7[%get3A_142] : memref<4xf32, #tpu.memory_space<smem>>
      %eq3A_144 = arith.constant 1 : i32
      %eq3A_145 = vector.broadcast %eq3A_144 : i32 to vector<8x128xi32>
      %eq3A_146 = arith.cmpi eq, %iota3A_138, %eq3A_145 : vector<8x128xi32>
      %get3A_147 = arith.constant 1 : index
      %get3A_148 = memref.load %arg7[%get3A_147] : memref<4xf32, #tpu.memory_space<smem>>
      %eq3A_149 = arith.constant 2 : i32
      %eq3A_150 = vector.broadcast %eq3A_149 : i32 to vector<8x128xi32>
      %eq3A_151 = arith.cmpi eq, %iota3A_138, %eq3A_150 : vector<8x128xi32>
      %get3A_152 = arith.constant 2 : index
      %get3A_153 = memref.load %arg7[%get3A_152] : memref<4xf32, #tpu.memory_space<smem>>
      %get3A_154 = arith.constant 3 : index
      %get3A_155 = memref.load %arg7[%get3A_154] : memref<4xf32, #tpu.memory_space<smem>>
      %broadcast_in_dim3A_156 = vector.broadcast %get3A_153 : f32 to vector<8x128xf32>
      %broadcast_in_dim3A_157 = vector.broadcast %get3A_155 : f32 to vector<8x128xf32>
      %select_n3A_158 = arith.select %eq3A_151, %broadcast_in_dim3A_156, %broadcast_in_dim3A_157 : vector<8x128xi1>, vector<8x128xf32>
      %broadcast_in_dim3A_159 = vector.broadcast %get3A_148 : f32 to vector<8x128xf32>
      %select_n3A_160 = arith.select %eq3A_146, %broadcast_in_dim3A_159, %select_n3A_158 : vector<8x128xi1>, vector<8x128xf32>
      %broadcast_in_dim3A_161 = vector.broadcast %get3A_143 : f32 to vector<8x128xf32>
      %select_n3A_162 = arith.select %eq3A_141, %broadcast_in_dim3A_161, %select_n3A_160 : vector<8x128xi1>, vector<8x128xf32>
      %swap3A_163 = arith.constant 0 : index
      %swap3A_164 = arith.constant 0 : index
      %swap3A_165 = vector.load %arg6[%swap3A_163, %swap3A_164] : memref<8x128xf32, #tpu.memory_space<vmem>>, vector<8x128xf32>
      tpu.vector_store %arg6[%swap3A_163, %swap3A_164], %select_n3A_162 {strides = array<i32>} : memref<8x128xf32, #tpu.memory_space<vmem>>, vector<8x128xf32>,
    } else {
    }
    return
  }
  func.func @transform_0(%arg0: i32) -> (i32, i32, i32) {
    %c0_i32 = arith.constant 0 : i32
    %c0_i32_0 = arith.constant 0 : i32
    %c0_i32_1 = arith.constant 0 : i32
    return %c0_i32, %arg0, %c0_i32_0 : i32, i32, i32
  }
  func.func @transform_1(%arg0: i32) -> (i32, i32, i32) {
    %c0_i32 = arith.constant 0 : i32
    %c0_i32_0 = arith.constant 0 : i32
    %c0_i32_1 = arith.constant 0 : i32
    return %c0_i32, %arg0, %c0_i32_0 : i32, i32, i32
  }
  func.func @transform_2(%arg0: i32) -> (i32, i32) {
    %c0_i32 = arith.constant 0 : i32
    %c0_i32_0 = arith.constant 0 : i32
    %c0_i32_1 = arith.constant 0 : i32
    return %c0_i32, %c0_i32_0 : i32, i32
  }
  func.func @transform_3(%arg0: i32) -> (i32, i32) {
    %c0_i32 = arith.constant 0 : i32
    %c0_i32_0 = arith.constant 0 : i32
    %c0_i32_1 = arith.constant 0 : i32
    return %c0_i32, %c0_i32_0 : i32, i32
  }
  func.func @transform_4(%arg0: i32) -> (i32, i32) {
    %c0_i32 = arith.constant 0 : i32
    %c0_i32_0 = arith.constant 0 : i32
    %c0_i32_1 = arith.constant 0 : i32
    return %c0_i32, %c0_i32_0 : i32, i32
  }
  func.func @transform_5(%arg0: i32) -> (i32, i32) {
    %c0_i32 = arith.constant 0 : i32
    %c0_i32_0 = arith.constant 0 : i32
    %c0_i32_1 = arith.constant 0 : i32
    return %c0_i32, %c0_i32_0 : i32, i32
  }
}

module attributes {stable_mosaic.version = 14 : i64} {
  func.func @_combine_body(%arg0: i32, %arg1: memref<2x1024x128xf32, #tpu.memory_space<vmem>>, %arg2: memref<2x1024x128xf32, #tpu.memory_space<vmem>>, %arg3: memref<8x128xf32, #tpu.memory_space<vmem>>, %arg4: memref<1024x128xf32, #tpu.memory_space<vmem>>) attributes {dimension_semantics = [#tpu.dimension_semantics<arbitrary>], iteration_bounds = array<i64: 10>, scalar_prefetch = 0 : i64, scratch_operands = 0 : i64, tpu.core_type = #tpu.core_type<tc>, window_params = [{transform_indices = @transform_0, window_bounds = array<i64: 2, 1024, 128>}, {transform_indices = @transform_1, window_bounds = array<i64: 2, 1024, 128>}, {pipeline_mode = #tpu.pipeline_mode<synchronous>, transform_indices = @transform_2, window_bounds = array<i64: 8, 128>}, {transform_indices = @transform_3, window_bounds = array<i64: 1024, 128>}]} {
    %get3A = arith.constant 0 : index
    %get3A_0 = arith.constant 0 : index
    %get3A_1 = vector.load %arg3[%get3A, %get3A_0] : memref<8x128xf32, #tpu.memory_space<vmem>>, vector<8x128xf32>
    %mul3A = arith.constant 9.99999974E-5 : f32
    %mul3A_2 = vector.broadcast %mul3A : f32 to vector<8x128xf32>
    %mul3A_3 = arith.mulf %get3A_1, %mul3A_2 : vector<8x128xf32>
    %slice3A = vector.extract_strided_slice %mul3A_3 {offsets = [0, 0], sizes = [1, 128], strides = [1, 1]} : vector<8x128xf32> to vector<1x128xf32>
    %slice3A_4 = vector.extract_strided_slice %mul3A_3 {offsets = [1, 0], sizes = [1, 128], strides = [1, 1]} : vector<8x128xf32> to vector<1x128xf32>
    %max3A = arith.maximumf %slice3A, %slice3A_4 : vector<1x128xf32>
    %sub3A = arith.subf %slice3A, %max3A : vector<1x128xf32>
    %exp3A = math.exp %sub3A : vector<1x128xf32>
    %sub3A_5 = arith.subf %slice3A_4, %max3A : vector<1x128xf32>
    %exp3A_6 = math.exp %sub3A_5 : vector<1x128xf32>
    %add3A = arith.addf %exp3A, %exp3A_6 : vector<1x128xf32>
    %div3A = arith.divf %exp3A, %add3A : vector<1x128xf32>
    %div3A_7 = arith.divf %exp3A_6, %add3A : vector<1x128xf32>
    %slice3A_8 = vector.extract_strided_slice %mul3A_3 {offsets = [2, 0], sizes = [1, 128], strides = [1, 1]} : vector<8x128xf32> to vector<1x128xf32>
    %slice3A_9 = vector.extract_strided_slice %mul3A_3 {offsets = [3, 0], sizes = [1, 128], strides = [1, 1]} : vector<8x128xf32> to vector<1x128xf32>
    %max3A_10 = arith.maximumf %slice3A_8, %slice3A_9 : vector<1x128xf32>
    %sub3A_11 = arith.subf %slice3A_8, %max3A_10 : vector<1x128xf32>
    %exp3A_12 = math.exp %sub3A_11 : vector<1x128xf32>
    %sub3A_13 = arith.subf %slice3A_9, %max3A_10 : vector<1x128xf32>
    %exp3A_14 = math.exp %sub3A_13 : vector<1x128xf32>
    %add3A_15 = arith.addf %exp3A_12, %exp3A_14 : vector<1x128xf32>
    %div3A_16 = arith.divf %exp3A_12, %add3A_15 : vector<1x128xf32>
    %div3A_17 = arith.divf %exp3A_14, %add3A_15 : vector<1x128xf32>
    %slice3A_18 = vector.extract_strided_slice %div3A {offsets = [0, 0], sizes = [1, 1], strides = [1, 1]} : vector<1x128xf32> to vector<1x1xf32>
    %get3A_19 = arith.constant 0 : index
    %get3A_20 = arith.constant 0 : index
    %get3A_21 = arith.constant 0 : index
    %get3A_22 = vector.load %arg1[%get3A_19, %get3A_20, %get3A_21] : memref<2x1024x128xf32, #tpu.memory_space<vmem>>, vector<1x1024x128xf32>
    %get3A_23 = vector.shape_cast %get3A_22 : vector<1x1024x128xf32> to vector<1024x128xf32>
    %mul3A_24 = vector.broadcast %slice3A_18 : vector<1x1xf32> to vector<1024x128xf32>
    %mul3A_25 = arith.mulf %mul3A_24, %get3A_23 : vector<1024x128xf32>
    %slice3A_26 = vector.extract_strided_slice %div3A_7 {offsets = [0, 0], sizes = [1, 1], strides = [1, 1]} : vector<1x128xf32> to vector<1x1xf32>
    %get3A_27 = arith.constant 1 : index
    %get3A_28 = arith.constant 0 : index
    %get3A_29 = arith.constant 0 : index
    %get3A_30 = vector.load %arg1[%get3A_27, %get3A_28, %get3A_29] : memref<2x1024x128xf32, #tpu.memory_space<vmem>>, vector<1x1024x128xf32>
    %get3A_31 = vector.shape_cast %get3A_30 : vector<1x1024x128xf32> to vector<1024x128xf32>
    %mul3A_32 = vector.broadcast %slice3A_26 : vector<1x1xf32> to vector<1024x128xf32>
    %mul3A_33 = arith.mulf %mul3A_32, %get3A_31 : vector<1024x128xf32>
    %add3A_34 = arith.addf %mul3A_25, %mul3A_33 : vector<1024x128xf32>
    %slice3A_35 = vector.extract_strided_slice %div3A_16 {offsets = [0, 0], sizes = [1, 1], strides = [1, 1]} : vector<1x128xf32> to vector<1x1xf32>
    %get3A_36 = arith.constant 0 : index
    %get3A_37 = arith.constant 0 : index
    %get3A_38 = arith.constant 0 : index
    %get3A_39 = vector.load %arg2[%get3A_36, %get3A_37, %get3A_38] : memref<2x1024x128xf32, #tpu.memory_space<vmem>>, vector<1x1024x128xf32>
    %get3A_40 = vector.shape_cast %get3A_39 : vector<1x1024x128xf32> to vector<1024x128xf32>
    %mul3A_41 = vector.broadcast %slice3A_35 : vector<1x1xf32> to vector<1024x128xf32>
    %mul3A_42 = arith.mulf %mul3A_41, %get3A_40 : vector<1024x128xf32>
    %slice3A_43 = vector.extract_strided_slice %div3A_17 {offsets = [0, 0], sizes = [1, 1], strides = [1, 1]} : vector<1x128xf32> to vector<1x1xf32>
    %get3A_44 = arith.constant 1 : index
    %get3A_45 = arith.constant 0 : index
    %get3A_46 = arith.constant 0 : index
    %get3A_47 = vector.load %arg2[%get3A_44, %get3A_45, %get3A_46] : memref<2x1024x128xf32, #tpu.memory_space<vmem>>, vector<1x1024x128xf32>
    %get3A_48 = vector.shape_cast %get3A_47 : vector<1x1024x128xf32> to vector<1024x128xf32>
    %mul3A_49 = vector.broadcast %slice3A_43 : vector<1x1xf32> to vector<1024x128xf32>
    %mul3A_50 = arith.mulf %mul3A_49, %get3A_48 : vector<1024x128xf32>
    %add3A_51 = arith.addf %mul3A_42, %mul3A_50 : vector<1024x128xf32>
    %mul3A_52 = arith.constant 5.000000e-01 : f32
    %mul3A_53 = vector.broadcast %mul3A_52 : f32 to vector<1024x128xf32>
    %mul3A_54 = arith.mulf %mul3A_53, %add3A_34 : vector<1024x128xf32>
    %mul3A_55 = arith.constant 5.000000e-01 : f32
    %mul3A_56 = vector.broadcast %mul3A_55 : f32 to vector<1024x128xf32>
    %mul3A_57 = arith.mulf %mul3A_56, %add3A_51 : vector<1024x128xf32>
    %add3A_58 = arith.addf %mul3A_54, %mul3A_57 : vector<1024x128xf32>
    %swap3A = arith.constant 0 : index
    %swap3A_59 = arith.constant 0 : index
    %swap3A_60 = vector.load %arg4[%swap3A, %swap3A_59] : memref<1024x128xf32, #tpu.memory_space<vmem>>, vector<1024x128xf32>
    tpu.vector_store %arg4[%swap3A, %swap3A_59], %add3A_58 {strides = array<i32>} : memref<1024x128xf32, #tpu.memory_space<vmem>>, vector<1024x128xf32>,
    return
  }
  func.func @transform_0(%arg0: i32) -> (i32, i32, i32) {
    %c0_i32 = arith.constant 0 : i32
    %c0_i32_0 = arith.constant 0 : i32
    %c0_i32_1 = arith.constant 0 : i32
    return %c0_i32, %arg0, %c0_i32_0 : i32, i32, i32
  }
  func.func @transform_1(%arg0: i32) -> (i32, i32, i32) {
    %c0_i32 = arith.constant 0 : i32
    %c0_i32_0 = arith.constant 0 : i32
    %c0_i32_1 = arith.constant 0 : i32
    return %c0_i32, %arg0, %c0_i32_0 : i32, i32, i32
  }
  func.func @transform_2(%arg0: i32) -> (i32, i32) {
    %c0_i32 = arith.constant 0 : i32
    %c0_i32_0 = arith.constant 0 : i32
    %c0_i32_1 = arith.constant 0 : i32
    return %c0_i32, %c0_i32_0 : i32, i32
  }
  func.func @transform_3(%arg0: i32) -> (i32, i32) {
    %c0_i32 = arith.constant 0 : i32
    %c0_i32_0 = arith.constant 0 : i32
    return %arg0, %c0_i32 : i32, i32
  }
}

</mosaic_0001>

<sc_bundles>
// kernel: sc_appnp.10.cloned.1.call-start
scs
__scs_entry_jumppad:
0x0: {  	(pc) =	sbr.rel $0x88, $3  }
0x1: {  	(tag) =	ssettag $0x0;
	lr =	simm.s32 $0x1  }
0x2: {  	[smem:$0x3F93] =	sst lr;
	_ =	strace $0xD0000000  }
0x3: {  	_ = 	snop  }
0x4: {  	_ = 	snop  }
0x5: {  	_ = 	snop  }
0x6: {  	_ = 	snop  }
0x7: {  	_ = 	snop  }
__scs_overlays_trampoline_lowered:
0x8: {  	[smem:$0x3FA2] =	sst s0  }
0x9: {  	[smem:$0x3FA3] =	sst s1  }
0xa: {  	[smem:$0x3FA4] =	sst s2  }
0xb: {  	[smem:$0x3FA5] =	sst s3  }
0xc: {  	[smem:$0x3FA6] =	sst s4  }
0xd: {  	[smem:$0x3FA7] =	sst s5  }
0xe: {  	[smem:$0x3FA8] =	sst s6  }
0xf: {  	[smem:$0x3FA9] =	sst s7  }
0x10: {  	[smem:$0x3FAA] =	sst s8  }
0x11: {  	[smem:$0x3FAB] =	sst s9;
	s0 =	simm.s32 @!p0 $0x0  }
0x12: {  	s1 =	sld [smem:$0x3F91];
	s0 =	simm.s32 @p0 $0x1  }
0x13: {  	[smem:$0x3FAC] =	sst s0;
	s0 =	simm.s32 @!p1 $0x0  }
0x14: {  	s2 =	sld [smem:$0x3F90];
	s0 =	simm.s32 @p1 $0x1  }
0x15: {  	[smem:$0x3FAD] =	sst s0;
	s0 =	simm.s32 @!p2 $0x0  }
0x16: {  	s3 =	sld [smem:$0x3FDB];
	s0 =	simm.s32 @p2 $0x1  }
0x17: {  	s4 =	simm.s32 $0x1BF5;
	[smem:$0x3FAF] =	sst s0  }
0x18: {  	s0 =	sld [smem:$0x3F92];
	_ =	swait.ge [sflag:s4], $0x0  }
0x19: {  	s7 =	sld [smem:$0x3F93]  }
0x1a: {  	s8 =	sadd.s32 $0xFFFFE003, lr  }
0x1b: {  	s9 =	sadd.s32 $0xFFFFFEF7, lr;
	s5 =	simm.s32 $0xFFFFFFFF;
	p2 =	slt.u32 s8, $0xFFFFF086  }
0x1c: {  	p1 =	slt.u32 s9, $0xF7A;
	s5 =	simm.s32 @!p2 $0x0  }
0x1d: {  	s5 =	simm.s32 @p1 $0x1;
	p0 =	seq.s32 s7, s2  }
0x1e: {  	s7 =	smul.u32 @!p0 $0xF7A, s2;
	p2 =	seq.s32 @!p0 s5, $0x0  }
0x1f: {  	s9 =	smul.u32 $0xF7A, s1;
	s8 =	simm.s32 @!p0 $0x1BF5;
	p2 =	por !p2, p0  }
0x20: {  	[sflag:s8] =	ssyncset.s32 @!p0 $0xFFFFF086;
	s6 =	sadd.s32 @!p0 s3, s7;
	s7 =	simm.s32 @!p0 $0x108  }
0x21: {  	s3 =	sadd.s32 s3, s9;
	s6 =	sadd.s32 @!p0 $0x88, s6;
	s7 =	simm.s32 @p2 $0x1082  }
0x22: {  	[simem:s7], [sflag:s8] =	dma.local @!p0 [hbm:s6], $0xF7A  }
0x23: {  	s9 =	sor.u32 $0xD0000000, s2;
	s6 =	simm.s32 $0x108;
	_ =	swait.ge @!p0 [sflag:s8], $0x0  }
0x24: {  	s3 =	sadd.s32 $0x88, s3;
	s6 =	simm.s32 @!p1 $0x1082;
	[sflag:s4] =	ssyncset.s32 $0xFFFFF086  }
0x25: {  	[simem:s6], [sflag:s4] =	dma.local [hbm:s3], $0xF7A  }
0x26: {  	[smem:$0x3F93] =	sst s1;
	(tag) =	ssettag s2;
	_ =	strace s9  }
0x27: {  	s1 =	sld [smem:$0x3FA3]  }
0x28: {  	s2 =	sld [smem:$0x3FA4]  }
0x29: {  	s4 =	sld [smem:$0x3FA6]  }
0x2a: {  	p0 =	seq.s32 s5, $0x0;
	s5 =	sld [smem:$0x3FA7]  }
0x2b: {  	s6 =	sld [smem:$0x3FA8]  }
0x2c: {  	s7 =	sld [smem:$0x3FA9]  }
0x2d: {  	s3 =	simm.s32 $0x108;
	s8 =	sld [smem:$0x3FAA]  }
0x2e: {  	s3 =	simm.s32 @!p0 $0x1082;
	s9 =	sld [smem:$0x3FAB]  }
0x2f: {  	lr =	sadd.s32 s0, s3;
	s0 =	sld [smem:$0x3FA2]  }
0x30: {  	s3 =	sld [smem:$0x3FA5]  }
0x31: {  	[smem:$0x3FAE] =	sst s10  }
0x32: {  	s10 =	sld [smem:$0x3FAC];
	_ =	sdelay $0x3  }
0x33: {  	p0 =	seq.s32 s10, $0x1;
	s10 =	sld [smem:$0x3FAE];
	_ =	sdelay $0x3  }
0x34: {  	[smem:$0x3FAE] =	sst s10  }
0x35: {  	s10 =	sld [smem:$0x3FAD];
	_ =	sdelay $0x3  }
0x36: {  	p1 =	seq.s32 s10, $0x1;
	s10 =	sld [smem:$0x3FAE];
	_ =	sdelay $0x3  }
0x37: {  	[smem:$0x3FAE] =	sst s10  }
0x38: {  	s10 =	sld [smem:$0x3FAF]  }
0x39: {  	_ = 	snop;
	(pc) =	sbr.ind lr, $3  }
0x3a: {  	_ = 	snop  }
0x3b: {  	_ = 	snop  }
0x3c: {  	p2 =	seq.s32 s10, $0x1;
	s10 =	sld [smem:$0x3FAE]  }
0x3d: {  	_ =	shalt  }
0x3e: {  	_ =	shalt  }
0x3f: {  	_ =	shalt  }
0x40: {  	_ =	shalt  }
0x41: {  	_ =	shalt  }
0x42: {  	_ =	shalt  }
0x43: {  	_ =	shalt  }
0x44: {  	_ =	shalt  }
0x45: {  	_ =	shalt  }
0x46: {  	_ =	shalt  }
0x47: {  	_ =	shalt  }
0x48: {  	_ =	shalt  }
0x49: {  	_ =	shalt  }
0x4a: {  	_ =	shalt  }
0x4b: {  	_ =	shalt  }
0x4c: {  	_ =	shalt  }
0x4d: {  	_ =	shalt  }
0x4e: {  	_ =	shalt  }
0x4f: {  	_ =	shalt  }
0x50: {  	_ =	shalt  }
0x51: {  	_ =	shalt  }
0x52: {  	_ =	shalt  }
0x53: {  	_ =	shalt  }
0x54: {  	_ =	shalt  }
0x55: {  	_ =	shalt  }
0x56: {  	_ =	shalt  }
0x57: {  	_ =	shalt  }
0x58: {  	_ =	shalt  }
0x59: {  	_ =	shalt  }
0x5a: {  	_ =	shalt  }
0x5b: {  	_ =	shalt  }
0x5c: {  	_ =	shalt  }
0x5d: {  	_ =	shalt  }
0x5e: {  	_ =	shalt  }
0x5f: {  	_ =	shalt  }
0x60: {  	_ =	shalt  }
0x61: {  	_ =	shalt  }
0x62: {  	_ =	shalt  }
0x63: {  	_ =	shalt  }
0x64: {  	_ =	shalt  }
0x65: {  	_ =	shalt  }
0x66: {  	_ =	shalt  }
0x67: {  	_ =	shalt  }
0x68: {  	_ =	shalt  }
0x69: {  	_ =	shalt  }
0x6a: {  	_ =	shalt  }
0x6b: {  	_ =	shalt  }
0x6c: {  	_ =	shalt  }
0x6d: {  	_ =	shalt  }
0x6e: {  	_ =	shalt  }
0x6f: {  	_ =	shalt  }
0x70: {  	_ =	shalt  }
0x71: {  	_ =	shalt  }
0x72: {  	_ =	shalt  }
0x73: {  	_ =	shalt  }
0x74: {  	_ =	shalt  }
0x75: {  	_ =	shalt  }
0x76: {  	_ =	shalt  }
0x77: {  	_ =	shalt  }
0x78: {  	_ =	shalt  }
0x79: {  	_ =	shalt  }
0x7a: {  	_ =	shalt  }
0x7b: {  	_ =	shalt  }
0x7c: {  	_ =	shalt  }
0x7d: {  	_ =	shalt  }
0x7e: {  	_ =	shalt  }
0x7f: {  	_ =	shalt  }
0x80: {  	_ =	shalt  }
0x81: {  	_ =	shalt  }
0x82: {  	_ =	shalt  }
0x83: {  	_ =	shalt  }
0x84: {  	_ =	shalt  }
0x85: {  	_ =	shalt  }
0x86: {  	_ =	shalt  }
0x87: {  	_ =	shalt  }
.Lfunc_end0:
.L_simem_size_0:
called_computation.2_lowered:
.L_overlay_start_0:
0x88: {  	s2 =	sld [smem:$0x3FD9]  }
0x89: {  	s3 =	sld [smem:$0x3FFE];
	_ =	sdelay $0x1  }
0x8a: {  	s1 =	srdreg.scid  }
0x8b: {  	s0 =	sand.u32 $0x1, s1  }
0x8c: {  	s16 =	sshll.u32 s0, $0xA;
	s2 =	sadd.s32 s3, s2  }
0x8d: {  	s2 =	sadd.s32 s2, s16  }
0x8e: {  	[smem:$0x3FBA] =	sst s2  }
0x8f: {  	_ = 	snop  }
0x90: {  	(tm) =	ssettm $0x1  }
0x91: {  	s17 =	sld [smem:$0x3FFB];
	_ =	sdelay $0x3  }
0x92: {  	_ =	strace s17  }
0x93: {  	s2 =	sld [smem:$0x3FFC];
	_ =	sdelay $0x3  }
0x94: {  	_ =	strace s2  }
0x95: {  	s2 =	sld [smem:$0x3FFD];
	_ =	sdelay $0x3  }
0x96: {  	_ =	strace s2  }
0x97: {  	_ =	strace $0x8FFFFFFF  }
0x98: {  	s18 =	sld [smem:$0x3FDB];
	_ =	sdelay $0x1  }
0x99: {  	s19 =	simm.s32 $_scs_section_size  }
0x9a: {  	s4 =	simm.s32 $_size__tile_overlayer_lowered;
	s5 =	simm.s32 $_tile_overlayer_lowered  }
0x9b: {  	s22 =	simm.s32 $0x1BFF;
	s21 =	sshll.u32 s5, $0x1;
	s2 =	sadd.s32 s19, s18  }
0x9c: {  	s6 =	simm.s32 $0x0;
	s20 =	sshll.u32 s4, $0x1;
	s4 =	sadd.s32 s21, s2  }
0x9d: {  	[timem:s6], [sflag:s22] =	dma.local [hbm:s4], s20  }
0x9e: {  	_ =	swait.ge [sflag:s22], s20  }
0x9f: {  	s3 =	ssub.s32 $0x0, s20;
	[sflag:s22] =	ssyncset.done $0x0  }
0xa0: {  	[sflag:s22] =	ssyncadd.s32 s3;
	_ =	sdelay $0x1  }
0xa1: {  	s23 =	simm.s32 $0x1B8B  }
0xa2: {  	_ =	swait.ge [sflag:s23], $0x1  }
0xa3: {  	[sflag:s23] =	ssyncset.done $0x0  }
0xa4: {  	s25 =	simm.s32 $0x1B8E;
	s24 =	sld [smem:$0x3FFE];
	[sflag:s23] =	ssyncadd.s32 $0xFFFFFFFF  }
0xa5: {  	s26 =	simm.s32 $execute0_lowered;
	[smem:$0x3FD2] =	sst s25  }
0xa6: {  	s4 =	sshll.u32 s26, $0x1;
	_ =	strace $0x8000004C;
	[dreg:$0x1] =	wrdreg $0xFFFFFFFF  }
0xa7: {  	s28 =	simm.s32 $_size_execute0_lowered;
	s2 =	sadd.s32 s2, s4;
	[dreg:$0x0] =	wrdreg $0x0  }
0xa8: {  	s4 =	sshll.u32 s28, $0x1;
	[dreg:$0x2] =	wrdreg s2  }
0xa9: {  	[dreg:$0x3] =	wrdreg s4  }
0xaa: {  	[dreg:$0x4] =	wrdreg $0xC0  }
0xab: {  	_ =	task [dreg:s6], $0x5FFFF  }
0xac: {  	[dreg:$0x1] =	wrdreg $0xFFFFFFFF  }
0xad: {  	[dreg:$0x0] =	wrdreg $0x60  }
0xae: {  	[dreg:$0x2] =	wrdreg s24  }
0xaf: {  	[dreg:$0x3] =	wrdreg $0x0  }
0xb0: {  	[dreg:$0x4] =	wrdreg $0x9  }
0xb1: {  	_ =	task.clear_ibuf [dreg:s6], $0x5FFFF;
	_ =	strace $0x9000004C  }
0xb2: {  	s29 =	simm.s32 $0x9;
	_ =	strace $0x8000004E  }
0xb3: {  	_ =	swait.ge [sflag:s29], $0x1  }
0xb4: {  	[sflag:s29] =	ssyncadd.s32 $0xFFFFFFFF  }
0xb5: {  	_ =	strace $0x9000004E  }
0xb6: {  	_ =	sfence  }
0xb7: {  	s30 =	sld [smem:$0x0];
	_ =	sdelay $0x2  }
0xb8: {  	s31 =	sshll.u32 s1, $0xD;
	s1 =	sshrl.u32 s1, $0x2  }
0xb9: {  	s3 =	sand.u32 $0x4000, s31;
	s1 =	sadd.s32 s1, s30  }
0xba: {  	s0 =	sor.u32 s3, s0;
	s1 =	sshll.u32 s1, $0x11  }
0xbb: {  	s0 =	sor.u32 s1, s0  }
0xbc: {  	s0 =	sadd.s32 $0x8F2B, s0  }
0xbd: {  	[sflag:s0] =	ssyncadd.remote.s32 $0x1  }
0xbe: {  	_ =	sfence.sel $0xFFFF  }
0xbf: {  	[dreg:$0x0] =	wrdreg $0xFFFFFFFF;
	(pc) =	sbr.abs _section_cstart, $3  }
0xc0: {  	[dreg:$0x1] =	wrdreg $0xFFFFFFFF  }
0xc1: {  	_ =	task.clear_ibuf [dreg:s6], $0x2FFFF;
	_ =	strace $0x9FFFFFFF  }
0xc2: {  	(tm) =	ssettm $0x7FFFFFFF  }
0xc3: {  	_ =	shalt  }
tec
execute0_lowered:
.L_overlay_start_1:
0x0: {  	(tag) =	ssettag $0x1  }
0x1: {  	s0 =	rddreg [dreg:$0x0]  }
0x2: {  	s2 =	rddreg [dreg:$0x1];
	s3 =	simm.s32 $0x0;
	s11 =	stileid.u32  }
0x3: {  	s1 =	srdreg.scid;
	s13 =	simm.s32 $0x5;
	s14 =	simm.s32 $0x14000  }
0x4: {  	s15 =	simm.s32 $0x15000;
	s16 =	simm.s32 $0x40;
	s17 =	simm.s32 $0x16000  }
0x5: {  	s18 =	simm.s32 $0x14080;
	s19 =	simm.s32 $0x18000;
	s28 =	simm.s32 $0x4  }
0x6: {  	s29 =	simm.s32 $0x15E00;
	s30 =	simm.s32 $0x15E80;
	s31 =	simm.s32 $0x15F00  }
0x7: {  	[smem:$0x7FF] =	sst s3;
	s7 =	smul.u32 $0x14000, s11;
	s1 =	sand.u32 $0x1, s1  }
0x8: {  	s4 =	sadd.s32 $0x11D400, s0;
	s5 =	sadd.s32 $0x54E00, s0;
	s10 =	smul.u32 $0x50000, s11  }
0x9: {  	s6 =	sadd.s32 $0x4E00, s0;
	s23 =	smul.u32 $0xA000, s11;
	s25 =	sshll.u32 s11, $0x6  }
0xa: {  	_ =	strace $0x8000004D;
	s8 =	smul.u32 $0x140000, s1;
	s20 =	ssub.s32 $0x2, s1  }
0xb: {  	s1 =	smul.u32 $0xA0000, s1;
	s9 =	sshrl.u32 s7, $0x3;
	s21 =	sshrl.u32 s20, $0x1  }
0xc: {  	s22 =	sshrl.u32 s10, $0x2;
	s9 =	sadd.s32 s9, s0;
	s7 =	sadd.s32 s7, s8  }
0xd: {  	s12 =	sadd.s32 s22, s2;
	s8 =	sor.u32 $0x1C05, s25;
	s22 =	simm.s32 $0x14180  }
0xe: {  	s25 =	simm.s32 $0x2;
	s7 =	sshrl.u32 s7, $0x3;
	s24 =	sadd.s32 $0xA5400, s9  }
0xf: {  	s9 =	sadd.s32 s23, s1;
	s12 =	sshrl.u32 s12, $0x3;
	s23 =	simm.s32 $0x1C000  }
0x10: {  	s0 =	sadd.s32 s7, s0;
	s7 =	ssub.s32 s20, s21;
	[dreg:$0x3] =	wrdreg s24  }
0x11: {  	s20 =	simm.s32 $0x14100;
	s21 =	simm.s32 $0x1A000;
	s0 =	sadd.s32 $0x16D400, s0  }
0x12: {  	s24 =	simm.s32 $0x1;
	s26 =	smax.u32 s7, $0x1;
	[dreg:$0x4] =	wrdreg s0  }
0x13: {  	[dreg:$0x5] =	wrdreg s26;
	s26 =	simm.s32 $0x3;
	s0 =	simm.s32 $0x15F80  }
.LBB2_1:
0x14: {  	s1 =	rddreg [dreg:$0x3]  }
0x15: {  	[spmem:s12], [sflag:s8] =	dma.local [hbm:s1], $0x2800  }
0x16: {  	_ =	swait.ge [sflag:s13], $0x2800  }
0x17: {  	[sflag:s13] =	ssyncset.done $0x0  }
0x18: {  	[sflag:s13] =	ssyncadd.s32 $0xFFFFD800  }
0x19: {  	s1 =	simm.s32 $0x0;
	[bflag:$0x0] =	sbarrier.arrive $0xFFFF  }
.LBB2_2:
0x1a: {  	s7 =	sshll.u32 s1, $0xC  }
0x1b: {  	s7 =	sadd.s32 s7, s9  }
0x1c: {  	s7 =	sshrl.u32 s7, $0x3  }
0x1d: {  	s11 =	simm.s32 $0x0;
	s10 =	sadd.s32 s5, s7  }
0x1e: {  	[tilespmem:s14], [sflag:$0x5] =	stream.linear.gather [hbm4b:s10+s11], $0x1000, $0x38;
	[tilespmem:$0x1E000] =	vst v63  }
0x1f: {  	_ =	swait.ge [sflag:s13], $0x1000  }
0x20: {  	[sflag:s13] =	ssyncset.done $0x0  }
0x21: {  	s7 =	sadd.s32 s6, s7;
	[sflag:s13] =	ssyncadd.s32 $0xFFFFF000  }
0x22: {  	[tilespmem:s15], [sflag:$0x5] =	stream.linear.gather [hbm4b:s7+s11], $0x1000, $0x38;
	[tilespmem:$0x1E000] =	vst v63  }
0x23: {  	_ =	swait.ge [sflag:s13], $0x1000  }
0x24: {  	[sflag:s13] =	ssyncset.done $0x0  }
0x25: {  	[sflag:s13] =	ssyncadd.s32 $0xFFFFF000  }
0x26: {  	[tilespmem:s17], [sflag:$0x1] =	stream.indirect.gather [hbm4b:s4+s16], $0x80, s14, s16, $0xb8;
	[tilespmem:$0x1E000] =	vst v63  }
0x27: {  	_ = 	snop  }
0x28: {  	[tilespmem:s19], [sflag:$0x2] =	stream.indirect.gather [hbm4b:s4+s16], $0x80, s18, s16, $0xb8;
	[tilespmem:$0x1E000] =	vst v63  }
0x29: {  	_ = 	snop  }
0x2a: {  	[tilespmem:s21], [sflag:$0x3] =	stream.indirect.gather [hbm4b:s4+s16], $0x80, s20, s16, $0xb8;
	[tilespmem:$0x1E000] =	vst v63  }
0x2b: {  	_ = 	snop  }
0x2c: {  	[tilespmem:s23], [sflag:$0x4] =	stream.indirect.gather [hbm4b:s4+s16], $0x80, s22, s16, $0xb8;
	[tilespmem:$0x1E000] =	vst v63  }
0x2d: {  	_ =	swait.ge [sflag:s24], $0x2000  }
0x2e: {  	[sflag:s24] =	ssyncset.done $0x0  }
0x2f: {  	s11 =	simm.s32 $0x15000;
	[sflag:s24] =	ssyncadd.s32 $0xFFFFE000  }
0x30: {  	[spmem:s2] =	stream.indirect.scatter.add.f32 [tilespmem:s17], [sflag:$0x5], $0x80, s11, s16, $0xb8;
	[tilespmem:$0x1E000] =	vst v63  }
0x31: {  	_ =	swait.ge [sflag:s13], $0x2000  }
0x32: {  	[sflag:s13] =	ssyncset.done $0x0  }
0x33: {  	s10 =	simm.s32 $0x14200;
	[sflag:s13] =	ssyncadd.s32 $0xFFFFE000  }
0x34: {  	[tilespmem:s17], [sflag:$0x1] =	stream.indirect.gather [hbm4b:s4+s16], $0x80, s10, s16, $0xb8;
	[tilespmem:$0x1E000] =	vst v63  }
0x35: {  	_ =	swait.ge [sflag:s25], $0x2000  }
0x36: {  	[sflag:s25] =	ssyncset.done $0x0  }
0x37: {  	s11 =	simm.s32 $0x15080;
	[sflag:s25] =	ssyncadd.s32 $0xFFFFE000  }
0x38: {  	[spmem:s2] =	stream.indirect.scatter.add.f32 [tilespmem:s19], [sflag:$0x5], $0x80, s11, s16, $0xb8;
	[tilespmem:$0x1E000] =	vst v63  }
0x39: {  	_ =	swait.ge [sflag:s13], $0x2000  }
0x3a: {  	[sflag:s13] =	ssyncset.done $0x0  }
0x3b: {  	s10 =	simm.s32 $0x14280;
	[sflag:s13] =	ssyncadd.s32 $0xFFFFE000  }
0x3c: {  	[tilespmem:s19], [sflag:$0x2] =	stream.indirect.gather [hbm4b:s4+s16], $0x80, s10, s16, $0xb8;
	[tilespmem:$0x1E000] =	vst v63  }
0x3d: {  	_ =	swait.ge [sflag:s26], $0x2000  }
0x3e: {  	[sflag:s26] =	ssyncset.done $0x0  }
0x3f: {  	s11 =	simm.s32 $0x15100;
	[sflag:s26] =	ssyncadd.s32 $0xFFFFE000  }
0x40: {  	[spmem:s2] =	stream.indirect.scatter.add.f32 [tilespmem:s21], [sflag:$0x5], $0x80, s11, s16, $0xb8;
	[tilespmem:$0x1E000] =	vst v63  }
0x41: {  	_ =	swait.ge [sflag:s13], $0x2000  }
0x42: {  	[sflag:s13] =	ssyncset.done $0x0  }
0x43: {  	s10 =	simm.s32 $0x14300;
	[sflag:s13] =	ssyncadd.s32 $0xFFFFE000  }
0x44: {  	[tilespmem:s21], [sflag:$0x3] =	stream.indirect.gather [hbm4b:s4+s16], $0x80, s10, s16, $0xb8;
	[tilespmem:$0x1E000] =	vst v63  }
0x45: {  	_ =	swait.ge [sflag:s28], $0x2000  }
0x46: {  	[sflag:s28] =	ssyncset.done $0x0  }
0x47: {  	s11 =	simm.s32 $0x15180;
	[sflag:s28] =	ssyncadd.s32 $0xFFFFE000  }
0x48: {  	[spmem:s2] =	stream.indirect.scatter.add.f32 [tilespmem:s23], [sflag:$0x5], $0x80, s11, s16, $0xb8;
	[tilespmem:$0x1E000] =	vst v63  }
0x49: {  	_ =	swait.ge [sflag:s13], $0x2000  }
0x4a: {  	[sflag:s13] =	ssyncset.done $0x0  }
0x4b: {  	s7 =	simm.s32 $0x800;
	s10 =	simm.s32 $0x14380;
	[sflag:s13] =	ssyncadd.s32 $0xFFFFE000  }
.LBB2_3:
0x4c: {  	[tilespmem:s23], [sflag:$0x4] =	stream.indirect.gather [hbm4b:s4+s16], $0x80, s10, s16, $0xb8;
	[tilespmem:$0x1E000] =	vst v63  }
0x4d: {  	s10 =	smov.u32 s7  }
0x4e: {  	p0 =	sne.s32 s7, $0x3000;
	s7 =	sadd.s32 $0x800, s7;
	_ =	swait.ge [sflag:s24], $0x2000  }
0x4f: {  	s10 =	sshra.s32 s10, $0x2;
	[sflag:s24] =	ssyncset.done $0x0  }
0x50: {  	s11 =	sadd.s32 $0x15000, s10;
	[sflag:s24] =	ssyncadd.s32 $0xFFFFE000  }
0x51: {  	[spmem:s2] =	stream.indirect.scatter.add.f32 [tilespmem:s17], [sflag:$0x5], $0x80, s11, s16, $0xb8;
	[tilespmem:$0x1E000] =	vst v63  }
0x52: {  	_ =	swait.ge [sflag:s13], $0x2000  }
0x53: {  	[sflag:s13] =	ssyncset.done $0x0  }
0x54: {  	s11 =	sadd.s32 $0x14200, s10;
	[sflag:s13] =	ssyncadd.s32 $0xFFFFE000  }
0x55: {  	[tilespmem:s17], [sflag:$0x1] =	stream.indirect.gather [hbm4b:s4+s16], $0x80, s11, s16, $0xb8;
	[tilespmem:$0x1E000] =	vst v63  }
0x56: {  	_ =	swait.ge [sflag:s25], $0x2000  }
0x57: {  	[sflag:s25] =	ssyncset.done $0x0  }
0x58: {  	s11 =	sadd.s32 $0x15080, s10;
	[sflag:s25] =	ssyncadd.s32 $0xFFFFE000  }
0x59: {  	[spmem:s2] =	stream.indirect.scatter.add.f32 [tilespmem:s19], [sflag:$0x5], $0x80, s11, s16, $0xb8;
	[tilespmem:$0x1E000] =	vst v63  }
0x5a: {  	_ =	swait.ge [sflag:s13], $0x2000  }
0x5b: {  	[sflag:s13] =	ssyncset.done $0x0  }
0x5c: {  	s11 =	sadd.s32 $0x14280, s10;
	[sflag:s13] =	ssyncadd.s32 $0xFFFFE000  }
0x5d: {  	[tilespmem:s19], [sflag:$0x2] =	stream.indirect.gather [hbm4b:s4+s16], $0x80, s11, s16, $0xb8;
	[tilespmem:$0x1E000] =	vst v63  }
0x5e: {  	_ =	swait.ge [sflag:s26], $0x2000  }
0x5f: {  	[sflag:s26] =	ssyncset.done $0x0  }
0x60: {  	s11 =	sadd.s32 $0x15100, s10;
	[sflag:s26] =	ssyncadd.s32 $0xFFFFE000  }
0x61: {  	[spmem:s2] =	stream.indirect.scatter.add.f32 [tilespmem:s21], [sflag:$0x5], $0x80, s11, s16, $0xb8;
	[tilespmem:$0x1E000] =	vst v63  }
0x62: {  	_ =	swait.ge [sflag:s13], $0x2000  }
0x63: {  	[sflag:s13] =	ssyncset.done $0x0  }
0x64: {  	s11 =	sadd.s32 $0x14300, s10;
	[sflag:s13] =	ssyncadd.s32 $0xFFFFE000  }
0x65: {  	[tilespmem:s21], [sflag:$0x3] =	stream.indirect.gather [hbm4b:s4+s16], $0x80, s11, s16, $0xb8;
	[tilespmem:$0x1E000] =	vst v63  }
0x66: {  	_ =	swait.ge [sflag:s28], $0x2000  }
0x67: {  	[sflag:s28] =	ssyncset.done $0x0  }
.Ltmp0:
0x68: {  	s11 =	sadd.s32 $0x15180, s10;
	[sflag:s28] =	ssyncadd.s32 $0xFFFFE000;
	(pc) =	sbr.rel @p0 .LBB2_3-.Ltmp0, $4  }
0x69: {  	[spmem:s2] =	stream.indirect.scatter.add.f32 [tilespmem:s23], [sflag:$0x5], $0x80, s11, s16, $0xb8;
	[tilespmem:$0x1E000] =	vst v63  }
0x6a: {  	_ =	swait.ge [sflag:s13], $0x2000  }
0x6b: {  	[sflag:s13] =	ssyncset.done $0x0  }
0x6c: {  	s10 =	sadd.s32 $0x14380, s10;
	[sflag:s13] =	ssyncadd.s32 $0xFFFFE000  }
0x6d: {  	[tilespmem:s23], [sflag:$0x4] =	stream.indirect.gather [hbm4b:s4+s16], $0x80, s10, s16, $0xb8;
	[tilespmem:$0x1E000] =	vst v63  }
0x6e: {  	_ =	swait.ge [sflag:s24], $0x2000  }
0x6f: {  	[sflag:s24] =	ssyncset.done $0x0  }
0x70: {  	[sflag:s24] =	ssyncadd.s32 $0xFFFFE000  }
0x71: {  	[spmem:s2] =	stream.indirect.scatter.add.f32 [tilespmem:s17], [sflag:$0x5], $0x80, s29, s16, $0xb8;
	[tilespmem:$0x1E000] =	vst v63  }
0x72: {  	_ =	swait.ge [sflag:s13], $0x2000  }
0x73: {  	[sflag:s13] =	ssyncset.done $0x0  }
0x74: {  	[sflag:s13] =	ssyncadd.s32 $0xFFFFE000  }
0x75: {  	_ =	swait.ge [sflag:s25], $0x2000  }
0x76: {  	[sflag:s25] =	ssyncset.done $0x0  }
0x77: {  	[sflag:s25] =	ssyncadd.s32 $0xFFFFE000  }
0x78: {  	[spmem:s2] =	stream.indirect.scatter.add.f32 [tilespmem:s19], [sflag:$0x5], $0x80, s30, s16, $0xb8;
	[tilespmem:$0x1E000] =	vst v63  }
0x79: {  	_ =	swait.ge [sflag:s13], $0x2000  }
0x7a: {  	[sflag:s13] =	ssyncset.done $0x0  }
0x7b: {  	[sflag:s13] =	ssyncadd.s32 $0xFFFFE000  }
0x7c: {  	_ =	swait.ge [sflag:s26], $0x2000  }
0x7d: {  	[sflag:s26] =	ssyncset.done $0x0  }
0x7e: {  	[sflag:s26] =	ssyncadd.s32 $0xFFFFE000  }
0x7f: {  	[spmem:s2] =	stream.indirect.scatter.add.f32 [tilespmem:s21], [sflag:$0x5], $0x80, s31, s16, $0xb8;
	[tilespmem:$0x1E000] =	vst v63  }
0x80: {  	_ =	swait.ge [sflag:s13], $0x2000  }
0x81: {  	[sflag:s13] =	ssyncset.done $0x0  }
0x82: {  	[sflag:s13] =	ssyncadd.s32 $0xFFFFE000  }
0x83: {  	s1 =	sadd.s32 $0x1, s1;
	_ =	swait.ge [sflag:s28], $0x2000  }
0x84: {  	p0 =	sne.s32 s1, $0xA;
	[sflag:s28] =	ssyncset.done $0x0  }
.Ltmp1:
0x85: {  	[sflag:s28] =	ssyncadd.s32 $0xFFFFE000;
	(pc) =	sbr.rel @p0 .LBB2_2-.Ltmp1, $4  }
0x86: {  	[spmem:s2] =	stream.indirect.scatter.add.f32 [tilespmem:s23], [sflag:$0x5], $0x80, s0, s16, $0xb8;
	[tilespmem:$0x1E000] =	vst v63  }
0x87: {  	_ =	swait.ge [sflag:s13], $0x2000  }
0x88: {  	[sflag:s13] =	ssyncset.done $0x0  }
0x89: {  	[sflag:s13] =	ssyncadd.s32 $0xFFFFE000  }
0x8a: {  	[bflag:$0x0] =	sbarrier.arrive $0xFFFF  }
0x8b: {  	s1 =	rddreg [dreg:$0x4]  }
0x8c: {  	[hbm:s1], [sflag:s8] =	dma.local [spmem:s12], $0x2800  }
0x8d: {  	_ =	swait.ge [sflag:s13], $0x2800  }
0x8e: {  	s3 =	sadd.s32 $0x1, s3;
	s11 =	rddreg [dreg:$0x5]  }
0x8f: {  	p0 =	sne.s32 s3, s11  }
.Ltmp2:
0x90: {  	_ = 	snop;
	(pc) =	sbr.rel @p0 .LBB2_1-.Ltmp2, $3  }
0x91: {  	_ =	sdelay $0x1  }
0x92: {  	[sflag:s13] =	ssyncset.done $0x0  }
0x93: {  	[sflag:s13] =	ssyncadd.s32 $0xFFFFD800  }
0x94: {  	_ =	sfence.sel $0x180000  }
0x95: {  	[bflag:$0x0] =	sbarrier.arrive $0xFFFF  }
0x96: {  	_ =	strace $0x9000004D  }
0x97: {  	s0 =	stileid.u32;
	[bflag:$0x2] =	sbarrier.arrive $0xFFFF  }
0x98: {  	p0 =	sne.s32 s0, $0x0;
	s0 =	rddreg [dreg:$0x2]  }
0x99: {  	s0 =	sadd.s32 @!p0 $0x100000, s0  }
0x9a: {  	[sflag:s0] =	ssyncadd.tile.s32 @!p0 $0x1;
	_ =	shalt  }
.Lfunc_end2:
_tile_overlayer_lowered:
.L_overlay_start_2:
0x9b: {  	(tag) =	ssettag $0x2  }
0x9c: {  	s0 =	rddreg [dreg:$0x0];
	s2 =	stileid.u32  }
0x9d: {  	s1 =	rddreg [dreg:$0x1];
	p0 =	sne.s32 s2, $0x0  }
0x9e: {  	s3 =	rddreg [dreg:$0x2];
	[bflag:$0x3] =	sbarrier.arrive $0xFFFF;
	s2 =	simm.s32 @!p0 $0x1C05  }
0x9f: {  	[timem:s3], [sflag:s2] =	dma.local @!p0 [hbm:s0], s1  }
0xa0: {  	s0 =	simm.s32 @!p0 $0x5  }
0xa1: {  	_ =	swait.ge @!p0 [sflag:s0], s1  }
0xa2: {  	s1 =	ssub.s32 @!p0 $0x0, s1;
	[sflag:s0] =	ssyncset.done @!p0 $0x0  }
0xa3: {  	[sflag:s0] =	ssyncadd.s32 @!p0 s1  }
0xa4: {  	[bflag:$0x3] =	sbarrier.arrive $0xFFFF  }
0xa5: {  	_ =	shalt  }

// kernel: sc_appnp.13.cloned.1.call-start
scs
__scs_entry_jumppad:
0x0: {  	(pc) =	sbr.rel $0x88, $3  }
0x1: {  	(tag) =	ssettag $0x0;
	lr =	simm.s32 $0x1  }
0x2: {  	[smem:$0x3F93] =	sst lr;
	_ =	strace $0xD0000000  }
0x3: {  	_ = 	snop  }
0x4: {  	_ = 	snop  }
0x5: {  	_ = 	snop  }
0x6: {  	_ = 	snop  }
0x7: {  	_ = 	snop  }
__scs_overlays_trampoline_lowered:
0x8: {  	[smem:$0x3FA2] =	sst s0  }
0x9: {  	[smem:$0x3FA3] =	sst s1  }
0xa: {  	[smem:$0x3FA4] =	sst s2  }
0xb: {  	[smem:$0x3FA5] =	sst s3  }
0xc: {  	[smem:$0x3FA6] =	sst s4  }
0xd: {  	[smem:$0x3FA7] =	sst s5  }
0xe: {  	[smem:$0x3FA8] =	sst s6  }
0xf: {  	[smem:$0x3FA9] =	sst s7  }
0x10: {  	[smem:$0x3FAA] =	sst s8  }
0x11: {  	[smem:$0x3FAB] =	sst s9;
	s0 =	simm.s32 @!p0 $0x0  }
0x12: {  	s1 =	sld [smem:$0x3F91];
	s0 =	simm.s32 @p0 $0x1  }
0x13: {  	[smem:$0x3FAC] =	sst s0;
	s0 =	simm.s32 @!p1 $0x0  }
0x14: {  	s2 =	sld [smem:$0x3F90];
	s0 =	simm.s32 @p1 $0x1  }
0x15: {  	[smem:$0x3FAD] =	sst s0;
	s0 =	simm.s32 @!p2 $0x0  }
0x16: {  	s3 =	sld [smem:$0x3FDB];
	s0 =	simm.s32 @p2 $0x1  }
0x17: {  	s4 =	simm.s32 $0x1BF5;
	[smem:$0x3FAF] =	sst s0  }
0x18: {  	s0 =	sld [smem:$0x3F92];
	_ =	swait.ge [sflag:s4], $0x0  }
0x19: {  	s7 =	sld [smem:$0x3F93]  }
0x1a: {  	s8 =	sadd.s32 $0xFFFFE003, lr  }
0x1b: {  	s9 =	sadd.s32 $0xFFFFFEF7, lr;
	s5 =	simm.s32 $0xFFFFFFFF;
	p2 =	slt.u32 s8, $0xFFFFF086  }
0x1c: {  	p1 =	slt.u32 s9, $0xF7A;
	s5 =	simm.s32 @!p2 $0x0  }
0x1d: {  	s5 =	simm.s32 @p1 $0x1;
	p0 =	seq.s32 s7, s2  }
0x1e: {  	s7 =	smul.u32 @!p0 $0xF7A, s2;
	p2 =	seq.s32 @!p0 s5, $0x0  }
0x1f: {  	s9 =	smul.u32 $0xF7A, s1;
	s8 =	simm.s32 @!p0 $0x1BF5;
	p2 =	por !p2, p0  }
0x20: {  	[sflag:s8] =	ssyncset.s32 @!p0 $0xFFFFF086;
	s6 =	sadd.s32 @!p0 s3, s7;
	s7 =	simm.s32 @!p0 $0x108  }
0x21: {  	s3 =	sadd.s32 s3, s9;
	s6 =	sadd.s32 @!p0 $0x88, s6;
	s7 =	simm.s32 @p2 $0x1082  }
0x22: {  	[simem:s7], [sflag:s8] =	dma.local @!p0 [hbm:s6], $0xF7A  }
0x23: {  	s9 =	sor.u32 $0xD0000000, s2;
	s6 =	simm.s32 $0x108;
	_ =	swait.ge @!p0 [sflag:s8], $0x0  }
0x24: {  	s3 =	sadd.s32 $0x88, s3;
	s6 =	simm.s32 @!p1 $0x1082;
	[sflag:s4] =	ssyncset.s32 $0xFFFFF086  }
0x25: {  	[simem:s6], [sflag:s4] =	dma.local [hbm:s3], $0xF7A  }
0x26: {  	[smem:$0x3F93] =	sst s1;
	(tag) =	ssettag s2;
	_ =	strace s9  }
0x27: {  	s1 =	sld [smem:$0x3FA3]  }
0x28: {  	s2 =	sld [smem:$0x3FA4]  }
0x29: {  	s4 =	sld [smem:$0x3FA6]  }
0x2a: {  	p0 =	seq.s32 s5, $0x0;
	s5 =	sld [smem:$0x3FA7]  }
0x2b: {  	s6 =	sld [smem:$0x3FA8]  }
0x2c: {  	s7 =	sld [smem:$0x3FA9]  }
0x2d: {  	s3 =	simm.s32 $0x108;
	s8 =	sld [smem:$0x3FAA]  }
0x2e: {  	s3 =	simm.s32 @!p0 $0x1082;
	s9 =	sld [smem:$0x3FAB]  }
0x2f: {  	lr =	sadd.s32 s0, s3;
	s0 =	sld [smem:$0x3FA2]  }
0x30: {  	s3 =	sld [smem:$0x3FA5]  }
0x31: {  	[smem:$0x3FAE] =	sst s10  }
0x32: {  	s10 =	sld [smem:$0x3FAC];
	_ =	sdelay $0x3  }
0x33: {  	p0 =	seq.s32 s10, $0x1;
	s10 =	sld [smem:$0x3FAE];
	_ =	sdelay $0x3  }
0x34: {  	[smem:$0x3FAE] =	sst s10  }
0x35: {  	s10 =	sld [smem:$0x3FAD];
	_ =	sdelay $0x3  }
0x36: {  	p1 =	seq.s32 s10, $0x1;
	s10 =	sld [smem:$0x3FAE];
	_ =	sdelay $0x3  }
0x37: {  	[smem:$0x3FAE] =	sst s10  }
0x38: {  	s10 =	sld [smem:$0x3FAF]  }
0x39: {  	_ = 	snop;
	(pc) =	sbr.ind lr, $3  }
0x3a: {  	_ = 	snop  }
0x3b: {  	_ = 	snop  }
0x3c: {  	p2 =	seq.s32 s10, $0x1;
	s10 =	sld [smem:$0x3FAE]  }
0x3d: {  	_ =	shalt  }
0x3e: {  	_ =	shalt  }
0x3f: {  	_ =	shalt  }
0x40: {  	_ =	shalt  }
0x41: {  	_ =	shalt  }
0x42: {  	_ =	shalt  }
0x43: {  	_ =	shalt  }
0x44: {  	_ =	shalt  }
0x45: {  	_ =	shalt  }
0x46: {  	_ =	shalt  }
0x47: {  	_ =	shalt  }
0x48: {  	_ =	shalt  }
0x49: {  	_ =	shalt  }
0x4a: {  	_ =	shalt  }
0x4b: {  	_ =	shalt  }
0x4c: {  	_ =	shalt  }
0x4d: {  	_ =	shalt  }
0x4e: {  	_ =	shalt  }
0x4f: {  	_ =	shalt  }
0x50: {  	_ =	shalt  }
0x51: {  	_ =	shalt  }
0x52: {  	_ =	shalt  }
0x53: {  	_ =	shalt  }
0x54: {  	_ =	shalt  }
0x55: {  	_ =	shalt  }
0x56: {  	_ =	shalt  }
0x57: {  	_ =	shalt  }
0x58: {  	_ =	shalt  }
0x59: {  	_ =	shalt  }
0x5a: {  	_ =	shalt  }
0x5b: {  	_ =	shalt  }
0x5c: {  	_ =	shalt  }
0x5d: {  	_ =	shalt  }
0x5e: {  	_ =	shalt  }
0x5f: {  	_ =	shalt  }
0x60: {  	_ =	shalt  }
0x61: {  	_ =	shalt  }
0x62: {  	_ =	shalt  }
0x63: {  	_ =	shalt  }
0x64: {  	_ =	shalt  }
0x65: {  	_ =	shalt  }
0x66: {  	_ =	shalt  }
0x67: {  	_ =	shalt  }
0x68: {  	_ =	shalt  }
0x69: {  	_ =	shalt  }
0x6a: {  	_ =	shalt  }
0x6b: {  	_ =	shalt  }
0x6c: {  	_ =	shalt  }
0x6d: {  	_ =	shalt  }
0x6e: {  	_ =	shalt  }
0x6f: {  	_ =	shalt  }
0x70: {  	_ =	shalt  }
0x71: {  	_ =	shalt  }
0x72: {  	_ =	shalt  }
0x73: {  	_ =	shalt  }
0x74: {  	_ =	shalt  }
0x75: {  	_ =	shalt  }
0x76: {  	_ =	shalt  }
0x77: {  	_ =	shalt  }
0x78: {  	_ =	shalt  }
0x79: {  	_ =	shalt  }
0x7a: {  	_ =	shalt  }
0x7b: {  	_ =	shalt  }
0x7c: {  	_ =	shalt  }
0x7d: {  	_ =	shalt  }
0x7e: {  	_ =	shalt  }
0x7f: {  	_ =	shalt  }
0x80: {  	_ =	shalt  }
0x81: {  	_ =	shalt  }
0x82: {  	_ =	shalt  }
0x83: {  	_ =	shalt  }
0x84: {  	_ =	shalt  }
0x85: {  	_ =	shalt  }
0x86: {  	_ =	shalt  }
0x87: {  	_ =	shalt  }
.Lfunc_end0:
.L_simem_size_0:
called_computation.3_lowered:
.L_overlay_start_0:
0x88: {  	s2 =	sld [smem:$0x3FD9]  }
0x89: {  	s3 =	sld [smem:$0x3FFE];
	_ =	sdelay $0x1  }
0x8a: {  	s1 =	srdreg.scid  }
0x8b: {  	s0 =	sand.u32 $0x1, s1  }
0x8c: {  	s16 =	sshll.u32 s0, $0xA;
	s2 =	sadd.s32 s3, s2  }
0x8d: {  	s2 =	sadd.s32 s2, s16  }
0x8e: {  	[smem:$0x3FBA] =	sst s2  }
0x8f: {  	_ = 	snop  }
0x90: {  	(tm) =	ssettm $0x1  }
0x91: {  	s17 =	sld [smem:$0x3FFB];
	_ =	sdelay $0x3  }
0x92: {  	_ =	strace s17  }
0x93: {  	s2 =	sld [smem:$0x3FFC];
	_ =	sdelay $0x3  }
0x94: {  	_ =	strace s2  }
0x95: {  	s2 =	sld [smem:$0x3FFD];
	_ =	sdelay $0x3  }
0x96: {  	_ =	strace s2  }
0x97: {  	_ =	strace $0x8FFFFFFF  }
0x98: {  	s18 =	sld [smem:$0x3FDB];
	_ =	sdelay $0x1  }
0x99: {  	s19 =	simm.s32 $_scs_section_size  }
0x9a: {  	s4 =	simm.s32 $_size__tile_overlayer_lowered;
	s5 =	simm.s32 $_tile_overlayer_lowered  }
0x9b: {  	s22 =	simm.s32 $0x1BFF;
	s21 =	sshll.u32 s5, $0x1;
	s2 =	sadd.s32 s19, s18  }
0x9c: {  	s6 =	simm.s32 $0x0;
	s20 =	sshll.u32 s4, $0x1;
	s4 =	sadd.s32 s21, s2  }
0x9d: {  	[timem:s6], [sflag:s22] =	dma.local [hbm:s4], s20  }
0x9e: {  	_ =	swait.ge [sflag:s22], s20  }
0x9f: {  	s3 =	ssub.s32 $0x0, s20;
	[sflag:s22] =	ssyncset.done $0x0  }
0xa0: {  	[sflag:s22] =	ssyncadd.s32 s3;
	_ =	sdelay $0x1  }
0xa1: {  	s23 =	simm.s32 $0x1B8B  }
0xa2: {  	_ =	swait.ge [sflag:s23], $0x1  }
0xa3: {  	[sflag:s23] =	ssyncset.done $0x0  }
0xa4: {  	s25 =	simm.s32 $0x1B8E;
	s24 =	sld [smem:$0x3FFE];
	[sflag:s23] =	ssyncadd.s32 $0xFFFFFFFF  }
0xa5: {  	s26 =	simm.s32 $execute0_lowered;
	[smem:$0x3FD2] =	sst s25  }
0xa6: {  	s4 =	sshll.u32 s26, $0x1;
	_ =	strace $0x8000004F;
	[dreg:$0x1] =	wrdreg $0xFFFFFFFF  }
0xa7: {  	s28 =	simm.s32 $_size_execute0_lowered;
	s2 =	sadd.s32 s2, s4;
	[dreg:$0x0] =	wrdreg $0x0  }
0xa8: {  	s4 =	sshll.u32 s28, $0x1;
	[dreg:$0x2] =	wrdreg s2  }
0xa9: {  	[dreg:$0x3] =	wrdreg s4  }
0xaa: {  	[dreg:$0x4] =	wrdreg $0xC0  }
0xab: {  	_ =	task [dreg:s6], $0x5FFFF  }
0xac: {  	[dreg:$0x1] =	wrdreg $0xFFFFFFFF  }
0xad: {  	[dreg:$0x0] =	wrdreg $0x60  }
0xae: {  	[dreg:$0x2] =	wrdreg s24  }
0xaf: {  	[dreg:$0x3] =	wrdreg $0x0  }
0xb0: {  	[dreg:$0x4] =	wrdreg $0x9  }
0xb1: {  	_ =	task.clear_ibuf [dreg:s6], $0x5FFFF;
	_ =	strace $0x9000004F  }
0xb2: {  	s29 =	simm.s32 $0x9;
	_ =	strace $0x80000051  }
0xb3: {  	_ =	swait.ge [sflag:s29], $0x1  }
0xb4: {  	[sflag:s29] =	ssyncadd.s32 $0xFFFFFFFF  }
0xb5: {  	_ =	strace $0x90000051  }
0xb6: {  	_ =	sfence  }
0xb7: {  	s30 =	sld [smem:$0x0];
	_ =	sdelay $0x2  }
0xb8: {  	s31 =	sshll.u32 s1, $0xD;
	s1 =	sshrl.u32 s1, $0x2  }
0xb9: {  	s3 =	sand.u32 $0x4000, s31;
	s1 =	sadd.s32 s1, s30  }
0xba: {  	s0 =	sor.u32 s3, s0;
	s1 =	sshll.u32 s1, $0x11  }
0xbb: {  	s0 =	sor.u32 s1, s0  }
0xbc: {  	s0 =	sadd.s32 $0x8F2B, s0  }
0xbd: {  	[sflag:s0] =	ssyncadd.remote.s32 $0x1  }
0xbe: {  	_ =	sfence.sel $0xFFFF  }
0xbf: {  	[dreg:$0x0] =	wrdreg $0xFFFFFFFF;
	(pc) =	sbr.abs _section_cstart, $3  }
0xc0: {  	[dreg:$0x1] =	wrdreg $0xFFFFFFFF  }
0xc1: {  	_ =	task.clear_ibuf [dreg:s6], $0x2FFFF;
	_ =	strace $0x9FFFFFFF  }
0xc2: {  	(tm) =	ssettm $0x7FFFFFFF  }
0xc3: {  	_ =	shalt  }
tec
execute0_lowered:
.L_overlay_start_1:
0x0: {  	(tag) =	ssettag $0x1  }
0x1: {  	s0 =	rddreg [dreg:$0x0]  }
0x2: {  	s2 =	rddreg [dreg:$0x1];
	s3 =	simm.s32 $0x0;
	s11 =	stileid.u32  }
0x3: {  	s1 =	srdreg.scid;
	s13 =	simm.s32 $0x5;
	s14 =	simm.s32 $0x14000  }
0x4: {  	s15 =	simm.s32 $0x15000;
	s16 =	simm.s32 $0x40;
	s17 =	simm.s32 $0x16000  }
0x5: {  	s18 =	simm.s32 $0x14080;
	s19 =	simm.s32 $0x18000;
	s28 =	simm.s32 $0x4  }
0x6: {  	s29 =	simm.s32 $0x15E00;
	s30 =	simm.s32 $0x15E80;
	s31 =	simm.s32 $0x15F00  }
0x7: {  	[smem:$0x7FF] =	sst s3;
	s7 =	smul.u32 $0x14000, s11;
	s1 =	sand.u32 $0x1, s1  }
0x8: {  	s4 =	sadd.s32 $0x11D400, s0;
	s5 =	sadd.s32 $0x54E00, s0;
	s10 =	smul.u32 $0x50000, s11  }
0x9: {  	s6 =	sadd.s32 $0x4E00, s0;
	s23 =	smul.u32 $0xA000, s11;
	s25 =	sshll.u32 s11, $0x6  }
0xa: {  	_ =	strace $0x80000050;
	s8 =	smul.u32 $0x140000, s1;
	s20 =	ssub.s32 $0x2, s1  }
0xb: {  	s1 =	smul.u32 $0xA0000, s1;
	s9 =	sshrl.u32 s7, $0x3;
	s21 =	sshrl.u32 s20, $0x1  }
0xc: {  	s22 =	sshrl.u32 s10, $0x2;
	s9 =	sadd.s32 s9, s0;
	s7 =	sadd.s32 s7, s8  }
0xd: {  	s12 =	sadd.s32 s22, s2;
	s8 =	sor.u32 $0x1C05, s25;
	s22 =	simm.s32 $0x14180  }
0xe: {  	s25 =	simm.s32 $0x2;
	s7 =	sshrl.u32 s7, $0x3;
	s24 =	sadd.s32 $0xA5400, s9  }
0xf: {  	s9 =	sadd.s32 s23, s1;
	s12 =	sshrl.u32 s12, $0x3;
	s23 =	simm.s32 $0x1C000  }
0x10: {  	s0 =	sadd.s32 s7, s0;
	s7 =	ssub.s32 s20, s21;
	[dreg:$0x3] =	wrdreg s24  }
0x11: {  	s20 =	simm.s32 $0x14100;
	s21 =	simm.s32 $0x1A000;
	s0 =	sadd.s32 $0x16D400, s0  }
0x12: {  	s24 =	simm.s32 $0x1;
	s26 =	smax.u32 s7, $0x1;
	[dreg:$0x4] =	wrdreg s0  }
0x13: {  	[dreg:$0x5] =	wrdreg s26;
	s26 =	simm.s32 $0x3;
	s0 =	simm.s32 $0x15F80  }
.LBB2_1:
0x14: {  	s1 =	rddreg [dreg:$0x3]  }
0x15: {  	[spmem:s12], [sflag:s8] =	dma.local [hbm:s1], $0x2800  }
0x16: {  	_ =	swait.ge [sflag:s13], $0x2800  }
0x17: {  	[sflag:s13] =	ssyncset.done $0x0  }
0x18: {  	[sflag:s13] =	ssyncadd.s32 $0xFFFFD800  }
0x19: {  	s1 =	simm.s32 $0x0;
	[bflag:$0x0] =	sbarrier.arrive $0xFFFF  }
.LBB2_2:
0x1a: {  	s7 =	sshll.u32 s1, $0xC  }
0x1b: {  	s7 =	sadd.s32 s7, s9  }
0x1c: {  	s7 =	sshrl.u32 s7, $0x3  }
0x1d: {  	s11 =	simm.s32 $0x0;
	s10 =	sadd.s32 s5, s7  }
0x1e: {  	[tilespmem:s14], [sflag:$0x5] =	stream.linear.gather [hbm4b:s10+s11], $0x1000, $0x38;
	[tilespmem:$0x1E000] =	vst v63  }
0x1f: {  	_ =	swait.ge [sflag:s13], $0x1000  }
0x20: {  	[sflag:s13] =	ssyncset.done $0x0  }
0x21: {  	s7 =	sadd.s32 s6, s7;
	[sflag:s13] =	ssyncadd.s32 $0xFFFFF000  }
0x22: {  	[tilespmem:s15], [sflag:$0x5] =	stream.linear.gather [hbm4b:s7+s11], $0x1000, $0x38;
	[tilespmem:$0x1E000] =	vst v63  }
0x23: {  	_ =	swait.ge [sflag:s13], $0x1000  }
0x24: {  	[sflag:s13] =	ssyncset.done $0x0  }
0x25: {  	[sflag:s13] =	ssyncadd.s32 $0xFFFFF000  }
0x26: {  	[tilespmem:s17], [sflag:$0x1] =	stream.indirect.gather [hbm4b:s4+s16], $0x80, s14, s16, $0xb8;
	[tilespmem:$0x1E000] =	vst v63  }
0x27: {  	_ = 	snop  }
0x28: {  	[tilespmem:s19], [sflag:$0x2] =	stream.indirect.gather [hbm4b:s4+s16], $0x80, s18, s16, $0xb8;
	[tilespmem:$0x1E000] =	vst v63  }
0x29: {  	_ = 	snop  }
0x2a: {  	[tilespmem:s21], [sflag:$0x3] =	stream.indirect.gather [hbm4b:s4+s16], $0x80, s20, s16, $0xb8;
	[tilespmem:$0x1E000] =	vst v63  }
0x2b: {  	_ = 	snop  }
0x2c: {  	[tilespmem:s23], [sflag:$0x4] =	stream.indirect.gather [hbm4b:s4+s16], $0x80, s22, s16, $0xb8;
	[tilespmem:$0x1E000] =	vst v63  }
0x2d: {  	_ =	swait.ge [sflag:s24], $0x2000  }
0x2e: {  	[sflag:s24] =	ssyncset.done $0x0  }
0x2f: {  	s11 =	simm.s32 $0x15000;
	[sflag:s24] =	ssyncadd.s32 $0xFFFFE000  }
0x30: {  	[spmem:s2] =	stream.indirect.scatter.add.f32 [tilespmem:s17], [sflag:$0x5], $0x80, s11, s16, $0xb8;
	[tilespmem:$0x1E000] =	vst v63  }
0x31: {  	_ =	swait.ge [sflag:s13], $0x2000  }
0x32: {  	[sflag:s13] =	ssyncset.done $0x0  }
0x33: {  	s10 =	simm.s32 $0x14200;
	[sflag:s13] =	ssyncadd.s32 $0xFFFFE000  }
0x34: {  	[tilespmem:s17], [sflag:$0x1] =	stream.indirect.gather [hbm4b:s4+s16], $0x80, s10, s16, $0xb8;
	[tilespmem:$0x1E000] =	vst v63  }
0x35: {  	_ =	swait.ge [sflag:s25], $0x2000  }
0x36: {  	[sflag:s25] =	ssyncset.done $0x0  }
0x37: {  	s11 =	simm.s32 $0x15080;
	[sflag:s25] =	ssyncadd.s32 $0xFFFFE000  }
0x38: {  	[spmem:s2] =	stream.indirect.scatter.add.f32 [tilespmem:s19], [sflag:$0x5], $0x80, s11, s16, $0xb8;
	[tilespmem:$0x1E000] =	vst v63  }
0x39: {  	_ =	swait.ge [sflag:s13], $0x2000  }
0x3a: {  	[sflag:s13] =	ssyncset.done $0x0  }
0x3b: {  	s10 =	simm.s32 $0x14280;
	[sflag:s13] =	ssyncadd.s32 $0xFFFFE000  }
0x3c: {  	[tilespmem:s19], [sflag:$0x2] =	stream.indirect.gather [hbm4b:s4+s16], $0x80, s10, s16, $0xb8;
	[tilespmem:$0x1E000] =	vst v63  }
0x3d: {  	_ =	swait.ge [sflag:s26], $0x2000  }
0x3e: {  	[sflag:s26] =	ssyncset.done $0x0  }
0x3f: {  	s11 =	simm.s32 $0x15100;
	[sflag:s26] =	ssyncadd.s32 $0xFFFFE000  }
0x40: {  	[spmem:s2] =	stream.indirect.scatter.add.f32 [tilespmem:s21], [sflag:$0x5], $0x80, s11, s16, $0xb8;
	[tilespmem:$0x1E000] =	vst v63  }
0x41: {  	_ =	swait.ge [sflag:s13], $0x2000  }
0x42: {  	[sflag:s13] =	ssyncset.done $0x0  }
0x43: {  	s10 =	simm.s32 $0x14300;
	[sflag:s13] =	ssyncadd.s32 $0xFFFFE000  }
0x44: {  	[tilespmem:s21], [sflag:$0x3] =	stream.indirect.gather [hbm4b:s4+s16], $0x80, s10, s16, $0xb8;
	[tilespmem:$0x1E000] =	vst v63  }
0x45: {  	_ =	swait.ge [sflag:s28], $0x2000  }
0x46: {  	[sflag:s28] =	ssyncset.done $0x0  }
0x47: {  	s11 =	simm.s32 $0x15180;
	[sflag:s28] =	ssyncadd.s32 $0xFFFFE000  }
0x48: {  	[spmem:s2] =	stream.indirect.scatter.add.f32 [tilespmem:s23], [sflag:$0x5], $0x80, s11, s16, $0xb8;
	[tilespmem:$0x1E000] =	vst v63  }
0x49: {  	_ =	swait.ge [sflag:s13], $0x2000  }
0x4a: {  	[sflag:s13] =	ssyncset.done $0x0  }
0x4b: {  	s7 =	simm.s32 $0x800;
	s10 =	simm.s32 $0x14380;
	[sflag:s13] =	ssyncadd.s32 $0xFFFFE000  }
.LBB2_3:
0x4c: {  	[tilespmem:s23], [sflag:$0x4] =	stream.indirect.gather [hbm4b:s4+s16], $0x80, s10, s16, $0xb8;
	[tilespmem:$0x1E000] =	vst v63  }
0x4d: {  	s10 =	smov.u32 s7  }
0x4e: {  	p0 =	sne.s32 s7, $0x3000;
	s7 =	sadd.s32 $0x800, s7;
	_ =	swait.ge [sflag:s24], $0x2000  }
0x4f: {  	s10 =	sshra.s32 s10, $0x2;
	[sflag:s24] =	ssyncset.done $0x0  }
0x50: {  	s11 =	sadd.s32 $0x15000, s10;
	[sflag:s24] =	ssyncadd.s32 $0xFFFFE000  }
0x51: {  	[spmem:s2] =	stream.indirect.scatter.add.f32 [tilespmem:s17], [sflag:$0x5], $0x80, s11, s16, $0xb8;
	[tilespmem:$0x1E000] =	vst v63  }
0x52: {  	_ =	swait.ge [sflag:s13], $0x2000  }
0x53: {  	[sflag:s13] =	ssyncset.done $0x0  }
0x54: {  	s11 =	sadd.s32 $0x14200, s10;
	[sflag:s13] =	ssyncadd.s32 $0xFFFFE000  }
0x55: {  	[tilespmem:s17], [sflag:$0x1] =	stream.indirect.gather [hbm4b:s4+s16], $0x80, s11, s16, $0xb8;
	[tilespmem:$0x1E000] =	vst v63  }
0x56: {  	_ =	swait.ge [sflag:s25], $0x2000  }
0x57: {  	[sflag:s25] =	ssyncset.done $0x0  }
0x58: {  	s11 =	sadd.s32 $0x15080, s10;
	[sflag:s25] =	ssyncadd.s32 $0xFFFFE000  }
0x59: {  	[spmem:s2] =	stream.indirect.scatter.add.f32 [tilespmem:s19], [sflag:$0x5], $0x80, s11, s16, $0xb8;
	[tilespmem:$0x1E000] =	vst v63  }
0x5a: {  	_ =	swait.ge [sflag:s13], $0x2000  }
0x5b: {  	[sflag:s13] =	ssyncset.done $0x0  }
0x5c: {  	s11 =	sadd.s32 $0x14280, s10;
	[sflag:s13] =	ssyncadd.s32 $0xFFFFE000  }
0x5d: {  	[tilespmem:s19], [sflag:$0x2] =	stream.indirect.gather [hbm4b:s4+s16], $0x80, s11, s16, $0xb8;
	[tilespmem:$0x1E000] =	vst v63  }
0x5e: {  	_ =	swait.ge [sflag:s26], $0x2000  }
0x5f: {  	[sflag:s26] =	ssyncset.done $0x0  }
0x60: {  	s11 =	sadd.s32 $0x15100, s10;
	[sflag:s26] =	ssyncadd.s32 $0xFFFFE000  }
0x61: {  	[spmem:s2] =	stream.indirect.scatter.add.f32 [tilespmem:s21], [sflag:$0x5], $0x80, s11, s16, $0xb8;
	[tilespmem:$0x1E000] =	vst v63  }
0x62: {  	_ =	swait.ge [sflag:s13], $0x2000  }
0x63: {  	[sflag:s13] =	ssyncset.done $0x0  }
0x64: {  	s11 =	sadd.s32 $0x14300, s10;
	[sflag:s13] =	ssyncadd.s32 $0xFFFFE000  }
0x65: {  	[tilespmem:s21], [sflag:$0x3] =	stream.indirect.gather [hbm4b:s4+s16], $0x80, s11, s16, $0xb8;
	[tilespmem:$0x1E000] =	vst v63  }
0x66: {  	_ =	swait.ge [sflag:s28], $0x2000  }
0x67: {  	[sflag:s28] =	ssyncset.done $0x0  }
.Ltmp0:
0x68: {  	s11 =	sadd.s32 $0x15180, s10;
	[sflag:s28] =	ssyncadd.s32 $0xFFFFE000;
	(pc) =	sbr.rel @p0 .LBB2_3-.Ltmp0, $4  }
0x69: {  	[spmem:s2] =	stream.indirect.scatter.add.f32 [tilespmem:s23], [sflag:$0x5], $0x80, s11, s16, $0xb8;
	[tilespmem:$0x1E000] =	vst v63  }
0x6a: {  	_ =	swait.ge [sflag:s13], $0x2000  }
0x6b: {  	[sflag:s13] =	ssyncset.done $0x0  }
0x6c: {  	s10 =	sadd.s32 $0x14380, s10;
	[sflag:s13] =	ssyncadd.s32 $0xFFFFE000  }
0x6d: {  	[tilespmem:s23], [sflag:$0x4] =	stream.indirect.gather [hbm4b:s4+s16], $0x80, s10, s16, $0xb8;
	[tilespmem:$0x1E000] =	vst v63  }
0x6e: {  	_ =	swait.ge [sflag:s24], $0x2000  }
0x6f: {  	[sflag:s24] =	ssyncset.done $0x0  }
0x70: {  	[sflag:s24] =	ssyncadd.s32 $0xFFFFE000  }
0x71: {  	[spmem:s2] =	stream.indirect.scatter.add.f32 [tilespmem:s17], [sflag:$0x5], $0x80, s29, s16, $0xb8;
	[tilespmem:$0x1E000] =	vst v63  }
0x72: {  	_ =	swait.ge [sflag:s13], $0x2000  }
0x73: {  	[sflag:s13] =	ssyncset.done $0x0  }
0x74: {  	[sflag:s13] =	ssyncadd.s32 $0xFFFFE000  }
0x75: {  	_ =	swait.ge [sflag:s25], $0x2000  }
0x76: {  	[sflag:s25] =	ssyncset.done $0x0  }
0x77: {  	[sflag:s25] =	ssyncadd.s32 $0xFFFFE000  }
0x78: {  	[spmem:s2] =	stream.indirect.scatter.add.f32 [tilespmem:s19], [sflag:$0x5], $0x80, s30, s16, $0xb8;
	[tilespmem:$0x1E000] =	vst v63  }
0x79: {  	_ =	swait.ge [sflag:s13], $0x2000  }
0x7a: {  	[sflag:s13] =	ssyncset.done $0x0  }
0x7b: {  	[sflag:s13] =	ssyncadd.s32 $0xFFFFE000  }
0x7c: {  	_ =	swait.ge [sflag:s26], $0x2000  }
0x7d: {  	[sflag:s26] =	ssyncset.done $0x0  }
0x7e: {  	[sflag:s26] =	ssyncadd.s32 $0xFFFFE000  }
0x7f: {  	[spmem:s2] =	stream.indirect.scatter.add.f32 [tilespmem:s21], [sflag:$0x5], $0x80, s31, s16, $0xb8;
	[tilespmem:$0x1E000] =	vst v63  }
0x80: {  	_ =	swait.ge [sflag:s13], $0x2000  }
0x81: {  	[sflag:s13] =	ssyncset.done $0x0  }
0x82: {  	[sflag:s13] =	ssyncadd.s32 $0xFFFFE000  }
0x83: {  	s1 =	sadd.s32 $0x1, s1;
	_ =	swait.ge [sflag:s28], $0x2000  }
0x84: {  	p0 =	sne.s32 s1, $0xA;
	[sflag:s28] =	ssyncset.done $0x0  }
.Ltmp1:
0x85: {  	[sflag:s28] =	ssyncadd.s32 $0xFFFFE000;
	(pc) =	sbr.rel @p0 .LBB2_2-.Ltmp1, $4  }
0x86: {  	[spmem:s2] =	stream.indirect.scatter.add.f32 [tilespmem:s23], [sflag:$0x5], $0x80, s0, s16, $0xb8;
	[tilespmem:$0x1E000] =	vst v63  }
0x87: {  	_ =	swait.ge [sflag:s13], $0x2000  }
0x88: {  	[sflag:s13] =	ssyncset.done $0x0  }
0x89: {  	[sflag:s13] =	ssyncadd.s32 $0xFFFFE000  }
0x8a: {  	[bflag:$0x0] =	sbarrier.arrive $0xFFFF  }
0x8b: {  	s1 =	rddreg [dreg:$0x4]  }
0x8c: {  	[hbm:s1], [sflag:s8] =	dma.local [spmem:s12], $0x2800  }
0x8d: {  	_ =	swait.ge [sflag:s13], $0x2800  }
0x8e: {  	s3 =	sadd.s32 $0x1, s3;
	s11 =	rddreg [dreg:$0x5]  }
0x8f: {  	p0 =	sne.s32 s3, s11  }
.Ltmp2:
0x90: {  	_ = 	snop;
	(pc) =	sbr.rel @p0 .LBB2_1-.Ltmp2, $3  }
0x91: {  	_ =	sdelay $0x1  }
0x92: {  	[sflag:s13] =	ssyncset.done $0x0  }
0x93: {  	[sflag:s13] =	ssyncadd.s32 $0xFFFFD800  }
0x94: {  	_ =	sfence.sel $0x180000  }
0x95: {  	[bflag:$0x0] =	sbarrier.arrive $0xFFFF  }
0x96: {  	_ =	strace $0x90000050  }
0x97: {  	s0 =	stileid.u32;
	[bflag:$0x2] =	sbarrier.arrive $0xFFFF  }
0x98: {  	p0 =	sne.s32 s0, $0x0;
	s0 =	rddreg [dreg:$0x2]  }
0x99: {  	s0 =	sadd.s32 @!p0 $0x100000, s0  }
0x9a: {  	[sflag:s0] =	ssyncadd.tile.s32 @!p0 $0x1;
	_ =	shalt  }
.Lfunc_end2:
_tile_overlayer_lowered:
.L_overlay_start_2:
0x9b: {  	(tag) =	ssettag $0x2  }
0x9c: {  	s0 =	rddreg [dreg:$0x0];
	s2 =	stileid.u32  }
0x9d: {  	s1 =	rddreg [dreg:$0x1];
	p0 =	sne.s32 s2, $0x0  }
0x9e: {  	s3 =	rddreg [dreg:$0x2];
	[bflag:$0x3] =	sbarrier.arrive $0xFFFF;
	s2 =	simm.s32 @!p0 $0x1C05  }
0x9f: {  	[timem:s3], [sflag:s2] =	dma.local @!p0 [hbm:s0], s1  }
0xa0: {  	s0 =	simm.s32 @!p0 $0x5  }
0xa1: {  	_ =	swait.ge @!p0 [sflag:s0], s1  }
0xa2: {  	s1 =	ssub.s32 @!p0 $0x0, s1;
	[sflag:s0] =	ssyncset.done @!p0 $0x0  }
0xa3: {  	[sflag:s0] =	ssyncadd.s32 @!p0 s1  }
0xa4: {  	[bflag:$0x3] =	sbarrier.arrive $0xFFFF  }
0xa5: {  	_ =	shalt  }

// kernel: sc_appnp.16.cloned.1.call-start
scs
__scs_entry_jumppad:
0x0: {  	(pc) =	sbr.rel $0x88, $3  }
0x1: {  	(tag) =	ssettag $0x0;
	lr =	simm.s32 $0x1  }
0x2: {  	[smem:$0x3F93] =	sst lr;
	_ =	strace $0xD0000000  }
0x3: {  	_ = 	snop  }
0x4: {  	_ = 	snop  }
0x5: {  	_ = 	snop  }
0x6: {  	_ = 	snop  }
0x7: {  	_ = 	snop  }
__scs_overlays_trampoline_lowered:
0x8: {  	[smem:$0x3FA2] =	sst s0  }
0x9: {  	[smem:$0x3FA3] =	sst s1  }
0xa: {  	[smem:$0x3FA4] =	sst s2  }
0xb: {  	[smem:$0x3FA5] =	sst s3  }
0xc: {  	[smem:$0x3FA6] =	sst s4  }
0xd: {  	[smem:$0x3FA7] =	sst s5  }
0xe: {  	[smem:$0x3FA8] =	sst s6  }
0xf: {  	[smem:$0x3FA9] =	sst s7  }
0x10: {  	[smem:$0x3FAA] =	sst s8  }
0x11: {  	[smem:$0x3FAB] =	sst s9;
	s0 =	simm.s32 @!p0 $0x0  }
0x12: {  	s1 =	sld [smem:$0x3F91];
	s0 =	simm.s32 @p0 $0x1  }
0x13: {  	[smem:$0x3FAC] =	sst s0;
	s0 =	simm.s32 @!p1 $0x0  }
0x14: {  	s2 =	sld [smem:$0x3F90];
	s0 =	simm.s32 @p1 $0x1  }
0x15: {  	[smem:$0x3FAD] =	sst s0;
	s0 =	simm.s32 @!p2 $0x0  }
0x16: {  	s3 =	sld [smem:$0x3FDB];
	s0 =	simm.s32 @p2 $0x1  }
0x17: {  	s4 =	simm.s32 $0x1BF5;
	[smem:$0x3FAF] =	sst s0  }
0x18: {  	s0 =	sld [smem:$0x3F92];
	_ =	swait.ge [sflag:s4], $0x0  }
0x19: {  	s7 =	sld [smem:$0x3F93]  }
0x1a: {  	s8 =	sadd.s32 $0xFFFFE003, lr  }
0x1b: {  	s9 =	sadd.s32 $0xFFFFFEF7, lr;
	s5 =	simm.s32 $0xFFFFFFFF;
	p2 =	slt.u32 s8, $0xFFFFF086  }
0x1c: {  	p1 =	slt.u32 s9, $0xF7A;
	s5 =	simm.s32 @!p2 $0x0  }
0x1d: {  	s5 =	simm.s32 @p1 $0x1;
	p0 =	seq.s32 s7, s2  }
0x1e: {  	s7 =	smul.u32 @!p0 $0xF7A, s2;
	p2 =	seq.s32 @!p0 s5, $0x0  }
0x1f: {  	s9 =	smul.u32 $0xF7A, s1;
	s8 =	simm.s32 @!p0 $0x1BF5;
	p2 =	por !p2, p0  }
0x20: {  	[sflag:s8] =	ssyncset.s32 @!p0 $0xFFFFF086;
	s6 =	sadd.s32 @!p0 s3, s7;
	s7 =	simm.s32 @!p0 $0x108  }
0x21: {  	s3 =	sadd.s32 s3, s9;
	s6 =	sadd.s32 @!p0 $0x88, s6;
	s7 =	simm.s32 @p2 $0x1082  }
0x22: {  	[simem:s7], [sflag:s8] =	dma.local @!p0 [hbm:s6], $0xF7A  }
0x23: {  	s9 =	sor.u32 $0xD0000000, s2;
	s6 =	simm.s32 $0x108;
	_ =	swait.ge @!p0 [sflag:s8], $0x0  }
0x24: {  	s3 =	sadd.s32 $0x88, s3;
	s6 =	simm.s32 @!p1 $0x1082;
	[sflag:s4] =	ssyncset.s32 $0xFFFFF086  }
0x25: {  	[simem:s6], [sflag:s4] =	dma.local [hbm:s3], $0xF7A  }
0x26: {  	[smem:$0x3F93] =	sst s1;
	(tag) =	ssettag s2;
	_ =	strace s9  }
0x27: {  	s1 =	sld [smem:$0x3FA3]  }
0x28: {  	s2 =	sld [smem:$0x3FA4]  }
0x29: {  	s4 =	sld [smem:$0x3FA6]  }
0x2a: {  	p0 =	seq.s32 s5, $0x0;
	s5 =	sld [smem:$0x3FA7]  }
0x2b: {  	s6 =	sld [smem:$0x3FA8]  }
0x2c: {  	s7 =	sld [smem:$0x3FA9]  }
0x2d: {  	s3 =	simm.s32 $0x108;
	s8 =	sld [smem:$0x3FAA]  }
0x2e: {  	s3 =	simm.s32 @!p0 $0x1082;
	s9 =	sld [smem:$0x3FAB]  }
0x2f: {  	lr =	sadd.s32 s0, s3;
	s0 =	sld [smem:$0x3FA2]  }
0x30: {  	s3 =	sld [smem:$0x3FA5]  }
0x31: {  	[smem:$0x3FAE] =	sst s10  }
0x32: {  	s10 =	sld [smem:$0x3FAC];
	_ =	sdelay $0x3  }
0x33: {  	p0 =	seq.s32 s10, $0x1;
	s10 =	sld [smem:$0x3FAE];
	_ =	sdelay $0x3  }
0x34: {  	[smem:$0x3FAE] =	sst s10  }
0x35: {  	s10 =	sld [smem:$0x3FAD];
	_ =	sdelay $0x3  }
0x36: {  	p1 =	seq.s32 s10, $0x1;
	s10 =	sld [smem:$0x3FAE];
	_ =	sdelay $0x3  }
0x37: {  	[smem:$0x3FAE] =	sst s10  }
0x38: {  	s10 =	sld [smem:$0x3FAF]  }
0x39: {  	_ = 	snop;
	(pc) =	sbr.ind lr, $3  }
0x3a: {  	_ = 	snop  }
0x3b: {  	_ = 	snop  }
0x3c: {  	p2 =	seq.s32 s10, $0x1;
	s10 =	sld [smem:$0x3FAE]  }
0x3d: {  	_ =	shalt  }
0x3e: {  	_ =	shalt  }
0x3f: {  	_ =	shalt  }
0x40: {  	_ =	shalt  }
0x41: {  	_ =	shalt  }
0x42: {  	_ =	shalt  }
0x43: {  	_ =	shalt  }
0x44: {  	_ =	shalt  }
0x45: {  	_ =	shalt  }
0x46: {  	_ =	shalt  }
0x47: {  	_ =	shalt  }
0x48: {  	_ =	shalt  }
0x49: {  	_ =	shalt  }
0x4a: {  	_ =	shalt  }
0x4b: {  	_ =	shalt  }
0x4c: {  	_ =	shalt  }
0x4d: {  	_ =	shalt  }
0x4e: {  	_ =	shalt  }
0x4f: {  	_ =	shalt  }
0x50: {  	_ =	shalt  }
0x51: {  	_ =	shalt  }
0x52: {  	_ =	shalt  }
0x53: {  	_ =	shalt  }
0x54: {  	_ =	shalt  }
0x55: {  	_ =	shalt  }
0x56: {  	_ =	shalt  }
0x57: {  	_ =	shalt  }
0x58: {  	_ =	shalt  }
0x59: {  	_ =	shalt  }
0x5a: {  	_ =	shalt  }
0x5b: {  	_ =	shalt  }
0x5c: {  	_ =	shalt  }
0x5d: {  	_ =	shalt  }
0x5e: {  	_ =	shalt  }
0x5f: {  	_ =	shalt  }
0x60: {  	_ =	shalt  }
0x61: {  	_ =	shalt  }
0x62: {  	_ =	shalt  }
0x63: {  	_ =	shalt  }
0x64: {  	_ =	shalt  }
0x65: {  	_ =	shalt  }
0x66: {  	_ =	shalt  }
0x67: {  	_ =	shalt  }
0x68: {  	_ =	shalt  }
0x69: {  	_ =	shalt  }
0x6a: {  	_ =	shalt  }
0x6b: {  	_ =	shalt  }
0x6c: {  	_ =	shalt  }
0x6d: {  	_ =	shalt  }
0x6e: {  	_ =	shalt  }
0x6f: {  	_ =	shalt  }
0x70: {  	_ =	shalt  }
0x71: {  	_ =	shalt  }
0x72: {  	_ =	shalt  }
0x73: {  	_ =	shalt  }
0x74: {  	_ =	shalt  }
0x75: {  	_ =	shalt  }
0x76: {  	_ =	shalt  }
0x77: {  	_ =	shalt  }
0x78: {  	_ =	shalt  }
0x79: {  	_ =	shalt  }
0x7a: {  	_ =	shalt  }
0x7b: {  	_ =	shalt  }
0x7c: {  	_ =	shalt  }
0x7d: {  	_ =	shalt  }
0x7e: {  	_ =	shalt  }
0x7f: {  	_ =	shalt  }
0x80: {  	_ =	shalt  }
0x81: {  	_ =	shalt  }
0x82: {  	_ =	shalt  }
0x83: {  	_ =	shalt  }
0x84: {  	_ =	shalt  }
0x85: {  	_ =	shalt  }
0x86: {  	_ =	shalt  }
0x87: {  	_ =	shalt  }
.Lfunc_end0:
.L_simem_size_0:
called_computation.4_lowered:
.L_overlay_start_0:
0x88: {  	s2 =	sld [smem:$0x3FD9]  }
0x89: {  	s3 =	sld [smem:$0x3FFE];
	_ =	sdelay $0x1  }
0x8a: {  	s1 =	srdreg.scid  }
0x8b: {  	s0 =	sand.u32 $0x1, s1  }
0x8c: {  	s16 =	sshll.u32 s0, $0xA;
	s2 =	sadd.s32 s3, s2  }
0x8d: {  	s2 =	sadd.s32 s2, s16  }
0x8e: {  	[smem:$0x3FBA] =	sst s2  }
0x8f: {  	_ = 	snop  }
0x90: {  	(tm) =	ssettm $0x1  }
0x91: {  	s17 =	sld [smem:$0x3FFB];
	_ =	sdelay $0x3  }
0x92: {  	_ =	strace s17  }
0x93: {  	s2 =	sld [smem:$0x3FFC];
	_ =	sdelay $0x3  }
0x94: {  	_ =	strace s2  }
0x95: {  	s2 =	sld [smem:$0x3FFD];
	_ =	sdelay $0x3  }
0x96: {  	_ =	strace s2  }
0x97: {  	_ =	strace $0x8FFFFFFF  }
0x98: {  	s18 =	sld [smem:$0x3FDB];
	_ =	sdelay $0x1  }
0x99: {  	s19 =	simm.s32 $_scs_section_size  }
0x9a: {  	s4 =	simm.s32 $_size__tile_overlayer_lowered;
	s5 =	simm.s32 $_tile_overlayer_lowered  }
0x9b: {  	s22 =	simm.s32 $0x1BFF;
	s21 =	sshll.u32 s5, $0x1;
	s2 =	sadd.s32 s19, s18  }
0x9c: {  	s6 =	simm.s32 $0x0;
	s20 =	sshll.u32 s4, $0x1;
	s4 =	sadd.s32 s21, s2  }
0x9d: {  	[timem:s6], [sflag:s22] =	dma.local [hbm:s4], s20  }
0x9e: {  	_ =	swait.ge [sflag:s22], s20  }
0x9f: {  	s3 =	ssub.s32 $0x0, s20;
	[sflag:s22] =	ssyncset.done $0x0  }
0xa0: {  	[sflag:s22] =	ssyncadd.s32 s3;
	_ =	sdelay $0x1  }
0xa1: {  	s23 =	simm.s32 $0x1B8B  }
0xa2: {  	_ =	swait.ge [sflag:s23], $0x1  }
0xa3: {  	[sflag:s23] =	ssyncset.done $0x0  }
0xa4: {  	s25 =	simm.s32 $0x1B8E;
	s24 =	sld [smem:$0x3FFE];
	[sflag:s23] =	ssyncadd.s32 $0xFFFFFFFF  }
0xa5: {  	s26 =	simm.s32 $execute0_lowered;
	[smem:$0x3FD2] =	sst s25  }
0xa6: {  	s4 =	sshll.u32 s26, $0x1;
	_ =	strace $0x80000052;
	[dreg:$0x1] =	wrdreg $0xFFFFFFFF  }
0xa7: {  	s28 =	simm.s32 $_size_execute0_lowered;
	s2 =	sadd.s32 s2, s4;
	[dreg:$0x0] =	wrdreg $0x0  }
0xa8: {  	s4 =	sshll.u32 s28, $0x1;
	[dreg:$0x2] =	wrdreg s2  }
0xa9: {  	[dreg:$0x3] =	wrdreg s4  }
0xaa: {  	[dreg:$0x4] =	wrdreg $0xC0  }
0xab: {  	_ =	task [dreg:s6], $0x5FFFF  }
0xac: {  	[dreg:$0x1] =	wrdreg $0xFFFFFFFF  }
0xad: {  	[dreg:$0x0] =	wrdreg $0x60  }
0xae: {  	[dreg:$0x2] =	wrdreg s24  }
0xaf: {  	[dreg:$0x3] =	wrdreg $0x0  }
0xb0: {  	[dreg:$0x4] =	wrdreg $0x9  }
0xb1: {  	_ =	task.clear_ibuf [dreg:s6], $0x5FFFF;
	_ =	strace $0x90000052  }
0xb2: {  	s29 =	simm.s32 $0x9;
	_ =	strace $0x80000054  }
0xb3: {  	_ =	swait.ge [sflag:s29], $0x1  }
0xb4: {  	[sflag:s29] =	ssyncadd.s32 $0xFFFFFFFF  }
0xb5: {  	_ =	strace $0x90000054  }
0xb6: {  	_ =	sfence  }
0xb7: {  	s30 =	sld [smem:$0x0];
	_ =	sdelay $0x2  }
0xb8: {  	s31 =	sshll.u32 s1, $0xD;
	s1 =	sshrl.u32 s1, $0x2  }
0xb9: {  	s3 =	sand.u32 $0x4000, s31;
	s1 =	sadd.s32 s1, s30  }
0xba: {  	s0 =	sor.u32 s3, s0;
	s1 =	sshll.u32 s1, $0x11  }
0xbb: {  	s0 =	sor.u32 s1, s0  }
0xbc: {  	s0 =	sadd.s32 $0x8F2B, s0  }
0xbd: {  	[sflag:s0] =	ssyncadd.remote.s32 $0x1  }
0xbe: {  	_ =	sfence.sel $0xFFFF  }
0xbf: {  	[dreg:$0x0] =	wrdreg $0xFFFFFFFF;
	(pc) =	sbr.abs _section_cstart, $3  }
0xc0: {  	[dreg:$0x1] =	wrdreg $0xFFFFFFFF  }
0xc1: {  	_ =	task.clear_ibuf [dreg:s6], $0x2FFFF;
	_ =	strace $0x9FFFFFFF  }
0xc2: {  	(tm) =	ssettm $0x7FFFFFFF  }
0xc3: {  	_ =	shalt  }
tec
execute0_lowered:
.L_overlay_start_1:
0x0: {  	(tag) =	ssettag $0x1  }
0x1: {  	s0 =	rddreg [dreg:$0x0]  }
0x2: {  	s2 =	rddreg [dreg:$0x1];
	s3 =	simm.s32 $0x0;
	s11 =	stileid.u32  }
0x3: {  	s1 =	srdreg.scid;
	s13 =	simm.s32 $0x5;
	s14 =	simm.s32 $0x14000  }
0x4: {  	s15 =	simm.s32 $0x15000;
	s16 =	simm.s32 $0x40;
	s17 =	simm.s32 $0x16000  }
0x5: {  	s18 =	simm.s32 $0x14080;
	s19 =	simm.s32 $0x18000;
	s28 =	simm.s32 $0x4  }
0x6: {  	s29 =	simm.s32 $0x15E00;
	s30 =	simm.s32 $0x15E80;
	s31 =	simm.s32 $0x15F00  }
0x7: {  	[smem:$0x7FF] =	sst s3;
	s7 =	smul.u32 $0x14000, s11;
	s1 =	sand.u32 $0x1, s1  }
0x8: {  	s4 =	sadd.s32 $0x11D400, s0;
	s5 =	sadd.s32 $0x54E00, s0;
	s10 =	smul.u32 $0x50000, s11  }
0x9: {  	s6 =	sadd.s32 $0x4E00, s0;
	s23 =	smul.u32 $0xA000, s11;
	s25 =	sshll.u32 s11, $0x6  }
0xa: {  	_ =	strace $0x80000053;
	s8 =	smul.u32 $0x140000, s1;
	s20 =	ssub.s32 $0x2, s1  }
0xb: {  	s1 =	smul.u32 $0xA0000, s1;
	s9 =	sshrl.u32 s7, $0x3;
	s21 =	sshrl.u32 s20, $0x1  }
0xc: {  	s22 =	sshrl.u32 s10, $0x2;
	s9 =	sadd.s32 s9, s0;
	s7 =	sadd.s32 s7, s8  }
0xd: {  	s12 =	sadd.s32 s22, s2;
	s8 =	sor.u32 $0x1C05, s25;
	s22 =	simm.s32 $0x14180  }
0xe: {  	s25 =	simm.s32 $0x2;
	s7 =	sshrl.u32 s7, $0x3;
	s24 =	sadd.s32 $0xA5400, s9  }
0xf: {  	s9 =	sadd.s32 s23, s1;
	s12 =	sshrl.u32 s12, $0x3;
	s23 =	simm.s32 $0x1C000  }
0x10: {  	s0 =	sadd.s32 s7, s0;
	s7 =	ssub.s32 s20, s21;
	[dreg:$0x3] =	wrdreg s24  }
0x11: {  	s20 =	simm.s32 $0x14100;
	s21 =	simm.s32 $0x1A000;
	s0 =	sadd.s32 $0x16D400, s0  }
0x12: {  	s24 =	simm.s32 $0x1;
	s26 =	smax.u32 s7, $0x1;
	[dreg:$0x4] =	wrdreg s0  }
0x13: {  	[dreg:$0x5] =	wrdreg s26;
	s26 =	simm.s32 $0x3;
	s0 =	simm.s32 $0x15F80  }
.LBB2_1:
0x14: {  	s1 =	rddreg [dreg:$0x3]  }
0x15: {  	[spmem:s12], [sflag:s8] =	dma.local [hbm:s1], $0x2800  }
0x16: {  	_ =	swait.ge [sflag:s13], $0x2800  }
0x17: {  	[sflag:s13] =	ssyncset.done $0x0  }
0x18: {  	[sflag:s13] =	ssyncadd.s32 $0xFFFFD800  }
0x19: {  	s1 =	simm.s32 $0x0;
	[bflag:$0x0] =	sbarrier.arrive $0xFFFF  }
.LBB2_2:
0x1a: {  	s7 =	sshll.u32 s1, $0xC  }
0x1b: {  	s7 =	sadd.s32 s7, s9  }
0x1c: {  	s7 =	sshrl.u32 s7, $0x3  }
0x1d: {  	s11 =	simm.s32 $0x0;
	s10 =	sadd.s32 s5, s7  }
0x1e: {  	[tilespmem:s14], [sflag:$0x5] =	stream.linear.gather [hbm4b:s10+s11], $0x1000, $0x38;
	[tilespmem:$0x1E000] =	vst v63  }
0x1f: {  	_ =	swait.ge [sflag:s13], $0x1000  }
0x20: {  	[sflag:s13] =	ssyncset.done $0x0  }
0x21: {  	s7 =	sadd.s32 s6, s7;
	[sflag:s13] =	ssyncadd.s32 $0xFFFFF000  }
0x22: {  	[tilespmem:s15], [sflag:$0x5] =	stream.linear.gather [hbm4b:s7+s11], $0x1000, $0x38;
	[tilespmem:$0x1E000] =	vst v63  }
0x23: {  	_ =	swait.ge [sflag:s13], $0x1000  }
0x24: {  	[sflag:s13] =	ssyncset.done $0x0  }
0x25: {  	[sflag:s13] =	ssyncadd.s32 $0xFFFFF000  }
0x26: {  	[tilespmem:s17], [sflag:$0x1] =	stream.indirect.gather [hbm4b:s4+s16], $0x80, s14, s16, $0xb8;
	[tilespmem:$0x1E000] =	vst v63  }
0x27: {  	_ = 	snop  }
0x28: {  	[tilespmem:s19], [sflag:$0x2] =	stream.indirect.gather [hbm4b:s4+s16], $0x80, s18, s16, $0xb8;
	[tilespmem:$0x1E000] =	vst v63  }
0x29: {  	_ = 	snop  }
0x2a: {  	[tilespmem:s21], [sflag:$0x3] =	stream.indirect.gather [hbm4b:s4+s16], $0x80, s20, s16, $0xb8;
	[tilespmem:$0x1E000] =	vst v63  }
0x2b: {  	_ = 	snop  }
0x2c: {  	[tilespmem:s23], [sflag:$0x4] =	stream.indirect.gather [hbm4b:s4+s16], $0x80, s22, s16, $0xb8;
	[tilespmem:$0x1E000] =	vst v63  }
0x2d: {  	_ =	swait.ge [sflag:s24], $0x2000  }
0x2e: {  	[sflag:s24] =	ssyncset.done $0x0  }
0x2f: {  	s11 =	simm.s32 $0x15000;
	[sflag:s24] =	ssyncadd.s32 $0xFFFFE000  }
0x30: {  	[spmem:s2] =	stream.indirect.scatter.add.f32 [tilespmem:s17], [sflag:$0x5], $0x80, s11, s16, $0xb8;
	[tilespmem:$0x1E000] =	vst v63  }
0x31: {  	_ =	swait.ge [sflag:s13], $0x2000  }
0x32: {  	[sflag:s13] =	ssyncset.done $0x0  }
0x33: {  	s10 =	simm.s32 $0x14200;
	[sflag:s13] =	ssyncadd.s32 $0xFFFFE000  }
0x34: {  	[tilespmem:s17], [sflag:$0x1] =	stream.indirect.gather [hbm4b:s4+s16], $0x80, s10, s16, $0xb8;
	[tilespmem:$0x1E000] =	vst v63  }
0x35: {  	_ =	swait.ge [sflag:s25], $0x2000  }
0x36: {  	[sflag:s25] =	ssyncset.done $0x0  }
0x37: {  	s11 =	simm.s32 $0x15080;
	[sflag:s25] =	ssyncadd.s32 $0xFFFFE000  }
0x38: {  	[spmem:s2] =	stream.indirect.scatter.add.f32 [tilespmem:s19], [sflag:$0x5], $0x80, s11, s16, $0xb8;
	[tilespmem:$0x1E000] =	vst v63  }
0x39: {  	_ =	swait.ge [sflag:s13], $0x2000  }
0x3a: {  	[sflag:s13] =	ssyncset.done $0x0  }
0x3b: {  	s10 =	simm.s32 $0x14280;
	[sflag:s13] =	ssyncadd.s32 $0xFFFFE000  }
0x3c: {  	[tilespmem:s19], [sflag:$0x2] =	stream.indirect.gather [hbm4b:s4+s16], $0x80, s10, s16, $0xb8;
	[tilespmem:$0x1E000] =	vst v63  }
0x3d: {  	_ =	swait.ge [sflag:s26], $0x2000  }
0x3e: {  	[sflag:s26] =	ssyncset.done $0x0  }
0x3f: {  	s11 =	simm.s32 $0x15100;
	[sflag:s26] =	ssyncadd.s32 $0xFFFFE000  }
0x40: {  	[spmem:s2] =	stream.indirect.scatter.add.f32 [tilespmem:s21], [sflag:$0x5], $0x80, s11, s16, $0xb8;
	[tilespmem:$0x1E000] =	vst v63  }
0x41: {  	_ =	swait.ge [sflag:s13], $0x2000  }
0x42: {  	[sflag:s13] =	ssyncset.done $0x0  }
0x43: {  	s10 =	simm.s32 $0x14300;
	[sflag:s13] =	ssyncadd.s32 $0xFFFFE000  }
0x44: {  	[tilespmem:s21], [sflag:$0x3] =	stream.indirect.gather [hbm4b:s4+s16], $0x80, s10, s16, $0xb8;
	[tilespmem:$0x1E000] =	vst v63  }
0x45: {  	_ =	swait.ge [sflag:s28], $0x2000  }
0x46: {  	[sflag:s28] =	ssyncset.done $0x0  }
0x47: {  	s11 =	simm.s32 $0x15180;
	[sflag:s28] =	ssyncadd.s32 $0xFFFFE000  }
0x48: {  	[spmem:s2] =	stream.indirect.scatter.add.f32 [tilespmem:s23], [sflag:$0x5], $0x80, s11, s16, $0xb8;
	[tilespmem:$0x1E000] =	vst v63  }
0x49: {  	_ =	swait.ge [sflag:s13], $0x2000  }
0x4a: {  	[sflag:s13] =	ssyncset.done $0x0  }
0x4b: {  	s7 =	simm.s32 $0x800;
	s10 =	simm.s32 $0x14380;
	[sflag:s13] =	ssyncadd.s32 $0xFFFFE000  }
.LBB2_3:
0x4c: {  	[tilespmem:s23], [sflag:$0x4] =	stream.indirect.gather [hbm4b:s4+s16], $0x80, s10, s16, $0xb8;
	[tilespmem:$0x1E000] =	vst v63  }
0x4d: {  	s10 =	smov.u32 s7  }
0x4e: {  	p0 =	sne.s32 s7, $0x3000;
	s7 =	sadd.s32 $0x800, s7;
	_ =	swait.ge [sflag:s24], $0x2000  }
0x4f: {  	s10 =	sshra.s32 s10, $0x2;
	[sflag:s24] =	ssyncset.done $0x0  }
0x50: {  	s11 =	sadd.s32 $0x15000, s10;
	[sflag:s24] =	ssyncadd.s32 $0xFFFFE000  }
0x51: {  	[spmem:s2] =	stream.indirect.scatter.add.f32 [tilespmem:s17], [sflag:$0x5], $0x80, s11, s16, $0xb8;
	[tilespmem:$0x1E000] =	vst v63  }
0x52: {  	_ =	swait.ge [sflag:s13], $0x2000  }
0x53: {  	[sflag:s13] =	ssyncset.done $0x0  }
0x54: {  	s11 =	sadd.s32 $0x14200, s10;
	[sflag:s13] =	ssyncadd.s32 $0xFFFFE000  }
0x55: {  	[tilespmem:s17], [sflag:$0x1] =	stream.indirect.gather [hbm4b:s4+s16], $0x80, s11, s16, $0xb8;
	[tilespmem:$0x1E000] =	vst v63  }
0x56: {  	_ =	swait.ge [sflag:s25], $0x2000  }
0x57: {  	[sflag:s25] =	ssyncset.done $0x0  }
0x58: {  	s11 =	sadd.s32 $0x15080, s10;
	[sflag:s25] =	ssyncadd.s32 $0xFFFFE000  }
0x59: {  	[spmem:s2] =	stream.indirect.scatter.add.f32 [tilespmem:s19], [sflag:$0x5], $0x80, s11, s16, $0xb8;
	[tilespmem:$0x1E000] =	vst v63  }
0x5a: {  	_ =	swait.ge [sflag:s13], $0x2000  }
0x5b: {  	[sflag:s13] =	ssyncset.done $0x0  }
0x5c: {  	s11 =	sadd.s32 $0x14280, s10;
	[sflag:s13] =	ssyncadd.s32 $0xFFFFE000  }
0x5d: {  	[tilespmem:s19], [sflag:$0x2] =	stream.indirect.gather [hbm4b:s4+s16], $0x80, s11, s16, $0xb8;
	[tilespmem:$0x1E000] =	vst v63  }
0x5e: {  	_ =	swait.ge [sflag:s26], $0x2000  }
0x5f: {  	[sflag:s26] =	ssyncset.done $0x0  }
0x60: {  	s11 =	sadd.s32 $0x15100, s10;
	[sflag:s26] =	ssyncadd.s32 $0xFFFFE000  }
0x61: {  	[spmem:s2] =	stream.indirect.scatter.add.f32 [tilespmem:s21], [sflag:$0x5], $0x80, s11, s16, $0xb8;
	[tilespmem:$0x1E000] =	vst v63  }
0x62: {  	_ =	swait.ge [sflag:s13], $0x2000  }
0x63: {  	[sflag:s13] =	ssyncset.done $0x0  }
0x64: {  	s11 =	sadd.s32 $0x14300, s10;
	[sflag:s13] =	ssyncadd.s32 $0xFFFFE000  }
0x65: {  	[tilespmem:s21], [sflag:$0x3] =	stream.indirect.gather [hbm4b:s4+s16], $0x80, s11, s16, $0xb8;
	[tilespmem:$0x1E000] =	vst v63  }
0x66: {  	_ =	swait.ge [sflag:s28], $0x2000  }
0x67: {  	[sflag:s28] =	ssyncset.done $0x0  }
.Ltmp0:
0x68: {  	s11 =	sadd.s32 $0x15180, s10;
	[sflag:s28] =	ssyncadd.s32 $0xFFFFE000;
	(pc) =	sbr.rel @p0 .LBB2_3-.Ltmp0, $4  }
0x69: {  	[spmem:s2] =	stream.indirect.scatter.add.f32 [tilespmem:s23], [sflag:$0x5], $0x80, s11, s16, $0xb8;
	[tilespmem:$0x1E000] =	vst v63  }
0x6a: {  	_ =	swait.ge [sflag:s13], $0x2000  }
0x6b: {  	[sflag:s13] =	ssyncset.done $0x0  }
0x6c: {  	s10 =	sadd.s32 $0x14380, s10;
	[sflag:s13] =	ssyncadd.s32 $0xFFFFE000  }
0x6d: {  	[tilespmem:s23], [sflag:$0x4] =	stream.indirect.gather [hbm4b:s4+s16], $0x80, s10, s16, $0xb8;
	[tilespmem:$0x1E000] =	vst v63  }
0x6e: {  	_ =	swait.ge [sflag:s24], $0x2000  }
0x6f: {  	[sflag:s24] =	ssyncset.done $0x0  }
0x70: {  	[sflag:s24] =	ssyncadd.s32 $0xFFFFE000  }
0x71: {  	[spmem:s2] =	stream.indirect.scatter.add.f32 [tilespmem:s17], [sflag:$0x5], $0x80, s29, s16, $0xb8;
	[tilespmem:$0x1E000] =	vst v63  }
0x72: {  	_ =	swait.ge [sflag:s13], $0x2000  }
0x73: {  	[sflag:s13] =	ssyncset.done $0x0  }
0x74: {  	[sflag:s13] =	ssyncadd.s32 $0xFFFFE000  }
0x75: {  	_ =	swait.ge [sflag:s25], $0x2000  }
0x76: {  	[sflag:s25] =	ssyncset.done $0x0  }
0x77: {  	[sflag:s25] =	ssyncadd.s32 $0xFFFFE000  }
0x78: {  	[spmem:s2] =	stream.indirect.scatter.add.f32 [tilespmem:s19], [sflag:$0x5], $0x80, s30, s16, $0xb8;
	[tilespmem:$0x1E000] =	vst v63  }
0x79: {  	_ =	swait.ge [sflag:s13], $0x2000  }
0x7a: {  	[sflag:s13] =	ssyncset.done $0x0  }
0x7b: {  	[sflag:s13] =	ssyncadd.s32 $0xFFFFE000  }
0x7c: {  	_ =	swait.ge [sflag:s26], $0x2000  }
0x7d: {  	[sflag:s26] =	ssyncset.done $0x0  }
0x7e: {  	[sflag:s26] =	ssyncadd.s32 $0xFFFFE000  }
0x7f: {  	[spmem:s2] =	stream.indirect.scatter.add.f32 [tilespmem:s21], [sflag:$0x5], $0x80, s31, s16, $0xb8;
	[tilespmem:$0x1E000] =	vst v63  }
0x80: {  	_ =	swait.ge [sflag:s13], $0x2000  }
0x81: {  	[sflag:s13] =	ssyncset.done $0x0  }
0x82: {  	[sflag:s13] =	ssyncadd.s32 $0xFFFFE000  }
0x83: {  	s1 =	sadd.s32 $0x1, s1;
	_ =	swait.ge [sflag:s28], $0x2000  }
0x84: {  	p0 =	sne.s32 s1, $0xA;
	[sflag:s28] =	ssyncset.done $0x0  }
.Ltmp1:
0x85: {  	[sflag:s28] =	ssyncadd.s32 $0xFFFFE000;
	(pc) =	sbr.rel @p0 .LBB2_2-.Ltmp1, $4  }
0x86: {  	[spmem:s2] =	stream.indirect.scatter.add.f32 [tilespmem:s23], [sflag:$0x5], $0x80, s0, s16, $0xb8;
	[tilespmem:$0x1E000] =	vst v63  }
0x87: {  	_ =	swait.ge [sflag:s13], $0x2000  }
0x88: {  	[sflag:s13] =	ssyncset.done $0x0  }
0x89: {  	[sflag:s13] =	ssyncadd.s32 $0xFFFFE000  }
0x8a: {  	[bflag:$0x0] =	sbarrier.arrive $0xFFFF  }
0x8b: {  	s1 =	rddreg [dreg:$0x4]  }
0x8c: {  	[hbm:s1], [sflag:s8] =	dma.local [spmem:s12], $0x2800  }
0x8d: {  	_ =	swait.ge [sflag:s13], $0x2800  }
0x8e: {  	s3 =	sadd.s32 $0x1, s3;
	s11 =	rddreg [dreg:$0x5]  }
0x8f: {  	p0 =	sne.s32 s3, s11  }
.Ltmp2:
0x90: {  	_ = 	snop;
	(pc) =	sbr.rel @p0 .LBB2_1-.Ltmp2, $3  }
0x91: {  	_ =	sdelay $0x1  }
0x92: {  	[sflag:s13] =	ssyncset.done $0x0  }
0x93: {  	[sflag:s13] =	ssyncadd.s32 $0xFFFFD800  }
0x94: {  	_ =	sfence.sel $0x180000  }
0x95: {  	[bflag:$0x0] =	sbarrier.arrive $0xFFFF  }
0x96: {  	_ =	strace $0x90000053  }
0x97: {  	s0 =	stileid.u32;
	[bflag:$0x2] =	sbarrier.arrive $0xFFFF  }
0x98: {  	p0 =	sne.s32 s0, $0x0;
	s0 =	rddreg [dreg:$0x2]  }
0x99: {  	s0 =	sadd.s32 @!p0 $0x100000, s0  }
0x9a: {  	[sflag:s0] =	ssyncadd.tile.s32 @!p0 $0x1;
	_ =	shalt  }
.Lfunc_end2:
_tile_overlayer_lowered:
.L_overlay_start_2:
0x9b: {  	(tag) =	ssettag $0x2  }
0x9c: {  	s0 =	rddreg [dreg:$0x0];
	s2 =	stileid.u32  }
0x9d: {  	s1 =	rddreg [dreg:$0x1];
	p0 =	sne.s32 s2, $0x0  }
0x9e: {  	s3 =	rddreg [dreg:$0x2];
	[bflag:$0x3] =	sbarrier.arrive $0xFFFF;
	s2 =	simm.s32 @!p0 $0x1C05  }
0x9f: {  	[timem:s3], [sflag:s2] =	dma.local @!p0 [hbm:s0], s1  }
0xa0: {  	s0 =	simm.s32 @!p0 $0x5  }
0xa1: {  	_ =	swait.ge @!p0 [sflag:s0], s1  }
0xa2: {  	s1 =	ssub.s32 @!p0 $0x0, s1;
	[sflag:s0] =	ssyncset.done @!p0 $0x0  }
0xa3: {  	[sflag:s0] =	ssyncadd.s32 @!p0 s1  }
0xa4: {  	[bflag:$0x3] =	sbarrier.arrive $0xFFFF  }
0xa5: {  	_ =	shalt  }

// kernel: sc_appnp.19.cloned.1.call-start
scs
__scs_entry_jumppad:
0x0: {  	(pc) =	sbr.rel $0x88, $3  }
0x1: {  	(tag) =	ssettag $0x0;
	lr =	simm.s32 $0x1  }
0x2: {  	[smem:$0x3F93] =	sst lr;
	_ =	strace $0xD0000000  }
0x3: {  	_ = 	snop  }
0x4: {  	_ = 	snop  }
0x5: {  	_ = 	snop  }
0x6: {  	_ = 	snop  }
0x7: {  	_ = 	snop  }
__scs_overlays_trampoline_lowered:
0x8: {  	[smem:$0x3FA2] =	sst s0  }
0x9: {  	[smem:$0x3FA3] =	sst s1  }
0xa: {  	[smem:$0x3FA4] =	sst s2  }
0xb: {  	[smem:$0x3FA5] =	sst s3  }
0xc: {  	[smem:$0x3FA6] =	sst s4  }
0xd: {  	[smem:$0x3FA7] =	sst s5  }
0xe: {  	[smem:$0x3FA8] =	sst s6  }
0xf: {  	[smem:$0x3FA9] =	sst s7  }
0x10: {  	[smem:$0x3FAA] =	sst s8  }
0x11: {  	[smem:$0x3FAB] =	sst s9;
	s0 =	simm.s32 @!p0 $0x0  }
0x12: {  	s1 =	sld [smem:$0x3F91];
	s0 =	simm.s32 @p0 $0x1  }
0x13: {  	[smem:$0x3FAC] =	sst s0;
	s0 =	simm.s32 @!p1 $0x0  }
0x14: {  	s2 =	sld [smem:$0x3F90];
	s0 =	simm.s32 @p1 $0x1  }
0x15: {  	[smem:$0x3FAD] =	sst s0;
	s0 =	simm.s32 @!p2 $0x0  }
0x16: {  	s3 =	sld [smem:$0x3FDB];
	s0 =	simm.s32 @p2 $0x1  }
0x17: {  	s4 =	simm.s32 $0x1BF5;
	[smem:$0x3FAF] =	sst s0  }
0x18: {  	s0 =	sld [smem:$0x3F92];
	_ =	swait.ge [sflag:s4], $0x0  }
0x19: {  	s7 =	sld [smem:$0x3F93]  }
0x1a: {  	s8 =	sadd.s32 $0xFFFFE003, lr  }
0x1b: {  	s9 =	sadd.s32 $0xFFFFFEF7, lr;
	s5 =	simm.s32 $0xFFFFFFFF;
	p2 =	slt.u32 s8, $0xFFFFF086  }
0x1c: {  	p1 =	slt.u32 s9, $0xF7A;
	s5 =	simm.s32 @!p2 $0x0  }
0x1d: {  	s5 =	simm.s32 @p1 $0x1;
	p0 =	seq.s32 s7, s2  }
0x1e: {  	s7 =	smul.u32 @!p0 $0xF7A, s2;
	p2 =	seq.s32 @!p0 s5, $0x0  }
0x1f: {  	s9 =	smul.u32 $0xF7A, s1;
	s8 =	simm.s32 @!p0 $0x1BF5;
	p2 =	por !p2, p0  }
0x20: {  	[sflag:s8] =	ssyncset.s32 @!p0 $0xFFFFF086;
	s6 =	sadd.s32 @!p0 s3, s7;
	s7 =	simm.s32 @!p0 $0x108  }
0x21: {  	s3 =	sadd.s32 s3, s9;
	s6 =	sadd.s32 @!p0 $0x88, s6;
	s7 =	simm.s32 @p2 $0x1082  }
0x22: {  	[simem:s7], [sflag:s8] =	dma.local @!p0 [hbm:s6], $0xF7A  }
0x23: {  	s9 =	sor.u32 $0xD0000000, s2;
	s6 =	simm.s32 $0x108;
	_ =	swait.ge @!p0 [sflag:s8], $0x0  }
0x24: {  	s3 =	sadd.s32 $0x88, s3;
	s6 =	simm.s32 @!p1 $0x1082;
	[sflag:s4] =	ssyncset.s32 $0xFFFFF086  }
0x25: {  	[simem:s6], [sflag:s4] =	dma.local [hbm:s3], $0xF7A  }
0x26: {  	[smem:$0x3F93] =	sst s1;
	(tag) =	ssettag s2;
	_ =	strace s9  }
0x27: {  	s1 =	sld [smem:$0x3FA3]  }
0x28: {  	s2 =	sld [smem:$0x3FA4]  }
0x29: {  	s4 =	sld [smem:$0x3FA6]  }
0x2a: {  	p0 =	seq.s32 s5, $0x0;
	s5 =	sld [smem:$0x3FA7]  }
0x2b: {  	s6 =	sld [smem:$0x3FA8]  }
0x2c: {  	s7 =	sld [smem:$0x3FA9]  }
0x2d: {  	s3 =	simm.s32 $0x108;
	s8 =	sld [smem:$0x3FAA]  }
0x2e: {  	s3 =	simm.s32 @!p0 $0x1082;
	s9 =	sld [smem:$0x3FAB]  }
0x2f: {  	lr =	sadd.s32 s0, s3;
	s0 =	sld [smem:$0x3FA2]  }
0x30: {  	s3 =	sld [smem:$0x3FA5]  }
0x31: {  	[smem:$0x3FAE] =	sst s10  }
0x32: {  	s10 =	sld [smem:$0x3FAC];
	_ =	sdelay $0x3  }
0x33: {  	p0 =	seq.s32 s10, $0x1;
	s10 =	sld [smem:$0x3FAE];
	_ =	sdelay $0x3  }
0x34: {  	[smem:$0x3FAE] =	sst s10  }
0x35: {  	s10 =	sld [smem:$0x3FAD];
	_ =	sdelay $0x3  }
0x36: {  	p1 =	seq.s32 s10, $0x1;
	s10 =	sld [smem:$0x3FAE];
	_ =	sdelay $0x3  }
0x37: {  	[smem:$0x3FAE] =	sst s10  }
0x38: {  	s10 =	sld [smem:$0x3FAF]  }
0x39: {  	_ = 	snop;
	(pc) =	sbr.ind lr, $3  }
0x3a: {  	_ = 	snop  }
0x3b: {  	_ = 	snop  }
0x3c: {  	p2 =	seq.s32 s10, $0x1;
	s10 =	sld [smem:$0x3FAE]  }
0x3d: {  	_ =	shalt  }
0x3e: {  	_ =	shalt  }
0x3f: {  	_ =	shalt  }
0x40: {  	_ =	shalt  }
0x41: {  	_ =	shalt  }
0x42: {  	_ =	shalt  }
0x43: {  	_ =	shalt  }
0x44: {  	_ =	shalt  }
0x45: {  	_ =	shalt  }
0x46: {  	_ =	shalt  }
0x47: {  	_ =	shalt  }
0x48: {  	_ =	shalt  }
0x49: {  	_ =	shalt  }
0x4a: {  	_ =	shalt  }
0x4b: {  	_ =	shalt  }
0x4c: {  	_ =	shalt  }
0x4d: {  	_ =	shalt  }
0x4e: {  	_ =	shalt  }
0x4f: {  	_ =	shalt  }
0x50: {  	_ =	shalt  }
0x51: {  	_ =	shalt  }
0x52: {  	_ =	shalt  }
0x53: {  	_ =	shalt  }
0x54: {  	_ =	shalt  }
0x55: {  	_ =	shalt  }
0x56: {  	_ =	shalt  }
0x57: {  	_ =	shalt  }
0x58: {  	_ =	shalt  }
0x59: {  	_ =	shalt  }
0x5a: {  	_ =	shalt  }
0x5b: {  	_ =	shalt  }
0x5c: {  	_ =	shalt  }
0x5d: {  	_ =	shalt  }
0x5e: {  	_ =	shalt  }
0x5f: {  	_ =	shalt  }
0x60: {  	_ =	shalt  }
0x61: {  	_ =	shalt  }
0x62: {  	_ =	shalt  }
0x63: {  	_ =	shalt  }
0x64: {  	_ =	shalt  }
0x65: {  	_ =	shalt  }
0x66: {  	_ =	shalt  }
0x67: {  	_ =	shalt  }
0x68: {  	_ =	shalt  }
0x69: {  	_ =	shalt  }
0x6a: {  	_ =	shalt  }
0x6b: {  	_ =	shalt  }
0x6c: {  	_ =	shalt  }
0x6d: {  	_ =	shalt  }
0x6e: {  	_ =	shalt  }
0x6f: {  	_ =	shalt  }
0x70: {  	_ =	shalt  }
0x71: {  	_ =	shalt  }
0x72: {  	_ =	shalt  }
0x73: {  	_ =	shalt  }
0x74: {  	_ =	shalt  }
0x75: {  	_ =	shalt  }
0x76: {  	_ =	shalt  }
0x77: {  	_ =	shalt  }
0x78: {  	_ =	shalt  }
0x79: {  	_ =	shalt  }
0x7a: {  	_ =	shalt  }
0x7b: {  	_ =	shalt  }
0x7c: {  	_ =	shalt  }
0x7d: {  	_ =	shalt  }
0x7e: {  	_ =	shalt  }
0x7f: {  	_ =	shalt  }
0x80: {  	_ =	shalt  }
0x81: {  	_ =	shalt  }
0x82: {  	_ =	shalt  }
0x83: {  	_ =	shalt  }
0x84: {  	_ =	shalt  }
0x85: {  	_ =	shalt  }
0x86: {  	_ =	shalt  }
0x87: {  	_ =	shalt  }
.Lfunc_end0:
.L_simem_size_0:
called_computation.5_lowered:
.L_overlay_start_0:
0x88: {  	s2 =	sld [smem:$0x3FD9]  }
0x89: {  	s3 =	sld [smem:$0x3FFE];
	_ =	sdelay $0x1  }
0x8a: {  	s1 =	srdreg.scid  }
0x8b: {  	s0 =	sand.u32 $0x1, s1  }
0x8c: {  	s16 =	sshll.u32 s0, $0xA;
	s2 =	sadd.s32 s3, s2  }
0x8d: {  	s2 =	sadd.s32 s2, s16  }
0x8e: {  	[smem:$0x3FBA] =	sst s2  }
0x8f: {  	_ = 	snop  }
0x90: {  	(tm) =	ssettm $0x1  }
0x91: {  	s17 =	sld [smem:$0x3FFB];
	_ =	sdelay $0x3  }
0x92: {  	_ =	strace s17  }
0x93: {  	s2 =	sld [smem:$0x3FFC];
	_ =	sdelay $0x3  }
0x94: {  	_ =	strace s2  }
0x95: {  	s2 =	sld [smem:$0x3FFD];
	_ =	sdelay $0x3  }
0x96: {  	_ =	strace s2  }
0x97: {  	_ =	strace $0x8FFFFFFF  }
0x98: {  	s18 =	sld [smem:$0x3FDB];
	_ =	sdelay $0x1  }
0x99: {  	s19 =	simm.s32 $_scs_section_size  }
0x9a: {  	s4 =	simm.s32 $_size__tile_overlayer_lowered;
	s5 =	simm.s32 $_tile_overlayer_lowered  }
0x9b: {  	s22 =	simm.s32 $0x1BFF;
	s21 =	sshll.u32 s5, $0x1;
	s2 =	sadd.s32 s19, s18  }
0x9c: {  	s6 =	simm.s32 $0x0;
	s20 =	sshll.u32 s4, $0x1;
	s4 =	sadd.s32 s21, s2  }
0x9d: {  	[timem:s6], [sflag:s22] =	dma.local [hbm:s4], s20  }
0x9e: {  	_ =	swait.ge [sflag:s22], s20  }
0x9f: {  	s3 =	ssub.s32 $0x0, s20;
	[sflag:s22] =	ssyncset.done $0x0  }
0xa0: {  	[sflag:s22] =	ssyncadd.s32 s3;
	_ =	sdelay $0x1  }
0xa1: {  	s23 =	simm.s32 $0x1B8B  }
0xa2: {  	_ =	swait.ge [sflag:s23], $0x1  }
0xa3: {  	[sflag:s23] =	ssyncset.done $0x0  }
0xa4: {  	s25 =	simm.s32 $0x1B8E;
	s24 =	sld [smem:$0x3FFE];
	[sflag:s23] =	ssyncadd.s32 $0xFFFFFFFF  }
0xa5: {  	s26 =	simm.s32 $execute0_lowered;
	[smem:$0x3FD2] =	sst s25  }
0xa6: {  	s4 =	sshll.u32 s26, $0x1;
	_ =	strace $0x80000055;
	[dreg:$0x1] =	wrdreg $0xFFFFFFFF  }
0xa7: {  	s28 =	simm.s32 $_size_execute0_lowered;
	s2 =	sadd.s32 s2, s4;
	[dreg:$0x0] =	wrdreg $0x0  }
0xa8: {  	s4 =	sshll.u32 s28, $0x1;
	[dreg:$0x2] =	wrdreg s2  }
0xa9: {  	[dreg:$0x3] =	wrdreg s4  }
0xaa: {  	[dreg:$0x4] =	wrdreg $0xC0  }
0xab: {  	_ =	task [dreg:s6], $0x5FFFF  }
0xac: {  	[dreg:$0x1] =	wrdreg $0xFFFFFFFF  }
0xad: {  	[dreg:$0x0] =	wrdreg $0x60  }
0xae: {  	[dreg:$0x2] =	wrdreg s24  }
0xaf: {  	[dreg:$0x3] =	wrdreg $0x0  }
0xb0: {  	[dreg:$0x4] =	wrdreg $0x9  }
0xb1: {  	_ =	task.clear_ibuf [dreg:s6], $0x5FFFF;
	_ =	strace $0x90000055  }
0xb2: {  	s29 =	simm.s32 $0x9;
	_ =	strace $0x80000057  }
0xb3: {  	_ =	swait.ge [sflag:s29], $0x1  }
0xb4: {  	[sflag:s29] =	ssyncadd.s32 $0xFFFFFFFF  }
0xb5: {  	_ =	strace $0x90000057  }
0xb6: {  	_ =	sfence  }
0xb7: {  	s30 =	sld [smem:$0x0];
	_ =	sdelay $0x2  }
0xb8: {  	s31 =	sshll.u32 s1, $0xD;
	s1 =	sshrl.u32 s1, $0x2  }
0xb9: {  	s3 =	sand.u32 $0x4000, s31;
	s1 =	sadd.s32 s1, s30  }
0xba: {  	s0 =	sor.u32 s3, s0;
	s1 =	sshll.u32 s1, $0x11  }
0xbb: {  	s0 =	sor.u32 s1, s0  }
0xbc: {  	s0 =	sadd.s32 $0x8F2B, s0  }
0xbd: {  	[sflag:s0] =	ssyncadd.remote.s32 $0x1  }
0xbe: {  	_ =	sfence.sel $0xFFFF  }
0xbf: {  	[dreg:$0x0] =	wrdreg $0xFFFFFFFF;
	(pc) =	sbr.abs _section_cstart, $3  }
0xc0: {  	[dreg:$0x1] =	wrdreg $0xFFFFFFFF  }
0xc1: {  	_ =	task.clear_ibuf [dreg:s6], $0x2FFFF;
	_ =	strace $0x9FFFFFFF  }
0xc2: {  	(tm) =	ssettm $0x7FFFFFFF  }
0xc3: {  	_ =	shalt  }
tec
execute0_lowered:
.L_overlay_start_1:
0x0: {  	(tag) =	ssettag $0x1  }
0x1: {  	s0 =	rddreg [dreg:$0x0]  }
0x2: {  	s2 =	rddreg [dreg:$0x1];
	s3 =	simm.s32 $0x0;
	s11 =	stileid.u32  }
0x3: {  	s1 =	srdreg.scid;
	s13 =	simm.s32 $0x5;
	s14 =	simm.s32 $0x14000  }
0x4: {  	s15 =	simm.s32 $0x15000;
	s16 =	simm.s32 $0x40;
	s17 =	simm.s32 $0x16000  }
0x5: {  	s18 =	simm.s32 $0x14080;
	s19 =	simm.s32 $0x18000;
	s28 =	simm.s32 $0x4  }
0x6: {  	s29 =	simm.s32 $0x15E00;
	s30 =	simm.s32 $0x15E80;
	s31 =	simm.s32 $0x15F00  }
0x7: {  	[smem:$0x7FF] =	sst s3;
	s7 =	smul.u32 $0x14000, s11;
	s1 =	sand.u32 $0x1, s1  }
0x8: {  	s4 =	sadd.s32 $0x11D400, s0;
	s5 =	sadd.s32 $0x54E00, s0;
	s10 =	smul.u32 $0x50000, s11  }
0x9: {  	s6 =	sadd.s32 $0x4E00, s0;
	s23 =	smul.u32 $0xA000, s11;
	s25 =	sshll.u32 s11, $0x6  }
0xa: {  	_ =	strace $0x80000056;
	s8 =	smul.u32 $0x140000, s1;
	s20 =	ssub.s32 $0x2, s1  }
0xb: {  	s1 =	smul.u32 $0xA0000, s1;
	s9 =	sshrl.u32 s7, $0x3;
	s21 =	sshrl.u32 s20, $0x1  }
0xc: {  	s22 =	sshrl.u32 s10, $0x2;
	s9 =	sadd.s32 s9, s0;
	s7 =	sadd.s32 s7, s8  }
0xd: {  	s12 =	sadd.s32 s22, s2;
	s8 =	sor.u32 $0x1C05, s25;
	s22 =	simm.s32 $0x14180  }
0xe: {  	s25 =	simm.s32 $0x2;
	s7 =	sshrl.u32 s7, $0x3;
	s24 =	sadd.s32 $0xA5400, s9  }
0xf: {  	s9 =	sadd.s32 s23, s1;
	s12 =	sshrl.u32 s12, $0x3;
	s23 =	simm.s32 $0x1C000  }
0x10: {  	s0 =	sadd.s32 s7, s0;
	s7 =	ssub.s32 s20, s21;
	[dreg:$0x3] =	wrdreg s24  }
0x11: {  	s20 =	simm.s32 $0x14100;
	s21 =	simm.s32 $0x1A000;
	s0 =	sadd.s32 $0x16D400, s0  }
0x12: {  	s24 =	simm.s32 $0x1;
	s26 =	smax.u32 s7, $0x1;
	[dreg:$0x4] =	wrdreg s0  }
0x13: {  	[dreg:$0x5] =	wrdreg s26;
	s26 =	simm.s32 $0x3;
	s0 =	simm.s32 $0x15F80  }
.LBB2_1:
0x14: {  	s1 =	rddreg [dreg:$0x3]  }
0x15: {  	[spmem:s12], [sflag:s8] =	dma.local [hbm:s1], $0x2800  }
0x16: {  	_ =	swait.ge [sflag:s13], $0x2800  }
0x17: {  	[sflag:s13] =	ssyncset.done $0x0  }
0x18: {  	[sflag:s13] =	ssyncadd.s32 $0xFFFFD800  }
0x19: {  	s1 =	simm.s32 $0x0;
	[bflag:$0x0] =	sbarrier.arrive $0xFFFF  }
.LBB2_2:
0x1a: {  	s7 =	sshll.u32 s1, $0xC  }
0x1b: {  	s7 =	sadd.s32 s7, s9  }
0x1c: {  	s7 =	sshrl.u32 s7, $0x3  }
0x1d: {  	s11 =	simm.s32 $0x0;
	s10 =	sadd.s32 s5, s7  }
0x1e: {  	[tilespmem:s14], [sflag:$0x5] =	stream.linear.gather [hbm4b:s10+s11], $0x1000, $0x38;
	[tilespmem:$0x1E000] =	vst v63  }
0x1f: {  	_ =	swait.ge [sflag:s13], $0x1000  }
0x20: {  	[sflag:s13] =	ssyncset.done $0x0  }
0x21: {  	s7 =	sadd.s32 s6, s7;
	[sflag:s13] =	ssyncadd.s32 $0xFFFFF000  }
0x22: {  	[tilespmem:s15], [sflag:$0x5] =	stream.linear.gather [hbm4b:s7+s11], $0x1000, $0x38;
	[tilespmem:$0x1E000] =	vst v63  }
0x23: {  	_ =	swait.ge [sflag:s13], $0x1000  }
0x24: {  	[sflag:s13] =	ssyncset.done $0x0  }
0x25: {  	[sflag:s13] =	ssyncadd.s32 $0xFFFFF000  }
0x26: {  	[tilespmem:s17], [sflag:$0x1] =	stream.indirect.gather [hbm4b:s4+s16], $0x80, s14, s16, $0xb8;
	[tilespmem:$0x1E000] =	vst v63  }
0x27: {  	_ = 	snop  }
0x28: {  	[tilespmem:s19], [sflag:$0x2] =	stream.indirect.gather [hbm4b:s4+s16], $0x80, s18, s16, $0xb8;
	[tilespmem:$0x1E000] =	vst v63  }
0x29: {  	_ = 	snop  }
0x2a: {  	[tilespmem:s21], [sflag:$0x3] =	stream.indirect.gather [hbm4b:s4+s16], $0x80, s20, s16, $0xb8;
	[tilespmem:$0x1E000] =	vst v63  }
0x2b: {  	_ = 	snop  }
0x2c: {  	[tilespmem:s23], [sflag:$0x4] =	stream.indirect.gather [hbm4b:s4+s16], $0x80, s22, s16, $0xb8;
	[tilespmem:$0x1E000] =	vst v63  }
0x2d: {  	_ =	swait.ge [sflag:s24], $0x2000  }
0x2e: {  	[sflag:s24] =	ssyncset.done $0x0  }
0x2f: {  	s11 =	simm.s32 $0x15000;
	[sflag:s24] =	ssyncadd.s32 $0xFFFFE000  }
0x30: {  	[spmem:s2] =	stream.indirect.scatter.add.f32 [tilespmem:s17], [sflag:$0x5], $0x80, s11, s16, $0xb8;
	[tilespmem:$0x1E000] =	vst v63  }
0x31: {  	_ =	swait.ge [sflag:s13], $0x2000  }
0x32: {  	[sflag:s13] =	ssyncset.done $0x0  }
0x33: {  	s10 =	simm.s32 $0x14200;
	[sflag:s13] =	ssyncadd.s32 $0xFFFFE000  }
0x34: {  	[tilespmem:s17], [sflag:$0x1] =	stream.indirect.gather [hbm4b:s4+s16], $0x80, s10, s16, $0xb8;
	[tilespmem:$0x1E000] =	vst v63  }
0x35: {  	_ =	swait.ge [sflag:s25], $0x2000  }
0x36: {  	[sflag:s25] =	ssyncset.done $0x0  }
0x37: {  	s11 =	simm.s32 $0x15080;
	[sflag:s25] =	ssyncadd.s32 $0xFFFFE000  }
0x38: {  	[spmem:s2] =	stream.indirect.scatter.add.f32 [tilespmem:s19], [sflag:$0x5], $0x80, s11, s16, $0xb8;
	[tilespmem:$0x1E000] =	vst v63  }
0x39: {  	_ =	swait.ge [sflag:s13], $0x2000  }
0x3a: {  	[sflag:s13] =	ssyncset.done $0x0  }
0x3b: {  	s10 =	simm.s32 $0x14280;
	[sflag:s13] =	ssyncadd.s32 $0xFFFFE000  }
0x3c: {  	[tilespmem:s19], [sflag:$0x2] =	stream.indirect.gather [hbm4b:s4+s16], $0x80, s10, s16, $0xb8;
	[tilespmem:$0x1E000] =	vst v63  }
0x3d: {  	_ =	swait.ge [sflag:s26], $0x2000  }
0x3e: {  	[sflag:s26] =	ssyncset.done $0x0  }
0x3f: {  	s11 =	simm.s32 $0x15100;
	[sflag:s26] =	ssyncadd.s32 $0xFFFFE000  }
0x40: {  	[spmem:s2] =	stream.indirect.scatter.add.f32 [tilespmem:s21], [sflag:$0x5], $0x80, s11, s16, $0xb8;
	[tilespmem:$0x1E000] =	vst v63  }
0x41: {  	_ =	swait.ge [sflag:s13], $0x2000  }
0x42: {  	[sflag:s13] =	ssyncset.done $0x0  }
0x43: {  	s10 =	simm.s32 $0x14300;
	[sflag:s13] =	ssyncadd.s32 $0xFFFFE000  }
0x44: {  	[tilespmem:s21], [sflag:$0x3] =	stream.indirect.gather [hbm4b:s4+s16], $0x80, s10, s16, $0xb8;
	[tilespmem:$0x1E000] =	vst v63  }
0x45: {  	_ =	swait.ge [sflag:s28], $0x2000  }
0x46: {  	[sflag:s28] =	ssyncset.done $0x0  }
0x47: {  	s11 =	simm.s32 $0x15180;
	[sflag:s28] =	ssyncadd.s32 $0xFFFFE000  }
0x48: {  	[spmem:s2] =	stream.indirect.scatter.add.f32 [tilespmem:s23], [sflag:$0x5], $0x80, s11, s16, $0xb8;
	[tilespmem:$0x1E000] =	vst v63  }
0x49: {  	_ =	swait.ge [sflag:s13], $0x2000  }
0x4a: {  	[sflag:s13] =	ssyncset.done $0x0  }
0x4b: {  	s7 =	simm.s32 $0x800;
	s10 =	simm.s32 $0x14380;
	[sflag:s13] =	ssyncadd.s32 $0xFFFFE000  }
.LBB2_3:
0x4c: {  	[tilespmem:s23], [sflag:$0x4] =	stream.indirect.gather [hbm4b:s4+s16], $0x80, s10, s16, $0xb8;
	[tilespmem:$0x1E000] =	vst v63  }
0x4d: {  	s10 =	smov.u32 s7  }
0x4e: {  	p0 =	sne.s32 s7, $0x3000;
	s7 =	sadd.s32 $0x800, s7;
	_ =	swait.ge [sflag:s24], $0x2000  }
0x4f: {  	s10 =	sshra.s32 s10, $0x2;
	[sflag:s24] =	ssyncset.done $0x0  }
0x50: {  	s11 =	sadd.s32 $0x15000, s10;
	[sflag:s24] =	ssyncadd.s32 $0xFFFFE000  }
0x51: {  	[spmem:s2] =	stream.indirect.scatter.add.f32 [tilespmem:s17], [sflag:$0x5], $0x80, s11, s16, $0xb8;
	[tilespmem:$0x1E000] =	vst v63  }
0x52: {  	_ =	swait.ge [sflag:s13], $0x2000  }
0x53: {  	[sflag:s13] =	ssyncset.done $0x0  }
0x54: {  	s11 =	sadd.s32 $0x14200, s10;
	[sflag:s13] =	ssyncadd.s32 $0xFFFFE000  }
0x55: {  	[tilespmem:s17], [sflag:$0x1] =	stream.indirect.gather [hbm4b:s4+s16], $0x80, s11, s16, $0xb8;
	[tilespmem:$0x1E000] =	vst v63  }
0x56: {  	_ =	swait.ge [sflag:s25], $0x2000  }
0x57: {  	[sflag:s25] =	ssyncset.done $0x0  }
0x58: {  	s11 =	sadd.s32 $0x15080, s10;
	[sflag:s25] =	ssyncadd.s32 $0xFFFFE000  }
0x59: {  	[spmem:s2] =	stream.indirect.scatter.add.f32 [tilespmem:s19], [sflag:$0x5], $0x80, s11, s16, $0xb8;
	[tilespmem:$0x1E000] =	vst v63  }
0x5a: {  	_ =	swait.ge [sflag:s13], $0x2000  }
0x5b: {  	[sflag:s13] =	ssyncset.done $0x0  }
0x5c: {  	s11 =	sadd.s32 $0x14280, s10;
	[sflag:s13] =	ssyncadd.s32 $0xFFFFE000  }
0x5d: {  	[tilespmem:s19], [sflag:$0x2] =	stream.indirect.gather [hbm4b:s4+s16], $0x80, s11, s16, $0xb8;
	[tilespmem:$0x1E000] =	vst v63  }
0x5e: {  	_ =	swait.ge [sflag:s26], $0x2000  }
0x5f: {  	[sflag:s26] =	ssyncset.done $0x0  }
0x60: {  	s11 =	sadd.s32 $0x15100, s10;
	[sflag:s26] =	ssyncadd.s32 $0xFFFFE000  }
0x61: {  	[spmem:s2] =	stream.indirect.scatter.add.f32 [tilespmem:s21], [sflag:$0x5], $0x80, s11, s16, $0xb8;
	[tilespmem:$0x1E000] =	vst v63  }
0x62: {  	_ =	swait.ge [sflag:s13], $0x2000  }
0x63: {  	[sflag:s13] =	ssyncset.done $0x0  }
0x64: {  	s11 =	sadd.s32 $0x14300, s10;
	[sflag:s13] =	ssyncadd.s32 $0xFFFFE000  }
0x65: {  	[tilespmem:s21], [sflag:$0x3] =	stream.indirect.gather [hbm4b:s4+s16], $0x80, s11, s16, $0xb8;
	[tilespmem:$0x1E000] =	vst v63  }
0x66: {  	_ =	swait.ge [sflag:s28], $0x2000  }
0x67: {  	[sflag:s28] =	ssyncset.done $0x0  }
.Ltmp0:
0x68: {  	s11 =	sadd.s32 $0x15180, s10;
	[sflag:s28] =	ssyncadd.s32 $0xFFFFE000;
	(pc) =	sbr.rel @p0 .LBB2_3-.Ltmp0, $4  }
0x69: {  	[spmem:s2] =	stream.indirect.scatter.add.f32 [tilespmem:s23], [sflag:$0x5], $0x80, s11, s16, $0xb8;
	[tilespmem:$0x1E000] =	vst v63  }
0x6a: {  	_ =	swait.ge [sflag:s13], $0x2000  }
0x6b: {  	[sflag:s13] =	ssyncset.done $0x0  }
0x6c: {  	s10 =	sadd.s32 $0x14380, s10;
	[sflag:s13] =	ssyncadd.s32 $0xFFFFE000  }
0x6d: {  	[tilespmem:s23], [sflag:$0x4] =	stream.indirect.gather [hbm4b:s4+s16], $0x80, s10, s16, $0xb8;
	[tilespmem:$0x1E000] =	vst v63  }
0x6e: {  	_ =	swait.ge [sflag:s24], $0x2000  }
0x6f: {  	[sflag:s24] =	ssyncset.done $0x0  }
0x70: {  	[sflag:s24] =	ssyncadd.s32 $0xFFFFE000  }
0x71: {  	[spmem:s2] =	stream.indirect.scatter.add.f32 [tilespmem:s17], [sflag:$0x5], $0x80, s29, s16, $0xb8;
	[tilespmem:$0x1E000] =	vst v63  }
0x72: {  	_ =	swait.ge [sflag:s13], $0x2000  }
0x73: {  	[sflag:s13] =	ssyncset.done $0x0  }
0x74: {  	[sflag:s13] =	ssyncadd.s32 $0xFFFFE000  }
0x75: {  	_ =	swait.ge [sflag:s25], $0x2000  }
0x76: {  	[sflag:s25] =	ssyncset.done $0x0  }
0x77: {  	[sflag:s25] =	ssyncadd.s32 $0xFFFFE000  }
0x78: {  	[spmem:s2] =	stream.indirect.scatter.add.f32 [tilespmem:s19], [sflag:$0x5], $0x80, s30, s16, $0xb8;
	[tilespmem:$0x1E000] =	vst v63  }
0x79: {  	_ =	swait.ge [sflag:s13], $0x2000  }
0x7a: {  	[sflag:s13] =	ssyncset.done $0x0  }
0x7b: {  	[sflag:s13] =	ssyncadd.s32 $0xFFFFE000  }
0x7c: {  	_ =	swait.ge [sflag:s26], $0x2000  }
0x7d: {  	[sflag:s26] =	ssyncset.done $0x0  }
0x7e: {  	[sflag:s26] =	ssyncadd.s32 $0xFFFFE000  }
0x7f: {  	[spmem:s2] =	stream.indirect.scatter.add.f32 [tilespmem:s21], [sflag:$0x5], $0x80, s31, s16, $0xb8;
	[tilespmem:$0x1E000] =	vst v63  }
0x80: {  	_ =	swait.ge [sflag:s13], $0x2000  }
0x81: {  	[sflag:s13] =	ssyncset.done $0x0  }
0x82: {  	[sflag:s13] =	ssyncadd.s32 $0xFFFFE000  }
0x83: {  	s1 =	sadd.s32 $0x1, s1;
	_ =	swait.ge [sflag:s28], $0x2000  }
0x84: {  	p0 =	sne.s32 s1, $0xA;
	[sflag:s28] =	ssyncset.done $0x0  }
.Ltmp1:
0x85: {  	[sflag:s28] =	ssyncadd.s32 $0xFFFFE000;
	(pc) =	sbr.rel @p0 .LBB2_2-.Ltmp1, $4  }
0x86: {  	[spmem:s2] =	stream.indirect.scatter.add.f32 [tilespmem:s23], [sflag:$0x5], $0x80, s0, s16, $0xb8;
	[tilespmem:$0x1E000] =	vst v63  }
0x87: {  	_ =	swait.ge [sflag:s13], $0x2000  }
0x88: {  	[sflag:s13] =	ssyncset.done $0x0  }
0x89: {  	[sflag:s13] =	ssyncadd.s32 $0xFFFFE000  }
0x8a: {  	[bflag:$0x0] =	sbarrier.arrive $0xFFFF  }
0x8b: {  	s1 =	rddreg [dreg:$0x4]  }
0x8c: {  	[hbm:s1], [sflag:s8] =	dma.local [spmem:s12], $0x2800  }
0x8d: {  	_ =	swait.ge [sflag:s13], $0x2800  }
0x8e: {  	s3 =	sadd.s32 $0x1, s3;
	s11 =	rddreg [dreg:$0x5]  }
0x8f: {  	p0 =	sne.s32 s3, s11  }
.Ltmp2:
0x90: {  	_ = 	snop;
	(pc) =	sbr.rel @p0 .LBB2_1-.Ltmp2, $3  }
0x91: {  	_ =	sdelay $0x1  }
0x92: {  	[sflag:s13] =	ssyncset.done $0x0  }
0x93: {  	[sflag:s13] =	ssyncadd.s32 $0xFFFFD800  }
0x94: {  	_ =	sfence.sel $0x180000  }
0x95: {  	[bflag:$0x0] =	sbarrier.arrive $0xFFFF  }
0x96: {  	_ =	strace $0x90000056  }
0x97: {  	s0 =	stileid.u32;
	[bflag:$0x2] =	sbarrier.arrive $0xFFFF  }
0x98: {  	p0 =	sne.s32 s0, $0x0;
	s0 =	rddreg [dreg:$0x2]  }
0x99: {  	s0 =	sadd.s32 @!p0 $0x100000, s0  }
0x9a: {  	[sflag:s0] =	ssyncadd.tile.s32 @!p0 $0x1;
	_ =	shalt  }
.Lfunc_end2:
_tile_overlayer_lowered:
.L_overlay_start_2:
0x9b: {  	(tag) =	ssettag $0x2  }
0x9c: {  	s0 =	rddreg [dreg:$0x0];
	s2 =	stileid.u32  }
0x9d: {  	s1 =	rddreg [dreg:$0x1];
	p0 =	sne.s32 s2, $0x0  }
0x9e: {  	s3 =	rddreg [dreg:$0x2];
	[bflag:$0x3] =	sbarrier.arrive $0xFFFF;
	s2 =	simm.s32 @!p0 $0x1C05  }
0x9f: {  	[timem:s3], [sflag:s2] =	dma.local @!p0 [hbm:s0], s1  }
0xa0: {  	s0 =	simm.s32 @!p0 $0x5  }
0xa1: {  	_ =	swait.ge @!p0 [sflag:s0], s1  }
0xa2: {  	s1 =	ssub.s32 @!p0 $0x0, s1;
	[sflag:s0] =	ssyncset.done @!p0 $0x0  }
0xa3: {  	[sflag:s0] =	ssyncadd.s32 @!p0 s1  }
0xa4: {  	[bflag:$0x3] =	sbarrier.arrive $0xFFFF  }
0xa5: {  	_ =	shalt  }

// kernel: sc_appnp.7.cloned.1.call-start
scs
__scs_entry_jumppad:
0x0: {  	(pc) =	sbr.rel $0x88, $3  }
0x1: {  	(tag) =	ssettag $0x0;
	lr =	simm.s32 $0x1  }
0x2: {  	[smem:$0x3F93] =	sst lr;
	_ =	strace $0xD0000000  }
0x3: {  	_ = 	snop  }
0x4: {  	_ = 	snop  }
0x5: {  	_ = 	snop  }
0x6: {  	_ = 	snop  }
0x7: {  	_ = 	snop  }
__scs_overlays_trampoline_lowered:
0x8: {  	[smem:$0x3FA2] =	sst s0  }
0x9: {  	[smem:$0x3FA3] =	sst s1  }
0xa: {  	[smem:$0x3FA4] =	sst s2  }
0xb: {  	[smem:$0x3FA5] =	sst s3  }
0xc: {  	[smem:$0x3FA6] =	sst s4  }
0xd: {  	[smem:$0x3FA7] =	sst s5  }
0xe: {  	[smem:$0x3FA8] =	sst s6  }
0xf: {  	[smem:$0x3FA9] =	sst s7  }
0x10: {  	[smem:$0x3FAA] =	sst s8  }
0x11: {  	[smem:$0x3FAB] =	sst s9;
	s0 =	simm.s32 @!p0 $0x0  }
0x12: {  	s1 =	sld [smem:$0x3F91];
	s0 =	simm.s32 @p0 $0x1  }
0x13: {  	[smem:$0x3FAC] =	sst s0;
	s0 =	simm.s32 @!p1 $0x0  }
0x14: {  	s2 =	sld [smem:$0x3F90];
	s0 =	simm.s32 @p1 $0x1  }
0x15: {  	[smem:$0x3FAD] =	sst s0;
	s0 =	simm.s32 @!p2 $0x0  }
0x16: {  	s3 =	sld [smem:$0x3FDB];
	s0 =	simm.s32 @p2 $0x1  }
0x17: {  	s4 =	simm.s32 $0x1BF5;
	[smem:$0x3FAF] =	sst s0  }
0x18: {  	s0 =	sld [smem:$0x3F92];
	_ =	swait.ge [sflag:s4], $0x0  }
0x19: {  	s7 =	sld [smem:$0x3F93]  }
0x1a: {  	s8 =	sadd.s32 $0xFFFFE003, lr  }
0x1b: {  	s9 =	sadd.s32 $0xFFFFFEF7, lr;
	s5 =	simm.s32 $0xFFFFFFFF;
	p2 =	slt.u32 s8, $0xFFFFF086  }
0x1c: {  	p1 =	slt.u32 s9, $0xF7A;
	s5 =	simm.s32 @!p2 $0x0  }
0x1d: {  	s5 =	simm.s32 @p1 $0x1;
	p0 =	seq.s32 s7, s2  }
0x1e: {  	s7 =	smul.u32 @!p0 $0xF7A, s2;
	p2 =	seq.s32 @!p0 s5, $0x0  }
0x1f: {  	s9 =	smul.u32 $0xF7A, s1;
	s8 =	simm.s32 @!p0 $0x1BF5;
	p2 =	por !p2, p0  }
0x20: {  	[sflag:s8] =	ssyncset.s32 @!p0 $0xFFFFF086;
	s6 =	sadd.s32 @!p0 s3, s7;
	s7 =	simm.s32 @!p0 $0x108  }
0x21: {  	s3 =	sadd.s32 s3, s9;
	s6 =	sadd.s32 @!p0 $0x88, s6;
	s7 =	simm.s32 @p2 $0x1082  }
0x22: {  	[simem:s7], [sflag:s8] =	dma.local @!p0 [hbm:s6], $0xF7A  }
0x23: {  	s9 =	sor.u32 $0xD0000000, s2;
	s6 =	simm.s32 $0x108;
	_ =	swait.ge @!p0 [sflag:s8], $0x0  }
0x24: {  	s3 =	sadd.s32 $0x88, s3;
	s6 =	simm.s32 @!p1 $0x1082;
	[sflag:s4] =	ssyncset.s32 $0xFFFFF086  }
0x25: {  	[simem:s6], [sflag:s4] =	dma.local [hbm:s3], $0xF7A  }
0x26: {  	[smem:$0x3F93] =	sst s1;
	(tag) =	ssettag s2;
	_ =	strace s9  }
0x27: {  	s1 =	sld [smem:$0x3FA3]  }
0x28: {  	s2 =	sld [smem:$0x3FA4]  }
0x29: {  	s4 =	sld [smem:$0x3FA6]  }
0x2a: {  	p0 =	seq.s32 s5, $0x0;
	s5 =	sld [smem:$0x3FA7]  }
0x2b: {  	s6 =	sld [smem:$0x3FA8]  }
0x2c: {  	s7 =	sld [smem:$0x3FA9]  }
0x2d: {  	s3 =	simm.s32 $0x108;
	s8 =	sld [smem:$0x3FAA]  }
0x2e: {  	s3 =	simm.s32 @!p0 $0x1082;
	s9 =	sld [smem:$0x3FAB]  }
0x2f: {  	lr =	sadd.s32 s0, s3;
	s0 =	sld [smem:$0x3FA2]  }
0x30: {  	s3 =	sld [smem:$0x3FA5]  }
0x31: {  	[smem:$0x3FAE] =	sst s10  }
0x32: {  	s10 =	sld [smem:$0x3FAC];
	_ =	sdelay $0x3  }
0x33: {  	p0 =	seq.s32 s10, $0x1;
	s10 =	sld [smem:$0x3FAE];
	_ =	sdelay $0x3  }
0x34: {  	[smem:$0x3FAE] =	sst s10  }
0x35: {  	s10 =	sld [smem:$0x3FAD];
	_ =	sdelay $0x3  }
0x36: {  	p1 =	seq.s32 s10, $0x1;
	s10 =	sld [smem:$0x3FAE];
	_ =	sdelay $0x3  }
0x37: {  	[smem:$0x3FAE] =	sst s10  }
0x38: {  	s10 =	sld [smem:$0x3FAF]  }
0x39: {  	_ = 	snop;
	(pc) =	sbr.ind lr, $3  }
0x3a: {  	_ = 	snop  }
0x3b: {  	_ = 	snop  }
0x3c: {  	p2 =	seq.s32 s10, $0x1;
	s10 =	sld [smem:$0x3FAE]  }
0x3d: {  	_ =	shalt  }
0x3e: {  	_ =	shalt  }
0x3f: {  	_ =	shalt  }
0x40: {  	_ =	shalt  }
0x41: {  	_ =	shalt  }
0x42: {  	_ =	shalt  }
0x43: {  	_ =	shalt  }
0x44: {  	_ =	shalt  }
0x45: {  	_ =	shalt  }
0x46: {  	_ =	shalt  }
0x47: {  	_ =	shalt  }
0x48: {  	_ =	shalt  }
0x49: {  	_ =	shalt  }
0x4a: {  	_ =	shalt  }
0x4b: {  	_ =	shalt  }
0x4c: {  	_ =	shalt  }
0x4d: {  	_ =	shalt  }
0x4e: {  	_ =	shalt  }
0x4f: {  	_ =	shalt  }
0x50: {  	_ =	shalt  }
0x51: {  	_ =	shalt  }
0x52: {  	_ =	shalt  }
0x53: {  	_ =	shalt  }
0x54: {  	_ =	shalt  }
0x55: {  	_ =	shalt  }
0x56: {  	_ =	shalt  }
0x57: {  	_ =	shalt  }
0x58: {  	_ =	shalt  }
0x59: {  	_ =	shalt  }
0x5a: {  	_ =	shalt  }
0x5b: {  	_ =	shalt  }
0x5c: {  	_ =	shalt  }
0x5d: {  	_ =	shalt  }
0x5e: {  	_ =	shalt  }
0x5f: {  	_ =	shalt  }
0x60: {  	_ =	shalt  }
0x61: {  	_ =	shalt  }
0x62: {  	_ =	shalt  }
0x63: {  	_ =	shalt  }
0x64: {  	_ =	shalt  }
0x65: {  	_ =	shalt  }
0x66: {  	_ =	shalt  }
0x67: {  	_ =	shalt  }
0x68: {  	_ =	shalt  }
0x69: {  	_ =	shalt  }
0x6a: {  	_ =	shalt  }
0x6b: {  	_ =	shalt  }
0x6c: {  	_ =	shalt  }
0x6d: {  	_ =	shalt  }
0x6e: {  	_ =	shalt  }
0x6f: {  	_ =	shalt  }
0x70: {  	_ =	shalt  }
0x71: {  	_ =	shalt  }
0x72: {  	_ =	shalt  }
0x73: {  	_ =	shalt  }
0x74: {  	_ =	shalt  }
0x75: {  	_ =	shalt  }
0x76: {  	_ =	shalt  }
0x77: {  	_ =	shalt  }
0x78: {  	_ =	shalt  }
0x79: {  	_ =	shalt  }
0x7a: {  	_ =	shalt  }
0x7b: {  	_ =	shalt  }
0x7c: {  	_ =	shalt  }
0x7d: {  	_ =	shalt  }
0x7e: {  	_ =	shalt  }
0x7f: {  	_ =	shalt  }
0x80: {  	_ =	shalt  }
0x81: {  	_ =	shalt  }
0x82: {  	_ =	shalt  }
0x83: {  	_ =	shalt  }
0x84: {  	_ =	shalt  }
0x85: {  	_ =	shalt  }
0x86: {  	_ =	shalt  }
0x87: {  	_ =	shalt  }
.Lfunc_end0:
.L_simem_size_0:
called_computation.1_lowered:
.L_overlay_start_0:
0x88: {  	s2 =	sld [smem:$0x3FD9]  }
0x89: {  	s3 =	sld [smem:$0x3FFE];
	_ =	sdelay $0x1  }
0x8a: {  	s1 =	srdreg.scid  }
0x8b: {  	s0 =	sand.u32 $0x1, s1  }
0x8c: {  	s16 =	sshll.u32 s0, $0xA;
	s2 =	sadd.s32 s3, s2  }
0x8d: {  	s2 =	sadd.s32 s2, s16  }
0x8e: {  	[smem:$0x3FBA] =	sst s2  }
0x8f: {  	_ = 	snop  }
0x90: {  	(tm) =	ssettm $0x1  }
0x91: {  	s17 =	sld [smem:$0x3FFB];
	_ =	sdelay $0x3  }
0x92: {  	_ =	strace s17  }
0x93: {  	s2 =	sld [smem:$0x3FFC];
	_ =	sdelay $0x3  }
0x94: {  	_ =	strace s2  }
0x95: {  	s2 =	sld [smem:$0x3FFD];
	_ =	sdelay $0x3  }
0x96: {  	_ =	strace s2  }
0x97: {  	_ =	strace $0x8FFFFFFF  }
0x98: {  	s18 =	sld [smem:$0x3FDB];
	_ =	sdelay $0x1  }
0x99: {  	s19 =	simm.s32 $_scs_section_size  }
0x9a: {  	s4 =	simm.s32 $_size__tile_overlayer_lowered;
	s5 =	simm.s32 $_tile_overlayer_lowered  }
0x9b: {  	s22 =	simm.s32 $0x1BFF;
	s21 =	sshll.u32 s5, $0x1;
	s2 =	sadd.s32 s19, s18  }
0x9c: {  	s6 =	simm.s32 $0x0;
	s20 =	sshll.u32 s4, $0x1;
	s4 =	sadd.s32 s21, s2  }
0x9d: {  	[timem:s6], [sflag:s22] =	dma.local [hbm:s4], s20  }
0x9e: {  	_ =	swait.ge [sflag:s22], s20  }
0x9f: {  	s3 =	ssub.s32 $0x0, s20;
	[sflag:s22] =	ssyncset.done $0x0  }
0xa0: {  	[sflag:s22] =	ssyncadd.s32 s3;
	_ =	sdelay $0x1  }
0xa1: {  	s23 =	simm.s32 $0x1B8B  }
0xa2: {  	_ =	swait.ge [sflag:s23], $0x1  }
0xa3: {  	[sflag:s23] =	ssyncset.done $0x0  }
0xa4: {  	s25 =	simm.s32 $0x1B8E;
	s24 =	sld [smem:$0x3FFE];
	[sflag:s23] =	ssyncadd.s32 $0xFFFFFFFF  }
0xa5: {  	s26 =	simm.s32 $execute0_lowered;
	[smem:$0x3FD2] =	sst s25  }
0xa6: {  	s4 =	sshll.u32 s26, $0x1;
	_ =	strace $0x80000049;
	[dreg:$0x1] =	wrdreg $0xFFFFFFFF  }
0xa7: {  	s28 =	simm.s32 $_size_execute0_lowered;
	s2 =	sadd.s32 s2, s4;
	[dreg:$0x0] =	wrdreg $0x0  }
0xa8: {  	s4 =	sshll.u32 s28, $0x1;
	[dreg:$0x2] =	wrdreg s2  }
0xa9: {  	[dreg:$0x3] =	wrdreg s4  }
0xaa: {  	[dreg:$0x4] =	wrdreg $0xC0  }
0xab: {  	_ =	task [dreg:s6], $0x5FFFF  }
0xac: {  	[dreg:$0x1] =	wrdreg $0xFFFFFFFF  }
0xad: {  	[dreg:$0x0] =	wrdreg $0x60  }
0xae: {  	[dreg:$0x2] =	wrdreg s24  }
0xaf: {  	[dreg:$0x3] =	wrdreg $0x0  }
0xb0: {  	[dreg:$0x4] =	wrdreg $0x9  }
0xb1: {  	_ =	task.clear_ibuf [dreg:s6], $0x5FFFF;
	_ =	strace $0x90000049  }
0xb2: {  	s29 =	simm.s32 $0x9;
	_ =	strace $0x8000004B  }
0xb3: {  	_ =	swait.ge [sflag:s29], $0x1  }
0xb4: {  	[sflag:s29] =	ssyncadd.s32 $0xFFFFFFFF  }
0xb5: {  	_ =	strace $0x9000004B  }
0xb6: {  	_ =	sfence  }
0xb7: {  	s30 =	sld [smem:$0x0];
	_ =	sdelay $0x2  }
0xb8: {  	s31 =	sshll.u32 s1, $0xD;
	s1 =	sshrl.u32 s1, $0x2  }
0xb9: {  	s3 =	sand.u32 $0x4000, s31;
	s1 =	sadd.s32 s1, s30  }
0xba: {  	s0 =	sor.u32 s3, s0;
	s1 =	sshll.u32 s1, $0x11  }
0xbb: {  	s0 =	sor.u32 s1, s0  }
0xbc: {  	s0 =	sadd.s32 $0x8F2B, s0  }
0xbd: {  	[sflag:s0] =	ssyncadd.remote.s32 $0x1  }
0xbe: {  	_ =	sfence.sel $0xFFFF  }
0xbf: {  	[dreg:$0x0] =	wrdreg $0xFFFFFFFF;
	(pc) =	sbr.abs _section_cstart, $3  }
0xc0: {  	[dreg:$0x1] =	wrdreg $0xFFFFFFFF  }
0xc1: {  	_ =	task.clear_ibuf [dreg:s6], $0x2FFFF;
	_ =	strace $0x9FFFFFFF  }
0xc2: {  	(tm) =	ssettm $0x7FFFFFFF  }
0xc3: {  	_ =	shalt  }
tec
execute0_lowered:
.L_overlay_start_1:
0x0: {  	(tag) =	ssettag $0x1  }
0x1: {  	s0 =	rddreg [dreg:$0x0]  }
0x2: {  	s2 =	rddreg [dreg:$0x1];
	s3 =	simm.s32 $0x0;
	s11 =	stileid.u32  }
0x3: {  	s1 =	srdreg.scid;
	s13 =	simm.s32 $0x5;
	s14 =	simm.s32 $0x14000  }
0x4: {  	s15 =	simm.s32 $0x15000;
	s16 =	simm.s32 $0x40;
	s17 =	simm.s32 $0x16000  }
0x5: {  	s18 =	simm.s32 $0x14080;
	s19 =	simm.s32 $0x18000;
	s28 =	simm.s32 $0x4  }
0x6: {  	s29 =	simm.s32 $0x15E00;
	s30 =	simm.s32 $0x15E80;
	s31 =	simm.s32 $0x15F00  }
0x7: {  	[smem:$0x7FF] =	sst s3;
	s7 =	smul.u32 $0x14000, s11;
	s1 =	sand.u32 $0x1, s1  }
0x8: {  	s4 =	sadd.s32 $0x11D400, s0;
	s5 =	sadd.s32 $0x54E00, s0;
	s10 =	smul.u32 $0x50000, s11  }
0x9: {  	s6 =	sadd.s32 $0x4E00, s0;
	s23 =	smul.u32 $0xA000, s11;
	s25 =	sshll.u32 s11, $0x6  }
0xa: {  	_ =	strace $0x8000004A;
	s8 =	smul.u32 $0x140000, s1;
	s20 =	ssub.s32 $0x2, s1  }
0xb: {  	s1 =	smul.u32 $0xA0000, s1;
	s9 =	sshrl.u32 s7, $0x3;
	s21 =	sshrl.u32 s20, $0x1  }
0xc: {  	s22 =	sshrl.u32 s10, $0x2;
	s9 =	sadd.s32 s9, s0;
	s7 =	sadd.s32 s7, s8  }
0xd: {  	s12 =	sadd.s32 s22, s2;
	s8 =	sor.u32 $0x1C05, s25;
	s22 =	simm.s32 $0x14180  }
0xe: {  	s25 =	simm.s32 $0x2;
	s7 =	sshrl.u32 s7, $0x3;
	s24 =	sadd.s32 $0xA5400, s9  }
0xf: {  	s9 =	sadd.s32 s23, s1;
	s12 =	sshrl.u32 s12, $0x3;
	s23 =	simm.s32 $0x1C000  }
0x10: {  	s0 =	sadd.s32 s7, s0;
	s7 =	ssub.s32 s20, s21;
	[dreg:$0x3] =	wrdreg s24  }
0x11: {  	s20 =	simm.s32 $0x14100;
	s21 =	simm.s32 $0x1A000;
	s0 =	sadd.s32 $0x16D400, s0  }
0x12: {  	s24 =	simm.s32 $0x1;
	s26 =	smax.u32 s7, $0x1;
	[dreg:$0x4] =	wrdreg s0  }
0x13: {  	[dreg:$0x5] =	wrdreg s26;
	s26 =	simm.s32 $0x3;
	s0 =	simm.s32 $0x15F80  }
.LBB2_1:
0x14: {  	s1 =	rddreg [dreg:$0x3]  }
0x15: {  	[spmem:s12], [sflag:s8] =	dma.local [hbm:s1], $0x2800  }
0x16: {  	_ =	swait.ge [sflag:s13], $0x2800  }
0x17: {  	[sflag:s13] =	ssyncset.done $0x0  }
0x18: {  	[sflag:s13] =	ssyncadd.s32 $0xFFFFD800  }
0x19: {  	s1 =	simm.s32 $0x0;
	[bflag:$0x0] =	sbarrier.arrive $0xFFFF  }
.LBB2_2:
0x1a: {  	s7 =	sshll.u32 s1, $0xC  }
0x1b: {  	s7 =	sadd.s32 s7, s9  }
0x1c: {  	s7 =	sshrl.u32 s7, $0x3  }
0x1d: {  	s11 =	simm.s32 $0x0;
	s10 =	sadd.s32 s5, s7  }
0x1e: {  	[tilespmem:s14], [sflag:$0x5] =	stream.linear.gather [hbm4b:s10+s11], $0x1000, $0x38;
	[tilespmem:$0x1E000] =	vst v63  }
0x1f: {  	_ =	swait.ge [sflag:s13], $0x1000  }
0x20: {  	[sflag:s13] =	ssyncset.done $0x0  }
0x21: {  	s7 =	sadd.s32 s6, s7;
	[sflag:s13] =	ssyncadd.s32 $0xFFFFF000  }
0x22: {  	[tilespmem:s15], [sflag:$0x5] =	stream.linear.gather [hbm4b:s7+s11], $0x1000, $0x38;
	[tilespmem:$0x1E000] =	vst v63  }
0x23: {  	_ =	swait.ge [sflag:s13], $0x1000  }
0x24: {  	[sflag:s13] =	ssyncset.done $0x0  }
0x25: {  	[sflag:s13] =	ssyncadd.s32 $0xFFFFF000  }
0x26: {  	[tilespmem:s17], [sflag:$0x1] =	stream.indirect.gather [hbm4b:s4+s16], $0x80, s14, s16, $0xb8;
	[tilespmem:$0x1E000] =	vst v63  }
0x27: {  	_ = 	snop  }
0x28: {  	[tilespmem:s19], [sflag:$0x2] =	stream.indirect.gather [hbm4b:s4+s16], $0x80, s18, s16, $0xb8;
	[tilespmem:$0x1E000] =	vst v63  }
0x29: {  	_ = 	snop  }
0x2a: {  	[tilespmem:s21], [sflag:$0x3] =	stream.indirect.gather [hbm4b:s4+s16], $0x80, s20, s16, $0xb8;
	[tilespmem:$0x1E000] =	vst v63  }
0x2b: {  	_ = 	snop  }
0x2c: {  	[tilespmem:s23], [sflag:$0x4] =	stream.indirect.gather [hbm4b:s4+s16], $0x80, s22, s16, $0xb8;
	[tilespmem:$0x1E000] =	vst v63  }
0x2d: {  	_ =	swait.ge [sflag:s24], $0x2000  }
0x2e: {  	[sflag:s24] =	ssyncset.done $0x0  }
0x2f: {  	s11 =	simm.s32 $0x15000;
	[sflag:s24] =	ssyncadd.s32 $0xFFFFE000  }
0x30: {  	[spmem:s2] =	stream.indirect.scatter.add.f32 [tilespmem:s17], [sflag:$0x5], $0x80, s11, s16, $0xb8;
	[tilespmem:$0x1E000] =	vst v63  }
0x31: {  	_ =	swait.ge [sflag:s13], $0x2000  }
0x32: {  	[sflag:s13] =	ssyncset.done $0x0  }
0x33: {  	s10 =	simm.s32 $0x14200;
	[sflag:s13] =	ssyncadd.s32 $0xFFFFE000  }
0x34: {  	[tilespmem:s17], [sflag:$0x1] =	stream.indirect.gather [hbm4b:s4+s16], $0x80, s10, s16, $0xb8;
	[tilespmem:$0x1E000] =	vst v63  }
0x35: {  	_ =	swait.ge [sflag:s25], $0x2000  }
0x36: {  	[sflag:s25] =	ssyncset.done $0x0  }
0x37: {  	s11 =	simm.s32 $0x15080;
	[sflag:s25] =	ssyncadd.s32 $0xFFFFE000  }
0x38: {  	[spmem:s2] =	stream.indirect.scatter.add.f32 [tilespmem:s19], [sflag:$0x5], $0x80, s11, s16, $0xb8;
	[tilespmem:$0x1E000] =	vst v63  }
0x39: {  	_ =	swait.ge [sflag:s13], $0x2000  }
0x3a: {  	[sflag:s13] =	ssyncset.done $0x0  }
0x3b: {  	s10 =	simm.s32 $0x14280;
	[sflag:s13] =	ssyncadd.s32 $0xFFFFE000  }
0x3c: {  	[tilespmem:s19], [sflag:$0x2] =	stream.indirect.gather [hbm4b:s4+s16], $0x80, s10, s16, $0xb8;
	[tilespmem:$0x1E000] =	vst v63  }
0x3d: {  	_ =	swait.ge [sflag:s26], $0x2000  }
0x3e: {  	[sflag:s26] =	ssyncset.done $0x0  }
0x3f: {  	s11 =	simm.s32 $0x15100;
	[sflag:s26] =	ssyncadd.s32 $0xFFFFE000  }
0x40: {  	[spmem:s2] =	stream.indirect.scatter.add.f32 [tilespmem:s21], [sflag:$0x5], $0x80, s11, s16, $0xb8;
	[tilespmem:$0x1E000] =	vst v63  }
0x41: {  	_ =	swait.ge [sflag:s13], $0x2000  }
0x42: {  	[sflag:s13] =	ssyncset.done $0x0  }
0x43: {  	s10 =	simm.s32 $0x14300;
	[sflag:s13] =	ssyncadd.s32 $0xFFFFE000  }
0x44: {  	[tilespmem:s21], [sflag:$0x3] =	stream.indirect.gather [hbm4b:s4+s16], $0x80, s10, s16, $0xb8;
	[tilespmem:$0x1E000] =	vst v63  }
0x45: {  	_ =	swait.ge [sflag:s28], $0x2000  }
0x46: {  	[sflag:s28] =	ssyncset.done $0x0  }
0x47: {  	s11 =	simm.s32 $0x15180;
	[sflag:s28] =	ssyncadd.s32 $0xFFFFE000  }
0x48: {  	[spmem:s2] =	stream.indirect.scatter.add.f32 [tilespmem:s23], [sflag:$0x5], $0x80, s11, s16, $0xb8;
	[tilespmem:$0x1E000] =	vst v63  }
0x49: {  	_ =	swait.ge [sflag:s13], $0x2000  }
0x4a: {  	[sflag:s13] =	ssyncset.done $0x0  }
0x4b: {  	s7 =	simm.s32 $0x800;
	s10 =	simm.s32 $0x14380;
	[sflag:s13] =	ssyncadd.s32 $0xFFFFE000  }
.LBB2_3:
0x4c: {  	[tilespmem:s23], [sflag:$0x4] =	stream.indirect.gather [hbm4b:s4+s16], $0x80, s10, s16, $0xb8;
	[tilespmem:$0x1E000] =	vst v63  }
0x4d: {  	s10 =	smov.u32 s7  }
0x4e: {  	p0 =	sne.s32 s7, $0x3000;
	s7 =	sadd.s32 $0x800, s7;
	_ =	swait.ge [sflag:s24], $0x2000  }
0x4f: {  	s10 =	sshra.s32 s10, $0x2;
	[sflag:s24] =	ssyncset.done $0x0  }
0x50: {  	s11 =	sadd.s32 $0x15000, s10;
	[sflag:s24] =	ssyncadd.s32 $0xFFFFE000  }
0x51: {  	[spmem:s2] =	stream.indirect.scatter.add.f32 [tilespmem:s17], [sflag:$0x5], $0x80, s11, s16, $0xb8;
	[tilespmem:$0x1E000] =	vst v63  }
0x52: {  	_ =	swait.ge [sflag:s13], $0x2000  }
0x53: {  	[sflag:s13] =	ssyncset.done $0x0  }
0x54: {  	s11 =	sadd.s32 $0x14200, s10;
	[sflag:s13] =	ssyncadd.s32 $0xFFFFE000  }
0x55: {  	[tilespmem:s17], [sflag:$0x1] =	stream.indirect.gather [hbm4b:s4+s16], $0x80, s11, s16, $0xb8;
	[tilespmem:$0x1E000] =	vst v63  }
0x56: {  	_ =	swait.ge [sflag:s25], $0x2000  }
0x57: {  	[sflag:s25] =	ssyncset.done $0x0  }
0x58: {  	s11 =	sadd.s32 $0x15080, s10;
	[sflag:s25] =	ssyncadd.s32 $0xFFFFE000  }
0x59: {  	[spmem:s2] =	stream.indirect.scatter.add.f32 [tilespmem:s19], [sflag:$0x5], $0x80, s11, s16, $0xb8;
	[tilespmem:$0x1E000] =	vst v63  }
0x5a: {  	_ =	swait.ge [sflag:s13], $0x2000  }
0x5b: {  	[sflag:s13] =	ssyncset.done $0x0  }
0x5c: {  	s11 =	sadd.s32 $0x14280, s10;
	[sflag:s13] =	ssyncadd.s32 $0xFFFFE000  }
0x5d: {  	[tilespmem:s19], [sflag:$0x2] =	stream.indirect.gather [hbm4b:s4+s16], $0x80, s11, s16, $0xb8;
	[tilespmem:$0x1E000] =	vst v63  }
0x5e: {  	_ =	swait.ge [sflag:s26], $0x2000  }
0x5f: {  	[sflag:s26] =	ssyncset.done $0x0  }
0x60: {  	s11 =	sadd.s32 $0x15100, s10;
	[sflag:s26] =	ssyncadd.s32 $0xFFFFE000  }
0x61: {  	[spmem:s2] =	stream.indirect.scatter.add.f32 [tilespmem:s21], [sflag:$0x5], $0x80, s11, s16, $0xb8;
	[tilespmem:$0x1E000] =	vst v63  }
0x62: {  	_ =	swait.ge [sflag:s13], $0x2000  }
0x63: {  	[sflag:s13] =	ssyncset.done $0x0  }
0x64: {  	s11 =	sadd.s32 $0x14300, s10;
	[sflag:s13] =	ssyncadd.s32 $0xFFFFE000  }
0x65: {  	[tilespmem:s21], [sflag:$0x3] =	stream.indirect.gather [hbm4b:s4+s16], $0x80, s11, s16, $0xb8;
	[tilespmem:$0x1E000] =	vst v63  }
0x66: {  	_ =	swait.ge [sflag:s28], $0x2000  }
0x67: {  	[sflag:s28] =	ssyncset.done $0x0  }
.Ltmp0:
0x68: {  	s11 =	sadd.s32 $0x15180, s10;
	[sflag:s28] =	ssyncadd.s32 $0xFFFFE000;
	(pc) =	sbr.rel @p0 .LBB2_3-.Ltmp0, $4  }
0x69: {  	[spmem:s2] =	stream.indirect.scatter.add.f32 [tilespmem:s23], [sflag:$0x5], $0x80, s11, s16, $0xb8;
	[tilespmem:$0x1E000] =	vst v63  }
0x6a: {  	_ =	swait.ge [sflag:s13], $0x2000  }
0x6b: {  	[sflag:s13] =	ssyncset.done $0x0  }
0x6c: {  	s10 =	sadd.s32 $0x14380, s10;
	[sflag:s13] =	ssyncadd.s32 $0xFFFFE000  }
0x6d: {  	[tilespmem:s23], [sflag:$0x4] =	stream.indirect.gather [hbm4b:s4+s16], $0x80, s10, s16, $0xb8;
	[tilespmem:$0x1E000] =	vst v63  }
0x6e: {  	_ =	swait.ge [sflag:s24], $0x2000  }
0x6f: {  	[sflag:s24] =	ssyncset.done $0x0  }
0x70: {  	[sflag:s24] =	ssyncadd.s32 $0xFFFFE000  }
0x71: {  	[spmem:s2] =	stream.indirect.scatter.add.f32 [tilespmem:s17], [sflag:$0x5], $0x80, s29, s16, $0xb8;
	[tilespmem:$0x1E000] =	vst v63  }
0x72: {  	_ =	swait.ge [sflag:s13], $0x2000  }
0x73: {  	[sflag:s13] =	ssyncset.done $0x0  }
0x74: {  	[sflag:s13] =	ssyncadd.s32 $0xFFFFE000  }
0x75: {  	_ =	swait.ge [sflag:s25], $0x2000  }
0x76: {  	[sflag:s25] =	ssyncset.done $0x0  }
0x77: {  	[sflag:s25] =	ssyncadd.s32 $0xFFFFE000  }
0x78: {  	[spmem:s2] =	stream.indirect.scatter.add.f32 [tilespmem:s19], [sflag:$0x5], $0x80, s30, s16, $0xb8;
	[tilespmem:$0x1E000] =	vst v63  }
0x79: {  	_ =	swait.ge [sflag:s13], $0x2000  }
0x7a: {  	[sflag:s13] =	ssyncset.done $0x0  }
0x7b: {  	[sflag:s13] =	ssyncadd.s32 $0xFFFFE000  }
0x7c: {  	_ =	swait.ge [sflag:s26], $0x2000  }
0x7d: {  	[sflag:s26] =	ssyncset.done $0x0  }
0x7e: {  	[sflag:s26] =	ssyncadd.s32 $0xFFFFE000  }
0x7f: {  	[spmem:s2] =	stream.indirect.scatter.add.f32 [tilespmem:s21], [sflag:$0x5], $0x80, s31, s16, $0xb8;
	[tilespmem:$0x1E000] =	vst v63  }
0x80: {  	_ =	swait.ge [sflag:s13], $0x2000  }
0x81: {  	[sflag:s13] =	ssyncset.done $0x0  }
0x82: {  	[sflag:s13] =	ssyncadd.s32 $0xFFFFE000  }
0x83: {  	s1 =	sadd.s32 $0x1, s1;
	_ =	swait.ge [sflag:s28], $0x2000  }
0x84: {  	p0 =	sne.s32 s1, $0xA;
	[sflag:s28] =	ssyncset.done $0x0  }
.Ltmp1:
0x85: {  	[sflag:s28] =	ssyncadd.s32 $0xFFFFE000;
	(pc) =	sbr.rel @p0 .LBB2_2-.Ltmp1, $4  }
0x86: {  	[spmem:s2] =	stream.indirect.scatter.add.f32 [tilespmem:s23], [sflag:$0x5], $0x80, s0, s16, $0xb8;
	[tilespmem:$0x1E000] =	vst v63  }
0x87: {  	_ =	swait.ge [sflag:s13], $0x2000  }
0x88: {  	[sflag:s13] =	ssyncset.done $0x0  }
0x89: {  	[sflag:s13] =	ssyncadd.s32 $0xFFFFE000  }
0x8a: {  	[bflag:$0x0] =	sbarrier.arrive $0xFFFF  }
0x8b: {  	s1 =	rddreg [dreg:$0x4]  }
0x8c: {  	[hbm:s1], [sflag:s8] =	dma.local [spmem:s12], $0x2800  }
0x8d: {  	_ =	swait.ge [sflag:s13], $0x2800  }
0x8e: {  	s3 =	sadd.s32 $0x1, s3;
	s11 =	rddreg [dreg:$0x5]  }
0x8f: {  	p0 =	sne.s32 s3, s11  }
.Ltmp2:
0x90: {  	_ = 	snop;
	(pc) =	sbr.rel @p0 .LBB2_1-.Ltmp2, $3  }
0x91: {  	_ =	sdelay $0x1  }
0x92: {  	[sflag:s13] =	ssyncset.done $0x0  }
0x93: {  	[sflag:s13] =	ssyncadd.s32 $0xFFFFD800  }
0x94: {  	_ =	sfence.sel $0x180000  }
0x95: {  	[bflag:$0x0] =	sbarrier.arrive $0xFFFF  }
0x96: {  	_ =	strace $0x9000004A  }
0x97: {  	s0 =	stileid.u32;
	[bflag:$0x2] =	sbarrier.arrive $0xFFFF  }
0x98: {  	p0 =	sne.s32 s0, $0x0;
	s0 =	rddreg [dreg:$0x2]  }
0x99: {  	s0 =	sadd.s32 @!p0 $0x100000, s0  }
0x9a: {  	[sflag:s0] =	ssyncadd.tile.s32 @!p0 $0x1;
	_ =	shalt  }
.Lfunc_end2:
_tile_overlayer_lowered:
.L_overlay_start_2:
0x9b: {  	(tag) =	ssettag $0x2  }
0x9c: {  	s0 =	rddreg [dreg:$0x0];
	s2 =	stileid.u32  }
0x9d: {  	s1 =	rddreg [dreg:$0x1];
	p0 =	sne.s32 s2, $0x0  }
0x9e: {  	s3 =	rddreg [dreg:$0x2];
	[bflag:$0x3] =	sbarrier.arrive $0xFFFF;
	s2 =	simm.s32 @!p0 $0x1C05  }
0x9f: {  	[timem:s3], [sflag:s2] =	dma.local @!p0 [hbm:s0], s1  }
0xa0: {  	s0 =	simm.s32 @!p0 $0x5  }
0xa1: {  	_ =	swait.ge @!p0 [sflag:s0], s1  }
0xa2: {  	s1 =	ssub.s32 @!p0 $0x0, s1;
	[sflag:s0] =	ssyncset.done @!p0 $0x0  }
0xa3: {  	[sflag:s0] =	ssyncadd.s32 @!p0 s1  }
0xa4: {  	[bflag:$0x3] =	sbarrier.arrive $0xFFFF  }
0xa5: {  	_ =	shalt  }

// kernel: sc_gcdeg.3.cloned.1.call-start
scs
__scs_entry_jumppad:
0x0: {  	(pc) =	sbr.rel $0x88, $3  }
0x1: {  	(tag) =	ssettag $0x0;
	lr =	simm.s32 $0x1  }
0x2: {  	[smem:$0x3F93] =	sst lr;
	_ =	strace $0xD0000000  }
0x3: {  	_ = 	snop  }
0x4: {  	_ = 	snop  }
0x5: {  	_ = 	snop  }
0x6: {  	_ = 	snop  }
0x7: {  	_ = 	snop  }
__scs_overlays_trampoline_lowered:
0x8: {  	[smem:$0x3FA2] =	sst s0  }
0x9: {  	[smem:$0x3FA3] =	sst s1  }
0xa: {  	[smem:$0x3FA4] =	sst s2  }
0xb: {  	[smem:$0x3FA5] =	sst s3  }
0xc: {  	[smem:$0x3FA6] =	sst s4  }
0xd: {  	[smem:$0x3FA7] =	sst s5  }
0xe: {  	[smem:$0x3FA8] =	sst s6  }
0xf: {  	[smem:$0x3FA9] =	sst s7  }
0x10: {  	[smem:$0x3FAA] =	sst s8  }
0x11: {  	[smem:$0x3FAB] =	sst s9;
	s0 =	simm.s32 @!p0 $0x0  }
0x12: {  	s1 =	sld [smem:$0x3F91];
	s0 =	simm.s32 @p0 $0x1  }
0x13: {  	[smem:$0x3FAC] =	sst s0;
	s0 =	simm.s32 @!p1 $0x0  }
0x14: {  	s2 =	sld [smem:$0x3F90];
	s0 =	simm.s32 @p1 $0x1  }
0x15: {  	[smem:$0x3FAD] =	sst s0;
	s0 =	simm.s32 @!p2 $0x0  }
0x16: {  	s3 =	sld [smem:$0x3FDB];
	s0 =	simm.s32 @p2 $0x1  }
0x17: {  	s4 =	simm.s32 $0x1BF5;
	[smem:$0x3FAF] =	sst s0  }
0x18: {  	s0 =	sld [smem:$0x3F92];
	_ =	swait.ge [sflag:s4], $0x0  }
0x19: {  	s7 =	sld [smem:$0x3F93]  }
0x1a: {  	s8 =	sadd.s32 $0xFFFFE003, lr  }
0x1b: {  	s9 =	sadd.s32 $0xFFFFFEF7, lr;
	s5 =	simm.s32 $0xFFFFFFFF;
	p2 =	slt.u32 s8, $0xFFFFF086  }
0x1c: {  	p1 =	slt.u32 s9, $0xF7A;
	s5 =	simm.s32 @!p2 $0x0  }
0x1d: {  	s5 =	simm.s32 @p1 $0x1;
	p0 =	seq.s32 s7, s2  }
0x1e: {  	s7 =	smul.u32 @!p0 $0xF7A, s2;
	p2 =	seq.s32 @!p0 s5, $0x0  }
0x1f: {  	s9 =	smul.u32 $0xF7A, s1;
	s8 =	simm.s32 @!p0 $0x1BF5;
	p2 =	por !p2, p0  }
0x20: {  	[sflag:s8] =	ssyncset.s32 @!p0 $0xFFFFF086;
	s6 =	sadd.s32 @!p0 s3, s7;
	s7 =	simm.s32 @!p0 $0x108  }
0x21: {  	s3 =	sadd.s32 s3, s9;
	s6 =	sadd.s32 @!p0 $0x88, s6;
	s7 =	simm.s32 @p2 $0x1082  }
0x22: {  	[simem:s7], [sflag:s8] =	dma.local @!p0 [hbm:s6], $0xF7A  }
0x23: {  	s9 =	sor.u32 $0xD0000000, s2;
	s6 =	simm.s32 $0x108;
	_ =	swait.ge @!p0 [sflag:s8], $0x0  }
0x24: {  	s3 =	sadd.s32 $0x88, s3;
	s6 =	simm.s32 @!p1 $0x1082;
	[sflag:s4] =	ssyncset.s32 $0xFFFFF086  }
0x25: {  	[simem:s6], [sflag:s4] =	dma.local [hbm:s3], $0xF7A  }
0x26: {  	[smem:$0x3F93] =	sst s1;
	(tag) =	ssettag s2;
	_ =	strace s9  }
0x27: {  	s1 =	sld [smem:$0x3FA3]  }
0x28: {  	s2 =	sld [smem:$0x3FA4]  }
0x29: {  	s4 =	sld [smem:$0x3FA6]  }
0x2a: {  	p0 =	seq.s32 s5, $0x0;
	s5 =	sld [smem:$0x3FA7]  }
0x2b: {  	s6 =	sld [smem:$0x3FA8]  }
0x2c: {  	s7 =	sld [smem:$0x3FA9]  }
0x2d: {  	s3 =	simm.s32 $0x108;
	s8 =	sld [smem:$0x3FAA]  }
0x2e: {  	s3 =	simm.s32 @!p0 $0x1082;
	s9 =	sld [smem:$0x3FAB]  }
0x2f: {  	lr =	sadd.s32 s0, s3;
	s0 =	sld [smem:$0x3FA2]  }
0x30: {  	s3 =	sld [smem:$0x3FA5]  }
0x31: {  	[smem:$0x3FAE] =	sst s10  }
0x32: {  	s10 =	sld [smem:$0x3FAC];
	_ =	sdelay $0x3  }
0x33: {  	p0 =	seq.s32 s10, $0x1;
	s10 =	sld [smem:$0x3FAE];
	_ =	sdelay $0x3  }
0x34: {  	[smem:$0x3FAE] =	sst s10  }
0x35: {  	s10 =	sld [smem:$0x3FAD];
	_ =	sdelay $0x3  }
0x36: {  	p1 =	seq.s32 s10, $0x1;
	s10 =	sld [smem:$0x3FAE];
	_ =	sdelay $0x3  }
0x37: {  	[smem:$0x3FAE] =	sst s10  }
0x38: {  	s10 =	sld [smem:$0x3FAF]  }
0x39: {  	_ = 	snop;
	(pc) =	sbr.ind lr, $3  }
0x3a: {  	_ = 	snop  }
0x3b: {  	_ = 	snop  }
0x3c: {  	p2 =	seq.s32 s10, $0x1;
	s10 =	sld [smem:$0x3FAE]  }
0x3d: {  	_ =	shalt  }
0x3e: {  	_ =	shalt  }
0x3f: {  	_ =	shalt  }
0x40: {  	_ =	shalt  }
0x41: {  	_ =	shalt  }
0x42: {  	_ =	shalt  }
0x43: {  	_ =	shalt  }
0x44: {  	_ =	shalt  }
0x45: {  	_ =	shalt  }
0x46: {  	_ =	shalt  }
0x47: {  	_ =	shalt  }
0x48: {  	_ =	shalt  }
0x49: {  	_ =	shalt  }
0x4a: {  	_ =	shalt  }
0x4b: {  	_ =	shalt  }
0x4c: {  	_ =	shalt  }
0x4d: {  	_ =	shalt  }
0x4e: {  	_ =	shalt  }
0x4f: {  	_ =	shalt  }
0x50: {  	_ =	shalt  }
0x51: {  	_ =	shalt  }
0x52: {  	_ =	shalt  }
0x53: {  	_ =	shalt  }
0x54: {  	_ =	shalt  }
0x55: {  	_ =	shalt  }
0x56: {  	_ =	shalt  }
0x57: {  	_ =	shalt  }
0x58: {  	_ =	shalt  }
0x59: {  	_ =	shalt  }
0x5a: {  	_ =	shalt  }
0x5b: {  	_ =	shalt  }
0x5c: {  	_ =	shalt  }
0x5d: {  	_ =	shalt  }
0x5e: {  	_ =	shalt  }
0x5f: {  	_ =	shalt  }
0x60: {  	_ =	shalt  }
0x61: {  	_ =	shalt  }
0x62: {  	_ =	shalt  }
0x63: {  	_ =	shalt  }
0x64: {  	_ =	shalt  }
0x65: {  	_ =	shalt  }
0x66: {  	_ =	shalt  }
0x67: {  	_ =	shalt  }
0x68: {  	_ =	shalt  }
0x69: {  	_ =	shalt  }
0x6a: {  	_ =	shalt  }
0x6b: {  	_ =	shalt  }
0x6c: {  	_ =	shalt  }
0x6d: {  	_ =	shalt  }
0x6e: {  	_ =	shalt  }
0x6f: {  	_ =	shalt  }
0x70: {  	_ =	shalt  }
0x71: {  	_ =	shalt  }
0x72: {  	_ =	shalt  }
0x73: {  	_ =	shalt  }
0x74: {  	_ =	shalt  }
0x75: {  	_ =	shalt  }
0x76: {  	_ =	shalt  }
0x77: {  	_ =	shalt  }
0x78: {  	_ =	shalt  }
0x79: {  	_ =	shalt  }
0x7a: {  	_ =	shalt  }
0x7b: {  	_ =	shalt  }
0x7c: {  	_ =	shalt  }
0x7d: {  	_ =	shalt  }
0x7e: {  	_ =	shalt  }
0x7f: {  	_ =	shalt  }
0x80: {  	_ =	shalt  }
0x81: {  	_ =	shalt  }
0x82: {  	_ =	shalt  }
0x83: {  	_ =	shalt  }
0x84: {  	_ =	shalt  }
0x85: {  	_ =	shalt  }
0x86: {  	_ =	shalt  }
0x87: {  	_ =	shalt  }
.Lfunc_end0:
.L_simem_size_0:
called_computation_lowered:
.L_overlay_start_0:
0x88: {  	s2 =	sld [smem:$0x3FD9]  }
0x89: {  	s3 =	sld [smem:$0x3FFE];
	_ =	sdelay $0x1  }
0x8a: {  	s1 =	srdreg.scid  }
0x8b: {  	s0 =	sand.u32 $0x1, s1  }
0x8c: {  	s17 =	sshll.u32 s0, $0xA;
	s2 =	sadd.s32 s3, s2  }
0x8d: {  	s2 =	sadd.s32 s2, s17  }
0x8e: {  	[smem:$0x3FBA] =	sst s2  }
0x8f: {  	_ = 	snop  }
0x90: {  	s2 =	sld [smem:$0x3FD0];
	(tm) =	ssettm $0x1  }
0x91: {  	s18 =	sld [smem:$0x3FFB];
	_ =	sdelay $0x3  }
0x92: {  	_ =	strace s18  }
0x93: {  	s3 =	sld [smem:$0x3FFC];
	_ =	sdelay $0x3  }
0x94: {  	_ =	strace s3  }
0x95: {  	s3 =	sld [smem:$0x3FFD];
	_ =	sdelay $0x3  }
0x96: {  	_ =	strace s3  }
0x97: {  	_ =	strace $0x8FFFFFFF  }
0x98: {  	s19 =	sld [smem:$0x3FDB];
	_ =	sdelay $0x1  }
0x99: {  	s4 =	simm.s32 $_scs_section_size  }
0x9a: {  	s5 =	simm.s32 $_size__tile_overlayer_lowered;
	s6 =	simm.s32 $_tile_overlayer_lowered  }
0x9b: {  	s22 =	simm.s32 $0x1BFF;
	s21 =	sshll.u32 s6, $0x1;
	s3 =	sadd.s32 s4, s19  }
0x9c: {  	s7 =	simm.s32 $0x0;
	s20 =	sshll.u32 s5, $0x1;
	s5 =	sadd.s32 s21, s3  }
0x9d: {  	[timem:s7], [sflag:s22] =	dma.local [hbm:s5], s20  }
0x9e: {  	_ =	swait.ge [sflag:s22], s20  }
0x9f: {  	s4 =	ssub.s32 $0x0, s20;
	[sflag:s22] =	ssyncset.done $0x0  }
0xa0: {  	[sflag:s22] =	ssyncadd.s32 s4;
	_ =	sdelay $0x1  }
0xa1: {  	s23 =	simm.s32 $0x1B8B  }
0xa2: {  	_ =	swait.ge [sflag:s23], $0x1  }
0xa3: {  	[sflag:s23] =	ssyncset.done $0x0  }
0xa4: {  	s25 =	simm.s32 $0x1B8E;
	s24 =	sld [smem:$0x3FFE];
	[sflag:s23] =	ssyncadd.s32 $0xFFFFFFFF  }
0xa5: {  	s26 =	simm.s32 $execute0_lowered;
	[smem:$0x3FD2] =	sst s25  }
0xa6: {  	s5 =	sshll.u32 s26, $0x1;
	_ =	strace $0x80000046;
	[dreg:$0x1] =	wrdreg $0xFFFFFFFF  }
0xa7: {  	s28 =	simm.s32 $_size_execute0_lowered;
	s3 =	sadd.s32 s3, s5;
	[dreg:$0x0] =	wrdreg $0x0  }
0xa8: {  	s5 =	sshll.u32 s28, $0x1;
	[dreg:$0x2] =	wrdreg s3  }
0xa9: {  	[dreg:$0x3] =	wrdreg s5  }
0xaa: {  	[dreg:$0x4] =	wrdreg $0xC0  }
0xab: {  	_ =	task [dreg:s7], $0x5FFFF  }
0xac: {  	[dreg:$0x1] =	wrdreg $0xFFFFFFFF  }
0xad: {  	[dreg:$0x0] =	wrdreg $0x60  }
0xae: {  	[dreg:$0x2] =	wrdreg s24  }
0xaf: {  	[dreg:$0x3] =	wrdreg s2  }
0xb0: {  	[dreg:$0x4] =	wrdreg $0x0  }
0xb1: {  	[dreg:$0x5] =	wrdreg $0x140000  }
0xb2: {  	[dreg:$0x6] =	wrdreg $0x142800  }
0xb3: {  	[dreg:$0x7] =	wrdreg $0x9  }
0xb4: {  	_ =	task.clear_ibuf [dreg:s7], $0x8FFFF;
	_ =	strace $0x90000046  }
0xb5: {  	s29 =	simm.s32 $0x9;
	_ =	strace $0x80000048  }
0xb6: {  	_ =	swait.ge [sflag:s29], $0x1  }
0xb7: {  	[sflag:s29] =	ssyncadd.s32 $0xFFFFFFFF  }
0xb8: {  	_ =	strace $0x90000048  }
0xb9: {  	_ =	sfence  }
0xba: {  	s30 =	sld [smem:$0x0];
	_ =	sdelay $0x2  }
0xbb: {  	s31 =	sshll.u32 s1, $0xD;
	s1 =	sshrl.u32 s1, $0x2  }
0xbc: {  	s3 =	sand.u32 $0x4000, s31;
	s1 =	sadd.s32 s1, s30  }
0xbd: {  	s0 =	sor.u32 s3, s0;
	s1 =	sshll.u32 s1, $0x11  }
0xbe: {  	s0 =	sor.u32 s1, s0  }
0xbf: {  	s0 =	sadd.s32 $0x8F2B, s0  }
0xc0: {  	[sflag:s0] =	ssyncadd.remote.s32 $0x1  }
0xc1: {  	_ =	sfence.sel $0xFFFF  }
0xc2: {  	[dreg:$0x0] =	wrdreg $0xFFFFFFFF;
	(pc) =	sbr.abs _section_cstart, $3  }
0xc3: {  	[dreg:$0x1] =	wrdreg $0xFFFFFFFF  }
0xc4: {  	_ =	task.clear_ibuf [dreg:s7], $0x2FFFF;
	_ =	strace $0x9FFFFFFF  }
0xc5: {  	(tm) =	ssettm $0x7FFFFFFF  }
tec
execute0_lowered:
.L_overlay_start_1:
0x0: {  	(tag) =	ssettag $0x1  }
0x1: {  	s0 =	rddreg [dreg:$0x0]  }
0x2: {  	s3 =	rddreg [dreg:$0x1]  }
0x3: {  	s1 =	rddreg [dreg:$0x2]  }
0x4: {  	s2 =	rddreg [dreg:$0x3];
	s16 =	stileid.u32  }
0x5: {  	s4 =	rddreg [dreg:$0x4];
	s5 =	smul.u32 $0x14000, s16  }
0x6: {  	s22 =	simm.s32 $0x0;
	s6 =	srdreg.scid;
	s9 =	smul.u32 $0x280, s16  }
0x7: {  	s29 =	simm.s32 $0x1A500;
	s31 =	simm.s32 $0x1C500;
	s14 =	smul.u32 $0x50000, s16  }
0x8: {  	[smem:$0x7FF] =	sst s22;
	s10 =	sand.u32 $0x1, s6;
	s18 =	smul.u32 $0x500, s16  }
0x9: {  	s6 =	sadd.s32 $0x7CE00, s0;
	s7 =	sadd.s32 $0x2CE00, s0;
	s23 =	smul.u32 $0xA000, s16  }
0xa: {  	s8 =	sadd.s32 $0x4E00, s0;
	s19 =	sshll.u32 s16, $0x6;
	s11 =	smul.u32 $0x140000, s10  }
0xb: {  	s16 =	simm.s32 $0x16300;
	_ =	strace $0x80000047;
	s15 =	smul.u32 $0x5000, s10  }
0xc: {  	s25 =	ssub.s32 $0x2, s10;
	s10 =	smul.u32 $0xA0000, s10;
	s12 =	sshrl.u32 s5, $0x3  }
0xd: {  	s13 =	sshrl.u32 s9, $0x3;
	s26 =	sshrl.u32 s25, $0x1;
	s17 =	sshrl.u32 s14, $0x2  }
0xe: {  	s21 =	sadd.s32 s9, s2;
	s9 =	sadd.s32 s9, s4;
	s14 =	simm.s32 $0x3  }
0xf: {  	s12 =	sadd.s32 s12, s0;
	s13 =	sadd.s32 s13, s0;
	s5 =	sadd.s32 s5, s11  }
0x10: {  	s11 =	sadd.s32 s17, s1;
	s20 =	sadd.s32 s18, s15;
	s18 =	simm.s32 $0x5  }
0x11: {  	s28 =	sshrl.u32 s21, $0x3;
	s21 =	simm.s32 $0x14500;
	s17 =	simm.s32 $0x15500  }
0x12: {  	s15 =	simm.s32 $0x4;
	s5 =	sshrl.u32 s5, $0x3;
	s12 =	sadd.s32 $0xA5400, s12  }
0x13: {  	s13 =	sadd.s32 $0xA4E00, s13;
	s30 =	sshrl.u32 s11, $0x3;
	s11 =	simm.s32 $0x16380  }
0x14: {  	[dreg:$0xf] =	wrdreg s28;
	s0 =	sadd.s32 s5, s0;
	s5 =	ssub.s32 s25, s26  }
0x15: {  	[dreg:$0x7] =	wrdreg s12;
	s25 =	sor.u32 $0x1C05, s19;
	s12 =	sshrl.u32 s20, $0x3  }
0x16: {  	[dreg:$0x9] =	wrdreg s13;
	s13 =	sadd.s32 s23, s10;
	s23 =	simm.s32 $0x40  }
0x17: {  	s19 =	simm.s32 $0x16400;
	s20 =	simm.s32 $0x15400;
	[dreg:$0xe] =	wrdreg s30  }
0x18: {  	s10 =	simm.s32 $0x16480;
	s0 =	sadd.s32 $0xCD400, s0;
	[dreg:$0x8] =	wrdreg s25  }
0x19: {  	s3 =	sadd.s32 s3, s12;
	s26 =	smax.u32 s5, $0x1;
	[dreg:$0xb] =	wrdreg s0  }
0x1a: {  	s12 =	sshrl.u32 s9, $0x3;
	s9 =	simm.s32 $0x2;
	[dreg:$0xa] =	wrdreg s3  }
0x1b: {  	s5 =	simm.s32 $0x15480;
	s24 =	sadd.s32 $0x10, s3;
	[dreg:$0xd] =	wrdreg s26  }
0x1c: {  	s26 =	simm.s32 $0x18500;
	s0 =	simm.s32 $0x1;
	[dreg:$0x10] =	wrdreg s12  }
0x1d: {  	v0 =	vimm.f32 $1.000000000e+00;
	s3 =	simm.s32 $0x1E500;
	[dreg:$0xc] =	wrdreg s24;
	s24 =	simm.s32 $0x16500  }
.LBB2_1:
0x1e: {  	[dreg:$0x6] =	wrdreg s22  }
0x1f: {  	s22 =	rddreg [dreg:$0x7]  }
0x20: {  	[spmem:s30], [sflag:s25] =	dma.local [hbm:s22], $0x2800  }
0x21: {  	_ =	swait.ge [sflag:s18], $0x2800  }
0x22: {  	[sflag:s18] =	ssyncset.done $0x0  }
0x23: {  	s30 =	rddreg [dreg:$0x9];
	[sflag:s18] =	ssyncadd.s32 $0xFFFFD800  }
0x24: {  	[spmem:s28], [sflag:s25] =	dma.local [hbm:s30], $0x50  }
0x25: {  	_ =	swait.ge [sflag:s18], $0x50  }
0x26: {  	[sflag:s18] =	ssyncset.done $0x0  }
0x27: {  	[sflag:s18] =	ssyncadd.s32 $0xFFFFFFB0  }
0x28: {  	[spmem:s12], [sflag:s25] =	dma.local [hbm:s30], $0x50  }
0x29: {  	_ =	swait.ge [sflag:s18], $0x50  }
0x2a: {  	[sflag:s18] =	ssyncset.done $0x0  }
0x2b: {  	[sflag:s18] =	ssyncadd.s32 $0xFFFFFFB0  }
0x2c: {  	[tilespmem:$0x1E500] =	vst v0  }
0x2d: {  	[tilespmem:$0x1E510] =	vst v0  }
0x2e: {  	[tilespmem:$0x1E520] =	vst v0  }
0x2f: {  	[tilespmem:$0x1E530] =	vst v0  }
0x30: {  	s22 =	simm.s32 $0x0;
	s12 =	simm.s32 $0x14580;
	[bflag:$0x0] =	sbarrier.arrive $0xFFFF  }
.LBB2_2:
0x31: {  	s25 =	sshll.u32 s22, $0xC  }
0x32: {  	s25 =	sadd.s32 s25, s13  }
0x33: {  	s25 =	sshrl.u32 s25, $0x3  }
0x34: {  	s30 =	simm.s32 $0x0;
	s28 =	sadd.s32 s7, s25  }
0x35: {  	[tilespmem:s21], [sflag:$0x5] =	stream.linear.gather [hbm4b:s28+s30], $0x1000, $0x38;
	[tilespmem:$0x1E580] =	vst v63  }
0x36: {  	_ =	swait.ge [sflag:s18], $0x1000  }
0x37: {  	[sflag:s18] =	ssyncset.done $0x0  }
0x38: {  	s25 =	sadd.s32 s8, s25;
	[sflag:s18] =	ssyncadd.s32 $0xFFFFF000  }
0x39: {  	[tilespmem:s17], [sflag:$0x5] =	stream.linear.gather [hbm4b:s25+s30], $0x1000, $0x38;
	[tilespmem:$0x1E580] =	vst v63  }
0x3a: {  	_ =	swait.ge [sflag:s18], $0x1000  }
0x3b: {  	[sflag:s18] =	ssyncset.done $0x0  }
0x3c: {  	[sflag:s18] =	ssyncadd.s32 $0xFFFFF000  }
0x3d: {  	[tilespmem:s24], [sflag:$0x1] =	stream.indirect.gather [hbm4b:s6+s23], $0x80, s21, s23, $0xb8;
	[tilespmem:$0x1E580] =	vst v63  }
0x3e: {  	_ = 	snop  }
0x3f: {  	[tilespmem:s26], [sflag:$0x2] =	stream.indirect.gather [hbm4b:s6+s23], $0x80, s12, s23, $0xb8;
	[tilespmem:$0x1E580] =	vst v63  }
0x40: {  	s30 =	simm.s32 $0x14600  }
0x41: {  	[tilespmem:s29], [sflag:$0x3] =	stream.indirect.gather [hbm4b:s6+s23], $0x80, s30, s23, $0xb8;
	[tilespmem:$0x1E580] =	vst v63  }
0x42: {  	s30 =	simm.s32 $0x14680  }
0x43: {  	[tilespmem:s31], [sflag:$0x4] =	stream.indirect.gather [hbm4b:s6+s23], $0x80, s30, s23, $0xb8;
	[tilespmem:$0x1E580] =	vst v63  }
0x44: {  	_ =	swait.ge [sflag:s0], $0x2000  }
0x45: {  	[sflag:s0] =	ssyncset.done $0x0  }
0x46: {  	s30 =	simm.s32 $0x15500;
	[sflag:s0] =	ssyncadd.s32 $0xFFFFE000  }
0x47: {  	[spmem:s1] =	stream.indirect.scatter.add.f32 [tilespmem:s24], [sflag:$0x5], $0x80, s30, s23, $0xb8;
	[tilespmem:$0x1E580] =	vst v63  }
0x48: {  	_ =	swait.ge [sflag:s18], $0x2000  }
0x49: {  	[sflag:s18] =	ssyncset.done $0x0  }
0x4a: {  	[sflag:s18] =	ssyncadd.s32 $0xFFFFE000  }
0x4b: {  	[spmem:s2] =	stream.indirect.scatter.add.f32 [tilespmem:s3], [sflag:$0x5], $0x1, s30, s23, $0xb8;
	[tilespmem:$0x1E580] =	vst v63  }
0x4c: {  	_ =	swait.ge [sflag:s18], $0x40  }
0x4d: {  	[sflag:s18] =	ssyncset.done $0x0  }
0x4e: {  	s30 =	simm.s32 $0x14500;
	[sflag:s18] =	ssyncadd.s32 $0xFFFFFFC0  }
0x4f: {  	[spmem:s4] =	stream.indirect.scatter.add.f32 [tilespmem:s3], [sflag:$0x5], $0x1, s30, s23, $0xb8;
	[tilespmem:$0x1E580] =	vst v63  }
0x50: {  	_ =	swait.ge [sflag:s18], $0x40  }
0x51: {  	[sflag:s18] =	ssyncset.done $0x0  }
0x52: {  	s30 =	simm.s32 $0x14700;
	[sflag:s18] =	ssyncadd.s32 $0xFFFFFFC0  }
0x53: {  	[tilespmem:s24], [sflag:$0x1] =	stream.indirect.gather [hbm4b:s6+s23], $0x80, s30, s23, $0xb8;
	[tilespmem:$0x1E580] =	vst v63  }
0x54: {  	_ =	swait.ge [sflag:s9], $0x2000  }
0x55: {  	[sflag:s9] =	ssyncset.done $0x0  }
0x56: {  	s30 =	simm.s32 $0x15580;
	[sflag:s9] =	ssyncadd.s32 $0xFFFFE000  }
0x57: {  	[spmem:s1] =	stream.indirect.scatter.add.f32 [tilespmem:s26], [sflag:$0x5], $0x80, s30, s23, $0xb8;
	[tilespmem:$0x1E580] =	vst v63  }
0x58: {  	_ =	swait.ge [sflag:s18], $0x2000  }
0x59: {  	[sflag:s18] =	ssyncset.done $0x0  }
0x5a: {  	[sflag:s18] =	ssyncadd.s32 $0xFFFFE000  }
0x5b: {  	[spmem:s2] =	stream.indirect.scatter.add.f32 [tilespmem:s3], [sflag:$0x5], $0x1, s30, s23, $0xb8;
	[tilespmem:$0x1E580] =	vst v63  }
0x5c: {  	_ =	swait.ge [sflag:s18], $0x40  }
0x5d: {  	[sflag:s18] =	ssyncset.done $0x0  }
0x5e: {  	s30 =	simm.s32 $0x14580;
	[sflag:s18] =	ssyncadd.s32 $0xFFFFFFC0  }
0x5f: {  	[spmem:s4] =	stream.indirect.scatter.add.f32 [tilespmem:s3], [sflag:$0x5], $0x1, s30, s23, $0xb8;
	[tilespmem:$0x1E580] =	vst v63  }
0x60: {  	_ =	swait.ge [sflag:s18], $0x40  }
0x61: {  	[sflag:s18] =	ssyncset.done $0x0  }
0x62: {  	s30 =	simm.s32 $0x14780;
	[sflag:s18] =	ssyncadd.s32 $0xFFFFFFC0  }
0x63: {  	[tilespmem:s26], [sflag:$0x2] =	stream.indirect.gather [hbm4b:s6+s23], $0x80, s30, s23, $0xb8;
	[tilespmem:$0x1E580] =	vst v63  }
0x64: {  	_ =	swait.ge [sflag:s14], $0x2000  }
0x65: {  	[sflag:s14] =	ssyncset.done $0x0  }
0x66: {  	s30 =	simm.s32 $0x15600;
	[sflag:s14] =	ssyncadd.s32 $0xFFFFE000  }
0x67: {  	[spmem:s1] =	stream.indirect.scatter.add.f32 [tilespmem:s29], [sflag:$0x5], $0x80, s30, s23, $0xb8;
	[tilespmem:$0x1E580] =	vst v63  }
0x68: {  	_ =	swait.ge [sflag:s18], $0x2000  }
0x69: {  	[sflag:s18] =	ssyncset.done $0x0  }
0x6a: {  	[sflag:s18] =	ssyncadd.s32 $0xFFFFE000  }
0x6b: {  	[spmem:s2] =	stream.indirect.scatter.add.f32 [tilespmem:s3], [sflag:$0x5], $0x1, s30, s23, $0xb8;
	[tilespmem:$0x1E580] =	vst v63  }
0x6c: {  	_ =	swait.ge [sflag:s18], $0x40  }
0x6d: {  	[sflag:s18] =	ssyncset.done $0x0  }
0x6e: {  	s30 =	simm.s32 $0x14600;
	[sflag:s18] =	ssyncadd.s32 $0xFFFFFFC0  }
0x6f: {  	[spmem:s4] =	stream.indirect.scatter.add.f32 [tilespmem:s3], [sflag:$0x5], $0x1, s30, s23, $0xb8;
	[tilespmem:$0x1E580] =	vst v63  }
0x70: {  	_ =	swait.ge [sflag:s18], $0x40  }
0x71: {  	[sflag:s18] =	ssyncset.done $0x0  }
0x72: {  	s30 =	simm.s32 $0x14800;
	[sflag:s18] =	ssyncadd.s32 $0xFFFFFFC0  }
0x73: {  	[tilespmem:s29], [sflag:$0x3] =	stream.indirect.gather [hbm4b:s6+s23], $0x80, s30, s23, $0xb8;
	[tilespmem:$0x1E580] =	vst v63  }
0x74: {  	_ =	swait.ge [sflag:s15], $0x2000  }
0x75: {  	[sflag:s15] =	ssyncset.done $0x0  }
0x76: {  	s30 =	simm.s32 $0x15680;
	[sflag:s15] =	ssyncadd.s32 $0xFFFFE000  }
0x77: {  	[spmem:s1] =	stream.indirect.scatter.add.f32 [tilespmem:s31], [sflag:$0x5], $0x80, s30, s23, $0xb8;
	[tilespmem:$0x1E580] =	vst v63  }
0x78: {  	_ =	swait.ge [sflag:s18], $0x2000  }
0x79: {  	[sflag:s18] =	ssyncset.done $0x0  }
0x7a: {  	[sflag:s18] =	ssyncadd.s32 $0xFFFFE000  }
0x7b: {  	[spmem:s2] =	stream.indirect.scatter.add.f32 [tilespmem:s3], [sflag:$0x5], $0x1, s30, s23, $0xb8;
	[tilespmem:$0x1E580] =	vst v63  }
0x7c: {  	_ =	swait.ge [sflag:s18], $0x40  }
0x7d: {  	[sflag:s18] =	ssyncset.done $0x0  }
0x7e: {  	s30 =	simm.s32 $0x14680;
	[sflag:s18] =	ssyncadd.s32 $0xFFFFFFC0  }
0x7f: {  	[spmem:s4] =	stream.indirect.scatter.add.f32 [tilespmem:s3], [sflag:$0x5], $0x1, s30, s23, $0xb8;
	[tilespmem:$0x1E580] =	vst v63  }
0x80: {  	_ =	swait.ge [sflag:s18], $0x40  }
0x81: {  	[sflag:s18] =	ssyncset.done $0x0  }
0x82: {  	s28 =	simm.s32 $0x14880;
	s25 =	simm.s32 $0x800;
	[sflag:s18] =	ssyncadd.s32 $0xFFFFFFC0  }
.LBB2_3:
0x83: {  	[tilespmem:s31], [sflag:$0x4] =	stream.indirect.gather [hbm4b:s6+s23], $0x80, s28, s23, $0xb8;
	[tilespmem:$0x1E580] =	vst v63  }
0x84: {  	s28 =	smov.u32 s25  }
0x85: {  	p0 =	sne.s32 s25, $0x3000;
	s25 =	sadd.s32 $0x800, s25;
	_ =	swait.ge [sflag:s0], $0x2000  }
0x86: {  	s28 =	sshra.s32 s28, $0x2;
	[sflag:s0] =	ssyncset.done $0x0  }
0x87: {  	s30 =	sadd.s32 $0x15500, s28;
	[sflag:s0] =	ssyncadd.s32 $0xFFFFE000  }
0x88: {  	[spmem:s1] =	stream.indirect.scatter.add.f32 [tilespmem:s24], [sflag:$0x5], $0x80, s30, s23, $0xb8;
	[tilespmem:$0x1E580] =	vst v63  }
0x89: {  	_ =	swait.ge [sflag:s18], $0x2000  }
0x8a: {  	[sflag:s18] =	ssyncset.done $0x0  }
0x8b: {  	[sflag:s18] =	ssyncadd.s32 $0xFFFFE000  }
0x8c: {  	[spmem:s2] =	stream.indirect.scatter.add.f32 [tilespmem:s3], [sflag:$0x5], $0x1, s30, s23, $0xb8;
	[tilespmem:$0x1E580] =	vst v63  }
0x8d: {  	_ =	swait.ge [sflag:s18], $0x40  }
0x8e: {  	[sflag:s18] =	ssyncset.done $0x0  }
0x8f: {  	s30 =	sadd.s32 $0x14500, s28;
	[sflag:s18] =	ssyncadd.s32 $0xFFFFFFC0  }
0x90: {  	[spmem:s4] =	stream.indirect.scatter.add.f32 [tilespmem:s3], [sflag:$0x5], $0x1, s30, s23, $0xb8;
	[tilespmem:$0x1E580] =	vst v63  }
0x91: {  	_ =	swait.ge [sflag:s18], $0x40  }
0x92: {  	[sflag:s18] =	ssyncset.done $0x0  }
0x93: {  	s30 =	sadd.s32 $0x14700, s28;
	[sflag:s18] =	ssyncadd.s32 $0xFFFFFFC0  }
0x94: {  	[tilespmem:s24], [sflag:$0x1] =	stream.indirect.gather [hbm4b:s6+s23], $0x80, s30, s23, $0xb8;
	[tilespmem:$0x1E580] =	vst v63  }
0x95: {  	_ =	swait.ge [sflag:s9], $0x2000  }
0x96: {  	[sflag:s9] =	ssyncset.done $0x0  }
0x97: {  	s30 =	sadd.s32 $0x15580, s28;
	[sflag:s9] =	ssyncadd.s32 $0xFFFFE000  }
0x98: {  	[spmem:s1] =	stream.indirect.scatter.add.f32 [tilespmem:s26], [sflag:$0x5], $0x80, s30, s23, $0xb8;
	[tilespmem:$0x1E580] =	vst v63  }
0x99: {  	_ =	swait.ge [sflag:s18], $0x2000  }
0x9a: {  	[sflag:s18] =	ssyncset.done $0x0  }
0x9b: {  	[sflag:s18] =	ssyncadd.s32 $0xFFFFE000  }
0x9c: {  	[spmem:s2] =	stream.indirect.scatter.add.f32 [tilespmem:s3], [sflag:$0x5], $0x1, s30, s23, $0xb8;
	[tilespmem:$0x1E580] =	vst v63  }
0x9d: {  	_ =	swait.ge [sflag:s18], $0x40  }
0x9e: {  	[sflag:s18] =	ssyncset.done $0x0  }
0x9f: {  	s30 =	sadd.s32 $0x14580, s28;
	[sflag:s18] =	ssyncadd.s32 $0xFFFFFFC0  }
0xa0: {  	[spmem:s4] =	stream.indirect.scatter.add.f32 [tilespmem:s3], [sflag:$0x5], $0x1, s30, s23, $0xb8;
	[tilespmem:$0x1E580] =	vst v63  }
0xa1: {  	_ =	swait.ge [sflag:s18], $0x40  }
0xa2: {  	[sflag:s18] =	ssyncset.done $0x0  }
0xa3: {  	s30 =	sadd.s32 $0x14780, s28;
	[sflag:s18] =	ssyncadd.s32 $0xFFFFFFC0  }
0xa4: {  	[tilespmem:s26], [sflag:$0x2] =	stream.indirect.gather [hbm4b:s6+s23], $0x80, s30, s23, $0xb8;
	[tilespmem:$0x1E580] =	vst v63  }
0xa5: {  	_ =	swait.ge [sflag:s14], $0x2000  }
0xa6: {  	[sflag:s14] =	ssyncset.done $0x0  }
0xa7: {  	s30 =	sadd.s32 $0x15600, s28;
	[sflag:s14] =	ssyncadd.s32 $0xFFFFE000  }
0xa8: {  	[spmem:s1] =	stream.indirect.scatter.add.f32 [tilespmem:s29], [sflag:$0x5], $0x80, s30, s23, $0xb8;
	[tilespmem:$0x1E580] =	vst v63  }
0xa9: {  	_ =	swait.ge [sflag:s18], $0x2000  }
0xaa: {  	[sflag:s18] =	ssyncset.done $0x0  }
0xab: {  	[sflag:s18] =	ssyncadd.s32 $0xFFFFE000  }
0xac: {  	[spmem:s2] =	stream.indirect.scatter.add.f32 [tilespmem:s3], [sflag:$0x5], $0x1, s30, s23, $0xb8;
	[tilespmem:$0x1E580] =	vst v63  }
0xad: {  	_ =	swait.ge [sflag:s18], $0x40  }
0xae: {  	[sflag:s18] =	ssyncset.done $0x0  }
0xaf: {  	s30 =	sadd.s32 $0x14600, s28;
	[sflag:s18] =	ssyncadd.s32 $0xFFFFFFC0  }
0xb0: {  	[spmem:s4] =	stream.indirect.scatter.add.f32 [tilespmem:s3], [sflag:$0x5], $0x1, s30, s23, $0xb8;
	[tilespmem:$0x1E580] =	vst v63  }
0xb1: {  	_ =	swait.ge [sflag:s18], $0x40  }
0xb2: {  	[sflag:s18] =	ssyncset.done $0x0  }
0xb3: {  	s30 =	sadd.s32 $0x14800, s28;
	[sflag:s18] =	ssyncadd.s32 $0xFFFFFFC0  }
0xb4: {  	[tilespmem:s29], [sflag:$0x3] =	stream.indirect.gather [hbm4b:s6+s23], $0x80, s30, s23, $0xb8;
	[tilespmem:$0x1E580] =	vst v63  }
0xb5: {  	_ =	swait.ge [sflag:s15], $0x2000  }
0xb6: {  	[sflag:s15] =	ssyncset.done $0x0  }
0xb7: {  	s30 =	sadd.s32 $0x15680, s28;
	[sflag:s15] =	ssyncadd.s32 $0xFFFFE000  }
0xb8: {  	[spmem:s1] =	stream.indirect.scatter.add.f32 [tilespmem:s31], [sflag:$0x5], $0x80, s30, s23, $0xb8;
	[tilespmem:$0x1E580] =	vst v63  }
0xb9: {  	_ =	swait.ge [sflag:s18], $0x2000  }
0xba: {  	[sflag:s18] =	ssyncset.done $0x0  }
0xbb: {  	[sflag:s18] =	ssyncadd.s32 $0xFFFFE000  }
0xbc: {  	[spmem:s2] =	stream.indirect.scatter.add.f32 [tilespmem:s3], [sflag:$0x5], $0x1, s30, s23, $0xb8;
	[tilespmem:$0x1E580] =	vst v63  }
0xbd: {  	_ =	swait.ge [sflag:s18], $0x40  }
0xbe: {  	[sflag:s18] =	ssyncset.done $0x0  }
.Ltmp0:
0xbf: {  	s30 =	sadd.s32 $0x14680, s28;
	[sflag:s18] =	ssyncadd.s32 $0xFFFFFFC0;
	(pc) =	sbr.rel @p0 .LBB2_3-.Ltmp0, $4  }
0xc0: {  	[spmem:s4] =	stream.indirect.scatter.add.f32 [tilespmem:s3], [sflag:$0x5], $0x1, s30, s23, $0xb8;
	[tilespmem:$0x1E580] =	vst v63  }
0xc1: {  	_ =	swait.ge [sflag:s18], $0x40  }
0xc2: {  	[sflag:s18] =	ssyncset.done $0x0  }
0xc3: {  	s28 =	sadd.s32 $0x14880, s28;
	[sflag:s18] =	ssyncadd.s32 $0xFFFFFFC0  }
0xc4: {  	[tilespmem:s31], [sflag:$0x4] =	stream.indirect.gather [hbm4b:s6+s23], $0x80, s28, s23, $0xb8;
	[tilespmem:$0x1E580] =	vst v63  }
0xc5: {  	_ =	swait.ge [sflag:s0], $0x2000  }
0xc6: {  	[sflag:s0] =	ssyncset.done $0x0  }
0xc7: {  	[sflag:s0] =	ssyncadd.s32 $0xFFFFE000  }
0xc8: {  	[spmem:s1] =	stream.indirect.scatter.add.f32 [tilespmem:s24], [sflag:$0x5], $0x80, s16, s23, $0xb8;
	[tilespmem:$0x1E580] =	vst v63  }
0xc9: {  	_ =	swait.ge [sflag:s18], $0x2000  }
0xca: {  	[sflag:s18] =	ssyncset.done $0x0  }
0xcb: {  	[sflag:s18] =	ssyncadd.s32 $0xFFFFE000  }
0xcc: {  	[spmem:s2] =	stream.indirect.scatter.add.f32 [tilespmem:s3], [sflag:$0x5], $0x1, s16, s23, $0xb8;
	[tilespmem:$0x1E580] =	vst v63  }
0xcd: {  	_ =	swait.ge [sflag:s18], $0x40  }
0xce: {  	[sflag:s18] =	ssyncset.done $0x0  }
0xcf: {  	s25 =	simm.s32 $0x15300;
	[sflag:s18] =	ssyncadd.s32 $0xFFFFFFC0  }
0xd0: {  	[spmem:s4] =	stream.indirect.scatter.add.f32 [tilespmem:s3], [sflag:$0x5], $0x1, s25, s23, $0xb8;
	[tilespmem:$0x1E580] =	vst v63  }
0xd1: {  	_ =	swait.ge [sflag:s18], $0x40  }
0xd2: {  	[sflag:s18] =	ssyncset.done $0x0  }
0xd3: {  	[sflag:s18] =	ssyncadd.s32 $0xFFFFFFC0  }
0xd4: {  	_ =	swait.ge [sflag:s9], $0x2000  }
0xd5: {  	[sflag:s9] =	ssyncset.done $0x0  }
0xd6: {  	[sflag:s9] =	ssyncadd.s32 $0xFFFFE000  }
0xd7: {  	[spmem:s1] =	stream.indirect.scatter.add.f32 [tilespmem:s26], [sflag:$0x5], $0x80, s11, s23, $0xb8;
	[tilespmem:$0x1E580] =	vst v63  }
0xd8: {  	_ =	swait.ge [sflag:s18], $0x2000  }
0xd9: {  	[sflag:s18] =	ssyncset.done $0x0  }
0xda: {  	[sflag:s18] =	ssyncadd.s32 $0xFFFFE000  }
0xdb: {  	[spmem:s2] =	stream.indirect.scatter.add.f32 [tilespmem:s3], [sflag:$0x5], $0x1, s11, s23, $0xb8;
	[tilespmem:$0x1E580] =	vst v63  }
0xdc: {  	_ =	swait.ge [sflag:s18], $0x40  }
0xdd: {  	[sflag:s18] =	ssyncset.done $0x0  }
0xde: {  	s30 =	simm.s32 $0x15380;
	[sflag:s18] =	ssyncadd.s32 $0xFFFFFFC0  }
0xdf: {  	[spmem:s4] =	stream.indirect.scatter.add.f32 [tilespmem:s3], [sflag:$0x5], $0x1, s30, s23, $0xb8;
	[tilespmem:$0x1E580] =	vst v63  }
0xe0: {  	_ =	swait.ge [sflag:s18], $0x40  }
0xe1: {  	[sflag:s18] =	ssyncset.done $0x0  }
0xe2: {  	[sflag:s18] =	ssyncadd.s32 $0xFFFFFFC0  }
0xe3: {  	_ =	swait.ge [sflag:s14], $0x2000  }
0xe4: {  	[sflag:s14] =	ssyncset.done $0x0  }
0xe5: {  	[sflag:s14] =	ssyncadd.s32 $0xFFFFE000  }
0xe6: {  	[spmem:s1] =	stream.indirect.scatter.add.f32 [tilespmem:s29], [sflag:$0x5], $0x80, s19, s23, $0xb8;
	[tilespmem:$0x1E580] =	vst v63  }
0xe7: {  	_ =	swait.ge [sflag:s18], $0x2000  }
0xe8: {  	[sflag:s18] =	ssyncset.done $0x0  }
0xe9: {  	[sflag:s18] =	ssyncadd.s32 $0xFFFFE000  }
0xea: {  	[spmem:s2] =	stream.indirect.scatter.add.f32 [tilespmem:s3], [sflag:$0x5], $0x1, s19, s23, $0xb8;
	[tilespmem:$0x1E580] =	vst v63  }
0xeb: {  	_ =	swait.ge [sflag:s18], $0x40  }
0xec: {  	[sflag:s18] =	ssyncset.done $0x0  }
0xed: {  	[sflag:s18] =	ssyncadd.s32 $0xFFFFFFC0  }
0xee: {  	[spmem:s4] =	stream.indirect.scatter.add.f32 [tilespmem:s3], [sflag:$0x5], $0x1, s20, s23, $0xb8;
	[tilespmem:$0x1E580] =	vst v63  }
0xef: {  	_ =	swait.ge [sflag:s18], $0x40  }
0xf0: {  	[sflag:s18] =	ssyncset.done $0x0  }
0xf1: {  	[sflag:s18] =	ssyncadd.s32 $0xFFFFFFC0  }
0xf2: {  	_ =	swait.ge [sflag:s15], $0x2000  }
0xf3: {  	[sflag:s15] =	ssyncset.done $0x0  }
0xf4: {  	[sflag:s15] =	ssyncadd.s32 $0xFFFFE000  }
0xf5: {  	[spmem:s1] =	stream.indirect.scatter.add.f32 [tilespmem:s31], [sflag:$0x5], $0x80, s10, s23, $0xb8;
	[tilespmem:$0x1E580] =	vst v63  }
0xf6: {  	_ =	swait.ge [sflag:s18], $0x2000  }
0xf7: {  	[sflag:s18] =	ssyncset.done $0x0  }
0xf8: {  	[sflag:s18] =	ssyncadd.s32 $0xFFFFE000  }
0xf9: {  	[spmem:s2] =	stream.indirect.scatter.add.f32 [tilespmem:s3], [sflag:$0x5], $0x1, s10, s23, $0xb8;
	[tilespmem:$0x1E580] =	vst v63  }
0xfa: {  	s22 =	sadd.s32 $0x1, s22;
	_ =	swait.ge [sflag:s18], $0x40  }
0xfb: {  	p0 =	sne.s32 s22, $0xA;
	[sflag:s18] =	ssyncset.done $0x0  }
.Ltmp1:
0xfc: {  	[sflag:s18] =	ssyncadd.s32 $0xFFFFFFC0;
	(pc) =	sbr.rel @p0 .LBB2_2-.Ltmp1, $4  }
0xfd: {  	[spmem:s4] =	stream.indirect.scatter.add.f32 [tilespmem:s3], [sflag:$0x5], $0x1, s5, s23, $0xb8;
	[tilespmem:$0x1E580] =	vst v63  }
0xfe: {  	_ =	swait.ge [sflag:s18], $0x40  }
0xff: {  	[sflag:s18] =	ssyncset.done $0x0  }
0x100: {  	[sflag:s18] =	ssyncadd.s32 $0xFFFFFFC0  }
0x101: {  	[bflag:$0x0] =	sbarrier.arrive $0xFFFF  }
0x102: {  	s25 =	rddreg [dreg:$0x8]  }
0x103: {  	s22 =	rddreg [dreg:$0xb]  }
0x104: {  	s30 =	rddreg [dreg:$0xe]  }
0x105: {  	[hbm:s22], [sflag:s25] =	dma.local [spmem:s30], $0x2800  }
0x106: {  	_ =	swait.ge [sflag:s18], $0x2800  }
0x107: {  	s28 =	simm.s32 $0x20;
	[sflag:s18] =	ssyncset.done $0x0;
	s12 =	rddreg [dreg:$0xa]  }
0x108: {  	s20 =	simm.s32 $0x10;
	s17 =	rddreg [dreg:$0xf];
	[sflag:s18] =	ssyncadd.s32 $0xFFFFD800  }
0x109: {  	[hbm:s12@s28], [sflag:s25] =	dma.strided [spmem:s17@s20], $0x50, s0, $0x10   }
0x10a: {  	_ =	swait.ge [sflag:s18], $0x50  }
0x10b: {  	[sflag:s18] =	ssyncset.done $0x0;
	s22 =	rddreg [dreg:$0xc]  }
0x10c: {  	s12 =	rddreg [dreg:$0x10];
	[sflag:s18] =	ssyncadd.s32 $0xFFFFFFB0  }
0x10d: {  	[hbm:s22@s28], [sflag:s25] =	dma.strided [spmem:s12@s20], $0x50, s0, $0x10   }
0x10e: {  	_ =	swait.ge [sflag:s18], $0x50  }
0x10f: {  	s22 =	rddreg [dreg:$0x6]  }
0x110: {  	s28 =	rddreg [dreg:$0xd];
	s22 =	sadd.s32 $0x1, s22  }
0x111: {  	p0 =	sne.s32 s22, s28  }
.Ltmp2:
0x112: {  	_ = 	snop;
	(pc) =	sbr.rel @p0 .LBB2_1-.Ltmp2, $3  }
0x113: {  	_ =	sdelay $0x1  }
0x114: {  	s20 =	simm.s32 $0x15400;
	[sflag:s18] =	ssyncset.done $0x0  }
0x115: {  	[sflag:s18] =	ssyncadd.s32 $0xFFFFFFB0;
	s28 =	smov.u32 s17;
	s17 =	simm.s32 $0x15500  }
0x116: {  	_ =	sfence.sel $0x180000  }
0x117: {  	[bflag:$0x0] =	sbarrier.arrive $0xFFFF  }
0x118: {  	_ =	strace $0x90000047  }
0x119: {  	s0 =	stileid.u32;
	[bflag:$0x2] =	sbarrier.arrive $0xFFFF  }
0x11a: {  	p0 =	sne.s32 s0, $0x0;
	s0 =	rddreg [dreg:$0x5]  }
0x11b: {  	s0 =	sadd.s32 @!p0 $0x100000, s0  }
0x11c: {  	[sflag:s0] =	ssyncadd.tile.s32 @!p0 $0x1;
	_ =	shalt  }
.Lfunc_end2:
_tile_overlayer_lowered:
.L_overlay_start_2:
0x11d: {  	(tag) =	ssettag $0x2  }
0x11e: {  	s0 =	rddreg [dreg:$0x0];
	s2 =	stileid.u32  }
0x11f: {  	s1 =	rddreg [dreg:$0x1];
	p0 =	sne.s32 s2, $0x0  }
0x120: {  	s3 =	rddreg [dreg:$0x2];
	[bflag:$0x3] =	sbarrier.arrive $0xFFFF;
	s2 =	simm.s32 @!p0 $0x1C05  }
0x121: {  	[timem:s3], [sflag:s2] =	dma.local @!p0 [hbm:s0], s1  }
0x122: {  	s0 =	simm.s32 @!p0 $0x5  }
0x123: {  	_ =	swait.ge @!p0 [sflag:s0], s1  }
0x124: {  	s1 =	ssub.s32 @!p0 $0x0, s1;
	[sflag:s0] =	ssyncset.done @!p0 $0x0  }
0x125: {  	[sflag:s0] =	ssyncadd.s32 @!p0 s1  }
0x126: {  	[bflag:$0x3] =	sbarrier.arrive $0xFFFF  }
0x127: {  	_ =	shalt  }

</sc_bundles>
